<compile_context>
chip_gen: v7x
topology: tpu7x:2x2x1
jax: 0.10.2.dev20260603
libtpu: 0.0.44.dev20260713+nightly
codegen_flags: <defaults>
</compile_context>

<pallas_src>
import functools

import jax
import jax.numpy as jnp
from jax import lax
from jax.experimental import pallas as pl
from jax.experimental.pallas import tpu as pltpu
from jax.experimental.pallas import tpu_sc as plsc

N = 10000
D = 128
E = 320000

CHUNK = 64
NBUF = 4
NCHUNK = 5120
E_PAD = NCHUNK * CHUNK
PER_TILE = NCHUNK // 16
PER_CT = NCHUNK // 32
TRASH = 10000
NACC = 10112
IDXB = 32
NBLK = PER_TILE // IDXB
GRP = IDXB // NBUF
DEG_PAD = 10240

_mesh = plsc.VectorSubcoreMesh(core_axis_name="c", subcore_axis_name="s")


@functools.partial(
    pl.kernel,
    out_type=(
        jax.ShapeDtypeStruct((DEG_PAD,), jnp.float32),
        jax.ShapeDtypeStruct((DEG_PAD,), jnp.float32),
    ),
    mesh=_mesh,
    scratch_types=[
        pltpu.VMEM((PER_CT, CHUNK), jnp.int32),
        pltpu.VMEM((640,), jnp.float32),
        pltpu.VMEM((CHUNK,), jnp.float32),
        pltpu.VMEM_SHARED((DEG_PAD,), jnp.float32),
        pltpu.SemaphoreType.DMA,
    ],
)
def _deg_kernel(dst_hbm, out0_hbm, out1_hbm, didx, zbuf, ones, acc, sem):
    c = lax.axis_index("c")
    s = lax.axis_index("s")

    def _fill(i, _):
        zbuf[pl.ds(i * 16, 16)] = jnp.zeros((16,), jnp.float32)
        return 0

    lax.fori_loop(0, 40, _fill, 0)

    def _fill1(i, _):
        ones[pl.ds(i * 16, 16)] = jnp.full((16,), 1.0, jnp.float32)
        return 0

    lax.fori_loop(0, CHUNK // 16, _fill1, 0)

    pltpu.sync_copy(zbuf, acc.at[pl.ds(s * 640, 640)])
    plsc.subcore_barrier()

    lo = c * (16 * PER_CT) + s * PER_CT
    pltpu.sync_copy(dst_hbm.at[pl.ds(lo, PER_CT)], didx)

    def _body(j, _):
        pltpu.async_copy(ones, acc.at[didx.at[j]], sem, add=True)

        @pl.when(j >= 8)
        def _():
            pltpu.make_async_copy(ones, acc.at[didx.at[0]], sem).wait()

        return 0

    lax.fori_loop(0, PER_CT, _body, 0)

    def _drain(j, _):
        pltpu.make_async_copy(ones, acc.at[didx.at[0]], sem).wait()
        return 0

    lax.fori_loop(0, 8, _drain, 0)
    plsc.subcore_barrier()

    @pl.when(c == 0)
    def _():
        pltpu.sync_copy(acc.at[pl.ds(s * 640, 640)], out0_hbm.at[pl.ds(s * 640, 640)])

    @pl.when(c == 1)
    def _():
        pltpu.sync_copy(acc.at[pl.ds(s * 640, 640)], out1_hbm.at[pl.ds(s * 640, 640)])


def _seed_acc(y_hbm, acc, s):
    @pl.when(s < 15)
    def _():
        pltpu.sync_copy(y_hbm.at[pl.ds(s * 640, 640)],
                        acc.at[pl.ds(s * 640, 640)])

    @pl.when(s == 15)
    def _():
        pltpu.sync_copy(y_hbm.at[pl.ds(9600, 400)],
                        acc.at[pl.ds(9600, 400)])


def _write_acc(acc, out_hbm, s):
    @pl.when(s < 15)
    def _():
        pltpu.sync_copy(acc.at[pl.ds(s * 640, 640)],
                        out_hbm.at[pl.ds(s * 640, 640)])

    @pl.when(s == 15)
    def _():
        pltpu.sync_copy(acc.at[pl.ds(9600, 400)],
                        out_hbm.at[pl.ds(9600, 400)])


def _edge_prologue(y_hbm, src_hbm, dst_hbm, sidx, didx, rows,
                   gsems, chunk_base):
    pltpu.sync_copy(src_hbm.at[pl.ds(chunk_base, IDXB)], sidx.at[0])
    pltpu.sync_copy(dst_hbm.at[pl.ds(chunk_base, IDXB)], didx.at[0])
    for bb in range(NBUF):
        pltpu.async_copy(y_hbm.at[sidx.at[0, bb]], rows.at[bb], gsems[bb])


def _edge_pipeline(y_hbm, acc, src_hbm, dst_hbm, sidx, didx, rows,
                   gsems, ssems, isem, chunk_base, nblk):
    def _blk(b, _):
        p = lax.rem(b, 2)
        q = 1 - p
        more = b < nblk - 1

        @pl.when(more)
        def _():
            nb = chunk_base + (b + 1) * IDXB
            pltpu.async_copy(src_hbm.at[pl.ds(nb, IDXB)], sidx.at[q], isem)
            pltpu.async_copy(dst_hbm.at[pl.ds(nb, IDXB)], didx.at[q], isem)

        def _grp(g, _):
            for bb in range(NBUF):
                j = g * NBUF + bb
                pltpu.make_async_copy(y_hbm.at[sidx.at[p, j]],
                                      rows.at[bb], gsems[bb]).wait()
                pltpu.async_copy(rows.at[bb], acc.at[didx.at[p, j]],
                                 ssems[bb], add=True)
            for bb in range(NBUF):
                j = g * NBUF + bb
                pltpu.make_async_copy(rows.at[bb], acc.at[didx.at[p, j]],
                                      ssems[bb]).wait()
                pltpu.async_copy(y_hbm.at[sidx.at[p, j + NBUF]],
                                 rows.at[bb], gsems[bb])
            return 0

        lax.fori_loop(0, GRP - 1, _grp, 0)

        g = GRP - 1
        for bb in range(NBUF):
            j = g * NBUF + bb
            pltpu.make_async_copy(y_hbm.at[sidx.at[p, j]],
                                  rows.at[bb], gsems[bb]).wait()
            pltpu.async_copy(rows.at[bb], acc.at[didx.at[p, j]],
                             ssems[bb], add=True)

        @pl.when(more)
        def _():
            pltpu.make_async_copy(src_hbm.at[pl.ds(chunk_base, IDXB)],
                                  sidx.at[q], isem).wait()
            pltpu.make_async_copy(dst_hbm.at[pl.ds(chunk_base, IDXB)],
                                  didx.at[q], isem).wait()

        for bb in range(NBUF):
            j = g * NBUF + bb
            pltpu.make_async_copy(rows.at[bb], acc.at[didx.at[p, j]],
                                  ssems[bb]).wait()

            @pl.when(more)
            def _():
                pltpu.async_copy(y_hbm.at[sidx.at[q, bb]],
                                 rows.at[bb], gsems[bb])

        return 0

    lax.fori_loop(0, nblk, _blk, 0)


def _make_agg(Dh):
    @functools.partial(
        pl.kernel,
        out_type=(
            jax.ShapeDtypeStruct((N, Dh), jnp.float32),
            jax.ShapeDtypeStruct((N, Dh), jnp.float32),
        ),
        mesh=_mesh,
        scratch_types=[
            pltpu.VMEM((2, IDXB, CHUNK), jnp.int32),
            pltpu.VMEM((2, IDXB, CHUNK), jnp.int32),
            pltpu.VMEM((NBUF, CHUNK, Dh), jnp.float32),
            pltpu.VMEM_SHARED((NACC, Dh), jnp.float32),
        ] + [pltpu.SemaphoreType.DMA] * (2 * NBUF + 1),
    )
    def _agg(y0_hbm, y1_hbm, src_hbm, dst_hbm, out0_hbm, out1_hbm,
             sidx, didx, rows, acc, *sems):
        c = lax.axis_index("c")
        s = lax.axis_index("s")
        gsems, ssems, isem = sems[:NBUF], sems[NBUF:2 * NBUF], sems[2 * NBUF]

        def run(y_hbm, out_hbm):
            _edge_prologue(y_hbm, src_hbm, dst_hbm, sidx, didx, rows,
                           gsems, s * PER_TILE)
            _seed_acc(y_hbm, acc, s)
            plsc.subcore_barrier()
            _edge_pipeline(y_hbm, acc, src_hbm, dst_hbm, sidx, didx, rows,
                           gsems, ssems, isem, s * PER_TILE, NBLK)
            plsc.subcore_barrier()
            _write_acc(acc, out_hbm, s)

        @pl.when(c == 0)
        def _():
            run(y0_hbm, out0_hbm)

        @pl.when(c == 1)
        def _():
            run(y1_hbm, out1_hbm)

    return _agg


_agg128 = _make_agg(D)


@functools.partial(
    pl.kernel,
    out_type=(
        jax.ShapeDtypeStruct((N, D), jnp.float32),
        jax.ShapeDtypeStruct((N, D), jnp.float32),
    ),
    mesh=_mesh,
    scratch_types=[
        pltpu.VMEM((2, IDXB, CHUNK), jnp.int32),
        pltpu.VMEM((2, IDXB, CHUNK), jnp.int32),
        pltpu.VMEM((NBUF, CHUNK, D), jnp.float32),
        pltpu.VMEM_SHARED((NACC, D), jnp.float32),
    ] + [pltpu.SemaphoreType.DMA] * (2 * NBUF + 1),
)
def _agg_l2(y_hbm, src_hbm, dst_hbm, out0_hbm, out1_hbm,
            sidx, didx, rows, acc, *sems):
    c = lax.axis_index("c")
    s = lax.axis_index("s")
    gsems, ssems, isem = sems[:NBUF], sems[NBUF:2 * NBUF], sems[2 * NBUF]
    base = c * (NCHUNK // 2) + s * (PER_TILE // 2)
    _edge_prologue(y_hbm, src_hbm, dst_hbm, sidx, didx, rows, gsems, base)
    _seed_acc(y_hbm, acc, s)
    plsc.subcore_barrier()
    _edge_pipeline(y_hbm, acc, src_hbm, dst_hbm, sidx, didx, rows,
                   gsems, ssems, isem, base, NBLK // 2)
    plsc.subcore_barrier()

    @pl.when(c == 0)
    def _():
        _write_acc(acc, out0_hbm, s)

    @pl.when(c == 1)
    def _():
        _write_acc(acc, out1_hbm, s)


def _tc1_body(cnt_ref, emb_ref, w1_ref, y0_ref, y1_ref):
    dis = lax.rsqrt(cnt_ref[...])
    y = jnp.dot(emb_ref[...] * dis, w1_ref[...],
                preferred_element_type=jnp.float32)
    y0_ref[...] = y[:, :D]
    y1_ref[...] = y[:, D:]


_TCB = 2000

_tc1 = pl.pallas_call(
    _tc1_body,
    grid=(N // _TCB,),
    in_specs=[
        pl.BlockSpec((_TCB, 1), lambda i: (i, 0)),
        pl.BlockSpec((_TCB, D), lambda i: (i, 0)),
        pl.BlockSpec((D, 2 * D), lambda i: (0, 0)),
    ],
    out_specs=(
        pl.BlockSpec((_TCB, D), lambda i: (i, 0)),
        pl.BlockSpec((_TCB, D), lambda i: (i, 0)),
    ),
    out_shape=(
        jax.ShapeDtypeStruct((N, D), jnp.float32),
        jax.ShapeDtypeStruct((N, D), jnp.float32),
    ),
)


def _tc2_body(cnt_ref, a0_ref, a1_ref, w2_ref, b1_ref, o_ref):
    cnt = cnt_ref[...]
    dis = lax.rsqrt(cnt)
    dis2 = 1.0 / cnt
    b1 = b1_ref[...]
    z0 = a0_ref[...] * dis2 + dis * b1[:, :D]
    z1 = a1_ref[...] * dis2 + dis * b1[:, D:]
    o_ref[...] = (jnp.dot(z0, w2_ref[:D, :], preferred_element_type=jnp.float32)
                  + jnp.dot(z1, w2_ref[D:, :], preferred_element_type=jnp.float32))


_tc2 = pl.pallas_call(
    _tc2_body,
    grid=(N // _TCB,),
    in_specs=[
        pl.BlockSpec((_TCB, 1), lambda i: (i, 0)),
        pl.BlockSpec((_TCB, D), lambda i: (i, 0)),
        pl.BlockSpec((_TCB, D), lambda i: (i, 0)),
        pl.BlockSpec((2 * D, D), lambda i: (0, 0)),
        pl.BlockSpec((1, 2 * D), lambda i: (0, 0)),
    ],
    out_specs=pl.BlockSpec((_TCB, D), lambda i: (i, 0)),
    out_shape=jax.ShapeDtypeStruct((N, D), jnp.float32),
)


def _tc3_body(cnt_ref, p0_ref, p1_ref, y2_ref, b2_ref, gamma_ref, beta_ref,
              out_ref):
    dis = lax.rsqrt(cnt_ref[...])
    o = (p0_ref[...] + p1_ref[...] - y2_ref[...]) * dis + b2_ref[...]
    mean = jnp.mean(o, axis=0, keepdims=True)
    var = jnp.mean((o - mean) ** 2, axis=0, keepdims=True)
    out_ref[...] = ((o - mean) * lax.rsqrt(var + 1e-5) * gamma_ref[...]
                    + beta_ref[...])


_tc3 = pl.pallas_call(
    _tc3_body,
    out_shape=jax.ShapeDtypeStruct((N, D), jnp.float32),
)


def kernel(edge_index, emb, W1, b1, W2, b2, gamma, beta):
    src = edge_index[0].astype(jnp.int32)
    dst = edge_index[1].astype(jnp.int32)
    pad = E_PAD - E
    ar = jnp.arange(pad, dtype=jnp.int32)
    src_p = jnp.concatenate(
        [src, ar % N]).reshape(NCHUNK, CHUNK)
    dst_p = jnp.concatenate(
        [dst, TRASH + ar % (NACC - TRASH)]).reshape(NCHUNK, CHUNK)

    cnt0, cnt1 = _deg_kernel(dst_p)
    cnt_t = (cnt0[:N] + cnt1[:N] + 1.0).reshape(N, 1)

    y1_0, y1_1 = _tc1(cnt_t, emb, W1)
    a1_0, a1_1 = _agg128(y1_0, y1_1, src_p, dst_p)
    y2 = _tc2(cnt_t, a1_0, a1_1, W2, b1.reshape(1, 2 * D))
    p0, p1 = _agg_l2(y2, src_p, dst_p)
    out = _tc3(cnt_t, p0, p1, y2, b2.reshape(1, D), gamma.reshape(1, D),
               beta.reshape(1, D))
    return out

# --- scband reference (transcript-rebuilt; emitter-appended) ---
"""Pipeline reference for scband-graph-nn-10685878632725 (READ-ONLY COPY).

The authoritative reference and input builder live on the scoring server;
editing this copy changes nothing except your own understanding.
"""

import jax, jax.numpy as jnp
import numpy as np

N = 10000
D = 128
E = 320000


def setup_inputs(seed: int = 0) -> dict:
    key = jax.random.key(seed)
    ks = jax.random.split(key, 8)
    edge_index = jax.random.randint(ks[0], (2, E), 0, N)
    # embedding: xavier_normal_, padding_idx=0 row zeroed
    std_emb = float(np.sqrt(2.0 / (N + D)))
    emb = jax.random.normal(ks[1], (N, D), dtype=jnp.float32) * std_emb
    emb = emb.at[0].set(0.0)
    # GCNConv weights: glorot uniform, zero bias (PyG default)
    lim1 = float(np.sqrt(6.0 / (D + 2 * D)))
    W1 = jax.random.uniform(ks[2], (D, 2 * D), minval=-lim1, maxval=lim1, dtype=jnp.float32)
    b1 = jnp.zeros((2 * D,), dtype=jnp.float32)
    lim2 = float(np.sqrt(6.0 / (2 * D + D)))
    W2 = jax.random.uniform(ks[3], (2 * D, D), minval=-lim2, maxval=lim2, dtype=jnp.float32)
    b2 = jnp.zeros((D,), dtype=jnp.float32)
    gamma = jnp.ones((D,), dtype=jnp.float32)
    beta = jnp.zeros((D,), dtype=jnp.float32)
    return {"edge_index": edge_index, "emb": emb, "W1": W1, "b1": b1, "W2": W2, "b2": b2, "gamma": gamma, "beta": beta}


def _gcn_conv(x, edge_index, W, b, num_nodes):
    # GCNConv: x' = D^{-1/2} (A + I) D^{-1/2} X W + b
    xw = x @ W
    src = edge_index[0]
    dst = edge_index[1]
    loop = jnp.arange(num_nodes, dtype=src.dtype)
    src = jnp.concatenate([src, loop])
    dst = jnp.concatenate([dst, loop])
    deg = jnp.zeros((num_nodes,), dtype=xw.dtype).at[dst].add(1.0)
    deg_inv_sqrt = jnp.where(deg > 0, 1.0 / jnp.sqrt(jnp.where(deg > 0, deg, 1.0)), 0.0)
    norm = deg_inv_sqrt[src] * deg_inv_sqrt[dst]
    msgs = xw[src] * norm[:, None]
    out = jnp.zeros((num_nodes, xw.shape[1]), dtype=xw.dtype).at[dst].add(msgs)
    return out + b


def reference(edge_index, emb, W1, b1, W2, b2, gamma, beta):
    h = _gcn_conv(emb, edge_index, W1, b1, N)
    # dropout in eval mode: identity
    out = _gcn_conv(h, edge_index, W2, b2, N)
    # BatchNorm1d (training-mode batch statistics over node dim)
    mean = jnp.mean(out, axis=0)
    var = jnp.var(out, axis=0)
    out = (out - mean) / jnp.sqrt(var + 1e-5) * gamma + beta
    return out

if __name__ == "__main__":
    import jax
    _d = setup_inputs()
    print(jax.jit(kernel)(*tuple(_d.values())))

</pallas_src>

<mosaic_0001>
#map = affine_map<(d0, d1) -> (0, 0)>
#map1 = affine_map<(d0, d1) -> (0)>
module attributes {stable_mosaic.version = 14 : i64} {
  func.func @_deg_kernel(%arg0: i32, %arg1: i32, %arg2: memref<5120x64xi32, #tpu.memory_space<hbm>>, %arg3: memref<10240xf32, #tpu.memory_space<hbm>>, %arg4: memref<10240xf32, #tpu.memory_space<hbm>>, %arg5: memref<160x64xi32, #tpu.memory_space<vmem>>, %arg6: memref<640xf32, #tpu.memory_space<vmem>>, %arg7: memref<64xf32, #tpu.memory_space<vmem>>, %arg8: memref<10240xf32, #tpu.memory_space<vmem_shared>>, %arg9: memref<!tpu.dma_semaphore, #tpu.memory_space<semaphore_mem>>) attributes {dimension_semantics = [#tpu.dimension_semantics<core_parallel>, #tpu.dimension_semantics<subcore_parallel>], iteration_bounds = array<i64: 2, 16>, scalar_prefetch = 0 : i64, scratch_operands = 5 : i64, tpu.core_type = #tpu.core_type<sc_vector_subcore>, window_params = [{transform_indices = #map}, {transform_indices = #map1}, {transform_indices = #map1}]} {
    %scan3A = arith.constant 0 : i32
    %scan3A_0 = arith.constant 0 : i32
    %scan3A_1 = arith.constant 40 : i32
    %scan3A_2 = arith.addi %scan3A_0, %scan3A_1 : i32
    %scan3A_3 = arith.constant 1 : i32
    %scan3A_4 = scf.for %scan3A_40 = %scan3A_0 to %scan3A_2 step %scan3A_3 iter_args(%scan3A_41 = %scan3A) -> (i32)  : i32 {
      %broadcast_in_dim3A = arith.constant 0.000000e+00 : f32
      %broadcast_in_dim3A_42 = vector.broadcast %broadcast_in_dim3A : f32 to vector<16xf32>
      %mul3A_43 = arith.constant 16 : i32
      %mul3A_44 = arith.muli %scan3A_40, %mul3A_43 : i32
      %swap3A = arith.index_cast %mul3A_44 : i32 to index
      %swap3A_45 = tpu.vector_load %arg6[%swap3A] {strides = array<i32>} : memref<640xf32, #tpu.memory_space<vmem>>, vector<16xf32>,
      %swap3A_46 = vector.shape_cast %swap3A_45 : vector<16xf32> to vector<16xf32>
      %swap3A_47 = vector.shape_cast %broadcast_in_dim3A_42 : vector<16xf32> to vector<16xf32>
      tpu.vector_store %arg6[%swap3A], %swap3A_47 {strides = array<i32>} : memref<640xf32, #tpu.memory_space<vmem>>, vector<16xf32>,
      %scan3A_48 = arith.constant 0 : i32
      scf.yield %scan3A_48 : i32
    }
    %scan3A_5 = arith.constant 40 : i32
    %scan3A_6 = arith.constant 0 : i32
    %scan3A_7 = arith.constant 0 : i32
    %scan3A_8 = arith.constant 4 : i32
    %scan3A_9 = arith.addi %scan3A_7, %scan3A_8 : i32
    %scan3A_10 = arith.constant 1 : i32
    %scan3A_11 = scf.for %scan3A_40 = %scan3A_7 to %scan3A_9 step %scan3A_10 iter_args(%scan3A_41 = %scan3A_6) -> (i32)  : i32 {
      %broadcast_in_dim3A = arith.constant 1.000000e+00 : f32
      %broadcast_in_dim3A_42 = vector.broadcast %broadcast_in_dim3A : f32 to vector<16xf32>
      %mul3A_43 = arith.constant 16 : i32
      %mul3A_44 = arith.muli %scan3A_40, %mul3A_43 : i32
      %swap3A = arith.index_cast %mul3A_44 : i32 to index
      %swap3A_45 = tpu.vector_load %arg7[%swap3A] {strides = array<i32>} : memref<64xf32, #tpu.memory_space<vmem>>, vector<16xf32>,
      %swap3A_46 = vector.shape_cast %swap3A_45 : vector<16xf32> to vector<16xf32>
      %swap3A_47 = vector.shape_cast %broadcast_in_dim3A_42 : vector<16xf32> to vector<16xf32>
      tpu.vector_store %arg7[%swap3A], %swap3A_47 {strides = array<i32>} : memref<64xf32, #tpu.memory_space<vmem>>, vector<16xf32>,
      %scan3A_48 = arith.constant 0 : i32
      scf.yield %scan3A_48 : i32
    }
    %scan3A_12 = arith.constant 4 : i32
    %mul3A = arith.constant 640 : i32
    %mul3A_13 = arith.muli %arg1, %mul3A : i32
    "tpu.region"() ({
      %run_scoped3A = tpu.sem_alloc : memref<!tpu.dma_semaphore, #tpu.memory_space<semaphore_mem>>
      %dma_start3A = tpu.memref_slice %arg8[%mul3A_13] : memref<10240xf32, #tpu.memory_space<vmem_shared>> -> memref<640xf32, #tpu.memory_space<vmem_shared>>
      %dma_start3A_40 = tpu.memref_slice %arg8[%mul3A_13] : memref<10240xf32, #tpu.memory_space<vmem_shared>> -> memref<640xf32, #tpu.memory_space<vmem_shared>>
      tpu.enqueue_dma source(%arg6 : memref<640xf32, #tpu.memory_space<vmem>>) target(%dma_start3A_40 : memref<640xf32, #tpu.memory_space<vmem_shared>>) target_semaphore(%run_scoped3A : memref<!tpu.dma_semaphore, #tpu.memory_space<semaphore_mem>>)
      %dma_wait3A = tpu.memref_slice %arg8[%mul3A_13] : memref<10240xf32, #tpu.memory_space<vmem_shared>> -> memref<640xf32, #tpu.memory_space<vmem_shared>>
      %dma_wait3A_41 = tpu.memref_slice %arg8[%mul3A_13] : memref<10240xf32, #tpu.memory_space<vmem_shared>> -> memref<640xf32, #tpu.memory_space<vmem_shared>>
      tpu.wait_dma2 semaphore(%run_scoped3A : memref<!tpu.dma_semaphore, #tpu.memory_space<semaphore_mem>>) src(%arg6 : memref<640xf32, #tpu.memory_space<vmem>>) dst(%dma_wait3A_41 : memref<640xf32, #tpu.memory_space<vmem_shared>>)
      tpu.yield
    }) : () -> ()
    %barrier3A = arith.constant 0 : index
    tpu.barrier barrier_id(%barrier3A)
    %mul3A_14 = arith.constant 2560 : i32
    %mul3A_15 = arith.muli %arg0, %mul3A_14 : i32
    %mul3A_16 = arith.constant 160 : i32
    %mul3A_17 = arith.muli %arg1, %mul3A_16 : i32
    %add3A = arith.addi %mul3A_15, %mul3A_17 : i32
    "tpu.region"() ({
      %run_scoped3A = tpu.sem_alloc : memref<!tpu.dma_semaphore, #tpu.memory_space<semaphore_mem>>
      %dma_start3A = arith.constant 0 : i32
      %dma_start3A_40 = tpu.memref_slice %arg2[%add3A, %dma_start3A] : memref<5120x64xi32, #tpu.memory_space<hbm>> -> memref<160x64xi32, #tpu.memory_space<hbm>>
      %dma_start3A_41 = arith.constant 0 : i32
      %dma_start3A_42 = tpu.memref_slice %arg2[%add3A, %dma_start3A_41] : memref<5120x64xi32, #tpu.memory_space<hbm>> -> memref<160x64xi32, #tpu.memory_space<hbm>>
      tpu.enqueue_dma source(%dma_start3A_42 : memref<160x64xi32, #tpu.memory_space<hbm>>) target(%arg5 : memref<160x64xi32, #tpu.memory_space<vmem>>) target_semaphore(%run_scoped3A : memref<!tpu.dma_semaphore, #tpu.memory_space<semaphore_mem>>)
      %dma_wait3A = arith.constant 0 : i32
      %dma_wait3A_43 = tpu.memref_slice %arg2[%add3A, %dma_wait3A] : memref<5120x64xi32, #tpu.memory_space<hbm>> -> memref<160x64xi32, #tpu.memory_space<hbm>>
      %dma_wait3A_44 = arith.constant 0 : i32
      %dma_wait3A_45 = tpu.memref_slice %arg2[%add3A, %dma_wait3A_44] : memref<5120x64xi32, #tpu.memory_space<hbm>> -> memref<160x64xi32, #tpu.memory_space<hbm>>
      tpu.wait_dma2 semaphore(%run_scoped3A : memref<!tpu.dma_semaphore, #tpu.memory_space<semaphore_mem>>) src(%dma_wait3A_45 : memref<160x64xi32, #tpu.memory_space<hbm>>) dst(%arg5 : memref<160x64xi32, #tpu.memory_space<vmem>>)
      tpu.yield
    }) : () -> ()
    %scan3A_18 = arith.constant 0 : i32
    %scan3A_19 = arith.constant 0 : i32
    %scan3A_20 = arith.constant 160 : i32
    %scan3A_21 = arith.addi %scan3A_19, %scan3A_20 : i32
    %scan3A_22 = arith.constant 1 : i32
    %scan3A_23 = scf.for %scan3A_40 = %scan3A_19 to %scan3A_21 step %scan3A_22 iter_args(%scan3A_41 = %scan3A_18) -> (i32)  : i32 {
      %dma_start3A = arith.constant 0 : i32
      %dma_start3A_42 = tpu.memref_slice %arg5[%scan3A_40, %dma_start3A] : memref<160x64xi32, #tpu.memory_space<vmem>> -> memref<1x64xi32, #tpu.memory_space<vmem>>
      %dma_start3A_43 = tpu.memref_squeeze %dma_start3A_42 : memref<1x64xi32, #tpu.memory_space<vmem>> -> memref<64xi32, #tpu.memory_space<vmem>>
      %dma_start3A_44 = arith.constant 0 : i32
      %dma_start3A_45 = tpu.memref_slice %arg8[%dma_start3A_44] : memref<10240xf32, #tpu.memory_space<vmem_shared>> -> memref<10240xf32, #tpu.memory_space<vmem_shared>>
      tpu.enqueue_indirect_dma source(%arg7 : memref<64xf32, #tpu.memory_space<vmem>>) target(%dma_start3A_45 : memref<10240xf32, #tpu.memory_space<vmem_shared>>) offsets(%dma_start3A_43 : memref<64xi32, #tpu.memory_space<vmem>>) semaphore(%arg9 : memref<!tpu.dma_semaphore, #tpu.memory_space<semaphore_mem>>) {add = true}
      %ge3A = arith.constant 8 : i32
      %ge3A_46 = arith.cmpi sge, %scan3A_40, %ge3A : i32
      %convert_element_type3A_47 = arith.extui %ge3A_46 : i1 to i32
      %cond3A_48 = arith.constant 0 : i32
      %cond3A_49 = arith.cmpi ne, %convert_element_type3A_47, %cond3A_48 : i32
      scf.if %cond3A_49 {
        %dma_wait3A = arith.constant 0 : i32
        %dma_wait3A_51 = arith.constant 0 : i32
        %dma_wait3A_52 = tpu.memref_slice %arg5[%dma_wait3A, %dma_wait3A_51] : memref<160x64xi32, #tpu.memory_space<vmem>> -> memref<1x64xi32, #tpu.memory_space<vmem>>
        %dma_wait3A_53 = tpu.memref_squeeze %dma_wait3A_52 : memref<1x64xi32, #tpu.memory_space<vmem>> -> memref<64xi32, #tpu.memory_space<vmem>>
        %dma_wait3A_54 = arith.constant 0 : i32
        %dma_wait3A_55 = tpu.memref_slice %arg8[%dma_wait3A_54] : memref<10240xf32, #tpu.memory_space<vmem_shared>> -> memref<10240xf32, #tpu.memory_space<vmem_shared>>
        tpu.wait_indirect_dma semaphore(%arg9 : memref<!tpu.dma_semaphore, #tpu.memory_space<semaphore_mem>>) src(%arg7 : memref<64xf32, #tpu.memory_space<vmem>>) dst(%dma_wait3A_55 : memref<10240xf32, #tpu.memory_space<vmem_shared>>)
      } else {
      }
      %scan3A_50 = arith.constant 0 : i32
      scf.yield %scan3A_50 : i32
    }
    %scan3A_24 = arith.constant 160 : i32
    %scan3A_25 = arith.constant 0 : i32
    %scan3A_26 = arith.constant 0 : i32
    %scan3A_27 = arith.constant 8 : i32
    %scan3A_28 = arith.addi %scan3A_26, %scan3A_27 : i32
    %scan3A_29 = arith.constant 1 : i32
    %scan3A_30 = scf.for %scan3A_40 = %scan3A_26 to %scan3A_28 step %scan3A_29 iter_args(%scan3A_41 = %scan3A_25) -> (i32)  : i32 {
      %dma_wait3A = arith.constant 0 : i32
      %dma_wait3A_42 = arith.constant 0 : i32
      %dma_wait3A_43 = tpu.memref_slice %arg5[%dma_wait3A, %dma_wait3A_42] : memref<160x64xi32, #tpu.memory_space<vmem>> -> memref<1x64xi32, #tpu.memory_space<vmem>>
      %dma_wait3A_44 = tpu.memref_squeeze %dma_wait3A_43 : memref<1x64xi32, #tpu.memory_space<vmem>> -> memref<64xi32, #tpu.memory_space<vmem>>
      %dma_wait3A_45 = arith.constant 0 : i32
      %dma_wait3A_46 = tpu.memref_slice %arg8[%dma_wait3A_45] : memref<10240xf32, #tpu.memory_space<vmem_shared>> -> memref<10240xf32, #tpu.memory_space<vmem_shared>>
      tpu.wait_indirect_dma semaphore(%arg9 : memref<!tpu.dma_semaphore, #tpu.memory_space<semaphore_mem>>) src(%arg7 : memref<64xf32, #tpu.memory_space<vmem>>) dst(%dma_wait3A_46 : memref<10240xf32, #tpu.memory_space<vmem_shared>>)
      %scan3A_47 = arith.constant 0 : i32
      scf.yield %scan3A_47 : i32
    }
    %scan3A_31 = arith.constant 8 : i32
    %barrier3A_32 = arith.constant 0 : index
    tpu.barrier barrier_id(%barrier3A_32)
    %eq3A = arith.constant 0 : i32
    %eq3A_33 = arith.cmpi eq, %arg0, %eq3A : i32
    %convert_element_type3A = arith.extui %eq3A_33 : i1 to i32
    %cond3A = arith.constant 0 : i32
    %cond3A_34 = arith.cmpi ne, %convert_element_type3A, %cond3A : i32
    scf.if %cond3A_34 {
      %mul3A_40 = arith.constant 640 : i32
      %mul3A_41 = arith.muli %arg1, %mul3A_40 : i32
      %mul3A_42 = arith.constant 640 : i32
      %mul3A_43 = arith.muli %arg1, %mul3A_42 : i32
      "tpu.region"() ({
        %run_scoped3A = tpu.sem_alloc : memref<!tpu.dma_semaphore, #tpu.memory_space<semaphore_mem>>
        %dma_start3A = tpu.memref_slice %arg3[%mul3A_43] : memref<10240xf32, #tpu.memory_space<hbm>> -> memref<640xf32, #tpu.memory_space<hbm>>
        %dma_start3A_44 = tpu.memref_slice %arg8[%mul3A_41] : memref<10240xf32, #tpu.memory_space<vmem_shared>> -> memref<640xf32, #tpu.memory_space<vmem_shared>>
        tpu.enqueue_dma source(%dma_start3A_44 : memref<640xf32, #tpu.memory_space<vmem_shared>>) target(%dma_start3A : memref<640xf32, #tpu.memory_space<hbm>>) target_semaphore(%run_scoped3A : memref<!tpu.dma_semaphore, #tpu.memory_space<semaphore_mem>>)
        %dma_wait3A = tpu.memref_slice %arg3[%mul3A_43] : memref<10240xf32, #tpu.memory_space<hbm>> -> memref<640xf32, #tpu.memory_space<hbm>>
        %dma_wait3A_45 = tpu.memref_slice %arg8[%mul3A_41] : memref<10240xf32, #tpu.memory_space<vmem_shared>> -> memref<640xf32, #tpu.memory_space<vmem_shared>>
        tpu.wait_dma2 semaphore(%run_scoped3A : memref<!tpu.dma_semaphore, #tpu.memory_space<semaphore_mem>>) src(%dma_wait3A_45 : memref<640xf32, #tpu.memory_space<vmem_shared>>) dst(%dma_wait3A : memref<640xf32, #tpu.memory_space<hbm>>)
        tpu.yield
      }) : () -> ()
    } else {
    }
    %eq3A_35 = arith.constant 1 : i32
    %eq3A_36 = arith.cmpi eq, %arg0, %eq3A_35 : i32
    %convert_element_type3A_37 = arith.extui %eq3A_36 : i1 to i32
    %cond3A_38 = arith.constant 0 : i32
    %cond3A_39 = arith.cmpi ne, %convert_element_type3A_37, %cond3A_38 : i32
    scf.if %cond3A_39 {
      %mul3A_40 = arith.constant 640 : i32
      %mul3A_41 = arith.muli %arg1, %mul3A_40 : i32
      %mul3A_42 = arith.constant 640 : i32
      %mul3A_43 = arith.muli %arg1, %mul3A_42 : i32
      "tpu.region"() ({
        %run_scoped3A = tpu.sem_alloc : memref<!tpu.dma_semaphore, #tpu.memory_space<semaphore_mem>>
        %dma_start3A = tpu.memref_slice %arg4[%mul3A_43] : memref<10240xf32, #tpu.memory_space<hbm>> -> memref<640xf32, #tpu.memory_space<hbm>>
        %dma_start3A_44 = tpu.memref_slice %arg8[%mul3A_41] : memref<10240xf32, #tpu.memory_space<vmem_shared>> -> memref<640xf32, #tpu.memory_space<vmem_shared>>
        tpu.enqueue_dma source(%dma_start3A_44 : memref<640xf32, #tpu.memory_space<vmem_shared>>) target(%dma_start3A : memref<640xf32, #tpu.memory_space<hbm>>) target_semaphore(%run_scoped3A : memref<!tpu.dma_semaphore, #tpu.memory_space<semaphore_mem>>)
        %dma_wait3A = tpu.memref_slice %arg4[%mul3A_43] : memref<10240xf32, #tpu.memory_space<hbm>> -> memref<640xf32, #tpu.memory_space<hbm>>
        %dma_wait3A_45 = tpu.memref_slice %arg8[%mul3A_41] : memref<10240xf32, #tpu.memory_space<vmem_shared>> -> memref<640xf32, #tpu.memory_space<vmem_shared>>
        tpu.wait_dma2 semaphore(%run_scoped3A : memref<!tpu.dma_semaphore, #tpu.memory_space<semaphore_mem>>) src(%dma_wait3A_45 : memref<640xf32, #tpu.memory_space<vmem_shared>>) dst(%dma_wait3A : memref<640xf32, #tpu.memory_space<hbm>>)
        tpu.yield
      }) : () -> ()
    } else {
    }
    return
  }
}

#map = affine_map<(d0, d1) -> (0, 0)>
module attributes {stable_mosaic.version = 14 : i64} {
  func.func @_agg_l2(%arg0: i32, %arg1: i32, %arg2: memref<10000x128xf32, #tpu.memory_space<hbm>>, %arg3: memref<5120x64xi32, #tpu.memory_space<hbm>>, %arg4: memref<5120x64xi32, #tpu.memory_space<hbm>>, %arg5: memref<10000x128xf32, #tpu.memory_space<hbm>>, %arg6: memref<10000x128xf32, #tpu.memory_space<hbm>>, %arg7: memref<2x32x64xi32, #tpu.memory_space<vmem>>, %arg8: memref<2x32x64xi32, #tpu.memory_space<vmem>>, %arg9: memref<4x64x128xf32, #tpu.memory_space<vmem>>, %arg10: memref<10112x128xf32, #tpu.memory_space<vmem_shared>>, %arg11: memref<!tpu.dma_semaphore, #tpu.memory_space<semaphore_mem>>, %arg12: memref<!tpu.dma_semaphore, #tpu.memory_space<semaphore_mem>>, %arg13: memref<!tpu.dma_semaphore, #tpu.memory_space<semaphore_mem>>, %arg14: memref<!tpu.dma_semaphore, #tpu.memory_space<semaphore_mem>>, %arg15: memref<!tpu.dma_semaphore, #tpu.memory_space<semaphore_mem>>, %arg16: memref<!tpu.dma_semaphore, #tpu.memory_space<semaphore_mem>>, %arg17: memref<!tpu.dma_semaphore, #tpu.memory_space<semaphore_mem>>, %arg18: memref<!tpu.dma_semaphore, #tpu.memory_space<semaphore_mem>>, %arg19: memref<!tpu.dma_semaphore, #tpu.memory_space<semaphore_mem>>) attributes {dimension_semantics = [#tpu.dimension_semantics<core_parallel>, #tpu.dimension_semantics<subcore_parallel>], iteration_bounds = array<i64: 2, 16>, scalar_prefetch = 0 : i64, scratch_operands = 13 : i64, tpu.core_type = #tpu.core_type<sc_vector_subcore>, window_params = [{transform_indices = #map}, {transform_indices = #map}, {transform_indices = #map}, {transform_indices = #map}, {transform_indices = #map}]} {
    %mul3A = arith.constant 2560 : i32
    %mul3A_0 = arith.muli %arg0, %mul3A : i32
    %mul3A_1 = arith.constant 160 : i32
    %mul3A_2 = arith.muli %arg1, %mul3A_1 : i32
    %add3A = arith.addi %mul3A_0, %mul3A_2 : i32
    %run_scoped3A = arith.constant 0 : i32
    "tpu.region"() ({
      %run_scoped3A_78 = tpu.sem_alloc : memref<!tpu.dma_semaphore, #tpu.memory_space<semaphore_mem>>
      %dma_start3A_79 = arith.constant 0 : i32
      %dma_start3A_80 = arith.constant 0 : i32
      %dma_start3A_81 = tpu.memref_slice %arg7[%run_scoped3A, %dma_start3A_79, %dma_start3A_80] : memref<2x32x64xi32, #tpu.memory_space<vmem>> -> memref<1x32x64xi32, #tpu.memory_space<vmem>>
      %dma_start3A_82 = tpu.memref_squeeze %dma_start3A_81 : memref<1x32x64xi32, #tpu.memory_space<vmem>> -> memref<32x64xi32, #tpu.memory_space<vmem>>
      %dma_start3A_83 = arith.constant 0 : i32
      %dma_start3A_84 = tpu.memref_slice %arg3[%add3A, %dma_start3A_83] : memref<5120x64xi32, #tpu.memory_space<hbm>> -> memref<32x64xi32, #tpu.memory_space<hbm>>
      %dma_start3A_85 = arith.constant 0 : i32
      %dma_start3A_86 = arith.constant 0 : i32
      %dma_start3A_87 = tpu.memref_slice %arg7[%run_scoped3A, %dma_start3A_85, %dma_start3A_86] : memref<2x32x64xi32, #tpu.memory_space<vmem>> -> memref<1x32x64xi32, #tpu.memory_space<vmem>>
      %dma_start3A_88 = tpu.memref_squeeze %dma_start3A_87 : memref<1x32x64xi32, #tpu.memory_space<vmem>> -> memref<32x64xi32, #tpu.memory_space<vmem>>
      %dma_start3A_89 = arith.constant 0 : i32
      %dma_start3A_90 = tpu.memref_slice %arg3[%add3A, %dma_start3A_89] : memref<5120x64xi32, #tpu.memory_space<hbm>> -> memref<32x64xi32, #tpu.memory_space<hbm>>
      tpu.enqueue_dma source(%dma_start3A_90 : memref<32x64xi32, #tpu.memory_space<hbm>>) target(%dma_start3A_88 : memref<32x64xi32, #tpu.memory_space<vmem>>) target_semaphore(%run_scoped3A_78 : memref<!tpu.dma_semaphore, #tpu.memory_space<semaphore_mem>>)
      %dma_wait3A = arith.constant 0 : i32
      %dma_wait3A_91 = arith.constant 0 : i32
      %dma_wait3A_92 = tpu.memref_slice %arg7[%run_scoped3A, %dma_wait3A, %dma_wait3A_91] : memref<2x32x64xi32, #tpu.memory_space<vmem>> -> memref<1x32x64xi32, #tpu.memory_space<vmem>>
      %dma_wait3A_93 = tpu.memref_squeeze %dma_wait3A_92 : memref<1x32x64xi32, #tpu.memory_space<vmem>> -> memref<32x64xi32, #tpu.memory_space<vmem>>
      %dma_wait3A_94 = arith.constant 0 : i32
      %dma_wait3A_95 = tpu.memref_slice %arg3[%add3A, %dma_wait3A_94] : memref<5120x64xi32, #tpu.memory_space<hbm>> -> memref<32x64xi32, #tpu.memory_space<hbm>>
      %dma_wait3A_96 = arith.constant 0 : i32
      %dma_wait3A_97 = arith.constant 0 : i32
      %dma_wait3A_98 = tpu.memref_slice %arg7[%run_scoped3A, %dma_wait3A_96, %dma_wait3A_97] : memref<2x32x64xi32, #tpu.memory_space<vmem>> -> memref<1x32x64xi32, #tpu.memory_space<vmem>>
      %dma_wait3A_99 = tpu.memref_squeeze %dma_wait3A_98 : memref<1x32x64xi32, #tpu.memory_space<vmem>> -> memref<32x64xi32, #tpu.memory_space<vmem>>
      %dma_wait3A_100 = arith.constant 0 : i32
      %dma_wait3A_101 = tpu.memref_slice %arg3[%add3A, %dma_wait3A_100] : memref<5120x64xi32, #tpu.memory_space<hbm>> -> memref<32x64xi32, #tpu.memory_space<hbm>>
      tpu.wait_dma2 semaphore(%run_scoped3A_78 : memref<!tpu.dma_semaphore, #tpu.memory_space<semaphore_mem>>) src(%dma_wait3A_101 : memref<32x64xi32, #tpu.memory_space<hbm>>) dst(%dma_wait3A_99 : memref<32x64xi32, #tpu.memory_space<vmem>>)
      tpu.yield
    }) : () -> ()
    %run_scoped3A_3 = arith.constant 0 : i32
    "tpu.region"() ({
      %run_scoped3A_78 = tpu.sem_alloc : memref<!tpu.dma_semaphore, #tpu.memory_space<semaphore_mem>>
      %dma_start3A_79 = arith.constant 0 : i32
      %dma_start3A_80 = arith.constant 0 : i32
      %dma_start3A_81 = tpu.memref_slice %arg8[%run_scoped3A_3, %dma_start3A_79, %dma_start3A_80] : memref<2x32x64xi32, #tpu.memory_space<vmem>> -> memref<1x32x64xi32, #tpu.memory_space<vmem>>
      %dma_start3A_82 = tpu.memref_squeeze %dma_start3A_81 : memref<1x32x64xi32, #tpu.memory_space<vmem>> -> memref<32x64xi32, #tpu.memory_space<vmem>>
      %dma_start3A_83 = arith.constant 0 : i32
      %dma_start3A_84 = tpu.memref_slice %arg4[%add3A, %dma_start3A_83] : memref<5120x64xi32, #tpu.memory_space<hbm>> -> memref<32x64xi32, #tpu.memory_space<hbm>>
      %dma_start3A_85 = arith.constant 0 : i32
      %dma_start3A_86 = arith.constant 0 : i32
      %dma_start3A_87 = tpu.memref_slice %arg8[%run_scoped3A_3, %dma_start3A_85, %dma_start3A_86] : memref<2x32x64xi32, #tpu.memory_space<vmem>> -> memref<1x32x64xi32, #tpu.memory_space<vmem>>
      %dma_start3A_88 = tpu.memref_squeeze %dma_start3A_87 : memref<1x32x64xi32, #tpu.memory_space<vmem>> -> memref<32x64xi32, #tpu.memory_space<vmem>>
      %dma_start3A_89 = arith.constant 0 : i32
      %dma_start3A_90 = tpu.memref_slice %arg4[%add3A, %dma_start3A_89] : memref<5120x64xi32, #tpu.memory_space<hbm>> -> memref<32x64xi32, #tpu.memory_space<hbm>>
      tpu.enqueue_dma source(%dma_start3A_90 : memref<32x64xi32, #tpu.memory_space<hbm>>) target(%dma_start3A_88 : memref<32x64xi32, #tpu.memory_space<vmem>>) target_semaphore(%run_scoped3A_78 : memref<!tpu.dma_semaphore, #tpu.memory_space<semaphore_mem>>)
      %dma_wait3A = arith.constant 0 : i32
      %dma_wait3A_91 = arith.constant 0 : i32
      %dma_wait3A_92 = tpu.memref_slice %arg8[%run_scoped3A_3, %dma_wait3A, %dma_wait3A_91] : memref<2x32x64xi32, #tpu.memory_space<vmem>> -> memref<1x32x64xi32, #tpu.memory_space<vmem>>
      %dma_wait3A_93 = tpu.memref_squeeze %dma_wait3A_92 : memref<1x32x64xi32, #tpu.memory_space<vmem>> -> memref<32x64xi32, #tpu.memory_space<vmem>>
      %dma_wait3A_94 = arith.constant 0 : i32
      %dma_wait3A_95 = tpu.memref_slice %arg4[%add3A, %dma_wait3A_94] : memref<5120x64xi32, #tpu.memory_space<hbm>> -> memref<32x64xi32, #tpu.memory_space<hbm>>
      %dma_wait3A_96 = arith.constant 0 : i32
      %dma_wait3A_97 = arith.constant 0 : i32
      %dma_wait3A_98 = tpu.memref_slice %arg8[%run_scoped3A_3, %dma_wait3A_96, %dma_wait3A_97] : memref<2x32x64xi32, #tpu.memory_space<vmem>> -> memref<1x32x64xi32, #tpu.memory_space<vmem>>
      %dma_wait3A_99 = tpu.memref_squeeze %dma_wait3A_98 : memref<1x32x64xi32, #tpu.memory_space<vmem>> -> memref<32x64xi32, #tpu.memory_space<vmem>>
      %dma_wait3A_100 = arith.constant 0 : i32
      %dma_wait3A_101 = tpu.memref_slice %arg4[%add3A, %dma_wait3A_100] : memref<5120x64xi32, #tpu.memory_space<hbm>> -> memref<32x64xi32, #tpu.memory_space<hbm>>
      tpu.wait_dma2 semaphore(%run_scoped3A_78 : memref<!tpu.dma_semaphore, #tpu.memory_space<semaphore_mem>>) src(%dma_wait3A_101 : memref<32x64xi32, #tpu.memory_space<hbm>>) dst(%dma_wait3A_99 : memref<32x64xi32, #tpu.memory_space<vmem>>)
      tpu.yield
    }) : () -> ()
    %dma_start3A = arith.constant 0 : i32
    %dma_start3A_4 = arith.constant 0 : i32
    %dma_start3A_5 = arith.constant 0 : i32
    %dma_start3A_6 = arith.constant 0 : i32
    %dma_start3A_7 = arith.constant 0 : i32
    %dma_start3A_8 = tpu.memref_slice %arg9[%dma_start3A_5, %dma_start3A_6, %dma_start3A_7] : memref<4x64x128xf32, #tpu.memory_space<vmem>> -> memref<1x64x128xf32, #tpu.memory_space<vmem>>
    %dma_start3A_9 = tpu.memref_squeeze %dma_start3A_8 : memref<1x64x128xf32, #tpu.memory_space<vmem>> -> memref<64x128xf32, #tpu.memory_space<vmem>>
    %dma_start3A_10 = arith.constant 0 : i32
    %dma_start3A_11 = tpu.memref_slice %arg7[%dma_start3A, %dma_start3A_4, %dma_start3A_10] : memref<2x32x64xi32, #tpu.memory_space<vmem>> -> memref<1x1x64xi32, #tpu.memory_space<vmem>>
    %dma_start3A_12 = tpu.memref_squeeze %dma_start3A_11 : memref<1x1x64xi32, #tpu.memory_space<vmem>> -> memref<64xi32, #tpu.memory_space<vmem>>
    %dma_start3A_13 = arith.constant 0 : i32
    %dma_start3A_14 = arith.constant 0 : i32
    %dma_start3A_15 = tpu.memref_slice %arg2[%dma_start3A_13, %dma_start3A_14] : memref<10000x128xf32, #tpu.memory_space<hbm>> -> memref<10000x128xf32, #tpu.memory_space<hbm>>
    tpu.enqueue_indirect_dma source(%dma_start3A_15 : memref<10000x128xf32, #tpu.memory_space<hbm>>) target(%dma_start3A_9 : memref<64x128xf32, #tpu.memory_space<vmem>>) offsets(%dma_start3A_12 : memref<64xi32, #tpu.memory_space<vmem>>) semaphore(%arg11 : memref<!tpu.dma_semaphore, #tpu.memory_space<semaphore_mem>>)
    %dma_start3A_16 = arith.constant 0 : i32
    %dma_start3A_17 = arith.constant 1 : i32
    %dma_start3A_18 = arith.constant 1 : i32
    %dma_start3A_19 = arith.constant 0 : i32
    %dma_start3A_20 = arith.constant 0 : i32
    %dma_start3A_21 = tpu.memref_slice %arg9[%dma_start3A_18, %dma_start3A_19, %dma_start3A_20] : memref<4x64x128xf32, #tpu.memory_space<vmem>> -> memref<1x64x128xf32, #tpu.memory_space<vmem>>
    %dma_start3A_22 = tpu.memref_squeeze %dma_start3A_21 : memref<1x64x128xf32, #tpu.memory_space<vmem>> -> memref<64x128xf32, #tpu.memory_space<vmem>>
    %dma_start3A_23 = arith.constant 0 : i32
    %dma_start3A_24 = tpu.memref_slice %arg7[%dma_start3A_16, %dma_start3A_17, %dma_start3A_23] : memref<2x32x64xi32, #tpu.memory_space<vmem>> -> memref<1x1x64xi32, #tpu.memory_space<vmem>>
    %dma_start3A_25 = tpu.memref_squeeze %dma_start3A_24 : memref<1x1x64xi32, #tpu.memory_space<vmem>> -> memref<64xi32, #tpu.memory_space<vmem>>
    %dma_start3A_26 = arith.constant 0 : i32
    %dma_start3A_27 = arith.constant 0 : i32
    %dma_start3A_28 = tpu.memref_slice %arg2[%dma_start3A_26, %dma_start3A_27] : memref<10000x128xf32, #tpu.memory_space<hbm>> -> memref<10000x128xf32, #tpu.memory_space<hbm>>
    tpu.enqueue_indirect_dma source(%dma_start3A_28 : memref<10000x128xf32, #tpu.memory_space<hbm>>) target(%dma_start3A_22 : memref<64x128xf32, #tpu.memory_space<vmem>>) offsets(%dma_start3A_25 : memref<64xi32, #tpu.memory_space<vmem>>) semaphore(%arg12 : memref<!tpu.dma_semaphore, #tpu.memory_space<semaphore_mem>>)
    %dma_start3A_29 = arith.constant 0 : i32
    %dma_start3A_30 = arith.constant 2 : i32
    %dma_start3A_31 = arith.constant 2 : i32
    %dma_start3A_32 = arith.constant 0 : i32
    %dma_start3A_33 = arith.constant 0 : i32
    %dma_start3A_34 = tpu.memref_slice %arg9[%dma_start3A_31, %dma_start3A_32, %dma_start3A_33] : memref<4x64x128xf32, #tpu.memory_space<vmem>> -> memref<1x64x128xf32, #tpu.memory_space<vmem>>
    %dma_start3A_35 = tpu.memref_squeeze %dma_start3A_34 : memref<1x64x128xf32, #tpu.memory_space<vmem>> -> memref<64x128xf32, #tpu.memory_space<vmem>>
    %dma_start3A_36 = arith.constant 0 : i32
    %dma_start3A_37 = tpu.memref_slice %arg7[%dma_start3A_29, %dma_start3A_30, %dma_start3A_36] : memref<2x32x64xi32, #tpu.memory_space<vmem>> -> memref<1x1x64xi32, #tpu.memory_space<vmem>>
    %dma_start3A_38 = tpu.memref_squeeze %dma_start3A_37 : memref<1x1x64xi32, #tpu.memory_space<vmem>> -> memref<64xi32, #tpu.memory_space<vmem>>
    %dma_start3A_39 = arith.constant 0 : i32
    %dma_start3A_40 = arith.constant 0 : i32
    %dma_start3A_41 = tpu.memref_slice %arg2[%dma_start3A_39, %dma_start3A_40] : memref<10000x128xf32, #tpu.memory_space<hbm>> -> memref<10000x128xf32, #tpu.memory_space<hbm>>
    tpu.enqueue_indirect_dma source(%dma_start3A_41 : memref<10000x128xf32, #tpu.memory_space<hbm>>) target(%dma_start3A_35 : memref<64x128xf32, #tpu.memory_space<vmem>>) offsets(%dma_start3A_38 : memref<64xi32, #tpu.memory_space<vmem>>) semaphore(%arg13 : memref<!tpu.dma_semaphore, #tpu.memory_space<semaphore_mem>>)
    %dma_start3A_42 = arith.constant 0 : i32
    %dma_start3A_43 = arith.constant 3 : i32
    %dma_start3A_44 = arith.constant 3 : i32
    %dma_start3A_45 = arith.constant 0 : i32
    %dma_start3A_46 = arith.constant 0 : i32
    %dma_start3A_47 = tpu.memref_slice %arg9[%dma_start3A_44, %dma_start3A_45, %dma_start3A_46] : memref<4x64x128xf32, #tpu.memory_space<vmem>> -> memref<1x64x128xf32, #tpu.memory_space<vmem>>
    %dma_start3A_48 = tpu.memref_squeeze %dma_start3A_47 : memref<1x64x128xf32, #tpu.memory_space<vmem>> -> memref<64x128xf32, #tpu.memory_space<vmem>>
    %dma_start3A_49 = arith.constant 0 : i32
    %dma_start3A_50 = tpu.memref_slice %arg7[%dma_start3A_42, %dma_start3A_43, %dma_start3A_49] : memref<2x32x64xi32, #tpu.memory_space<vmem>> -> memref<1x1x64xi32, #tpu.memory_space<vmem>>
    %dma_start3A_51 = tpu.memref_squeeze %dma_start3A_50 : memref<1x1x64xi32, #tpu.memory_space<vmem>> -> memref<64xi32, #tpu.memory_space<vmem>>
    %dma_start3A_52 = arith.constant 0 : i32
    %dma_start3A_53 = arith.constant 0 : i32
    %dma_start3A_54 = tpu.memref_slice %arg2[%dma_start3A_52, %dma_start3A_53] : memref<10000x128xf32, #tpu.memory_space<hbm>> -> memref<10000x128xf32, #tpu.memory_space<hbm>>
    tpu.enqueue_indirect_dma source(%dma_start3A_54 : memref<10000x128xf32, #tpu.memory_space<hbm>>) target(%dma_start3A_48 : memref<64x128xf32, #tpu.memory_space<vmem>>) offsets(%dma_start3A_51 : memref<64xi32, #tpu.memory_space<vmem>>) semaphore(%arg14 : memref<!tpu.dma_semaphore, #tpu.memory_space<semaphore_mem>>)
    %lt3A = arith.constant 15 : i32
    %lt3A_55 = arith.cmpi slt, %arg1, %lt3A : i32
    %convert_element_type3A = arith.extui %lt3A_55 : i1 to i32
    %cond3A = arith.constant 0 : i32
    %cond3A_56 = arith.cmpi ne, %convert_element_type3A, %cond3A : i32
    scf.if %cond3A_56 {
      %mul3A_78 = arith.constant 640 : i32
      %mul3A_79 = arith.muli %arg1, %mul3A_78 : i32
      %mul3A_80 = arith.constant 640 : i32
      %mul3A_81 = arith.muli %arg1, %mul3A_80 : i32
      "tpu.region"() ({
        %run_scoped3A_82 = tpu.sem_alloc : memref<!tpu.dma_semaphore, #tpu.memory_space<semaphore_mem>>
        %dma_start3A_83 = arith.constant 0 : i32
        %dma_start3A_84 = tpu.memref_slice %arg10[%mul3A_81, %dma_start3A_83] : memref<10112x128xf32, #tpu.memory_space<vmem_shared>> -> memref<640x128xf32, #tpu.memory_space<vmem_shared>>
        %dma_start3A_85 = arith.constant 0 : i32
        %dma_start3A_86 = tpu.memref_slice %arg2[%mul3A_79, %dma_start3A_85] : memref<10000x128xf32, #tpu.memory_space<hbm>> -> memref<640x128xf32, #tpu.memory_space<hbm>>
        tpu.enqueue_dma source(%dma_start3A_86 : memref<640x128xf32, #tpu.memory_space<hbm>>) target(%dma_start3A_84 : memref<640x128xf32, #tpu.memory_space<vmem_shared>>) target_semaphore(%run_scoped3A_82 : memref<!tpu.dma_semaphore, #tpu.memory_space<semaphore_mem>>)
        %dma_wait3A = arith.constant 0 : i32
        %dma_wait3A_87 = tpu.memref_slice %arg10[%mul3A_81, %dma_wait3A] : memref<10112x128xf32, #tpu.memory_space<vmem_shared>> -> memref<640x128xf32, #tpu.memory_space<vmem_shared>>
        %dma_wait3A_88 = arith.constant 0 : i32
        %dma_wait3A_89 = tpu.memref_slice %arg2[%mul3A_79, %dma_wait3A_88] : memref<10000x128xf32, #tpu.memory_space<hbm>> -> memref<640x128xf32, #tpu.memory_space<hbm>>
        tpu.wait_dma2 semaphore(%run_scoped3A_82 : memref<!tpu.dma_semaphore, #tpu.memory_space<semaphore_mem>>) src(%dma_wait3A_89 : memref<640x128xf32, #tpu.memory_space<hbm>>) dst(%dma_wait3A_87 : memref<640x128xf32, #tpu.memory_space<vmem_shared>>)
        tpu.yield
      }) : () -> ()
    } else {
    }
    %eq3A = arith.constant 15 : i32
    %eq3A_57 = arith.cmpi eq, %arg1, %eq3A : i32
    %convert_element_type3A_58 = arith.extui %eq3A_57 : i1 to i32
    %cond3A_59 = arith.constant 0 : i32
    %cond3A_60 = arith.cmpi ne, %convert_element_type3A_58, %cond3A_59 : i32
    scf.if %cond3A_60 {
      "tpu.region"() ({
        %run_scoped3A_78 = tpu.sem_alloc : memref<!tpu.dma_semaphore, #tpu.memory_space<semaphore_mem>>
        %dma_start3A_79 = arith.constant 9600 : i32
        %dma_start3A_80 = arith.constant 0 : i32
        %dma_start3A_81 = tpu.memref_slice %arg10[%dma_start3A_79, %dma_start3A_80] : memref<10112x128xf32, #tpu.memory_space<vmem_shared>> -> memref<400x128xf32, #tpu.memory_space<vmem_shared>>
        %dma_start3A_82 = arith.constant 9600 : i32
        %dma_start3A_83 = arith.constant 0 : i32
        %dma_start3A_84 = tpu.memref_slice %arg2[%dma_start3A_82, %dma_start3A_83] : memref<10000x128xf32, #tpu.memory_space<hbm>> -> memref<400x128xf32, #tpu.memory_space<hbm>>
        tpu.enqueue_dma source(%dma_start3A_84 : memref<400x128xf32, #tpu.memory_space<hbm>>) target(%dma_start3A_81 : memref<400x128xf32, #tpu.memory_space<vmem_shared>>) target_semaphore(%run_scoped3A_78 : memref<!tpu.dma_semaphore, #tpu.memory_space<semaphore_mem>>)
        %dma_wait3A = arith.constant 9600 : i32
        %dma_wait3A_85 = arith.constant 0 : i32
        %dma_wait3A_86 = tpu.memref_slice %arg10[%dma_wait3A, %dma_wait3A_85] : memref<10112x128xf32, #tpu.memory_space<vmem_shared>> -> memref<400x128xf32, #tpu.memory_space<vmem_shared>>
        %dma_wait3A_87 = arith.constant 9600 : i32
        %dma_wait3A_88 = arith.constant 0 : i32
        %dma_wait3A_89 = tpu.memref_slice %arg2[%dma_wait3A_87, %dma_wait3A_88] : memref<10000x128xf32, #tpu.memory_space<hbm>> -> memref<400x128xf32, #tpu.memory_space<hbm>>
        tpu.wait_dma2 semaphore(%run_scoped3A_78 : memref<!tpu.dma_semaphore, #tpu.memory_space<semaphore_mem>>) src(%dma_wait3A_89 : memref<400x128xf32, #tpu.memory_space<hbm>>) dst(%dma_wait3A_86 : memref<400x128xf32, #tpu.memory_space<vmem_shared>>)
        tpu.yield
      }) : () -> ()
    } else {
    }
    %barrier3A = arith.constant 0 : index
    tpu.barrier barrier_id(%barrier3A)
    %scan3A = arith.constant 0 : i32
    %scan3A_61 = arith.constant 0 : i32
    %scan3A_62 = arith.constant 5 : i32
    %scan3A_63 = arith.addi %scan3A_61, %scan3A_62 : i32
    %scan3A_64 = arith.constant 1 : i32
    %scan3A_65 = scf.for %scan3A_78 = %scan3A_61 to %scan3A_63 step %scan3A_64 iter_args(%scan3A_79 = %scan3A) -> (i32)  : i32 {
      %rem3A = arith.constant 2 : i32
      %rem3A_80 = arith.remsi %scan3A_78, %rem3A : i32
      %sub3A = arith.constant 1 : i32
      %sub3A_81 = arith.subi %sub3A, %rem3A_80 : i32
      %lt3A_82 = arith.constant 4 : i32
      %lt3A_83 = arith.cmpi slt, %scan3A_78, %lt3A_82 : i32
      %convert_element_type3A_84 = arith.extui %lt3A_83 : i1 to i32
      %cond3A_85 = arith.constant 0 : i32
      %cond3A_86 = arith.cmpi ne, %convert_element_type3A_84, %cond3A_85 : i32
      scf.if %cond3A_86 {
        %add3A_253 = arith.constant 1 : i32
        %add3A_254 = arith.addi %scan3A_78, %add3A_253 : i32
        %mul3A_255 = arith.constant 32 : i32
        %mul3A_256 = arith.muli %add3A_254, %mul3A_255 : i32
        %add3A_257 = arith.addi %add3A, %mul3A_256 : i32
        %dma_start3A_258 = arith.constant 0 : i32
        %dma_start3A_259 = arith.constant 0 : i32
        %dma_start3A_260 = tpu.memref_slice %arg7[%sub3A_81, %dma_start3A_258, %dma_start3A_259] : memref<2x32x64xi32, #tpu.memory_space<vmem>> -> memref<1x32x64xi32, #tpu.memory_space<vmem>>
        %dma_start3A_261 = tpu.memref_squeeze %dma_start3A_260 : memref<1x32x64xi32, #tpu.memory_space<vmem>> -> memref<32x64xi32, #tpu.memory_space<vmem>>
        %dma_start3A_262 = arith.constant 0 : i32
        %dma_start3A_263 = tpu.memref_slice %arg3[%add3A_257, %dma_start3A_262] : memref<5120x64xi32, #tpu.memory_space<hbm>> -> memref<32x64xi32, #tpu.memory_space<hbm>>
        %dma_start3A_264 = arith.constant 0 : i32
        %dma_start3A_265 = arith.constant 0 : i32
        %dma_start3A_266 = tpu.memref_slice %arg7[%sub3A_81, %dma_start3A_264, %dma_start3A_265] : memref<2x32x64xi32, #tpu.memory_space<vmem>> -> memref<1x32x64xi32, #tpu.memory_space<vmem>>
        %dma_start3A_267 = tpu.memref_squeeze %dma_start3A_266 : memref<1x32x64xi32, #tpu.memory_space<vmem>> -> memref<32x64xi32, #tpu.memory_space<vmem>>
        %dma_start3A_268 = arith.constant 0 : i32
        %dma_start3A_269 = tpu.memref_slice %arg3[%add3A_257, %dma_start3A_268] : memref<5120x64xi32, #tpu.memory_space<hbm>> -> memref<32x64xi32, #tpu.memory_space<hbm>>
        tpu.enqueue_dma source(%dma_start3A_269 : memref<32x64xi32, #tpu.memory_space<hbm>>) target(%dma_start3A_267 : memref<32x64xi32, #tpu.memory_space<vmem>>) target_semaphore(%arg19 : memref<!tpu.dma_semaphore, #tpu.memory_space<semaphore_mem>>)
        %dma_start3A_270 = arith.constant 0 : i32
        %dma_start3A_271 = arith.constant 0 : i32
        %dma_start3A_272 = tpu.memref_slice %arg8[%sub3A_81, %dma_start3A_270, %dma_start3A_271] : memref<2x32x64xi32, #tpu.memory_space<vmem>> -> memref<1x32x64xi32, #tpu.memory_space<vmem>>
        %dma_start3A_273 = tpu.memref_squeeze %dma_start3A_272 : memref<1x32x64xi32, #tpu.memory_space<vmem>> -> memref<32x64xi32, #tpu.memory_space<vmem>>
        %dma_start3A_274 = arith.constant 0 : i32
        %dma_start3A_275 = tpu.memref_slice %arg4[%add3A_257, %dma_start3A_274] : memref<5120x64xi32, #tpu.memory_space<hbm>> -> memref<32x64xi32, #tpu.memory_space<hbm>>
        %dma_start3A_276 = arith.constant 0 : i32
        %dma_start3A_277 = arith.constant 0 : i32
        %dma_start3A_278 = tpu.memref_slice %arg8[%sub3A_81, %dma_start3A_276, %dma_start3A_277] : memref<2x32x64xi32, #tpu.memory_space<vmem>> -> memref<1x32x64xi32, #tpu.memory_space<vmem>>
        %dma_start3A_279 = tpu.memref_squeeze %dma_start3A_278 : memref<1x32x64xi32, #tpu.memory_space<vmem>> -> memref<32x64xi32, #tpu.memory_space<vmem>>
        %dma_start3A_280 = arith.constant 0 : i32
        %dma_start3A_281 = tpu.memref_slice %arg4[%add3A_257, %dma_start3A_280] : memref<5120x64xi32, #tpu.memory_space<hbm>> -> memref<32x64xi32, #tpu.memory_space<hbm>>
        tpu.enqueue_dma source(%dma_start3A_281 : memref<32x64xi32, #tpu.memory_space<hbm>>) target(%dma_start3A_279 : memref<32x64xi32, #tpu.memory_space<vmem>>) target_semaphore(%arg19 : memref<!tpu.dma_semaphore, #tpu.memory_space<semaphore_mem>>)
      } else {
      }
      %scan3A_87 = arith.constant 0 : i32
      %scan3A_88 = arith.constant 0 : i32
      %scan3A_89 = arith.constant 7 : i32
      %scan3A_90 = arith.addi %scan3A_88, %scan3A_89 : i32
      %scan3A_91 = arith.constant 1 : i32
      %scan3A_92 = scf.for %scan3A_253 = %scan3A_88 to %scan3A_90 step %scan3A_91 iter_args(%scan3A_254 = %scan3A_87) -> (i32)  : i32 {
        %mul3A_255 = arith.constant 4 : i32
        %mul3A_256 = arith.muli %scan3A_253, %mul3A_255 : i32
        %add3A_257 = arith.constant 0 : i32
        %add3A_258 = arith.addi %mul3A_256, %add3A_257 : i32
        %dma_wait3A_259 = arith.constant 0 : i32
        %dma_wait3A_260 = arith.constant 0 : i32
        %dma_wait3A_261 = arith.constant 0 : i32
        %dma_wait3A_262 = tpu.memref_slice %arg9[%dma_wait3A_259, %dma_wait3A_260, %dma_wait3A_261] : memref<4x64x128xf32, #tpu.memory_space<vmem>> -> memref<1x64x128xf32, #tpu.memory_space<vmem>>
        %dma_wait3A_263 = tpu.memref_squeeze %dma_wait3A_262 : memref<1x64x128xf32, #tpu.memory_space<vmem>> -> memref<64x128xf32, #tpu.memory_space<vmem>>
        %dma_wait3A_264 = arith.constant 0 : i32
        %dma_wait3A_265 = tpu.memref_slice %arg7[%rem3A_80, %add3A_258, %dma_wait3A_264] : memref<2x32x64xi32, #tpu.memory_space<vmem>> -> memref<1x1x64xi32, #tpu.memory_space<vmem>>
        %dma_wait3A_266 = tpu.memref_squeeze %dma_wait3A_265 : memref<1x1x64xi32, #tpu.memory_space<vmem>> -> memref<64xi32, #tpu.memory_space<vmem>>
        %dma_wait3A_267 = arith.constant 0 : i32
        %dma_wait3A_268 = arith.constant 0 : i32
        %dma_wait3A_269 = tpu.memref_slice %arg2[%dma_wait3A_267, %dma_wait3A_268] : memref<10000x128xf32, #tpu.memory_space<hbm>> -> memref<10000x128xf32, #tpu.memory_space<hbm>>
        tpu.wait_indirect_dma semaphore(%arg11 : memref<!tpu.dma_semaphore, #tpu.memory_space<semaphore_mem>>) src(%dma_wait3A_269 : memref<10000x128xf32, #tpu.memory_space<hbm>>) dst(%dma_wait3A_263 : memref<64x128xf32, #tpu.memory_space<vmem>>)
        %dma_start3A_270 = arith.constant 0 : i32
        %dma_start3A_271 = arith.constant 0 : i32
        %dma_start3A_272 = arith.constant 0 : i32
        %dma_start3A_273 = tpu.memref_slice %arg9[%dma_start3A_270, %dma_start3A_271, %dma_start3A_272] : memref<4x64x128xf32, #tpu.memory_space<vmem>> -> memref<1x64x128xf32, #tpu.memory_space<vmem>>
        %dma_start3A_274 = tpu.memref_squeeze %dma_start3A_273 : memref<1x64x128xf32, #tpu.memory_space<vmem>> -> memref<64x128xf32, #tpu.memory_space<vmem>>
        %dma_start3A_275 = arith.constant 0 : i32
        %dma_start3A_276 = tpu.memref_slice %arg8[%rem3A_80, %add3A_258, %dma_start3A_275] : memref<2x32x64xi32, #tpu.memory_space<vmem>> -> memref<1x1x64xi32, #tpu.memory_space<vmem>>
        %dma_start3A_277 = tpu.memref_squeeze %dma_start3A_276 : memref<1x1x64xi32, #tpu.memory_space<vmem>> -> memref<64xi32, #tpu.memory_space<vmem>>
        %dma_start3A_278 = arith.constant 0 : i32
        %dma_start3A_279 = arith.constant 0 : i32
        %dma_start3A_280 = tpu.memref_slice %arg10[%dma_start3A_278, %dma_start3A_279] : memref<10112x128xf32, #tpu.memory_space<vmem_shared>> -> memref<10112x128xf32, #tpu.memory_space<vmem_shared>>
        tpu.enqueue_indirect_dma source(%dma_start3A_274 : memref<64x128xf32, #tpu.memory_space<vmem>>) target(%dma_start3A_280 : memref<10112x128xf32, #tpu.memory_space<vmem_shared>>) offsets(%dma_start3A_277 : memref<64xi32, #tpu.memory_space<vmem>>) semaphore(%arg15 : memref<!tpu.dma_semaphore, #tpu.memory_space<semaphore_mem>>) {add = true}
        %mul3A_281 = arith.constant 4 : i32
        %mul3A_282 = arith.muli %scan3A_253, %mul3A_281 : i32
        %add3A_283 = arith.constant 1 : i32
        %add3A_284 = arith.addi %mul3A_282, %add3A_283 : i32
        %dma_wait3A_285 = arith.constant 1 : i32
        %dma_wait3A_286 = arith.constant 0 : i32
        %dma_wait3A_287 = arith.constant 0 : i32
        %dma_wait3A_288 = tpu.memref_slice %arg9[%dma_wait3A_285, %dma_wait3A_286, %dma_wait3A_287] : memref<4x64x128xf32, #tpu.memory_space<vmem>> -> memref<1x64x128xf32, #tpu.memory_space<vmem>>
        %dma_wait3A_289 = tpu.memref_squeeze %dma_wait3A_288 : memref<1x64x128xf32, #tpu.memory_space<vmem>> -> memref<64x128xf32, #tpu.memory_space<vmem>>
        %dma_wait3A_290 = arith.constant 0 : i32
        %dma_wait3A_291 = tpu.memref_slice %arg7[%rem3A_80, %add3A_284, %dma_wait3A_290] : memref<2x32x64xi32, #tpu.memory_space<vmem>> -> memref<1x1x64xi32, #tpu.memory_space<vmem>>
        %dma_wait3A_292 = tpu.memref_squeeze %dma_wait3A_291 : memref<1x1x64xi32, #tpu.memory_space<vmem>> -> memref<64xi32, #tpu.memory_space<vmem>>
        %dma_wait3A_293 = arith.constant 0 : i32
        %dma_wait3A_294 = arith.constant 0 : i32
        %dma_wait3A_295 = tpu.memref_slice %arg2[%dma_wait3A_293, %dma_wait3A_294] : memref<10000x128xf32, #tpu.memory_space<hbm>> -> memref<10000x128xf32, #tpu.memory_space<hbm>>
        tpu.wait_indirect_dma semaphore(%arg12 : memref<!tpu.dma_semaphore, #tpu.memory_space<semaphore_mem>>) src(%dma_wait3A_295 : memref<10000x128xf32, #tpu.memory_space<hbm>>) dst(%dma_wait3A_289 : memref<64x128xf32, #tpu.memory_space<vmem>>)
        %dma_start3A_296 = arith.constant 1 : i32
        %dma_start3A_297 = arith.constant 0 : i32
        %dma_start3A_298 = arith.constant 0 : i32
        %dma_start3A_299 = tpu.memref_slice %arg9[%dma_start3A_296, %dma_start3A_297, %dma_start3A_298] : memref<4x64x128xf32, #tpu.memory_space<vmem>> -> memref<1x64x128xf32, #tpu.memory_space<vmem>>
        %dma_start3A_300 = tpu.memref_squeeze %dma_start3A_299 : memref<1x64x128xf32, #tpu.memory_space<vmem>> -> memref<64x128xf32, #tpu.memory_space<vmem>>
        %dma_start3A_301 = arith.constant 0 : i32
        %dma_start3A_302 = tpu.memref_slice %arg8[%rem3A_80, %add3A_284, %dma_start3A_301] : memref<2x32x64xi32, #tpu.memory_space<vmem>> -> memref<1x1x64xi32, #tpu.memory_space<vmem>>
        %dma_start3A_303 = tpu.memref_squeeze %dma_start3A_302 : memref<1x1x64xi32, #tpu.memory_space<vmem>> -> memref<64xi32, #tpu.memory_space<vmem>>
        %dma_start3A_304 = arith.constant 0 : i32
        %dma_start3A_305 = arith.constant 0 : i32
        %dma_start3A_306 = tpu.memref_slice %arg10[%dma_start3A_304, %dma_start3A_305] : memref<10112x128xf32, #tpu.memory_space<vmem_shared>> -> memref<10112x128xf32, #tpu.memory_space<vmem_shared>>
        tpu.enqueue_indirect_dma source(%dma_start3A_300 : memref<64x128xf32, #tpu.memory_space<vmem>>) target(%dma_start3A_306 : memref<10112x128xf32, #tpu.memory_space<vmem_shared>>) offsets(%dma_start3A_303 : memref<64xi32, #tpu.memory_space<vmem>>) semaphore(%arg16 : memref<!tpu.dma_semaphore, #tpu.memory_space<semaphore_mem>>) {add = true}
        %mul3A_307 = arith.constant 4 : i32
        %mul3A_308 = arith.muli %scan3A_253, %mul3A_307 : i32
        %add3A_309 = arith.constant 2 : i32
        %add3A_310 = arith.addi %mul3A_308, %add3A_309 : i32
        %dma_wait3A_311 = arith.constant 2 : i32
        %dma_wait3A_312 = arith.constant 0 : i32
        %dma_wait3A_313 = arith.constant 0 : i32
        %dma_wait3A_314 = tpu.memref_slice %arg9[%dma_wait3A_311, %dma_wait3A_312, %dma_wait3A_313] : memref<4x64x128xf32, #tpu.memory_space<vmem>> -> memref<1x64x128xf32, #tpu.memory_space<vmem>>
        %dma_wait3A_315 = tpu.memref_squeeze %dma_wait3A_314 : memref<1x64x128xf32, #tpu.memory_space<vmem>> -> memref<64x128xf32, #tpu.memory_space<vmem>>
        %dma_wait3A_316 = arith.constant 0 : i32
        %dma_wait3A_317 = tpu.memref_slice %arg7[%rem3A_80, %add3A_310, %dma_wait3A_316] : memref<2x32x64xi32, #tpu.memory_space<vmem>> -> memref<1x1x64xi32, #tpu.memory_space<vmem>>
        %dma_wait3A_318 = tpu.memref_squeeze %dma_wait3A_317 : memref<1x1x64xi32, #tpu.memory_space<vmem>> -> memref<64xi32, #tpu.memory_space<vmem>>
        %dma_wait3A_319 = arith.constant 0 : i32
        %dma_wait3A_320 = arith.constant 0 : i32
        %dma_wait3A_321 = tpu.memref_slice %arg2[%dma_wait3A_319, %dma_wait3A_320] : memref<10000x128xf32, #tpu.memory_space<hbm>> -> memref<10000x128xf32, #tpu.memory_space<hbm>>
        tpu.wait_indirect_dma semaphore(%arg13 : memref<!tpu.dma_semaphore, #tpu.memory_space<semaphore_mem>>) src(%dma_wait3A_321 : memref<10000x128xf32, #tpu.memory_space<hbm>>) dst(%dma_wait3A_315 : memref<64x128xf32, #tpu.memory_space<vmem>>)
        %dma_start3A_322 = arith.constant 2 : i32
        %dma_start3A_323 = arith.constant 0 : i32
        %dma_start3A_324 = arith.constant 0 : i32
        %dma_start3A_325 = tpu.memref_slice %arg9[%dma_start3A_322, %dma_start3A_323, %dma_start3A_324] : memref<4x64x128xf32, #tpu.memory_space<vmem>> -> memref<1x64x128xf32, #tpu.memory_space<vmem>>
        %dma_start3A_326 = tpu.memref_squeeze %dma_start3A_325 : memref<1x64x128xf32, #tpu.memory_space<vmem>> -> memref<64x128xf32, #tpu.memory_space<vmem>>
        %dma_start3A_327 = arith.constant 0 : i32
        %dma_start3A_328 = tpu.memref_slice %arg8[%rem3A_80, %add3A_310, %dma_start3A_327] : memref<2x32x64xi32, #tpu.memory_space<vmem>> -> memref<1x1x64xi32, #tpu.memory_space<vmem>>
        %dma_start3A_329 = tpu.memref_squeeze %dma_start3A_328 : memref<1x1x64xi32, #tpu.memory_space<vmem>> -> memref<64xi32, #tpu.memory_space<vmem>>
        %dma_start3A_330 = arith.constant 0 : i32
        %dma_start3A_331 = arith.constant 0 : i32
        %dma_start3A_332 = tpu.memref_slice %arg10[%dma_start3A_330, %dma_start3A_331] : memref<10112x128xf32, #tpu.memory_space<vmem_shared>> -> memref<10112x128xf32, #tpu.memory_space<vmem_shared>>
        tpu.enqueue_indirect_dma source(%dma_start3A_326 : memref<64x128xf32, #tpu.memory_space<vmem>>) target(%dma_start3A_332 : memref<10112x128xf32, #tpu.memory_space<vmem_shared>>) offsets(%dma_start3A_329 : memref<64xi32, #tpu.memory_space<vmem>>) semaphore(%arg17 : memref<!tpu.dma_semaphore, #tpu.memory_space<semaphore_mem>>) {add = true}
        %mul3A_333 = arith.constant 4 : i32
        %mul3A_334 = arith.muli %scan3A_253, %mul3A_333 : i32
        %add3A_335 = arith.constant 3 : i32
        %add3A_336 = arith.addi %mul3A_334, %add3A_335 : i32
        %dma_wait3A_337 = arith.constant 3 : i32
        %dma_wait3A_338 = arith.constant 0 : i32
        %dma_wait3A_339 = arith.constant 0 : i32
        %dma_wait3A_340 = tpu.memref_slice %arg9[%dma_wait3A_337, %dma_wait3A_338, %dma_wait3A_339] : memref<4x64x128xf32, #tpu.memory_space<vmem>> -> memref<1x64x128xf32, #tpu.memory_space<vmem>>
        %dma_wait3A_341 = tpu.memref_squeeze %dma_wait3A_340 : memref<1x64x128xf32, #tpu.memory_space<vmem>> -> memref<64x128xf32, #tpu.memory_space<vmem>>
        %dma_wait3A_342 = arith.constant 0 : i32
        %dma_wait3A_343 = tpu.memref_slice %arg7[%rem3A_80, %add3A_336, %dma_wait3A_342] : memref<2x32x64xi32, #tpu.memory_space<vmem>> -> memref<1x1x64xi32, #tpu.memory_space<vmem>>
        %dma_wait3A_344 = tpu.memref_squeeze %dma_wait3A_343 : memref<1x1x64xi32, #tpu.memory_space<vmem>> -> memref<64xi32, #tpu.memory_space<vmem>>
        %dma_wait3A_345 = arith.constant 0 : i32
        %dma_wait3A_346 = arith.constant 0 : i32
        %dma_wait3A_347 = tpu.memref_slice %arg2[%dma_wait3A_345, %dma_wait3A_346] : memref<10000x128xf32, #tpu.memory_space<hbm>> -> memref<10000x128xf32, #tpu.memory_space<hbm>>
        tpu.wait_indirect_dma semaphore(%arg14 : memref<!tpu.dma_semaphore, #tpu.memory_space<semaphore_mem>>) src(%dma_wait3A_347 : memref<10000x128xf32, #tpu.memory_space<hbm>>) dst(%dma_wait3A_341 : memref<64x128xf32, #tpu.memory_space<vmem>>)
        %dma_start3A_348 = arith.constant 3 : i32
        %dma_start3A_349 = arith.constant 0 : i32
        %dma_start3A_350 = arith.constant 0 : i32
        %dma_start3A_351 = tpu.memref_slice %arg9[%dma_start3A_348, %dma_start3A_349, %dma_start3A_350] : memref<4x64x128xf32, #tpu.memory_space<vmem>> -> memref<1x64x128xf32, #tpu.memory_space<vmem>>
        %dma_start3A_352 = tpu.memref_squeeze %dma_start3A_351 : memref<1x64x128xf32, #tpu.memory_space<vmem>> -> memref<64x128xf32, #tpu.memory_space<vmem>>
        %dma_start3A_353 = arith.constant 0 : i32
        %dma_start3A_354 = tpu.memref_slice %arg8[%rem3A_80, %add3A_336, %dma_start3A_353] : memref<2x32x64xi32, #tpu.memory_space<vmem>> -> memref<1x1x64xi32, #tpu.memory_space<vmem>>
        %dma_start3A_355 = tpu.memref_squeeze %dma_start3A_354 : memref<1x1x64xi32, #tpu.memory_space<vmem>> -> memref<64xi32, #tpu.memory_space<vmem>>
        %dma_start3A_356 = arith.constant 0 : i32
        %dma_start3A_357 = arith.constant 0 : i32
        %dma_start3A_358 = tpu.memref_slice %arg10[%dma_start3A_356, %dma_start3A_357] : memref<10112x128xf32, #tpu.memory_space<vmem_shared>> -> memref<10112x128xf32, #tpu.memory_space<vmem_shared>>
        tpu.enqueue_indirect_dma source(%dma_start3A_352 : memref<64x128xf32, #tpu.memory_space<vmem>>) target(%dma_start3A_358 : memref<10112x128xf32, #tpu.memory_space<vmem_shared>>) offsets(%dma_start3A_355 : memref<64xi32, #tpu.memory_space<vmem>>) semaphore(%arg18 : memref<!tpu.dma_semaphore, #tpu.memory_space<semaphore_mem>>) {add = true}
        %mul3A_359 = arith.constant 4 : i32
        %mul3A_360 = arith.muli %scan3A_253, %mul3A_359 : i32
        %add3A_361 = arith.constant 0 : i32
        %add3A_362 = arith.addi %mul3A_360, %add3A_361 : i32
        %dma_wait3A_363 = arith.constant 0 : i32
        %dma_wait3A_364 = arith.constant 0 : i32
        %dma_wait3A_365 = arith.constant 0 : i32
        %dma_wait3A_366 = tpu.memref_slice %arg9[%dma_wait3A_363, %dma_wait3A_364, %dma_wait3A_365] : memref<4x64x128xf32, #tpu.memory_space<vmem>> -> memref<1x64x128xf32, #tpu.memory_space<vmem>>
        %dma_wait3A_367 = tpu.memref_squeeze %dma_wait3A_366 : memref<1x64x128xf32, #tpu.memory_space<vmem>> -> memref<64x128xf32, #tpu.memory_space<vmem>>
        %dma_wait3A_368 = arith.constant 0 : i32
        %dma_wait3A_369 = tpu.memref_slice %arg8[%rem3A_80, %add3A_362, %dma_wait3A_368] : memref<2x32x64xi32, #tpu.memory_space<vmem>> -> memref<1x1x64xi32, #tpu.memory_space<vmem>>
        %dma_wait3A_370 = tpu.memref_squeeze %dma_wait3A_369 : memref<1x1x64xi32, #tpu.memory_space<vmem>> -> memref<64xi32, #tpu.memory_space<vmem>>
        %dma_wait3A_371 = arith.constant 0 : i32
        %dma_wait3A_372 = arith.constant 0 : i32
        %dma_wait3A_373 = tpu.memref_slice %arg10[%dma_wait3A_371, %dma_wait3A_372] : memref<10112x128xf32, #tpu.memory_space<vmem_shared>> -> memref<10112x128xf32, #tpu.memory_space<vmem_shared>>
        tpu.wait_indirect_dma semaphore(%arg15 : memref<!tpu.dma_semaphore, #tpu.memory_space<semaphore_mem>>) src(%dma_wait3A_367 : memref<64x128xf32, #tpu.memory_space<vmem>>) dst(%dma_wait3A_373 : memref<10112x128xf32, #tpu.memory_space<vmem_shared>>)
        %add3A_374 = arith.constant 4 : i32
        %add3A_375 = arith.addi %add3A_362, %add3A_374 : i32
        %dma_start3A_376 = arith.constant 0 : i32
        %dma_start3A_377 = arith.constant 0 : i32
        %dma_start3A_378 = arith.constant 0 : i32
        %dma_start3A_379 = tpu.memref_slice %arg9[%dma_start3A_376, %dma_start3A_377, %dma_start3A_378] : memref<4x64x128xf32, #tpu.memory_space<vmem>> -> memref<1x64x128xf32, #tpu.memory_space<vmem>>
        %dma_start3A_380 = tpu.memref_squeeze %dma_start3A_379 : memref<1x64x128xf32, #tpu.memory_space<vmem>> -> memref<64x128xf32, #tpu.memory_space<vmem>>
        %dma_start3A_381 = arith.constant 0 : i32
        %dma_start3A_382 = tpu.memref_slice %arg7[%rem3A_80, %add3A_375, %dma_start3A_381] : memref<2x32x64xi32, #tpu.memory_space<vmem>> -> memref<1x1x64xi32, #tpu.memory_space<vmem>>
        %dma_start3A_383 = tpu.memref_squeeze %dma_start3A_382 : memref<1x1x64xi32, #tpu.memory_space<vmem>> -> memref<64xi32, #tpu.memory_space<vmem>>
        %dma_start3A_384 = arith.constant 0 : i32
        %dma_start3A_385 = arith.constant 0 : i32
        %dma_start3A_386 = tpu.memref_slice %arg2[%dma_start3A_384, %dma_start3A_385] : memref<10000x128xf32, #tpu.memory_space<hbm>> -> memref<10000x128xf32, #tpu.memory_space<hbm>>
        tpu.enqueue_indirect_dma source(%dma_start3A_386 : memref<10000x128xf32, #tpu.memory_space<hbm>>) target(%dma_start3A_380 : memref<64x128xf32, #tpu.memory_space<vmem>>) offsets(%dma_start3A_383 : memref<64xi32, #tpu.memory_space<vmem>>) semaphore(%arg11 : memref<!tpu.dma_semaphore, #tpu.memory_space<semaphore_mem>>)
        %mul3A_387 = arith.constant 4 : i32
        %mul3A_388 = arith.muli %scan3A_253, %mul3A_387 : i32
        %add3A_389 = arith.constant 1 : i32
        %add3A_390 = arith.addi %mul3A_388, %add3A_389 : i32
        %dma_wait3A_391 = arith.constant 1 : i32
        %dma_wait3A_392 = arith.constant 0 : i32
        %dma_wait3A_393 = arith.constant 0 : i32
        %dma_wait3A_394 = tpu.memref_slice %arg9[%dma_wait3A_391, %dma_wait3A_392, %dma_wait3A_393] : memref<4x64x128xf32, #tpu.memory_space<vmem>> -> memref<1x64x128xf32, #tpu.memory_space<vmem>>
        %dma_wait3A_395 = tpu.memref_squeeze %dma_wait3A_394 : memref<1x64x128xf32, #tpu.memory_space<vmem>> -> memref<64x128xf32, #tpu.memory_space<vmem>>
        %dma_wait3A_396 = arith.constant 0 : i32
        %dma_wait3A_397 = tpu.memref_slice %arg8[%rem3A_80, %add3A_390, %dma_wait3A_396] : memref<2x32x64xi32, #tpu.memory_space<vmem>> -> memref<1x1x64xi32, #tpu.memory_space<vmem>>
        %dma_wait3A_398 = tpu.memref_squeeze %dma_wait3A_397 : memref<1x1x64xi32, #tpu.memory_space<vmem>> -> memref<64xi32, #tpu.memory_space<vmem>>
        %dma_wait3A_399 = arith.constant 0 : i32
        %dma_wait3A_400 = arith.constant 0 : i32
        %dma_wait3A_401 = tpu.memref_slice %arg10[%dma_wait3A_399, %dma_wait3A_400] : memref<10112x128xf32, #tpu.memory_space<vmem_shared>> -> memref<10112x128xf32, #tpu.memory_space<vmem_shared>>
        tpu.wait_indirect_dma semaphore(%arg16 : memref<!tpu.dma_semaphore, #tpu.memory_space<semaphore_mem>>) src(%dma_wait3A_395 : memref<64x128xf32, #tpu.memory_space<vmem>>) dst(%dma_wait3A_401 : memref<10112x128xf32, #tpu.memory_space<vmem_shared>>)
        %add3A_402 = arith.constant 4 : i32
        %add3A_403 = arith.addi %add3A_390, %add3A_402 : i32
        %dma_start3A_404 = arith.constant 1 : i32
        %dma_start3A_405 = arith.constant 0 : i32
        %dma_start3A_406 = arith.constant 0 : i32
        %dma_start3A_407 = tpu.memref_slice %arg9[%dma_start3A_404, %dma_start3A_405, %dma_start3A_406] : memref<4x64x128xf32, #tpu.memory_space<vmem>> -> memref<1x64x128xf32, #tpu.memory_space<vmem>>
        %dma_start3A_408 = tpu.memref_squeeze %dma_start3A_407 : memref<1x64x128xf32, #tpu.memory_space<vmem>> -> memref<64x128xf32, #tpu.memory_space<vmem>>
        %dma_start3A_409 = arith.constant 0 : i32
        %dma_start3A_410 = tpu.memref_slice %arg7[%rem3A_80, %add3A_403, %dma_start3A_409] : memref<2x32x64xi32, #tpu.memory_space<vmem>> -> memref<1x1x64xi32, #tpu.memory_space<vmem>>
        %dma_start3A_411 = tpu.memref_squeeze %dma_start3A_410 : memref<1x1x64xi32, #tpu.memory_space<vmem>> -> memref<64xi32, #tpu.memory_space<vmem>>
        %dma_start3A_412 = arith.constant 0 : i32
        %dma_start3A_413 = arith.constant 0 : i32
        %dma_start3A_414 = tpu.memref_slice %arg2[%dma_start3A_412, %dma_start3A_413] : memref<10000x128xf32, #tpu.memory_space<hbm>> -> memref<10000x128xf32, #tpu.memory_space<hbm>>
        tpu.enqueue_indirect_dma source(%dma_start3A_414 : memref<10000x128xf32, #tpu.memory_space<hbm>>) target(%dma_start3A_408 : memref<64x128xf32, #tpu.memory_space<vmem>>) offsets(%dma_start3A_411 : memref<64xi32, #tpu.memory_space<vmem>>) semaphore(%arg12 : memref<!tpu.dma_semaphore, #tpu.memory_space<semaphore_mem>>)
        %mul3A_415 = arith.constant 4 : i32
        %mul3A_416 = arith.muli %scan3A_253, %mul3A_415 : i32
        %add3A_417 = arith.constant 2 : i32
        %add3A_418 = arith.addi %mul3A_416, %add3A_417 : i32
        %dma_wait3A_419 = arith.constant 2 : i32
        %dma_wait3A_420 = arith.constant 0 : i32
        %dma_wait3A_421 = arith.constant 0 : i32
        %dma_wait3A_422 = tpu.memref_slice %arg9[%dma_wait3A_419, %dma_wait3A_420, %dma_wait3A_421] : memref<4x64x128xf32, #tpu.memory_space<vmem>> -> memref<1x64x128xf32, #tpu.memory_space<vmem>>
        %dma_wait3A_423 = tpu.memref_squeeze %dma_wait3A_422 : memref<1x64x128xf32, #tpu.memory_space<vmem>> -> memref<64x128xf32, #tpu.memory_space<vmem>>
        %dma_wait3A_424 = arith.constant 0 : i32
        %dma_wait3A_425 = tpu.memref_slice %arg8[%rem3A_80, %add3A_418, %dma_wait3A_424] : memref<2x32x64xi32, #tpu.memory_space<vmem>> -> memref<1x1x64xi32, #tpu.memory_space<vmem>>
        %dma_wait3A_426 = tpu.memref_squeeze %dma_wait3A_425 : memref<1x1x64xi32, #tpu.memory_space<vmem>> -> memref<64xi32, #tpu.memory_space<vmem>>
        %dma_wait3A_427 = arith.constant 0 : i32
        %dma_wait3A_428 = arith.constant 0 : i32
        %dma_wait3A_429 = tpu.memref_slice %arg10[%dma_wait3A_427, %dma_wait3A_428] : memref<10112x128xf32, #tpu.memory_space<vmem_shared>> -> memref<10112x128xf32, #tpu.memory_space<vmem_shared>>
        tpu.wait_indirect_dma semaphore(%arg17 : memref<!tpu.dma_semaphore, #tpu.memory_space<semaphore_mem>>) src(%dma_wait3A_423 : memref<64x128xf32, #tpu.memory_space<vmem>>) dst(%dma_wait3A_429 : memref<10112x128xf32, #tpu.memory_space<vmem_shared>>)
        %add3A_430 = arith.constant 4 : i32
        %add3A_431 = arith.addi %add3A_418, %add3A_430 : i32
        %dma_start3A_432 = arith.constant 2 : i32
        %dma_start3A_433 = arith.constant 0 : i32
        %dma_start3A_434 = arith.constant 0 : i32
        %dma_start3A_435 = tpu.memref_slice %arg9[%dma_start3A_432, %dma_start3A_433, %dma_start3A_434] : memref<4x64x128xf32, #tpu.memory_space<vmem>> -> memref<1x64x128xf32, #tpu.memory_space<vmem>>
        %dma_start3A_436 = tpu.memref_squeeze %dma_start3A_435 : memref<1x64x128xf32, #tpu.memory_space<vmem>> -> memref<64x128xf32, #tpu.memory_space<vmem>>
        %dma_start3A_437 = arith.constant 0 : i32
        %dma_start3A_438 = tpu.memref_slice %arg7[%rem3A_80, %add3A_431, %dma_start3A_437] : memref<2x32x64xi32, #tpu.memory_space<vmem>> -> memref<1x1x64xi32, #tpu.memory_space<vmem>>
        %dma_start3A_439 = tpu.memref_squeeze %dma_start3A_438 : memref<1x1x64xi32, #tpu.memory_space<vmem>> -> memref<64xi32, #tpu.memory_space<vmem>>
        %dma_start3A_440 = arith.constant 0 : i32
        %dma_start3A_441 = arith.constant 0 : i32
        %dma_start3A_442 = tpu.memref_slice %arg2[%dma_start3A_440, %dma_start3A_441] : memref<10000x128xf32, #tpu.memory_space<hbm>> -> memref<10000x128xf32, #tpu.memory_space<hbm>>
        tpu.enqueue_indirect_dma source(%dma_start3A_442 : memref<10000x128xf32, #tpu.memory_space<hbm>>) target(%dma_start3A_436 : memref<64x128xf32, #tpu.memory_space<vmem>>) offsets(%dma_start3A_439 : memref<64xi32, #tpu.memory_space<vmem>>) semaphore(%arg13 : memref<!tpu.dma_semaphore, #tpu.memory_space<semaphore_mem>>)
        %mul3A_443 = arith.constant 4 : i32
        %mul3A_444 = arith.muli %scan3A_253, %mul3A_443 : i32
        %add3A_445 = arith.constant 3 : i32
        %add3A_446 = arith.addi %mul3A_444, %add3A_445 : i32
        %dma_wait3A_447 = arith.constant 3 : i32
        %dma_wait3A_448 = arith.constant 0 : i32
        %dma_wait3A_449 = arith.constant 0 : i32
        %dma_wait3A_450 = tpu.memref_slice %arg9[%dma_wait3A_447, %dma_wait3A_448, %dma_wait3A_449] : memref<4x64x128xf32, #tpu.memory_space<vmem>> -> memref<1x64x128xf32, #tpu.memory_space<vmem>>
        %dma_wait3A_451 = tpu.memref_squeeze %dma_wait3A_450 : memref<1x64x128xf32, #tpu.memory_space<vmem>> -> memref<64x128xf32, #tpu.memory_space<vmem>>
        %dma_wait3A_452 = arith.constant 0 : i32
        %dma_wait3A_453 = tpu.memref_slice %arg8[%rem3A_80, %add3A_446, %dma_wait3A_452] : memref<2x32x64xi32, #tpu.memory_space<vmem>> -> memref<1x1x64xi32, #tpu.memory_space<vmem>>
        %dma_wait3A_454 = tpu.memref_squeeze %dma_wait3A_453 : memref<1x1x64xi32, #tpu.memory_space<vmem>> -> memref<64xi32, #tpu.memory_space<vmem>>
        %dma_wait3A_455 = arith.constant 0 : i32
        %dma_wait3A_456 = arith.constant 0 : i32
        %dma_wait3A_457 = tpu.memref_slice %arg10[%dma_wait3A_455, %dma_wait3A_456] : memref<10112x128xf32, #tpu.memory_space<vmem_shared>> -> memref<10112x128xf32, #tpu.memory_space<vmem_shared>>
        tpu.wait_indirect_dma semaphore(%arg18 : memref<!tpu.dma_semaphore, #tpu.memory_space<semaphore_mem>>) src(%dma_wait3A_451 : memref<64x128xf32, #tpu.memory_space<vmem>>) dst(%dma_wait3A_457 : memref<10112x128xf32, #tpu.memory_space<vmem_shared>>)
        %add3A_458 = arith.constant 4 : i32
        %add3A_459 = arith.addi %add3A_446, %add3A_458 : i32
        %dma_start3A_460 = arith.constant 3 : i32
        %dma_start3A_461 = arith.constant 0 : i32
        %dma_start3A_462 = arith.constant 0 : i32
        %dma_start3A_463 = tpu.memref_slice %arg9[%dma_start3A_460, %dma_start3A_461, %dma_start3A_462] : memref<4x64x128xf32, #tpu.memory_space<vmem>> -> memref<1x64x128xf32, #tpu.memory_space<vmem>>
        %dma_start3A_464 = tpu.memref_squeeze %dma_start3A_463 : memref<1x64x128xf32, #tpu.memory_space<vmem>> -> memref<64x128xf32, #tpu.memory_space<vmem>>
        %dma_start3A_465 = arith.constant 0 : i32
        %dma_start3A_466 = tpu.memref_slice %arg7[%rem3A_80, %add3A_459, %dma_start3A_465] : memref<2x32x64xi32, #tpu.memory_space<vmem>> -> memref<1x1x64xi32, #tpu.memory_space<vmem>>
        %dma_start3A_467 = tpu.memref_squeeze %dma_start3A_466 : memref<1x1x64xi32, #tpu.memory_space<vmem>> -> memref<64xi32, #tpu.memory_space<vmem>>
        %dma_start3A_468 = arith.constant 0 : i32
        %dma_start3A_469 = arith.constant 0 : i32
        %dma_start3A_470 = tpu.memref_slice %arg2[%dma_start3A_468, %dma_start3A_469] : memref<10000x128xf32, #tpu.memory_space<hbm>> -> memref<10000x128xf32, #tpu.memory_space<hbm>>
        tpu.enqueue_indirect_dma source(%dma_start3A_470 : memref<10000x128xf32, #tpu.memory_space<hbm>>) target(%dma_start3A_464 : memref<64x128xf32, #tpu.memory_space<vmem>>) offsets(%dma_start3A_467 : memref<64xi32, #tpu.memory_space<vmem>>) semaphore(%arg14 : memref<!tpu.dma_semaphore, #tpu.memory_space<semaphore_mem>>)
        %scan3A_471 = arith.constant 0 : i32
        scf.yield %scan3A_471 : i32
      }
      %scan3A_93 = arith.constant 7 : i32
      %dma_wait3A = arith.constant 28 : i32
      %dma_wait3A_94 = arith.constant 0 : i32
      %dma_wait3A_95 = arith.constant 0 : i32
      %dma_wait3A_96 = arith.constant 0 : i32
      %dma_wait3A_97 = tpu.memref_slice %arg9[%dma_wait3A_94, %dma_wait3A_95, %dma_wait3A_96] : memref<4x64x128xf32, #tpu.memory_space<vmem>> -> memref<1x64x128xf32, #tpu.memory_space<vmem>>
      %dma_wait3A_98 = tpu.memref_squeeze %dma_wait3A_97 : memref<1x64x128xf32, #tpu.memory_space<vmem>> -> memref<64x128xf32, #tpu.memory_space<vmem>>
      %dma_wait3A_99 = arith.constant 0 : i32
      %dma_wait3A_100 = tpu.memref_slice %arg7[%rem3A_80, %dma_wait3A, %dma_wait3A_99] : memref<2x32x64xi32, #tpu.memory_space<vmem>> -> memref<1x1x64xi32, #tpu.memory_space<vmem>>
      %dma_wait3A_101 = tpu.memref_squeeze %dma_wait3A_100 : memref<1x1x64xi32, #tpu.memory_space<vmem>> -> memref<64xi32, #tpu.memory_space<vmem>>
      %dma_wait3A_102 = arith.constant 0 : i32
      %dma_wait3A_103 = arith.constant 0 : i32
      %dma_wait3A_104 = tpu.memref_slice %arg2[%dma_wait3A_102, %dma_wait3A_103] : memref<10000x128xf32, #tpu.memory_space<hbm>> -> memref<10000x128xf32, #tpu.memory_space<hbm>>
      tpu.wait_indirect_dma semaphore(%arg11 : memref<!tpu.dma_semaphore, #tpu.memory_space<semaphore_mem>>) src(%dma_wait3A_104 : memref<10000x128xf32, #tpu.memory_space<hbm>>) dst(%dma_wait3A_98 : memref<64x128xf32, #tpu.memory_space<vmem>>)
      %dma_start3A_105 = arith.constant 0 : i32
      %dma_start3A_106 = arith.constant 28 : i32
      %dma_start3A_107 = arith.constant 0 : i32
      %dma_start3A_108 = arith.constant 0 : i32
      %dma_start3A_109 = tpu.memref_slice %arg9[%dma_start3A_105, %dma_start3A_107, %dma_start3A_108] : memref<4x64x128xf32, #tpu.memory_space<vmem>> -> memref<1x64x128xf32, #tpu.memory_space<vmem>>
      %dma_start3A_110 = tpu.memref_squeeze %dma_start3A_109 : memref<1x64x128xf32, #tpu.memory_space<vmem>> -> memref<64x128xf32, #tpu.memory_space<vmem>>
      %dma_start3A_111 = arith.constant 0 : i32
      %dma_start3A_112 = tpu.memref_slice %arg8[%rem3A_80, %dma_start3A_106, %dma_start3A_111] : memref<2x32x64xi32, #tpu.memory_space<vmem>> -> memref<1x1x64xi32, #tpu.memory_space<vmem>>
      %dma_start3A_113 = tpu.memref_squeeze %dma_start3A_112 : memref<1x1x64xi32, #tpu.memory_space<vmem>> -> memref<64xi32, #tpu.memory_space<vmem>>
      %dma_start3A_114 = arith.constant 0 : i32
      %dma_start3A_115 = arith.constant 0 : i32
      %dma_start3A_116 = tpu.memref_slice %arg10[%dma_start3A_114, %dma_start3A_115] : memref<10112x128xf32, #tpu.memory_space<vmem_shared>> -> memref<10112x128xf32, #tpu.memory_space<vmem_shared>>
      tpu.enqueue_indirect_dma source(%dma_start3A_110 : memref<64x128xf32, #tpu.memory_space<vmem>>) target(%dma_start3A_116 : memref<10112x128xf32, #tpu.memory_space<vmem_shared>>) offsets(%dma_start3A_113 : memref<64xi32, #tpu.memory_space<vmem>>) semaphore(%arg15 : memref<!tpu.dma_semaphore, #tpu.memory_space<semaphore_mem>>) {add = true}
      %dma_wait3A_117 = arith.constant 29 : i32
      %dma_wait3A_118 = arith.constant 1 : i32
      %dma_wait3A_119 = arith.constant 0 : i32
      %dma_wait3A_120 = arith.constant 0 : i32
      %dma_wait3A_121 = tpu.memref_slice %arg9[%dma_wait3A_118, %dma_wait3A_119, %dma_wait3A_120] : memref<4x64x128xf32, #tpu.memory_space<vmem>> -> memref<1x64x128xf32, #tpu.memory_space<vmem>>
      %dma_wait3A_122 = tpu.memref_squeeze %dma_wait3A_121 : memref<1x64x128xf32, #tpu.memory_space<vmem>> -> memref<64x128xf32, #tpu.memory_space<vmem>>
      %dma_wait3A_123 = arith.constant 0 : i32
      %dma_wait3A_124 = tpu.memref_slice %arg7[%rem3A_80, %dma_wait3A_117, %dma_wait3A_123] : memref<2x32x64xi32, #tpu.memory_space<vmem>> -> memref<1x1x64xi32, #tpu.memory_space<vmem>>
      %dma_wait3A_125 = tpu.memref_squeeze %dma_wait3A_124 : memref<1x1x64xi32, #tpu.memory_space<vmem>> -> memref<64xi32, #tpu.memory_space<vmem>>
      %dma_wait3A_126 = arith.constant 0 : i32
      %dma_wait3A_127 = arith.constant 0 : i32
      %dma_wait3A_128 = tpu.memref_slice %arg2[%dma_wait3A_126, %dma_wait3A_127] : memref<10000x128xf32, #tpu.memory_space<hbm>> -> memref<10000x128xf32, #tpu.memory_space<hbm>>
      tpu.wait_indirect_dma semaphore(%arg12 : memref<!tpu.dma_semaphore, #tpu.memory_space<semaphore_mem>>) src(%dma_wait3A_128 : memref<10000x128xf32, #tpu.memory_space<hbm>>) dst(%dma_wait3A_122 : memref<64x128xf32, #tpu.memory_space<vmem>>)
      %dma_start3A_129 = arith.constant 1 : i32
      %dma_start3A_130 = arith.constant 29 : i32
      %dma_start3A_131 = arith.constant 0 : i32
      %dma_start3A_132 = arith.constant 0 : i32
      %dma_start3A_133 = tpu.memref_slice %arg9[%dma_start3A_129, %dma_start3A_131, %dma_start3A_132] : memref<4x64x128xf32, #tpu.memory_space<vmem>> -> memref<1x64x128xf32, #tpu.memory_space<vmem>>
      %dma_start3A_134 = tpu.memref_squeeze %dma_start3A_133 : memref<1x64x128xf32, #tpu.memory_space<vmem>> -> memref<64x128xf32, #tpu.memory_space<vmem>>
      %dma_start3A_135 = arith.constant 0 : i32
      %dma_start3A_136 = tpu.memref_slice %arg8[%rem3A_80, %dma_start3A_130, %dma_start3A_135] : memref<2x32x64xi32, #tpu.memory_space<vmem>> -> memref<1x1x64xi32, #tpu.memory_space<vmem>>
      %dma_start3A_137 = tpu.memref_squeeze %dma_start3A_136 : memref<1x1x64xi32, #tpu.memory_space<vmem>> -> memref<64xi32, #tpu.memory_space<vmem>>
      %dma_start3A_138 = arith.constant 0 : i32
      %dma_start3A_139 = arith.constant 0 : i32
      %dma_start3A_140 = tpu.memref_slice %arg10[%dma_start3A_138, %dma_start3A_139] : memref<10112x128xf32, #tpu.memory_space<vmem_shared>> -> memref<10112x128xf32, #tpu.memory_space<vmem_shared>>
      tpu.enqueue_indirect_dma source(%dma_start3A_134 : memref<64x128xf32, #tpu.memory_space<vmem>>) target(%dma_start3A_140 : memref<10112x128xf32, #tpu.memory_space<vmem_shared>>) offsets(%dma_start3A_137 : memref<64xi32, #tpu.memory_space<vmem>>) semaphore(%arg16 : memref<!tpu.dma_semaphore, #tpu.memory_space<semaphore_mem>>) {add = true}
      %dma_wait3A_141 = arith.constant 30 : i32
      %dma_wait3A_142 = arith.constant 2 : i32
      %dma_wait3A_143 = arith.constant 0 : i32
      %dma_wait3A_144 = arith.constant 0 : i32
      %dma_wait3A_145 = tpu.memref_slice %arg9[%dma_wait3A_142, %dma_wait3A_143, %dma_wait3A_144] : memref<4x64x128xf32, #tpu.memory_space<vmem>> -> memref<1x64x128xf32, #tpu.memory_space<vmem>>
      %dma_wait3A_146 = tpu.memref_squeeze %dma_wait3A_145 : memref<1x64x128xf32, #tpu.memory_space<vmem>> -> memref<64x128xf32, #tpu.memory_space<vmem>>
      %dma_wait3A_147 = arith.constant 0 : i32
      %dma_wait3A_148 = tpu.memref_slice %arg7[%rem3A_80, %dma_wait3A_141, %dma_wait3A_147] : memref<2x32x64xi32, #tpu.memory_space<vmem>> -> memref<1x1x64xi32, #tpu.memory_space<vmem>>
      %dma_wait3A_149 = tpu.memref_squeeze %dma_wait3A_148 : memref<1x1x64xi32, #tpu.memory_space<vmem>> -> memref<64xi32, #tpu.memory_space<vmem>>
      %dma_wait3A_150 = arith.constant 0 : i32
      %dma_wait3A_151 = arith.constant 0 : i32
      %dma_wait3A_152 = tpu.memref_slice %arg2[%dma_wait3A_150, %dma_wait3A_151] : memref<10000x128xf32, #tpu.memory_space<hbm>> -> memref<10000x128xf32, #tpu.memory_space<hbm>>
      tpu.wait_indirect_dma semaphore(%arg13 : memref<!tpu.dma_semaphore, #tpu.memory_space<semaphore_mem>>) src(%dma_wait3A_152 : memref<10000x128xf32, #tpu.memory_space<hbm>>) dst(%dma_wait3A_146 : memref<64x128xf32, #tpu.memory_space<vmem>>)
      %dma_start3A_153 = arith.constant 2 : i32
      %dma_start3A_154 = arith.constant 30 : i32
      %dma_start3A_155 = arith.constant 0 : i32
      %dma_start3A_156 = arith.constant 0 : i32
      %dma_start3A_157 = tpu.memref_slice %arg9[%dma_start3A_153, %dma_start3A_155, %dma_start3A_156] : memref<4x64x128xf32, #tpu.memory_space<vmem>> -> memref<1x64x128xf32, #tpu.memory_space<vmem>>
      %dma_start3A_158 = tpu.memref_squeeze %dma_start3A_157 : memref<1x64x128xf32, #tpu.memory_space<vmem>> -> memref<64x128xf32, #tpu.memory_space<vmem>>
      %dma_start3A_159 = arith.constant 0 : i32
      %dma_start3A_160 = tpu.memref_slice %arg8[%rem3A_80, %dma_start3A_154, %dma_start3A_159] : memref<2x32x64xi32, #tpu.memory_space<vmem>> -> memref<1x1x64xi32, #tpu.memory_space<vmem>>
      %dma_start3A_161 = tpu.memref_squeeze %dma_start3A_160 : memref<1x1x64xi32, #tpu.memory_space<vmem>> -> memref<64xi32, #tpu.memory_space<vmem>>
      %dma_start3A_162 = arith.constant 0 : i32
      %dma_start3A_163 = arith.constant 0 : i32
      %dma_start3A_164 = tpu.memref_slice %arg10[%dma_start3A_162, %dma_start3A_163] : memref<10112x128xf32, #tpu.memory_space<vmem_shared>> -> memref<10112x128xf32, #tpu.memory_space<vmem_shared>>
      tpu.enqueue_indirect_dma source(%dma_start3A_158 : memref<64x128xf32, #tpu.memory_space<vmem>>) target(%dma_start3A_164 : memref<10112x128xf32, #tpu.memory_space<vmem_shared>>) offsets(%dma_start3A_161 : memref<64xi32, #tpu.memory_space<vmem>>) semaphore(%arg17 : memref<!tpu.dma_semaphore, #tpu.memory_space<semaphore_mem>>) {add = true}
      %dma_wait3A_165 = arith.constant 31 : i32
      %dma_wait3A_166 = arith.constant 3 : i32
      %dma_wait3A_167 = arith.constant 0 : i32
      %dma_wait3A_168 = arith.constant 0 : i32
      %dma_wait3A_169 = tpu.memref_slice %arg9[%dma_wait3A_166, %dma_wait3A_167, %dma_wait3A_168] : memref<4x64x128xf32, #tpu.memory_space<vmem>> -> memref<1x64x128xf32, #tpu.memory_space<vmem>>
      %dma_wait3A_170 = tpu.memref_squeeze %dma_wait3A_169 : memref<1x64x128xf32, #tpu.memory_space<vmem>> -> memref<64x128xf32, #tpu.memory_space<vmem>>
      %dma_wait3A_171 = arith.constant 0 : i32
      %dma_wait3A_172 = tpu.memref_slice %arg7[%rem3A_80, %dma_wait3A_165, %dma_wait3A_171] : memref<2x32x64xi32, #tpu.memory_space<vmem>> -> memref<1x1x64xi32, #tpu.memory_space<vmem>>
      %dma_wait3A_173 = tpu.memref_squeeze %dma_wait3A_172 : memref<1x1x64xi32, #tpu.memory_space<vmem>> -> memref<64xi32, #tpu.memory_space<vmem>>
      %dma_wait3A_174 = arith.constant 0 : i32
      %dma_wait3A_175 = arith.constant 0 : i32
      %dma_wait3A_176 = tpu.memref_slice %arg2[%dma_wait3A_174, %dma_wait3A_175] : memref<10000x128xf32, #tpu.memory_space<hbm>> -> memref<10000x128xf32, #tpu.memory_space<hbm>>
      tpu.wait_indirect_dma semaphore(%arg14 : memref<!tpu.dma_semaphore, #tpu.memory_space<semaphore_mem>>) src(%dma_wait3A_176 : memref<10000x128xf32, #tpu.memory_space<hbm>>) dst(%dma_wait3A_170 : memref<64x128xf32, #tpu.memory_space<vmem>>)
      %dma_start3A_177 = arith.constant 3 : i32
      %dma_start3A_178 = arith.constant 31 : i32
      %dma_start3A_179 = arith.constant 0 : i32
      %dma_start3A_180 = arith.constant 0 : i32
      %dma_start3A_181 = tpu.memref_slice %arg9[%dma_start3A_177, %dma_start3A_179, %dma_start3A_180] : memref<4x64x128xf32, #tpu.memory_space<vmem>> -> memref<1x64x128xf32, #tpu.memory_space<vmem>>
      %dma_start3A_182 = tpu.memref_squeeze %dma_start3A_181 : memref<1x64x128xf32, #tpu.memory_space<vmem>> -> memref<64x128xf32, #tpu.memory_space<vmem>>
      %dma_start3A_183 = arith.constant 0 : i32
      %dma_start3A_184 = tpu.memref_slice %arg8[%rem3A_80, %dma_start3A_178, %dma_start3A_183] : memref<2x32x64xi32, #tpu.memory_space<vmem>> -> memref<1x1x64xi32, #tpu.memory_space<vmem>>
      %dma_start3A_185 = tpu.memref_squeeze %dma_start3A_184 : memref<1x1x64xi32, #tpu.memory_space<vmem>> -> memref<64xi32, #tpu.memory_space<vmem>>
      %dma_start3A_186 = arith.constant 0 : i32
      %dma_start3A_187 = arith.constant 0 : i32
      %dma_start3A_188 = tpu.memref_slice %arg10[%dma_start3A_186, %dma_start3A_187] : memref<10112x128xf32, #tpu.memory_space<vmem_shared>> -> memref<10112x128xf32, #tpu.memory_space<vmem_shared>>
      tpu.enqueue_indirect_dma source(%dma_start3A_182 : memref<64x128xf32, #tpu.memory_space<vmem>>) target(%dma_start3A_188 : memref<10112x128xf32, #tpu.memory_space<vmem_shared>>) offsets(%dma_start3A_185 : memref<64xi32, #tpu.memory_space<vmem>>) semaphore(%arg18 : memref<!tpu.dma_semaphore, #tpu.memory_space<semaphore_mem>>) {add = true}
      %convert_element_type3A_189 = arith.extui %lt3A_83 : i1 to i32
      %cond3A_190 = arith.constant 0 : i32
      %cond3A_191 = arith.cmpi ne, %convert_element_type3A_189, %cond3A_190 : i32
      scf.if %cond3A_191 {
        %dma_wait3A_253 = arith.constant 0 : i32
        %dma_wait3A_254 = arith.constant 0 : i32
        %dma_wait3A_255 = tpu.memref_slice %arg7[%sub3A_81, %dma_wait3A_253, %dma_wait3A_254] : memref<2x32x64xi32, #tpu.memory_space<vmem>> -> memref<1x32x64xi32, #tpu.memory_space<vmem>>
        %dma_wait3A_256 = tpu.memref_squeeze %dma_wait3A_255 : memref<1x32x64xi32, #tpu.memory_space<vmem>> -> memref<32x64xi32, #tpu.memory_space<vmem>>
        %dma_wait3A_257 = arith.constant 0 : i32
        %dma_wait3A_258 = tpu.memref_slice %arg3[%add3A, %dma_wait3A_257] : memref<5120x64xi32, #tpu.memory_space<hbm>> -> memref<32x64xi32, #tpu.memory_space<hbm>>
        %dma_wait3A_259 = arith.constant 0 : i32
        %dma_wait3A_260 = arith.constant 0 : i32
        %dma_wait3A_261 = tpu.memref_slice %arg7[%sub3A_81, %dma_wait3A_259, %dma_wait3A_260] : memref<2x32x64xi32, #tpu.memory_space<vmem>> -> memref<1x32x64xi32, #tpu.memory_space<vmem>>
        %dma_wait3A_262 = tpu.memref_squeeze %dma_wait3A_261 : memref<1x32x64xi32, #tpu.memory_space<vmem>> -> memref<32x64xi32, #tpu.memory_space<vmem>>
        %dma_wait3A_263 = arith.constant 0 : i32
        %dma_wait3A_264 = tpu.memref_slice %arg3[%add3A, %dma_wait3A_263] : memref<5120x64xi32, #tpu.memory_space<hbm>> -> memref<32x64xi32, #tpu.memory_space<hbm>>
        tpu.wait_dma2 semaphore(%arg19 : memref<!tpu.dma_semaphore, #tpu.memory_space<semaphore_mem>>) src(%dma_wait3A_264 : memref<32x64xi32, #tpu.memory_space<hbm>>) dst(%dma_wait3A_262 : memref<32x64xi32, #tpu.memory_space<vmem>>)
        %dma_wait3A_265 = arith.constant 0 : i32
        %dma_wait3A_266 = arith.constant 0 : i32
        %dma_wait3A_267 = tpu.memref_slice %arg8[%sub3A_81, %dma_wait3A_265, %dma_wait3A_266] : memref<2x32x64xi32, #tpu.memory_space<vmem>> -> memref<1x32x64xi32, #tpu.memory_space<vmem>>
        %dma_wait3A_268 = tpu.memref_squeeze %dma_wait3A_267 : memref<1x32x64xi32, #tpu.memory_space<vmem>> -> memref<32x64xi32, #tpu.memory_space<vmem>>
        %dma_wait3A_269 = arith.constant 0 : i32
        %dma_wait3A_270 = tpu.memref_slice %arg4[%add3A, %dma_wait3A_269] : memref<5120x64xi32, #tpu.memory_space<hbm>> -> memref<32x64xi32, #tpu.memory_space<hbm>>
        %dma_wait3A_271 = arith.constant 0 : i32
        %dma_wait3A_272 = arith.constant 0 : i32
        %dma_wait3A_273 = tpu.memref_slice %arg8[%sub3A_81, %dma_wait3A_271, %dma_wait3A_272] : memref<2x32x64xi32, #tpu.memory_space<vmem>> -> memref<1x32x64xi32, #tpu.memory_space<vmem>>
        %dma_wait3A_274 = tpu.memref_squeeze %dma_wait3A_273 : memref<1x32x64xi32, #tpu.memory_space<vmem>> -> memref<32x64xi32, #tpu.memory_space<vmem>>
        %dma_wait3A_275 = arith.constant 0 : i32
        %dma_wait3A_276 = tpu.memref_slice %arg4[%add3A, %dma_wait3A_275] : memref<5120x64xi32, #tpu.memory_space<hbm>> -> memref<32x64xi32, #tpu.memory_space<hbm>>
        tpu.wait_dma2 semaphore(%arg19 : memref<!tpu.dma_semaphore, #tpu.memory_space<semaphore_mem>>) src(%dma_wait3A_276 : memref<32x64xi32, #tpu.memory_space<hbm>>) dst(%dma_wait3A_274 : memref<32x64xi32, #tpu.memory_space<vmem>>)
      } else {
      }
      %dma_wait3A_192 = arith.constant 0 : i32
      %dma_wait3A_193 = arith.constant 28 : i32
      %dma_wait3A_194 = arith.constant 0 : i32
      %dma_wait3A_195 = arith.constant 0 : i32
      %dma_wait3A_196 = tpu.memref_slice %arg9[%dma_wait3A_192, %dma_wait3A_194, %dma_wait3A_195] : memref<4x64x128xf32, #tpu.memory_space<vmem>> -> memref<1x64x128xf32, #tpu.memory_space<vmem>>
      %dma_wait3A_197 = tpu.memref_squeeze %dma_wait3A_196 : memref<1x64x128xf32, #tpu.memory_space<vmem>> -> memref<64x128xf32, #tpu.memory_space<vmem>>
      %dma_wait3A_198 = arith.constant 0 : i32
      %dma_wait3A_199 = tpu.memref_slice %arg8[%rem3A_80, %dma_wait3A_193, %dma_wait3A_198] : memref<2x32x64xi32, #tpu.memory_space<vmem>> -> memref<1x1x64xi32, #tpu.memory_space<vmem>>
      %dma_wait3A_200 = tpu.memref_squeeze %dma_wait3A_199 : memref<1x1x64xi32, #tpu.memory_space<vmem>> -> memref<64xi32, #tpu.memory_space<vmem>>
      %dma_wait3A_201 = arith.constant 0 : i32
      %dma_wait3A_202 = arith.constant 0 : i32
      %dma_wait3A_203 = tpu.memref_slice %arg10[%dma_wait3A_201, %dma_wait3A_202] : memref<10112x128xf32, #tpu.memory_space<vmem_shared>> -> memref<10112x128xf32, #tpu.memory_space<vmem_shared>>
      tpu.wait_indirect_dma semaphore(%arg15 : memref<!tpu.dma_semaphore, #tpu.memory_space<semaphore_mem>>) src(%dma_wait3A_197 : memref<64x128xf32, #tpu.memory_space<vmem>>) dst(%dma_wait3A_203 : memref<10112x128xf32, #tpu.memory_space<vmem_shared>>)
      %convert_element_type3A_204 = arith.extui %lt3A_83 : i1 to i32
      %cond3A_205 = arith.constant 0 : i32
      %cond3A_206 = arith.cmpi ne, %convert_element_type3A_204, %cond3A_205 : i32
      scf.if %cond3A_206 {
        %dma_start3A_253 = arith.constant 0 : i32
        %dma_start3A_254 = arith.constant 0 : i32
        %dma_start3A_255 = arith.constant 0 : i32
        %dma_start3A_256 = arith.constant 0 : i32
        %dma_start3A_257 = tpu.memref_slice %arg9[%dma_start3A_254, %dma_start3A_255, %dma_start3A_256] : memref<4x64x128xf32, #tpu.memory_space<vmem>> -> memref<1x64x128xf32, #tpu.memory_space<vmem>>
        %dma_start3A_258 = tpu.memref_squeeze %dma_start3A_257 : memref<1x64x128xf32, #tpu.memory_space<vmem>> -> memref<64x128xf32, #tpu.memory_space<vmem>>
        %dma_start3A_259 = arith.constant 0 : i32
        %dma_start3A_260 = tpu.memref_slice %arg7[%sub3A_81, %dma_start3A_253, %dma_start3A_259] : memref<2x32x64xi32, #tpu.memory_space<vmem>> -> memref<1x1x64xi32, #tpu.memory_space<vmem>>
        %dma_start3A_261 = tpu.memref_squeeze %dma_start3A_260 : memref<1x1x64xi32, #tpu.memory_space<vmem>> -> memref<64xi32, #tpu.memory_space<vmem>>
        %dma_start3A_262 = arith.constant 0 : i32
        %dma_start3A_263 = arith.constant 0 : i32
        %dma_start3A_264 = tpu.memref_slice %arg2[%dma_start3A_262, %dma_start3A_263] : memref<10000x128xf32, #tpu.memory_space<hbm>> -> memref<10000x128xf32, #tpu.memory_space<hbm>>
        tpu.enqueue_indirect_dma source(%dma_start3A_264 : memref<10000x128xf32, #tpu.memory_space<hbm>>) target(%dma_start3A_258 : memref<64x128xf32, #tpu.memory_space<vmem>>) offsets(%dma_start3A_261 : memref<64xi32, #tpu.memory_space<vmem>>) semaphore(%arg11 : memref<!tpu.dma_semaphore, #tpu.memory_space<semaphore_mem>>)
      } else {
      }
      %dma_wait3A_207 = arith.constant 1 : i32
      %dma_wait3A_208 = arith.constant 29 : i32
      %dma_wait3A_209 = arith.constant 0 : i32
      %dma_wait3A_210 = arith.constant 0 : i32
      %dma_wait3A_211 = tpu.memref_slice %arg9[%dma_wait3A_207, %dma_wait3A_209, %dma_wait3A_210] : memref<4x64x128xf32, #tpu.memory_space<vmem>> -> memref<1x64x128xf32, #tpu.memory_space<vmem>>
      %dma_wait3A_212 = tpu.memref_squeeze %dma_wait3A_211 : memref<1x64x128xf32, #tpu.memory_space<vmem>> -> memref<64x128xf32, #tpu.memory_space<vmem>>
      %dma_wait3A_213 = arith.constant 0 : i32
      %dma_wait3A_214 = tpu.memref_slice %arg8[%rem3A_80, %dma_wait3A_208, %dma_wait3A_213] : memref<2x32x64xi32, #tpu.memory_space<vmem>> -> memref<1x1x64xi32, #tpu.memory_space<vmem>>
      %dma_wait3A_215 = tpu.memref_squeeze %dma_wait3A_214 : memref<1x1x64xi32, #tpu.memory_space<vmem>> -> memref<64xi32, #tpu.memory_space<vmem>>
      %dma_wait3A_216 = arith.constant 0 : i32
      %dma_wait3A_217 = arith.constant 0 : i32
      %dma_wait3A_218 = tpu.memref_slice %arg10[%dma_wait3A_216, %dma_wait3A_217] : memref<10112x128xf32, #tpu.memory_space<vmem_shared>> -> memref<10112x128xf32, #tpu.memory_space<vmem_shared>>
      tpu.wait_indirect_dma semaphore(%arg16 : memref<!tpu.dma_semaphore, #tpu.memory_space<semaphore_mem>>) src(%dma_wait3A_212 : memref<64x128xf32, #tpu.memory_space<vmem>>) dst(%dma_wait3A_218 : memref<10112x128xf32, #tpu.memory_space<vmem_shared>>)
      %convert_element_type3A_219 = arith.extui %lt3A_83 : i1 to i32
      %cond3A_220 = arith.constant 0 : i32
      %cond3A_221 = arith.cmpi ne, %convert_element_type3A_219, %cond3A_220 : i32
      scf.if %cond3A_221 {
        %dma_start3A_253 = arith.constant 1 : i32
        %dma_start3A_254 = arith.constant 1 : i32
        %dma_start3A_255 = arith.constant 0 : i32
        %dma_start3A_256 = arith.constant 0 : i32
        %dma_start3A_257 = tpu.memref_slice %arg9[%dma_start3A_254, %dma_start3A_255, %dma_start3A_256] : memref<4x64x128xf32, #tpu.memory_space<vmem>> -> memref<1x64x128xf32, #tpu.memory_space<vmem>>
        %dma_start3A_258 = tpu.memref_squeeze %dma_start3A_257 : memref<1x64x128xf32, #tpu.memory_space<vmem>> -> memref<64x128xf32, #tpu.memory_space<vmem>>
        %dma_start3A_259 = arith.constant 0 : i32
        %dma_start3A_260 = tpu.memref_slice %arg7[%sub3A_81, %dma_start3A_253, %dma_start3A_259] : memref<2x32x64xi32, #tpu.memory_space<vmem>> -> memref<1x1x64xi32, #tpu.memory_space<vmem>>
        %dma_start3A_261 = tpu.memref_squeeze %dma_start3A_260 : memref<1x1x64xi32, #tpu.memory_space<vmem>> -> memref<64xi32, #tpu.memory_space<vmem>>
        %dma_start3A_262 = arith.constant 0 : i32
        %dma_start3A_263 = arith.constant 0 : i32
        %dma_start3A_264 = tpu.memref_slice %arg2[%dma_start3A_262, %dma_start3A_263] : memref<10000x128xf32, #tpu.memory_space<hbm>> -> memref<10000x128xf32, #tpu.memory_space<hbm>>
        tpu.enqueue_indirect_dma source(%dma_start3A_264 : memref<10000x128xf32, #tpu.memory_space<hbm>>) target(%dma_start3A_258 : memref<64x128xf32, #tpu.memory_space<vmem>>) offsets(%dma_start3A_261 : memref<64xi32, #tpu.memory_space<vmem>>) semaphore(%arg12 : memref<!tpu.dma_semaphore, #tpu.memory_space<semaphore_mem>>)
      } else {
      }
      %dma_wait3A_222 = arith.constant 2 : i32
      %dma_wait3A_223 = arith.constant 30 : i32
      %dma_wait3A_224 = arith.constant 0 : i32
      %dma_wait3A_225 = arith.constant 0 : i32
      %dma_wait3A_226 = tpu.memref_slice %arg9[%dma_wait3A_222, %dma_wait3A_224, %dma_wait3A_225] : memref<4x64x128xf32, #tpu.memory_space<vmem>> -> memref<1x64x128xf32, #tpu.memory_space<vmem>>
      %dma_wait3A_227 = tpu.memref_squeeze %dma_wait3A_226 : memref<1x64x128xf32, #tpu.memory_space<vmem>> -> memref<64x128xf32, #tpu.memory_space<vmem>>
      %dma_wait3A_228 = arith.constant 0 : i32
      %dma_wait3A_229 = tpu.memref_slice %arg8[%rem3A_80, %dma_wait3A_223, %dma_wait3A_228] : memref<2x32x64xi32, #tpu.memory_space<vmem>> -> memref<1x1x64xi32, #tpu.memory_space<vmem>>
      %dma_wait3A_230 = tpu.memref_squeeze %dma_wait3A_229 : memref<1x1x64xi32, #tpu.memory_space<vmem>> -> memref<64xi32, #tpu.memory_space<vmem>>
      %dma_wait3A_231 = arith.constant 0 : i32
      %dma_wait3A_232 = arith.constant 0 : i32
      %dma_wait3A_233 = tpu.memref_slice %arg10[%dma_wait3A_231, %dma_wait3A_232] : memref<10112x128xf32, #tpu.memory_space<vmem_shared>> -> memref<10112x128xf32, #tpu.memory_space<vmem_shared>>
      tpu.wait_indirect_dma semaphore(%arg17 : memref<!tpu.dma_semaphore, #tpu.memory_space<semaphore_mem>>) src(%dma_wait3A_227 : memref<64x128xf32, #tpu.memory_space<vmem>>) dst(%dma_wait3A_233 : memref<10112x128xf32, #tpu.memory_space<vmem_shared>>)
      %convert_element_type3A_234 = arith.extui %lt3A_83 : i1 to i32
      %cond3A_235 = arith.constant 0 : i32
      %cond3A_236 = arith.cmpi ne, %convert_element_type3A_234, %cond3A_235 : i32
      scf.if %cond3A_236 {
        %dma_start3A_253 = arith.constant 2 : i32
        %dma_start3A_254 = arith.constant 2 : i32
        %dma_start3A_255 = arith.constant 0 : i32
        %dma_start3A_256 = arith.constant 0 : i32
        %dma_start3A_257 = tpu.memref_slice %arg9[%dma_start3A_254, %dma_start3A_255, %dma_start3A_256] : memref<4x64x128xf32, #tpu.memory_space<vmem>> -> memref<1x64x128xf32, #tpu.memory_space<vmem>>
        %dma_start3A_258 = tpu.memref_squeeze %dma_start3A_257 : memref<1x64x128xf32, #tpu.memory_space<vmem>> -> memref<64x128xf32, #tpu.memory_space<vmem>>
        %dma_start3A_259 = arith.constant 0 : i32
        %dma_start3A_260 = tpu.memref_slice %arg7[%sub3A_81, %dma_start3A_253, %dma_start3A_259] : memref<2x32x64xi32, #tpu.memory_space<vmem>> -> memref<1x1x64xi32, #tpu.memory_space<vmem>>
        %dma_start3A_261 = tpu.memref_squeeze %dma_start3A_260 : memref<1x1x64xi32, #tpu.memory_space<vmem>> -> memref<64xi32, #tpu.memory_space<vmem>>
        %dma_start3A_262 = arith.constant 0 : i32
        %dma_start3A_263 = arith.constant 0 : i32
        %dma_start3A_264 = tpu.memref_slice %arg2[%dma_start3A_262, %dma_start3A_263] : memref<10000x128xf32, #tpu.memory_space<hbm>> -> memref<10000x128xf32, #tpu.memory_space<hbm>>
        tpu.enqueue_indirect_dma source(%dma_start3A_264 : memref<10000x128xf32, #tpu.memory_space<hbm>>) target(%dma_start3A_258 : memref<64x128xf32, #tpu.memory_space<vmem>>) offsets(%dma_start3A_261 : memref<64xi32, #tpu.memory_space<vmem>>) semaphore(%arg13 : memref<!tpu.dma_semaphore, #tpu.memory_space<semaphore_mem>>)
      } else {
      }
      %dma_wait3A_237 = arith.constant 3 : i32
      %dma_wait3A_238 = arith.constant 31 : i32
      %dma_wait3A_239 = arith.constant 0 : i32
      %dma_wait3A_240 = arith.constant 0 : i32
      %dma_wait3A_241 = tpu.memref_slice %arg9[%dma_wait3A_237, %dma_wait3A_239, %dma_wait3A_240] : memref<4x64x128xf32, #tpu.memory_space<vmem>> -> memref<1x64x128xf32, #tpu.memory_space<vmem>>
      %dma_wait3A_242 = tpu.memref_squeeze %dma_wait3A_241 : memref<1x64x128xf32, #tpu.memory_space<vmem>> -> memref<64x128xf32, #tpu.memory_space<vmem>>
      %dma_wait3A_243 = arith.constant 0 : i32
      %dma_wait3A_244 = tpu.memref_slice %arg8[%rem3A_80, %dma_wait3A_238, %dma_wait3A_243] : memref<2x32x64xi32, #tpu.memory_space<vmem>> -> memref<1x1x64xi32, #tpu.memory_space<vmem>>
      %dma_wait3A_245 = tpu.memref_squeeze %dma_wait3A_244 : memref<1x1x64xi32, #tpu.memory_space<vmem>> -> memref<64xi32, #tpu.memory_space<vmem>>
      %dma_wait3A_246 = arith.constant 0 : i32
      %dma_wait3A_247 = arith.constant 0 : i32
      %dma_wait3A_248 = tpu.memref_slice %arg10[%dma_wait3A_246, %dma_wait3A_247] : memref<10112x128xf32, #tpu.memory_space<vmem_shared>> -> memref<10112x128xf32, #tpu.memory_space<vmem_shared>>
      tpu.wait_indirect_dma semaphore(%arg18 : memref<!tpu.dma_semaphore, #tpu.memory_space<semaphore_mem>>) src(%dma_wait3A_242 : memref<64x128xf32, #tpu.memory_space<vmem>>) dst(%dma_wait3A_248 : memref<10112x128xf32, #tpu.memory_space<vmem_shared>>)
      %convert_element_type3A_249 = arith.extui %lt3A_83 : i1 to i32
      %cond3A_250 = arith.constant 0 : i32
      %cond3A_251 = arith.cmpi ne, %convert_element_type3A_249, %cond3A_250 : i32
      scf.if %cond3A_251 {
        %dma_start3A_253 = arith.constant 3 : i32
        %dma_start3A_254 = arith.constant 3 : i32
        %dma_start3A_255 = arith.constant 0 : i32
        %dma_start3A_256 = arith.constant 0 : i32
        %dma_start3A_257 = tpu.memref_slice %arg9[%dma_start3A_254, %dma_start3A_255, %dma_start3A_256] : memref<4x64x128xf32, #tpu.memory_space<vmem>> -> memref<1x64x128xf32, #tpu.memory_space<vmem>>
        %dma_start3A_258 = tpu.memref_squeeze %dma_start3A_257 : memref<1x64x128xf32, #tpu.memory_space<vmem>> -> memref<64x128xf32, #tpu.memory_space<vmem>>
        %dma_start3A_259 = arith.constant 0 : i32
        %dma_start3A_260 = tpu.memref_slice %arg7[%sub3A_81, %dma_start3A_253, %dma_start3A_259] : memref<2x32x64xi32, #tpu.memory_space<vmem>> -> memref<1x1x64xi32, #tpu.memory_space<vmem>>
        %dma_start3A_261 = tpu.memref_squeeze %dma_start3A_260 : memref<1x1x64xi32, #tpu.memory_space<vmem>> -> memref<64xi32, #tpu.memory_space<vmem>>
        %dma_start3A_262 = arith.constant 0 : i32
        %dma_start3A_263 = arith.constant 0 : i32
        %dma_start3A_264 = tpu.memref_slice %arg2[%dma_start3A_262, %dma_start3A_263] : memref<10000x128xf32, #tpu.memory_space<hbm>> -> memref<10000x128xf32, #tpu.memory_space<hbm>>
        tpu.enqueue_indirect_dma source(%dma_start3A_264 : memref<10000x128xf32, #tpu.memory_space<hbm>>) target(%dma_start3A_258 : memref<64x128xf32, #tpu.memory_space<vmem>>) offsets(%dma_start3A_261 : memref<64xi32, #tpu.memory_space<vmem>>) semaphore(%arg14 : memref<!tpu.dma_semaphore, #tpu.memory_space<semaphore_mem>>)
      } else {
      }
      %scan3A_252 = arith.constant 0 : i32
      scf.yield %scan3A_252 : i32
    }
    %scan3A_66 = arith.constant 5 : i32
    %barrier3A_67 = arith.constant 0 : index
    tpu.barrier barrier_id(%barrier3A_67)
    %eq3A_68 = arith.constant 0 : i32
    %eq3A_69 = arith.cmpi eq, %arg0, %eq3A_68 : i32
    %convert_element_type3A_70 = arith.extui %eq3A_69 : i1 to i32
    %cond3A_71 = arith.constant 0 : i32
    %cond3A_72 = arith.cmpi ne, %convert_element_type3A_70, %cond3A_71 : i32
    scf.if %cond3A_72 {
      %lt3A_78 = arith.constant 15 : i32
      %lt3A_79 = arith.cmpi slt, %arg1, %lt3A_78 : i32
      %convert_element_type3A_80 = arith.extui %lt3A_79 : i1 to i32
      %cond3A_81 = arith.constant 0 : i32
      %cond3A_82 = arith.cmpi ne, %convert_element_type3A_80, %cond3A_81 : i32
      scf.if %cond3A_82 {
        %mul3A_88 = arith.constant 640 : i32
        %mul3A_89 = arith.muli %arg1, %mul3A_88 : i32
        %mul3A_90 = arith.constant 640 : i32
        %mul3A_91 = arith.muli %arg1, %mul3A_90 : i32
        "tpu.region"() ({
          %run_scoped3A_92 = tpu.sem_alloc : memref<!tpu.dma_semaphore, #tpu.memory_space<semaphore_mem>>
          %dma_start3A_93 = arith.constant 0 : i32
          %dma_start3A_94 = tpu.memref_slice %arg5[%mul3A_91, %dma_start3A_93] : memref<10000x128xf32, #tpu.memory_space<hbm>> -> memref<640x128xf32, #tpu.memory_space<hbm>>
          %dma_start3A_95 = arith.constant 0 : i32
          %dma_start3A_96 = tpu.memref_slice %arg10[%mul3A_89, %dma_start3A_95] : memref<10112x128xf32, #tpu.memory_space<vmem_shared>> -> memref<640x128xf32, #tpu.memory_space<vmem_shared>>
          tpu.enqueue_dma source(%dma_start3A_96 : memref<640x128xf32, #tpu.memory_space<vmem_shared>>) target(%dma_start3A_94 : memref<640x128xf32, #tpu.memory_space<hbm>>) target_semaphore(%run_scoped3A_92 : memref<!tpu.dma_semaphore, #tpu.memory_space<semaphore_mem>>)
          %dma_wait3A = arith.constant 0 : i32
          %dma_wait3A_97 = tpu.memref_slice %arg5[%mul3A_91, %dma_wait3A] : memref<10000x128xf32, #tpu.memory_space<hbm>> -> memref<640x128xf32, #tpu.memory_space<hbm>>
          %dma_wait3A_98 = arith.constant 0 : i32
          %dma_wait3A_99 = tpu.memref_slice %arg10[%mul3A_89, %dma_wait3A_98] : memref<10112x128xf32, #tpu.memory_space<vmem_shared>> -> memref<640x128xf32, #tpu.memory_space<vmem_shared>>
          tpu.wait_dma2 semaphore(%run_scoped3A_92 : memref<!tpu.dma_semaphore, #tpu.memory_space<semaphore_mem>>) src(%dma_wait3A_99 : memref<640x128xf32, #tpu.memory_space<vmem_shared>>) dst(%dma_wait3A_97 : memref<640x128xf32, #tpu.memory_space<hbm>>)
          tpu.yield
        }) : () -> ()
      } else {
      }
      %eq3A_83 = arith.constant 15 : i32
      %eq3A_84 = arith.cmpi eq, %arg1, %eq3A_83 : i32
      %convert_element_type3A_85 = arith.extui %eq3A_84 : i1 to i32
      %cond3A_86 = arith.constant 0 : i32
      %cond3A_87 = arith.cmpi ne, %convert_element_type3A_85, %cond3A_86 : i32
      scf.if %cond3A_87 {
        "tpu.region"() ({
          %run_scoped3A_88 = tpu.sem_alloc : memref<!tpu.dma_semaphore, #tpu.memory_space<semaphore_mem>>
          %dma_start3A_89 = arith.constant 9600 : i32
          %dma_start3A_90 = arith.constant 0 : i32
          %dma_start3A_91 = tpu.memref_slice %arg5[%dma_start3A_89, %dma_start3A_90] : memref<10000x128xf32, #tpu.memory_space<hbm>> -> memref<400x128xf32, #tpu.memory_space<hbm>>
          %dma_start3A_92 = arith.constant 9600 : i32
          %dma_start3A_93 = arith.constant 0 : i32
          %dma_start3A_94 = tpu.memref_slice %arg10[%dma_start3A_92, %dma_start3A_93] : memref<10112x128xf32, #tpu.memory_space<vmem_shared>> -> memref<400x128xf32, #tpu.memory_space<vmem_shared>>
          tpu.enqueue_dma source(%dma_start3A_94 : memref<400x128xf32, #tpu.memory_space<vmem_shared>>) target(%dma_start3A_91 : memref<400x128xf32, #tpu.memory_space<hbm>>) target_semaphore(%run_scoped3A_88 : memref<!tpu.dma_semaphore, #tpu.memory_space<semaphore_mem>>)
          %dma_wait3A = arith.constant 9600 : i32
          %dma_wait3A_95 = arith.constant 0 : i32
          %dma_wait3A_96 = tpu.memref_slice %arg5[%dma_wait3A, %dma_wait3A_95] : memref<10000x128xf32, #tpu.memory_space<hbm>> -> memref<400x128xf32, #tpu.memory_space<hbm>>
          %dma_wait3A_97 = arith.constant 9600 : i32
          %dma_wait3A_98 = arith.constant 0 : i32
          %dma_wait3A_99 = tpu.memref_slice %arg10[%dma_wait3A_97, %dma_wait3A_98] : memref<10112x128xf32, #tpu.memory_space<vmem_shared>> -> memref<400x128xf32, #tpu.memory_space<vmem_shared>>
          tpu.wait_dma2 semaphore(%run_scoped3A_88 : memref<!tpu.dma_semaphore, #tpu.memory_space<semaphore_mem>>) src(%dma_wait3A_99 : memref<400x128xf32, #tpu.memory_space<vmem_shared>>) dst(%dma_wait3A_96 : memref<400x128xf32, #tpu.memory_space<hbm>>)
          tpu.yield
        }) : () -> ()
      } else {
      }
    } else {
    }
    %eq3A_73 = arith.constant 1 : i32
    %eq3A_74 = arith.cmpi eq, %arg0, %eq3A_73 : i32
    %convert_element_type3A_75 = arith.extui %eq3A_74 : i1 to i32
    %cond3A_76 = arith.constant 0 : i32
    %cond3A_77 = arith.cmpi ne, %convert_element_type3A_75, %cond3A_76 : i32
    scf.if %cond3A_77 {
      %lt3A_78 = arith.constant 15 : i32
      %lt3A_79 = arith.cmpi slt, %arg1, %lt3A_78 : i32
      %convert_element_type3A_80 = arith.extui %lt3A_79 : i1 to i32
      %cond3A_81 = arith.constant 0 : i32
      %cond3A_82 = arith.cmpi ne, %convert_element_type3A_80, %cond3A_81 : i32
      scf.if %cond3A_82 {
        %mul3A_88 = arith.constant 640 : i32
        %mul3A_89 = arith.muli %arg1, %mul3A_88 : i32
        %mul3A_90 = arith.constant 640 : i32
        %mul3A_91 = arith.muli %arg1, %mul3A_90 : i32
        "tpu.region"() ({
          %run_scoped3A_92 = tpu.sem_alloc : memref<!tpu.dma_semaphore, #tpu.memory_space<semaphore_mem>>
          %dma_start3A_93 = arith.constant 0 : i32
          %dma_start3A_94 = tpu.memref_slice %arg6[%mul3A_91, %dma_start3A_93] : memref<10000x128xf32, #tpu.memory_space<hbm>> -> memref<640x128xf32, #tpu.memory_space<hbm>>
          %dma_start3A_95 = arith.constant 0 : i32
          %dma_start3A_96 = tpu.memref_slice %arg10[%mul3A_89, %dma_start3A_95] : memref<10112x128xf32, #tpu.memory_space<vmem_shared>> -> memref<640x128xf32, #tpu.memory_space<vmem_shared>>
          tpu.enqueue_dma source(%dma_start3A_96 : memref<640x128xf32, #tpu.memory_space<vmem_shared>>) target(%dma_start3A_94 : memref<640x128xf32, #tpu.memory_space<hbm>>) target_semaphore(%run_scoped3A_92 : memref<!tpu.dma_semaphore, #tpu.memory_space<semaphore_mem>>)
          %dma_wait3A = arith.constant 0 : i32
          %dma_wait3A_97 = tpu.memref_slice %arg6[%mul3A_91, %dma_wait3A] : memref<10000x128xf32, #tpu.memory_space<hbm>> -> memref<640x128xf32, #tpu.memory_space<hbm>>
          %dma_wait3A_98 = arith.constant 0 : i32
          %dma_wait3A_99 = tpu.memref_slice %arg10[%mul3A_89, %dma_wait3A_98] : memref<10112x128xf32, #tpu.memory_space<vmem_shared>> -> memref<640x128xf32, #tpu.memory_space<vmem_shared>>
          tpu.wait_dma2 semaphore(%run_scoped3A_92 : memref<!tpu.dma_semaphore, #tpu.memory_space<semaphore_mem>>) src(%dma_wait3A_99 : memref<640x128xf32, #tpu.memory_space<vmem_shared>>) dst(%dma_wait3A_97 : memref<640x128xf32, #tpu.memory_space<hbm>>)
          tpu.yield
        }) : () -> ()
      } else {
      }
      %eq3A_83 = arith.constant 15 : i32
      %eq3A_84 = arith.cmpi eq, %arg1, %eq3A_83 : i32
      %convert_element_type3A_85 = arith.extui %eq3A_84 : i1 to i32
      %cond3A_86 = arith.constant 0 : i32
      %cond3A_87 = arith.cmpi ne, %convert_element_type3A_85, %cond3A_86 : i32
      scf.if %cond3A_87 {
        "tpu.region"() ({
          %run_scoped3A_88 = tpu.sem_alloc : memref<!tpu.dma_semaphore, #tpu.memory_space<semaphore_mem>>
          %dma_start3A_89 = arith.constant 9600 : i32
          %dma_start3A_90 = arith.constant 0 : i32
          %dma_start3A_91 = tpu.memref_slice %arg6[%dma_start3A_89, %dma_start3A_90] : memref<10000x128xf32, #tpu.memory_space<hbm>> -> memref<400x128xf32, #tpu.memory_space<hbm>>
          %dma_start3A_92 = arith.constant 9600 : i32
          %dma_start3A_93 = arith.constant 0 : i32
          %dma_start3A_94 = tpu.memref_slice %arg10[%dma_start3A_92, %dma_start3A_93] : memref<10112x128xf32, #tpu.memory_space<vmem_shared>> -> memref<400x128xf32, #tpu.memory_space<vmem_shared>>
          tpu.enqueue_dma source(%dma_start3A_94 : memref<400x128xf32, #tpu.memory_space<vmem_shared>>) target(%dma_start3A_91 : memref<400x128xf32, #tpu.memory_space<hbm>>) target_semaphore(%run_scoped3A_88 : memref<!tpu.dma_semaphore, #tpu.memory_space<semaphore_mem>>)
          %dma_wait3A = arith.constant 9600 : i32
          %dma_wait3A_95 = arith.constant 0 : i32
          %dma_wait3A_96 = tpu.memref_slice %arg6[%dma_wait3A, %dma_wait3A_95] : memref<10000x128xf32, #tpu.memory_space<hbm>> -> memref<400x128xf32, #tpu.memory_space<hbm>>
          %dma_wait3A_97 = arith.constant 9600 : i32
          %dma_wait3A_98 = arith.constant 0 : i32
          %dma_wait3A_99 = tpu.memref_slice %arg10[%dma_wait3A_97, %dma_wait3A_98] : memref<10112x128xf32, #tpu.memory_space<vmem_shared>> -> memref<400x128xf32, #tpu.memory_space<vmem_shared>>
          tpu.wait_dma2 semaphore(%run_scoped3A_88 : memref<!tpu.dma_semaphore, #tpu.memory_space<semaphore_mem>>) src(%dma_wait3A_99 : memref<400x128xf32, #tpu.memory_space<vmem_shared>>) dst(%dma_wait3A_96 : memref<400x128xf32, #tpu.memory_space<hbm>>)
          tpu.yield
        }) : () -> ()
      } else {
      }
    } else {
    }
    return
  }
}

#map = affine_map<(d0, d1) -> (0, 0)>
module attributes {stable_mosaic.version = 14 : i64} {
  func.func @_agg(%arg0: i32, %arg1: i32, %arg2: memref<10000x128xf32, #tpu.memory_space<hbm>>, %arg3: memref<10000x128xf32, #tpu.memory_space<hbm>>, %arg4: memref<5120x64xi32, #tpu.memory_space<hbm>>, %arg5: memref<5120x64xi32, #tpu.memory_space<hbm>>, %arg6: memref<10000x128xf32, #tpu.memory_space<hbm>>, %arg7: memref<10000x128xf32, #tpu.memory_space<hbm>>, %arg8: memref<2x32x64xi32, #tpu.memory_space<vmem>>, %arg9: memref<2x32x64xi32, #tpu.memory_space<vmem>>, %arg10: memref<4x64x128xf32, #tpu.memory_space<vmem>>, %arg11: memref<10112x128xf32, #tpu.memory_space<vmem_shared>>, %arg12: memref<!tpu.dma_semaphore, #tpu.memory_space<semaphore_mem>>, %arg13: memref<!tpu.dma_semaphore, #tpu.memory_space<semaphore_mem>>, %arg14: memref<!tpu.dma_semaphore, #tpu.memory_space<semaphore_mem>>, %arg15: memref<!tpu.dma_semaphore, #tpu.memory_space<semaphore_mem>>, %arg16: memref<!tpu.dma_semaphore, #tpu.memory_space<semaphore_mem>>, %arg17: memref<!tpu.dma_semaphore, #tpu.memory_space<semaphore_mem>>, %arg18: memref<!tpu.dma_semaphore, #tpu.memory_space<semaphore_mem>>, %arg19: memref<!tpu.dma_semaphore, #tpu.memory_space<semaphore_mem>>, %arg20: memref<!tpu.dma_semaphore, #tpu.memory_space<semaphore_mem>>) attributes {dimension_semantics = [#tpu.dimension_semantics<core_parallel>, #tpu.dimension_semantics<subcore_parallel>], iteration_bounds = array<i64: 2, 16>, scalar_prefetch = 0 : i64, scratch_operands = 13 : i64, tpu.core_type = #tpu.core_type<sc_vector_subcore>, window_params = [{transform_indices = #map}, {transform_indices = #map}, {transform_indices = #map}, {transform_indices = #map}, {transform_indices = #map}, {transform_indices = #map}]} {
    %eq3A = arith.constant 0 : i32
    %eq3A_0 = arith.cmpi eq, %arg0, %eq3A : i32
    %convert_element_type3A = arith.extui %eq3A_0 : i1 to i32
    %cond3A = arith.constant 0 : i32
    %cond3A_1 = arith.cmpi ne, %convert_element_type3A, %cond3A : i32
    scf.if %cond3A_1 {
      %mul3A = arith.constant 320 : i32
      %mul3A_7 = arith.muli %arg1, %mul3A : i32
      %run_scoped3A = arith.constant 0 : i32
      "tpu.region"() ({
        %run_scoped3A_88 = tpu.sem_alloc : memref<!tpu.dma_semaphore, #tpu.memory_space<semaphore_mem>>
        %dma_start3A_89 = arith.constant 0 : i32
        %dma_start3A_90 = arith.constant 0 : i32
        %dma_start3A_91 = tpu.memref_slice %arg8[%run_scoped3A, %dma_start3A_89, %dma_start3A_90] : memref<2x32x64xi32, #tpu.memory_space<vmem>> -> memref<1x32x64xi32, #tpu.memory_space<vmem>>
        %dma_start3A_92 = tpu.memref_squeeze %dma_start3A_91 : memref<1x32x64xi32, #tpu.memory_space<vmem>> -> memref<32x64xi32, #tpu.memory_space<vmem>>
        %dma_start3A_93 = arith.constant 0 : i32
        %dma_start3A_94 = tpu.memref_slice %arg4[%mul3A_7, %dma_start3A_93] : memref<5120x64xi32, #tpu.memory_space<hbm>> -> memref<32x64xi32, #tpu.memory_space<hbm>>
        %dma_start3A_95 = arith.constant 0 : i32
        %dma_start3A_96 = arith.constant 0 : i32
        %dma_start3A_97 = tpu.memref_slice %arg8[%run_scoped3A, %dma_start3A_95, %dma_start3A_96] : memref<2x32x64xi32, #tpu.memory_space<vmem>> -> memref<1x32x64xi32, #tpu.memory_space<vmem>>
        %dma_start3A_98 = tpu.memref_squeeze %dma_start3A_97 : memref<1x32x64xi32, #tpu.memory_space<vmem>> -> memref<32x64xi32, #tpu.memory_space<vmem>>
        %dma_start3A_99 = arith.constant 0 : i32
        %dma_start3A_100 = tpu.memref_slice %arg4[%mul3A_7, %dma_start3A_99] : memref<5120x64xi32, #tpu.memory_space<hbm>> -> memref<32x64xi32, #tpu.memory_space<hbm>>
        tpu.enqueue_dma source(%dma_start3A_100 : memref<32x64xi32, #tpu.memory_space<hbm>>) target(%dma_start3A_98 : memref<32x64xi32, #tpu.memory_space<vmem>>) target_semaphore(%run_scoped3A_88 : memref<!tpu.dma_semaphore, #tpu.memory_space<semaphore_mem>>)
        %dma_wait3A = arith.constant 0 : i32
        %dma_wait3A_101 = arith.constant 0 : i32
        %dma_wait3A_102 = tpu.memref_slice %arg8[%run_scoped3A, %dma_wait3A, %dma_wait3A_101] : memref<2x32x64xi32, #tpu.memory_space<vmem>> -> memref<1x32x64xi32, #tpu.memory_space<vmem>>
        %dma_wait3A_103 = tpu.memref_squeeze %dma_wait3A_102 : memref<1x32x64xi32, #tpu.memory_space<vmem>> -> memref<32x64xi32, #tpu.memory_space<vmem>>
        %dma_wait3A_104 = arith.constant 0 : i32
        %dma_wait3A_105 = tpu.memref_slice %arg4[%mul3A_7, %dma_wait3A_104] : memref<5120x64xi32, #tpu.memory_space<hbm>> -> memref<32x64xi32, #tpu.memory_space<hbm>>
        %dma_wait3A_106 = arith.constant 0 : i32
        %dma_wait3A_107 = arith.constant 0 : i32
        %dma_wait3A_108 = tpu.memref_slice %arg8[%run_scoped3A, %dma_wait3A_106, %dma_wait3A_107] : memref<2x32x64xi32, #tpu.memory_space<vmem>> -> memref<1x32x64xi32, #tpu.memory_space<vmem>>
        %dma_wait3A_109 = tpu.memref_squeeze %dma_wait3A_108 : memref<1x32x64xi32, #tpu.memory_space<vmem>> -> memref<32x64xi32, #tpu.memory_space<vmem>>
        %dma_wait3A_110 = arith.constant 0 : i32
        %dma_wait3A_111 = tpu.memref_slice %arg4[%mul3A_7, %dma_wait3A_110] : memref<5120x64xi32, #tpu.memory_space<hbm>> -> memref<32x64xi32, #tpu.memory_space<hbm>>
        tpu.wait_dma2 semaphore(%run_scoped3A_88 : memref<!tpu.dma_semaphore, #tpu.memory_space<semaphore_mem>>) src(%dma_wait3A_111 : memref<32x64xi32, #tpu.memory_space<hbm>>) dst(%dma_wait3A_109 : memref<32x64xi32, #tpu.memory_space<vmem>>)
        tpu.yield
      }) : () -> ()
      %run_scoped3A_8 = arith.constant 0 : i32
      "tpu.region"() ({
        %run_scoped3A_88 = tpu.sem_alloc : memref<!tpu.dma_semaphore, #tpu.memory_space<semaphore_mem>>
        %dma_start3A_89 = arith.constant 0 : i32
        %dma_start3A_90 = arith.constant 0 : i32
        %dma_start3A_91 = tpu.memref_slice %arg9[%run_scoped3A_8, %dma_start3A_89, %dma_start3A_90] : memref<2x32x64xi32, #tpu.memory_space<vmem>> -> memref<1x32x64xi32, #tpu.memory_space<vmem>>
        %dma_start3A_92 = tpu.memref_squeeze %dma_start3A_91 : memref<1x32x64xi32, #tpu.memory_space<vmem>> -> memref<32x64xi32, #tpu.memory_space<vmem>>
        %dma_start3A_93 = arith.constant 0 : i32
        %dma_start3A_94 = tpu.memref_slice %arg5[%mul3A_7, %dma_start3A_93] : memref<5120x64xi32, #tpu.memory_space<hbm>> -> memref<32x64xi32, #tpu.memory_space<hbm>>
        %dma_start3A_95 = arith.constant 0 : i32
        %dma_start3A_96 = arith.constant 0 : i32
        %dma_start3A_97 = tpu.memref_slice %arg9[%run_scoped3A_8, %dma_start3A_95, %dma_start3A_96] : memref<2x32x64xi32, #tpu.memory_space<vmem>> -> memref<1x32x64xi32, #tpu.memory_space<vmem>>
        %dma_start3A_98 = tpu.memref_squeeze %dma_start3A_97 : memref<1x32x64xi32, #tpu.memory_space<vmem>> -> memref<32x64xi32, #tpu.memory_space<vmem>>
        %dma_start3A_99 = arith.constant 0 : i32
        %dma_start3A_100 = tpu.memref_slice %arg5[%mul3A_7, %dma_start3A_99] : memref<5120x64xi32, #tpu.memory_space<hbm>> -> memref<32x64xi32, #tpu.memory_space<hbm>>
        tpu.enqueue_dma source(%dma_start3A_100 : memref<32x64xi32, #tpu.memory_space<hbm>>) target(%dma_start3A_98 : memref<32x64xi32, #tpu.memory_space<vmem>>) target_semaphore(%run_scoped3A_88 : memref<!tpu.dma_semaphore, #tpu.memory_space<semaphore_mem>>)
        %dma_wait3A = arith.constant 0 : i32
        %dma_wait3A_101 = arith.constant 0 : i32
        %dma_wait3A_102 = tpu.memref_slice %arg9[%run_scoped3A_8, %dma_wait3A, %dma_wait3A_101] : memref<2x32x64xi32, #tpu.memory_space<vmem>> -> memref<1x32x64xi32, #tpu.memory_space<vmem>>
        %dma_wait3A_103 = tpu.memref_squeeze %dma_wait3A_102 : memref<1x32x64xi32, #tpu.memory_space<vmem>> -> memref<32x64xi32, #tpu.memory_space<vmem>>
        %dma_wait3A_104 = arith.constant 0 : i32
        %dma_wait3A_105 = tpu.memref_slice %arg5[%mul3A_7, %dma_wait3A_104] : memref<5120x64xi32, #tpu.memory_space<hbm>> -> memref<32x64xi32, #tpu.memory_space<hbm>>
        %dma_wait3A_106 = arith.constant 0 : i32
        %dma_wait3A_107 = arith.constant 0 : i32
        %dma_wait3A_108 = tpu.memref_slice %arg9[%run_scoped3A_8, %dma_wait3A_106, %dma_wait3A_107] : memref<2x32x64xi32, #tpu.memory_space<vmem>> -> memref<1x32x64xi32, #tpu.memory_space<vmem>>
        %dma_wait3A_109 = tpu.memref_squeeze %dma_wait3A_108 : memref<1x32x64xi32, #tpu.memory_space<vmem>> -> memref<32x64xi32, #tpu.memory_space<vmem>>
        %dma_wait3A_110 = arith.constant 0 : i32
        %dma_wait3A_111 = tpu.memref_slice %arg5[%mul3A_7, %dma_wait3A_110] : memref<5120x64xi32, #tpu.memory_space<hbm>> -> memref<32x64xi32, #tpu.memory_space<hbm>>
        tpu.wait_dma2 semaphore(%run_scoped3A_88 : memref<!tpu.dma_semaphore, #tpu.memory_space<semaphore_mem>>) src(%dma_wait3A_111 : memref<32x64xi32, #tpu.memory_space<hbm>>) dst(%dma_wait3A_109 : memref<32x64xi32, #tpu.memory_space<vmem>>)
        tpu.yield
      }) : () -> ()
      %dma_start3A = arith.constant 0 : i32
      %dma_start3A_9 = arith.constant 0 : i32
      %dma_start3A_10 = arith.constant 0 : i32
      %dma_start3A_11 = arith.constant 0 : i32
      %dma_start3A_12 = arith.constant 0 : i32
      %dma_start3A_13 = tpu.memref_slice %arg10[%dma_start3A_10, %dma_start3A_11, %dma_start3A_12] : memref<4x64x128xf32, #tpu.memory_space<vmem>> -> memref<1x64x128xf32, #tpu.memory_space<vmem>>
      %dma_start3A_14 = tpu.memref_squeeze %dma_start3A_13 : memref<1x64x128xf32, #tpu.memory_space<vmem>> -> memref<64x128xf32, #tpu.memory_space<vmem>>
      %dma_start3A_15 = arith.constant 0 : i32
      %dma_start3A_16 = tpu.memref_slice %arg8[%dma_start3A, %dma_start3A_9, %dma_start3A_15] : memref<2x32x64xi32, #tpu.memory_space<vmem>> -> memref<1x1x64xi32, #tpu.memory_space<vmem>>
      %dma_start3A_17 = tpu.memref_squeeze %dma_start3A_16 : memref<1x1x64xi32, #tpu.memory_space<vmem>> -> memref<64xi32, #tpu.memory_space<vmem>>
      %dma_start3A_18 = arith.constant 0 : i32
      %dma_start3A_19 = arith.constant 0 : i32
      %dma_start3A_20 = tpu.memref_slice %arg2[%dma_start3A_18, %dma_start3A_19] : memref<10000x128xf32, #tpu.memory_space<hbm>> -> memref<10000x128xf32, #tpu.memory_space<hbm>>
      tpu.enqueue_indirect_dma source(%dma_start3A_20 : memref<10000x128xf32, #tpu.memory_space<hbm>>) target(%dma_start3A_14 : memref<64x128xf32, #tpu.memory_space<vmem>>) offsets(%dma_start3A_17 : memref<64xi32, #tpu.memory_space<vmem>>) semaphore(%arg12 : memref<!tpu.dma_semaphore, #tpu.memory_space<semaphore_mem>>)
      %dma_start3A_21 = arith.constant 0 : i32
      %dma_start3A_22 = arith.constant 1 : i32
      %dma_start3A_23 = arith.constant 1 : i32
      %dma_start3A_24 = arith.constant 0 : i32
      %dma_start3A_25 = arith.constant 0 : i32
      %dma_start3A_26 = tpu.memref_slice %arg10[%dma_start3A_23, %dma_start3A_24, %dma_start3A_25] : memref<4x64x128xf32, #tpu.memory_space<vmem>> -> memref<1x64x128xf32, #tpu.memory_space<vmem>>
      %dma_start3A_27 = tpu.memref_squeeze %dma_start3A_26 : memref<1x64x128xf32, #tpu.memory_space<vmem>> -> memref<64x128xf32, #tpu.memory_space<vmem>>
      %dma_start3A_28 = arith.constant 0 : i32
      %dma_start3A_29 = tpu.memref_slice %arg8[%dma_start3A_21, %dma_start3A_22, %dma_start3A_28] : memref<2x32x64xi32, #tpu.memory_space<vmem>> -> memref<1x1x64xi32, #tpu.memory_space<vmem>>
      %dma_start3A_30 = tpu.memref_squeeze %dma_start3A_29 : memref<1x1x64xi32, #tpu.memory_space<vmem>> -> memref<64xi32, #tpu.memory_space<vmem>>
      %dma_start3A_31 = arith.constant 0 : i32
      %dma_start3A_32 = arith.constant 0 : i32
      %dma_start3A_33 = tpu.memref_slice %arg2[%dma_start3A_31, %dma_start3A_32] : memref<10000x128xf32, #tpu.memory_space<hbm>> -> memref<10000x128xf32, #tpu.memory_space<hbm>>
      tpu.enqueue_indirect_dma source(%dma_start3A_33 : memref<10000x128xf32, #tpu.memory_space<hbm>>) target(%dma_start3A_27 : memref<64x128xf32, #tpu.memory_space<vmem>>) offsets(%dma_start3A_30 : memref<64xi32, #tpu.memory_space<vmem>>) semaphore(%arg13 : memref<!tpu.dma_semaphore, #tpu.memory_space<semaphore_mem>>)
      %dma_start3A_34 = arith.constant 0 : i32
      %dma_start3A_35 = arith.constant 2 : i32
      %dma_start3A_36 = arith.constant 2 : i32
      %dma_start3A_37 = arith.constant 0 : i32
      %dma_start3A_38 = arith.constant 0 : i32
      %dma_start3A_39 = tpu.memref_slice %arg10[%dma_start3A_36, %dma_start3A_37, %dma_start3A_38] : memref<4x64x128xf32, #tpu.memory_space<vmem>> -> memref<1x64x128xf32, #tpu.memory_space<vmem>>
      %dma_start3A_40 = tpu.memref_squeeze %dma_start3A_39 : memref<1x64x128xf32, #tpu.memory_space<vmem>> -> memref<64x128xf32, #tpu.memory_space<vmem>>
      %dma_start3A_41 = arith.constant 0 : i32
      %dma_start3A_42 = tpu.memref_slice %arg8[%dma_start3A_34, %dma_start3A_35, %dma_start3A_41] : memref<2x32x64xi32, #tpu.memory_space<vmem>> -> memref<1x1x64xi32, #tpu.memory_space<vmem>>
      %dma_start3A_43 = tpu.memref_squeeze %dma_start3A_42 : memref<1x1x64xi32, #tpu.memory_space<vmem>> -> memref<64xi32, #tpu.memory_space<vmem>>
      %dma_start3A_44 = arith.constant 0 : i32
      %dma_start3A_45 = arith.constant 0 : i32
      %dma_start3A_46 = tpu.memref_slice %arg2[%dma_start3A_44, %dma_start3A_45] : memref<10000x128xf32, #tpu.memory_space<hbm>> -> memref<10000x128xf32, #tpu.memory_space<hbm>>
      tpu.enqueue_indirect_dma source(%dma_start3A_46 : memref<10000x128xf32, #tpu.memory_space<hbm>>) target(%dma_start3A_40 : memref<64x128xf32, #tpu.memory_space<vmem>>) offsets(%dma_start3A_43 : memref<64xi32, #tpu.memory_space<vmem>>) semaphore(%arg14 : memref<!tpu.dma_semaphore, #tpu.memory_space<semaphore_mem>>)
      %dma_start3A_47 = arith.constant 0 : i32
      %dma_start3A_48 = arith.constant 3 : i32
      %dma_start3A_49 = arith.constant 3 : i32
      %dma_start3A_50 = arith.constant 0 : i32
      %dma_start3A_51 = arith.constant 0 : i32
      %dma_start3A_52 = tpu.memref_slice %arg10[%dma_start3A_49, %dma_start3A_50, %dma_start3A_51] : memref<4x64x128xf32, #tpu.memory_space<vmem>> -> memref<1x64x128xf32, #tpu.memory_space<vmem>>
      %dma_start3A_53 = tpu.memref_squeeze %dma_start3A_52 : memref<1x64x128xf32, #tpu.memory_space<vmem>> -> memref<64x128xf32, #tpu.memory_space<vmem>>
      %dma_start3A_54 = arith.constant 0 : i32
      %dma_start3A_55 = tpu.memref_slice %arg8[%dma_start3A_47, %dma_start3A_48, %dma_start3A_54] : memref<2x32x64xi32, #tpu.memory_space<vmem>> -> memref<1x1x64xi32, #tpu.memory_space<vmem>>
      %dma_start3A_56 = tpu.memref_squeeze %dma_start3A_55 : memref<1x1x64xi32, #tpu.memory_space<vmem>> -> memref<64xi32, #tpu.memory_space<vmem>>
      %dma_start3A_57 = arith.constant 0 : i32
      %dma_start3A_58 = arith.constant 0 : i32
      %dma_start3A_59 = tpu.memref_slice %arg2[%dma_start3A_57, %dma_start3A_58] : memref<10000x128xf32, #tpu.memory_space<hbm>> -> memref<10000x128xf32, #tpu.memory_space<hbm>>
      tpu.enqueue_indirect_dma source(%dma_start3A_59 : memref<10000x128xf32, #tpu.memory_space<hbm>>) target(%dma_start3A_53 : memref<64x128xf32, #tpu.memory_space<vmem>>) offsets(%dma_start3A_56 : memref<64xi32, #tpu.memory_space<vmem>>) semaphore(%arg15 : memref<!tpu.dma_semaphore, #tpu.memory_space<semaphore_mem>>)
      %lt3A = arith.constant 15 : i32
      %lt3A_60 = arith.cmpi slt, %arg1, %lt3A : i32
      %convert_element_type3A_61 = arith.extui %lt3A_60 : i1 to i32
      %cond3A_62 = arith.constant 0 : i32
      %cond3A_63 = arith.cmpi ne, %convert_element_type3A_61, %cond3A_62 : i32
      scf.if %cond3A_63 {
        %mul3A_88 = arith.constant 640 : i32
        %mul3A_89 = arith.muli %arg1, %mul3A_88 : i32
        %mul3A_90 = arith.constant 640 : i32
        %mul3A_91 = arith.muli %arg1, %mul3A_90 : i32
        "tpu.region"() ({
          %run_scoped3A_92 = tpu.sem_alloc : memref<!tpu.dma_semaphore, #tpu.memory_space<semaphore_mem>>
          %dma_start3A_93 = arith.constant 0 : i32
          %dma_start3A_94 = tpu.memref_slice %arg11[%mul3A_91, %dma_start3A_93] : memref<10112x128xf32, #tpu.memory_space<vmem_shared>> -> memref<640x128xf32, #tpu.memory_space<vmem_shared>>
          %dma_start3A_95 = arith.constant 0 : i32
          %dma_start3A_96 = tpu.memref_slice %arg2[%mul3A_89, %dma_start3A_95] : memref<10000x128xf32, #tpu.memory_space<hbm>> -> memref<640x128xf32, #tpu.memory_space<hbm>>
          tpu.enqueue_dma source(%dma_start3A_96 : memref<640x128xf32, #tpu.memory_space<hbm>>) target(%dma_start3A_94 : memref<640x128xf32, #tpu.memory_space<vmem_shared>>) target_semaphore(%run_scoped3A_92 : memref<!tpu.dma_semaphore, #tpu.memory_space<semaphore_mem>>)
          %dma_wait3A = arith.constant 0 : i32
          %dma_wait3A_97 = tpu.memref_slice %arg11[%mul3A_91, %dma_wait3A] : memref<10112x128xf32, #tpu.memory_space<vmem_shared>> -> memref<640x128xf32, #tpu.memory_space<vmem_shared>>
          %dma_wait3A_98 = arith.constant 0 : i32
          %dma_wait3A_99 = tpu.memref_slice %arg2[%mul3A_89, %dma_wait3A_98] : memref<10000x128xf32, #tpu.memory_space<hbm>> -> memref<640x128xf32, #tpu.memory_space<hbm>>
          tpu.wait_dma2 semaphore(%run_scoped3A_92 : memref<!tpu.dma_semaphore, #tpu.memory_space<semaphore_mem>>) src(%dma_wait3A_99 : memref<640x128xf32, #tpu.memory_space<hbm>>) dst(%dma_wait3A_97 : memref<640x128xf32, #tpu.memory_space<vmem_shared>>)
          tpu.yield
        }) : () -> ()
      } else {
      }
      %eq3A_64 = arith.constant 15 : i32
      %eq3A_65 = arith.cmpi eq, %arg1, %eq3A_64 : i32
      %convert_element_type3A_66 = arith.extui %eq3A_65 : i1 to i32
      %cond3A_67 = arith.constant 0 : i32
      %cond3A_68 = arith.cmpi ne, %convert_element_type3A_66, %cond3A_67 : i32
      scf.if %cond3A_68 {
        "tpu.region"() ({
          %run_scoped3A_88 = tpu.sem_alloc : memref<!tpu.dma_semaphore, #tpu.memory_space<semaphore_mem>>
          %dma_start3A_89 = arith.constant 9600 : i32
          %dma_start3A_90 = arith.constant 0 : i32
          %dma_start3A_91 = tpu.memref_slice %arg11[%dma_start3A_89, %dma_start3A_90] : memref<10112x128xf32, #tpu.memory_space<vmem_shared>> -> memref<400x128xf32, #tpu.memory_space<vmem_shared>>
          %dma_start3A_92 = arith.constant 9600 : i32
          %dma_start3A_93 = arith.constant 0 : i32
          %dma_start3A_94 = tpu.memref_slice %arg2[%dma_start3A_92, %dma_start3A_93] : memref<10000x128xf32, #tpu.memory_space<hbm>> -> memref<400x128xf32, #tpu.memory_space<hbm>>
          tpu.enqueue_dma source(%dma_start3A_94 : memref<400x128xf32, #tpu.memory_space<hbm>>) target(%dma_start3A_91 : memref<400x128xf32, #tpu.memory_space<vmem_shared>>) target_semaphore(%run_scoped3A_88 : memref<!tpu.dma_semaphore, #tpu.memory_space<semaphore_mem>>)
          %dma_wait3A = arith.constant 9600 : i32
          %dma_wait3A_95 = arith.constant 0 : i32
          %dma_wait3A_96 = tpu.memref_slice %arg11[%dma_wait3A, %dma_wait3A_95] : memref<10112x128xf32, #tpu.memory_space<vmem_shared>> -> memref<400x128xf32, #tpu.memory_space<vmem_shared>>
          %dma_wait3A_97 = arith.constant 9600 : i32
          %dma_wait3A_98 = arith.constant 0 : i32
          %dma_wait3A_99 = tpu.memref_slice %arg2[%dma_wait3A_97, %dma_wait3A_98] : memref<10000x128xf32, #tpu.memory_space<hbm>> -> memref<400x128xf32, #tpu.memory_space<hbm>>
          tpu.wait_dma2 semaphore(%run_scoped3A_88 : memref<!tpu.dma_semaphore, #tpu.memory_space<semaphore_mem>>) src(%dma_wait3A_99 : memref<400x128xf32, #tpu.memory_space<hbm>>) dst(%dma_wait3A_96 : memref<400x128xf32, #tpu.memory_space<vmem_shared>>)
          tpu.yield
        }) : () -> ()
      } else {
      }
      %barrier3A = arith.constant 0 : index
      tpu.barrier barrier_id(%barrier3A)
      %mul3A_69 = arith.constant 320 : i32
      %mul3A_70 = arith.muli %arg1, %mul3A_69 : i32
      %scan3A = arith.constant 0 : i32
      %scan3A_71 = arith.constant 0 : i32
      %scan3A_72 = arith.constant 10 : i32
      %scan3A_73 = arith.addi %scan3A_71, %scan3A_72 : i32
      %scan3A_74 = arith.constant 1 : i32
      %scan3A_75 = scf.for %scan3A_88 = %scan3A_71 to %scan3A_73 step %scan3A_74 iter_args(%scan3A_89 = %scan3A) -> (i32)  : i32 {
        %rem3A = arith.constant 2 : i32
        %rem3A_90 = arith.remsi %scan3A_88, %rem3A : i32
        %sub3A = arith.constant 1 : i32
        %sub3A_91 = arith.subi %sub3A, %rem3A_90 : i32
        %lt3A_92 = arith.constant 9 : i32
        %lt3A_93 = arith.cmpi slt, %scan3A_88, %lt3A_92 : i32
        %convert_element_type3A_94 = arith.extui %lt3A_93 : i1 to i32
        %cond3A_95 = arith.constant 0 : i32
        %cond3A_96 = arith.cmpi ne, %convert_element_type3A_94, %cond3A_95 : i32
        scf.if %cond3A_96 {
          %add3A = arith.constant 1 : i32
          %add3A_263 = arith.addi %scan3A_88, %add3A : i32
          %mul3A_264 = arith.constant 32 : i32
          %mul3A_265 = arith.muli %add3A_263, %mul3A_264 : i32
          %add3A_266 = arith.addi %mul3A_70, %mul3A_265 : i32
          %dma_start3A_267 = arith.constant 0 : i32
          %dma_start3A_268 = arith.constant 0 : i32
          %dma_start3A_269 = tpu.memref_slice %arg8[%sub3A_91, %dma_start3A_267, %dma_start3A_268] : memref<2x32x64xi32, #tpu.memory_space<vmem>> -> memref<1x32x64xi32, #tpu.memory_space<vmem>>
          %dma_start3A_270 = tpu.memref_squeeze %dma_start3A_269 : memref<1x32x64xi32, #tpu.memory_space<vmem>> -> memref<32x64xi32, #tpu.memory_space<vmem>>
          %dma_start3A_271 = arith.constant 0 : i32
          %dma_start3A_272 = tpu.memref_slice %arg4[%add3A_266, %dma_start3A_271] : memref<5120x64xi32, #tpu.memory_space<hbm>> -> memref<32x64xi32, #tpu.memory_space<hbm>>
          %dma_start3A_273 = arith.constant 0 : i32
          %dma_start3A_274 = arith.constant 0 : i32
          %dma_start3A_275 = tpu.memref_slice %arg8[%sub3A_91, %dma_start3A_273, %dma_start3A_274] : memref<2x32x64xi32, #tpu.memory_space<vmem>> -> memref<1x32x64xi32, #tpu.memory_space<vmem>>
          %dma_start3A_276 = tpu.memref_squeeze %dma_start3A_275 : memref<1x32x64xi32, #tpu.memory_space<vmem>> -> memref<32x64xi32, #tpu.memory_space<vmem>>
          %dma_start3A_277 = arith.constant 0 : i32
          %dma_start3A_278 = tpu.memref_slice %arg4[%add3A_266, %dma_start3A_277] : memref<5120x64xi32, #tpu.memory_space<hbm>> -> memref<32x64xi32, #tpu.memory_space<hbm>>
          tpu.enqueue_dma source(%dma_start3A_278 : memref<32x64xi32, #tpu.memory_space<hbm>>) target(%dma_start3A_276 : memref<32x64xi32, #tpu.memory_space<vmem>>) target_semaphore(%arg20 : memref<!tpu.dma_semaphore, #tpu.memory_space<semaphore_mem>>)
          %dma_start3A_279 = arith.constant 0 : i32
          %dma_start3A_280 = arith.constant 0 : i32
          %dma_start3A_281 = tpu.memref_slice %arg9[%sub3A_91, %dma_start3A_279, %dma_start3A_280] : memref<2x32x64xi32, #tpu.memory_space<vmem>> -> memref<1x32x64xi32, #tpu.memory_space<vmem>>
          %dma_start3A_282 = tpu.memref_squeeze %dma_start3A_281 : memref<1x32x64xi32, #tpu.memory_space<vmem>> -> memref<32x64xi32, #tpu.memory_space<vmem>>
          %dma_start3A_283 = arith.constant 0 : i32
          %dma_start3A_284 = tpu.memref_slice %arg5[%add3A_266, %dma_start3A_283] : memref<5120x64xi32, #tpu.memory_space<hbm>> -> memref<32x64xi32, #tpu.memory_space<hbm>>
          %dma_start3A_285 = arith.constant 0 : i32
          %dma_start3A_286 = arith.constant 0 : i32
          %dma_start3A_287 = tpu.memref_slice %arg9[%sub3A_91, %dma_start3A_285, %dma_start3A_286] : memref<2x32x64xi32, #tpu.memory_space<vmem>> -> memref<1x32x64xi32, #tpu.memory_space<vmem>>
          %dma_start3A_288 = tpu.memref_squeeze %dma_start3A_287 : memref<1x32x64xi32, #tpu.memory_space<vmem>> -> memref<32x64xi32, #tpu.memory_space<vmem>>
          %dma_start3A_289 = arith.constant 0 : i32
          %dma_start3A_290 = tpu.memref_slice %arg5[%add3A_266, %dma_start3A_289] : memref<5120x64xi32, #tpu.memory_space<hbm>> -> memref<32x64xi32, #tpu.memory_space<hbm>>
          tpu.enqueue_dma source(%dma_start3A_290 : memref<32x64xi32, #tpu.memory_space<hbm>>) target(%dma_start3A_288 : memref<32x64xi32, #tpu.memory_space<vmem>>) target_semaphore(%arg20 : memref<!tpu.dma_semaphore, #tpu.memory_space<semaphore_mem>>)
        } else {
        }
        %scan3A_97 = arith.constant 0 : i32
        %scan3A_98 = arith.constant 0 : i32
        %scan3A_99 = arith.constant 7 : i32
        %scan3A_100 = arith.addi %scan3A_98, %scan3A_99 : i32
        %scan3A_101 = arith.constant 1 : i32
        %scan3A_102 = scf.for %scan3A_263 = %scan3A_98 to %scan3A_100 step %scan3A_101 iter_args(%scan3A_264 = %scan3A_97) -> (i32)  : i32 {
          %mul3A_265 = arith.constant 4 : i32
          %mul3A_266 = arith.muli %scan3A_263, %mul3A_265 : i32
          %add3A = arith.constant 0 : i32
          %add3A_267 = arith.addi %mul3A_266, %add3A : i32
          %dma_wait3A_268 = arith.constant 0 : i32
          %dma_wait3A_269 = arith.constant 0 : i32
          %dma_wait3A_270 = arith.constant 0 : i32
          %dma_wait3A_271 = tpu.memref_slice %arg10[%dma_wait3A_268, %dma_wait3A_269, %dma_wait3A_270] : memref<4x64x128xf32, #tpu.memory_space<vmem>> -> memref<1x64x128xf32, #tpu.memory_space<vmem>>
          %dma_wait3A_272 = tpu.memref_squeeze %dma_wait3A_271 : memref<1x64x128xf32, #tpu.memory_space<vmem>> -> memref<64x128xf32, #tpu.memory_space<vmem>>
          %dma_wait3A_273 = arith.constant 0 : i32
          %dma_wait3A_274 = tpu.memref_slice %arg8[%rem3A_90, %add3A_267, %dma_wait3A_273] : memref<2x32x64xi32, #tpu.memory_space<vmem>> -> memref<1x1x64xi32, #tpu.memory_space<vmem>>
          %dma_wait3A_275 = tpu.memref_squeeze %dma_wait3A_274 : memref<1x1x64xi32, #tpu.memory_space<vmem>> -> memref<64xi32, #tpu.memory_space<vmem>>
          %dma_wait3A_276 = arith.constant 0 : i32
          %dma_wait3A_277 = arith.constant 0 : i32
          %dma_wait3A_278 = tpu.memref_slice %arg2[%dma_wait3A_276, %dma_wait3A_277] : memref<10000x128xf32, #tpu.memory_space<hbm>> -> memref<10000x128xf32, #tpu.memory_space<hbm>>
          tpu.wait_indirect_dma semaphore(%arg12 : memref<!tpu.dma_semaphore, #tpu.memory_space<semaphore_mem>>) src(%dma_wait3A_278 : memref<10000x128xf32, #tpu.memory_space<hbm>>) dst(%dma_wait3A_272 : memref<64x128xf32, #tpu.memory_space<vmem>>)
          %dma_start3A_279 = arith.constant 0 : i32
          %dma_start3A_280 = arith.constant 0 : i32
          %dma_start3A_281 = arith.constant 0 : i32
          %dma_start3A_282 = tpu.memref_slice %arg10[%dma_start3A_279, %dma_start3A_280, %dma_start3A_281] : memref<4x64x128xf32, #tpu.memory_space<vmem>> -> memref<1x64x128xf32, #tpu.memory_space<vmem>>
          %dma_start3A_283 = tpu.memref_squeeze %dma_start3A_282 : memref<1x64x128xf32, #tpu.memory_space<vmem>> -> memref<64x128xf32, #tpu.memory_space<vmem>>
          %dma_start3A_284 = arith.constant 0 : i32
          %dma_start3A_285 = tpu.memref_slice %arg9[%rem3A_90, %add3A_267, %dma_start3A_284] : memref<2x32x64xi32, #tpu.memory_space<vmem>> -> memref<1x1x64xi32, #tpu.memory_space<vmem>>
          %dma_start3A_286 = tpu.memref_squeeze %dma_start3A_285 : memref<1x1x64xi32, #tpu.memory_space<vmem>> -> memref<64xi32, #tpu.memory_space<vmem>>
          %dma_start3A_287 = arith.constant 0 : i32
          %dma_start3A_288 = arith.constant 0 : i32
          %dma_start3A_289 = tpu.memref_slice %arg11[%dma_start3A_287, %dma_start3A_288] : memref<10112x128xf32, #tpu.memory_space<vmem_shared>> -> memref<10112x128xf32, #tpu.memory_space<vmem_shared>>
          tpu.enqueue_indirect_dma source(%dma_start3A_283 : memref<64x128xf32, #tpu.memory_space<vmem>>) target(%dma_start3A_289 : memref<10112x128xf32, #tpu.memory_space<vmem_shared>>) offsets(%dma_start3A_286 : memref<64xi32, #tpu.memory_space<vmem>>) semaphore(%arg16 : memref<!tpu.dma_semaphore, #tpu.memory_space<semaphore_mem>>) {add = true}
          %mul3A_290 = arith.constant 4 : i32
          %mul3A_291 = arith.muli %scan3A_263, %mul3A_290 : i32
          %add3A_292 = arith.constant 1 : i32
          %add3A_293 = arith.addi %mul3A_291, %add3A_292 : i32
          %dma_wait3A_294 = arith.constant 1 : i32
          %dma_wait3A_295 = arith.constant 0 : i32
          %dma_wait3A_296 = arith.constant 0 : i32
          %dma_wait3A_297 = tpu.memref_slice %arg10[%dma_wait3A_294, %dma_wait3A_295, %dma_wait3A_296] : memref<4x64x128xf32, #tpu.memory_space<vmem>> -> memref<1x64x128xf32, #tpu.memory_space<vmem>>
          %dma_wait3A_298 = tpu.memref_squeeze %dma_wait3A_297 : memref<1x64x128xf32, #tpu.memory_space<vmem>> -> memref<64x128xf32, #tpu.memory_space<vmem>>
          %dma_wait3A_299 = arith.constant 0 : i32
          %dma_wait3A_300 = tpu.memref_slice %arg8[%rem3A_90, %add3A_293, %dma_wait3A_299] : memref<2x32x64xi32, #tpu.memory_space<vmem>> -> memref<1x1x64xi32, #tpu.memory_space<vmem>>
          %dma_wait3A_301 = tpu.memref_squeeze %dma_wait3A_300 : memref<1x1x64xi32, #tpu.memory_space<vmem>> -> memref<64xi32, #tpu.memory_space<vmem>>
          %dma_wait3A_302 = arith.constant 0 : i32
          %dma_wait3A_303 = arith.constant 0 : i32
          %dma_wait3A_304 = tpu.memref_slice %arg2[%dma_wait3A_302, %dma_wait3A_303] : memref<10000x128xf32, #tpu.memory_space<hbm>> -> memref<10000x128xf32, #tpu.memory_space<hbm>>
          tpu.wait_indirect_dma semaphore(%arg13 : memref<!tpu.dma_semaphore, #tpu.memory_space<semaphore_mem>>) src(%dma_wait3A_304 : memref<10000x128xf32, #tpu.memory_space<hbm>>) dst(%dma_wait3A_298 : memref<64x128xf32, #tpu.memory_space<vmem>>)
          %dma_start3A_305 = arith.constant 1 : i32
          %dma_start3A_306 = arith.constant 0 : i32
          %dma_start3A_307 = arith.constant 0 : i32
          %dma_start3A_308 = tpu.memref_slice %arg10[%dma_start3A_305, %dma_start3A_306, %dma_start3A_307] : memref<4x64x128xf32, #tpu.memory_space<vmem>> -> memref<1x64x128xf32, #tpu.memory_space<vmem>>
          %dma_start3A_309 = tpu.memref_squeeze %dma_start3A_308 : memref<1x64x128xf32, #tpu.memory_space<vmem>> -> memref<64x128xf32, #tpu.memory_space<vmem>>
          %dma_start3A_310 = arith.constant 0 : i32
          %dma_start3A_311 = tpu.memref_slice %arg9[%rem3A_90, %add3A_293, %dma_start3A_310] : memref<2x32x64xi32, #tpu.memory_space<vmem>> -> memref<1x1x64xi32, #tpu.memory_space<vmem>>
          %dma_start3A_312 = tpu.memref_squeeze %dma_start3A_311 : memref<1x1x64xi32, #tpu.memory_space<vmem>> -> memref<64xi32, #tpu.memory_space<vmem>>
          %dma_start3A_313 = arith.constant 0 : i32
          %dma_start3A_314 = arith.constant 0 : i32
          %dma_start3A_315 = tpu.memref_slice %arg11[%dma_start3A_313, %dma_start3A_314] : memref<10112x128xf32, #tpu.memory_space<vmem_shared>> -> memref<10112x128xf32, #tpu.memory_space<vmem_shared>>
          tpu.enqueue_indirect_dma source(%dma_start3A_309 : memref<64x128xf32, #tpu.memory_space<vmem>>) target(%dma_start3A_315 : memref<10112x128xf32, #tpu.memory_space<vmem_shared>>) offsets(%dma_start3A_312 : memref<64xi32, #tpu.memory_space<vmem>>) semaphore(%arg17 : memref<!tpu.dma_semaphore, #tpu.memory_space<semaphore_mem>>) {add = true}
          %mul3A_316 = arith.constant 4 : i32
          %mul3A_317 = arith.muli %scan3A_263, %mul3A_316 : i32
          %add3A_318 = arith.constant 2 : i32
          %add3A_319 = arith.addi %mul3A_317, %add3A_318 : i32
          %dma_wait3A_320 = arith.constant 2 : i32
          %dma_wait3A_321 = arith.constant 0 : i32
          %dma_wait3A_322 = arith.constant 0 : i32
          %dma_wait3A_323 = tpu.memref_slice %arg10[%dma_wait3A_320, %dma_wait3A_321, %dma_wait3A_322] : memref<4x64x128xf32, #tpu.memory_space<vmem>> -> memref<1x64x128xf32, #tpu.memory_space<vmem>>
          %dma_wait3A_324 = tpu.memref_squeeze %dma_wait3A_323 : memref<1x64x128xf32, #tpu.memory_space<vmem>> -> memref<64x128xf32, #tpu.memory_space<vmem>>
          %dma_wait3A_325 = arith.constant 0 : i32
          %dma_wait3A_326 = tpu.memref_slice %arg8[%rem3A_90, %add3A_319, %dma_wait3A_325] : memref<2x32x64xi32, #tpu.memory_space<vmem>> -> memref<1x1x64xi32, #tpu.memory_space<vmem>>
          %dma_wait3A_327 = tpu.memref_squeeze %dma_wait3A_326 : memref<1x1x64xi32, #tpu.memory_space<vmem>> -> memref<64xi32, #tpu.memory_space<vmem>>
          %dma_wait3A_328 = arith.constant 0 : i32
          %dma_wait3A_329 = arith.constant 0 : i32
          %dma_wait3A_330 = tpu.memref_slice %arg2[%dma_wait3A_328, %dma_wait3A_329] : memref<10000x128xf32, #tpu.memory_space<hbm>> -> memref<10000x128xf32, #tpu.memory_space<hbm>>
          tpu.wait_indirect_dma semaphore(%arg14 : memref<!tpu.dma_semaphore, #tpu.memory_space<semaphore_mem>>) src(%dma_wait3A_330 : memref<10000x128xf32, #tpu.memory_space<hbm>>) dst(%dma_wait3A_324 : memref<64x128xf32, #tpu.memory_space<vmem>>)
          %dma_start3A_331 = arith.constant 2 : i32
          %dma_start3A_332 = arith.constant 0 : i32
          %dma_start3A_333 = arith.constant 0 : i32
          %dma_start3A_334 = tpu.memref_slice %arg10[%dma_start3A_331, %dma_start3A_332, %dma_start3A_333] : memref<4x64x128xf32, #tpu.memory_space<vmem>> -> memref<1x64x128xf32, #tpu.memory_space<vmem>>
          %dma_start3A_335 = tpu.memref_squeeze %dma_start3A_334 : memref<1x64x128xf32, #tpu.memory_space<vmem>> -> memref<64x128xf32, #tpu.memory_space<vmem>>
          %dma_start3A_336 = arith.constant 0 : i32
          %dma_start3A_337 = tpu.memref_slice %arg9[%rem3A_90, %add3A_319, %dma_start3A_336] : memref<2x32x64xi32, #tpu.memory_space<vmem>> -> memref<1x1x64xi32, #tpu.memory_space<vmem>>
          %dma_start3A_338 = tpu.memref_squeeze %dma_start3A_337 : memref<1x1x64xi32, #tpu.memory_space<vmem>> -> memref<64xi32, #tpu.memory_space<vmem>>
          %dma_start3A_339 = arith.constant 0 : i32
          %dma_start3A_340 = arith.constant 0 : i32
          %dma_start3A_341 = tpu.memref_slice %arg11[%dma_start3A_339, %dma_start3A_340] : memref<10112x128xf32, #tpu.memory_space<vmem_shared>> -> memref<10112x128xf32, #tpu.memory_space<vmem_shared>>
          tpu.enqueue_indirect_dma source(%dma_start3A_335 : memref<64x128xf32, #tpu.memory_space<vmem>>) target(%dma_start3A_341 : memref<10112x128xf32, #tpu.memory_space<vmem_shared>>) offsets(%dma_start3A_338 : memref<64xi32, #tpu.memory_space<vmem>>) semaphore(%arg18 : memref<!tpu.dma_semaphore, #tpu.memory_space<semaphore_mem>>) {add = true}
          %mul3A_342 = arith.constant 4 : i32
          %mul3A_343 = arith.muli %scan3A_263, %mul3A_342 : i32
          %add3A_344 = arith.constant 3 : i32
          %add3A_345 = arith.addi %mul3A_343, %add3A_344 : i32
          %dma_wait3A_346 = arith.constant 3 : i32
          %dma_wait3A_347 = arith.constant 0 : i32
          %dma_wait3A_348 = arith.constant 0 : i32
          %dma_wait3A_349 = tpu.memref_slice %arg10[%dma_wait3A_346, %dma_wait3A_347, %dma_wait3A_348] : memref<4x64x128xf32, #tpu.memory_space<vmem>> -> memref<1x64x128xf32, #tpu.memory_space<vmem>>
          %dma_wait3A_350 = tpu.memref_squeeze %dma_wait3A_349 : memref<1x64x128xf32, #tpu.memory_space<vmem>> -> memref<64x128xf32, #tpu.memory_space<vmem>>
          %dma_wait3A_351 = arith.constant 0 : i32
          %dma_wait3A_352 = tpu.memref_slice %arg8[%rem3A_90, %add3A_345, %dma_wait3A_351] : memref<2x32x64xi32, #tpu.memory_space<vmem>> -> memref<1x1x64xi32, #tpu.memory_space<vmem>>
          %dma_wait3A_353 = tpu.memref_squeeze %dma_wait3A_352 : memref<1x1x64xi32, #tpu.memory_space<vmem>> -> memref<64xi32, #tpu.memory_space<vmem>>
          %dma_wait3A_354 = arith.constant 0 : i32
          %dma_wait3A_355 = arith.constant 0 : i32
          %dma_wait3A_356 = tpu.memref_slice %arg2[%dma_wait3A_354, %dma_wait3A_355] : memref<10000x128xf32, #tpu.memory_space<hbm>> -> memref<10000x128xf32, #tpu.memory_space<hbm>>
          tpu.wait_indirect_dma semaphore(%arg15 : memref<!tpu.dma_semaphore, #tpu.memory_space<semaphore_mem>>) src(%dma_wait3A_356 : memref<10000x128xf32, #tpu.memory_space<hbm>>) dst(%dma_wait3A_350 : memref<64x128xf32, #tpu.memory_space<vmem>>)
          %dma_start3A_357 = arith.constant 3 : i32
          %dma_start3A_358 = arith.constant 0 : i32
          %dma_start3A_359 = arith.constant 0 : i32
          %dma_start3A_360 = tpu.memref_slice %arg10[%dma_start3A_357, %dma_start3A_358, %dma_start3A_359] : memref<4x64x128xf32, #tpu.memory_space<vmem>> -> memref<1x64x128xf32, #tpu.memory_space<vmem>>
          %dma_start3A_361 = tpu.memref_squeeze %dma_start3A_360 : memref<1x64x128xf32, #tpu.memory_space<vmem>> -> memref<64x128xf32, #tpu.memory_space<vmem>>
          %dma_start3A_362 = arith.constant 0 : i32
          %dma_start3A_363 = tpu.memref_slice %arg9[%rem3A_90, %add3A_345, %dma_start3A_362] : memref<2x32x64xi32, #tpu.memory_space<vmem>> -> memref<1x1x64xi32, #tpu.memory_space<vmem>>
          %dma_start3A_364 = tpu.memref_squeeze %dma_start3A_363 : memref<1x1x64xi32, #tpu.memory_space<vmem>> -> memref<64xi32, #tpu.memory_space<vmem>>
          %dma_start3A_365 = arith.constant 0 : i32
          %dma_start3A_366 = arith.constant 0 : i32
          %dma_start3A_367 = tpu.memref_slice %arg11[%dma_start3A_365, %dma_start3A_366] : memref<10112x128xf32, #tpu.memory_space<vmem_shared>> -> memref<10112x128xf32, #tpu.memory_space<vmem_shared>>
          tpu.enqueue_indirect_dma source(%dma_start3A_361 : memref<64x128xf32, #tpu.memory_space<vmem>>) target(%dma_start3A_367 : memref<10112x128xf32, #tpu.memory_space<vmem_shared>>) offsets(%dma_start3A_364 : memref<64xi32, #tpu.memory_space<vmem>>) semaphore(%arg19 : memref<!tpu.dma_semaphore, #tpu.memory_space<semaphore_mem>>) {add = true}
          %mul3A_368 = arith.constant 4 : i32
          %mul3A_369 = arith.muli %scan3A_263, %mul3A_368 : i32
          %add3A_370 = arith.constant 0 : i32
          %add3A_371 = arith.addi %mul3A_369, %add3A_370 : i32
          %dma_wait3A_372 = arith.constant 0 : i32
          %dma_wait3A_373 = arith.constant 0 : i32
          %dma_wait3A_374 = arith.constant 0 : i32
          %dma_wait3A_375 = tpu.memref_slice %arg10[%dma_wait3A_372, %dma_wait3A_373, %dma_wait3A_374] : memref<4x64x128xf32, #tpu.memory_space<vmem>> -> memref<1x64x128xf32, #tpu.memory_space<vmem>>
          %dma_wait3A_376 = tpu.memref_squeeze %dma_wait3A_375 : memref<1x64x128xf32, #tpu.memory_space<vmem>> -> memref<64x128xf32, #tpu.memory_space<vmem>>
          %dma_wait3A_377 = arith.constant 0 : i32
          %dma_wait3A_378 = tpu.memref_slice %arg9[%rem3A_90, %add3A_371, %dma_wait3A_377] : memref<2x32x64xi32, #tpu.memory_space<vmem>> -> memref<1x1x64xi32, #tpu.memory_space<vmem>>
          %dma_wait3A_379 = tpu.memref_squeeze %dma_wait3A_378 : memref<1x1x64xi32, #tpu.memory_space<vmem>> -> memref<64xi32, #tpu.memory_space<vmem>>
          %dma_wait3A_380 = arith.constant 0 : i32
          %dma_wait3A_381 = arith.constant 0 : i32
          %dma_wait3A_382 = tpu.memref_slice %arg11[%dma_wait3A_380, %dma_wait3A_381] : memref<10112x128xf32, #tpu.memory_space<vmem_shared>> -> memref<10112x128xf32, #tpu.memory_space<vmem_shared>>
          tpu.wait_indirect_dma semaphore(%arg16 : memref<!tpu.dma_semaphore, #tpu.memory_space<semaphore_mem>>) src(%dma_wait3A_376 : memref<64x128xf32, #tpu.memory_space<vmem>>) dst(%dma_wait3A_382 : memref<10112x128xf32, #tpu.memory_space<vmem_shared>>)
          %add3A_383 = arith.constant 4 : i32
          %add3A_384 = arith.addi %add3A_371, %add3A_383 : i32
          %dma_start3A_385 = arith.constant 0 : i32
          %dma_start3A_386 = arith.constant 0 : i32
          %dma_start3A_387 = arith.constant 0 : i32
          %dma_start3A_388 = tpu.memref_slice %arg10[%dma_start3A_385, %dma_start3A_386, %dma_start3A_387] : memref<4x64x128xf32, #tpu.memory_space<vmem>> -> memref<1x64x128xf32, #tpu.memory_space<vmem>>
          %dma_start3A_389 = tpu.memref_squeeze %dma_start3A_388 : memref<1x64x128xf32, #tpu.memory_space<vmem>> -> memref<64x128xf32, #tpu.memory_space<vmem>>
          %dma_start3A_390 = arith.constant 0 : i32
          %dma_start3A_391 = tpu.memref_slice %arg8[%rem3A_90, %add3A_384, %dma_start3A_390] : memref<2x32x64xi32, #tpu.memory_space<vmem>> -> memref<1x1x64xi32, #tpu.memory_space<vmem>>
          %dma_start3A_392 = tpu.memref_squeeze %dma_start3A_391 : memref<1x1x64xi32, #tpu.memory_space<vmem>> -> memref<64xi32, #tpu.memory_space<vmem>>
          %dma_start3A_393 = arith.constant 0 : i32
          %dma_start3A_394 = arith.constant 0 : i32
          %dma_start3A_395 = tpu.memref_slice %arg2[%dma_start3A_393, %dma_start3A_394] : memref<10000x128xf32, #tpu.memory_space<hbm>> -> memref<10000x128xf32, #tpu.memory_space<hbm>>
          tpu.enqueue_indirect_dma source(%dma_start3A_395 : memref<10000x128xf32, #tpu.memory_space<hbm>>) target(%dma_start3A_389 : memref<64x128xf32, #tpu.memory_space<vmem>>) offsets(%dma_start3A_392 : memref<64xi32, #tpu.memory_space<vmem>>) semaphore(%arg12 : memref<!tpu.dma_semaphore, #tpu.memory_space<semaphore_mem>>)
          %mul3A_396 = arith.constant 4 : i32
          %mul3A_397 = arith.muli %scan3A_263, %mul3A_396 : i32
          %add3A_398 = arith.constant 1 : i32
          %add3A_399 = arith.addi %mul3A_397, %add3A_398 : i32
          %dma_wait3A_400 = arith.constant 1 : i32
          %dma_wait3A_401 = arith.constant 0 : i32
          %dma_wait3A_402 = arith.constant 0 : i32
          %dma_wait3A_403 = tpu.memref_slice %arg10[%dma_wait3A_400, %dma_wait3A_401, %dma_wait3A_402] : memref<4x64x128xf32, #tpu.memory_space<vmem>> -> memref<1x64x128xf32, #tpu.memory_space<vmem>>
          %dma_wait3A_404 = tpu.memref_squeeze %dma_wait3A_403 : memref<1x64x128xf32, #tpu.memory_space<vmem>> -> memref<64x128xf32, #tpu.memory_space<vmem>>
          %dma_wait3A_405 = arith.constant 0 : i32
          %dma_wait3A_406 = tpu.memref_slice %arg9[%rem3A_90, %add3A_399, %dma_wait3A_405] : memref<2x32x64xi32, #tpu.memory_space<vmem>> -> memref<1x1x64xi32, #tpu.memory_space<vmem>>
          %dma_wait3A_407 = tpu.memref_squeeze %dma_wait3A_406 : memref<1x1x64xi32, #tpu.memory_space<vmem>> -> memref<64xi32, #tpu.memory_space<vmem>>
          %dma_wait3A_408 = arith.constant 0 : i32
          %dma_wait3A_409 = arith.constant 0 : i32
          %dma_wait3A_410 = tpu.memref_slice %arg11[%dma_wait3A_408, %dma_wait3A_409] : memref<10112x128xf32, #tpu.memory_space<vmem_shared>> -> memref<10112x128xf32, #tpu.memory_space<vmem_shared>>
          tpu.wait_indirect_dma semaphore(%arg17 : memref<!tpu.dma_semaphore, #tpu.memory_space<semaphore_mem>>) src(%dma_wait3A_404 : memref<64x128xf32, #tpu.memory_space<vmem>>) dst(%dma_wait3A_410 : memref<10112x128xf32, #tpu.memory_space<vmem_shared>>)
          %add3A_411 = arith.constant 4 : i32
          %add3A_412 = arith.addi %add3A_399, %add3A_411 : i32
          %dma_start3A_413 = arith.constant 1 : i32
          %dma_start3A_414 = arith.constant 0 : i32
          %dma_start3A_415 = arith.constant 0 : i32
          %dma_start3A_416 = tpu.memref_slice %arg10[%dma_start3A_413, %dma_start3A_414, %dma_start3A_415] : memref<4x64x128xf32, #tpu.memory_space<vmem>> -> memref<1x64x128xf32, #tpu.memory_space<vmem>>
          %dma_start3A_417 = tpu.memref_squeeze %dma_start3A_416 : memref<1x64x128xf32, #tpu.memory_space<vmem>> -> memref<64x128xf32, #tpu.memory_space<vmem>>
          %dma_start3A_418 = arith.constant 0 : i32
          %dma_start3A_419 = tpu.memref_slice %arg8[%rem3A_90, %add3A_412, %dma_start3A_418] : memref<2x32x64xi32, #tpu.memory_space<vmem>> -> memref<1x1x64xi32, #tpu.memory_space<vmem>>
          %dma_start3A_420 = tpu.memref_squeeze %dma_start3A_419 : memref<1x1x64xi32, #tpu.memory_space<vmem>> -> memref<64xi32, #tpu.memory_space<vmem>>
          %dma_start3A_421 = arith.constant 0 : i32
          %dma_start3A_422 = arith.constant 0 : i32
          %dma_start3A_423 = tpu.memref_slice %arg2[%dma_start3A_421, %dma_start3A_422] : memref<10000x128xf32, #tpu.memory_space<hbm>> -> memref<10000x128xf32, #tpu.memory_space<hbm>>
          tpu.enqueue_indirect_dma source(%dma_start3A_423 : memref<10000x128xf32, #tpu.memory_space<hbm>>) target(%dma_start3A_417 : memref<64x128xf32, #tpu.memory_space<vmem>>) offsets(%dma_start3A_420 : memref<64xi32, #tpu.memory_space<vmem>>) semaphore(%arg13 : memref<!tpu.dma_semaphore, #tpu.memory_space<semaphore_mem>>)
          %mul3A_424 = arith.constant 4 : i32
          %mul3A_425 = arith.muli %scan3A_263, %mul3A_424 : i32
          %add3A_426 = arith.constant 2 : i32
          %add3A_427 = arith.addi %mul3A_425, %add3A_426 : i32
          %dma_wait3A_428 = arith.constant 2 : i32
          %dma_wait3A_429 = arith.constant 0 : i32
          %dma_wait3A_430 = arith.constant 0 : i32
          %dma_wait3A_431 = tpu.memref_slice %arg10[%dma_wait3A_428, %dma_wait3A_429, %dma_wait3A_430] : memref<4x64x128xf32, #tpu.memory_space<vmem>> -> memref<1x64x128xf32, #tpu.memory_space<vmem>>
          %dma_wait3A_432 = tpu.memref_squeeze %dma_wait3A_431 : memref<1x64x128xf32, #tpu.memory_space<vmem>> -> memref<64x128xf32, #tpu.memory_space<vmem>>
          %dma_wait3A_433 = arith.constant 0 : i32
          %dma_wait3A_434 = tpu.memref_slice %arg9[%rem3A_90, %add3A_427, %dma_wait3A_433] : memref<2x32x64xi32, #tpu.memory_space<vmem>> -> memref<1x1x64xi32, #tpu.memory_space<vmem>>
          %dma_wait3A_435 = tpu.memref_squeeze %dma_wait3A_434 : memref<1x1x64xi32, #tpu.memory_space<vmem>> -> memref<64xi32, #tpu.memory_space<vmem>>
          %dma_wait3A_436 = arith.constant 0 : i32
          %dma_wait3A_437 = arith.constant 0 : i32
          %dma_wait3A_438 = tpu.memref_slice %arg11[%dma_wait3A_436, %dma_wait3A_437] : memref<10112x128xf32, #tpu.memory_space<vmem_shared>> -> memref<10112x128xf32, #tpu.memory_space<vmem_shared>>
          tpu.wait_indirect_dma semaphore(%arg18 : memref<!tpu.dma_semaphore, #tpu.memory_space<semaphore_mem>>) src(%dma_wait3A_432 : memref<64x128xf32, #tpu.memory_space<vmem>>) dst(%dma_wait3A_438 : memref<10112x128xf32, #tpu.memory_space<vmem_shared>>)
          %add3A_439 = arith.constant 4 : i32
          %add3A_440 = arith.addi %add3A_427, %add3A_439 : i32
          %dma_start3A_441 = arith.constant 2 : i32
          %dma_start3A_442 = arith.constant 0 : i32
          %dma_start3A_443 = arith.constant 0 : i32
          %dma_start3A_444 = tpu.memref_slice %arg10[%dma_start3A_441, %dma_start3A_442, %dma_start3A_443] : memref<4x64x128xf32, #tpu.memory_space<vmem>> -> memref<1x64x128xf32, #tpu.memory_space<vmem>>
          %dma_start3A_445 = tpu.memref_squeeze %dma_start3A_444 : memref<1x64x128xf32, #tpu.memory_space<vmem>> -> memref<64x128xf32, #tpu.memory_space<vmem>>
          %dma_start3A_446 = arith.constant 0 : i32
          %dma_start3A_447 = tpu.memref_slice %arg8[%rem3A_90, %add3A_440, %dma_start3A_446] : memref<2x32x64xi32, #tpu.memory_space<vmem>> -> memref<1x1x64xi32, #tpu.memory_space<vmem>>
          %dma_start3A_448 = tpu.memref_squeeze %dma_start3A_447 : memref<1x1x64xi32, #tpu.memory_space<vmem>> -> memref<64xi32, #tpu.memory_space<vmem>>
          %dma_start3A_449 = arith.constant 0 : i32
          %dma_start3A_450 = arith.constant 0 : i32
          %dma_start3A_451 = tpu.memref_slice %arg2[%dma_start3A_449, %dma_start3A_450] : memref<10000x128xf32, #tpu.memory_space<hbm>> -> memref<10000x128xf32, #tpu.memory_space<hbm>>
          tpu.enqueue_indirect_dma source(%dma_start3A_451 : memref<10000x128xf32, #tpu.memory_space<hbm>>) target(%dma_start3A_445 : memref<64x128xf32, #tpu.memory_space<vmem>>) offsets(%dma_start3A_448 : memref<64xi32, #tpu.memory_space<vmem>>) semaphore(%arg14 : memref<!tpu.dma_semaphore, #tpu.memory_space<semaphore_mem>>)
          %mul3A_452 = arith.constant 4 : i32
          %mul3A_453 = arith.muli %scan3A_263, %mul3A_452 : i32
          %add3A_454 = arith.constant 3 : i32
          %add3A_455 = arith.addi %mul3A_453, %add3A_454 : i32
          %dma_wait3A_456 = arith.constant 3 : i32
          %dma_wait3A_457 = arith.constant 0 : i32
          %dma_wait3A_458 = arith.constant 0 : i32
          %dma_wait3A_459 = tpu.memref_slice %arg10[%dma_wait3A_456, %dma_wait3A_457, %dma_wait3A_458] : memref<4x64x128xf32, #tpu.memory_space<vmem>> -> memref<1x64x128xf32, #tpu.memory_space<vmem>>
          %dma_wait3A_460 = tpu.memref_squeeze %dma_wait3A_459 : memref<1x64x128xf32, #tpu.memory_space<vmem>> -> memref<64x128xf32, #tpu.memory_space<vmem>>
          %dma_wait3A_461 = arith.constant 0 : i32
          %dma_wait3A_462 = tpu.memref_slice %arg9[%rem3A_90, %add3A_455, %dma_wait3A_461] : memref<2x32x64xi32, #tpu.memory_space<vmem>> -> memref<1x1x64xi32, #tpu.memory_space<vmem>>
          %dma_wait3A_463 = tpu.memref_squeeze %dma_wait3A_462 : memref<1x1x64xi32, #tpu.memory_space<vmem>> -> memref<64xi32, #tpu.memory_space<vmem>>
          %dma_wait3A_464 = arith.constant 0 : i32
          %dma_wait3A_465 = arith.constant 0 : i32
          %dma_wait3A_466 = tpu.memref_slice %arg11[%dma_wait3A_464, %dma_wait3A_465] : memref<10112x128xf32, #tpu.memory_space<vmem_shared>> -> memref<10112x128xf32, #tpu.memory_space<vmem_shared>>
          tpu.wait_indirect_dma semaphore(%arg19 : memref<!tpu.dma_semaphore, #tpu.memory_space<semaphore_mem>>) src(%dma_wait3A_460 : memref<64x128xf32, #tpu.memory_space<vmem>>) dst(%dma_wait3A_466 : memref<10112x128xf32, #tpu.memory_space<vmem_shared>>)
          %add3A_467 = arith.constant 4 : i32
          %add3A_468 = arith.addi %add3A_455, %add3A_467 : i32
          %dma_start3A_469 = arith.constant 3 : i32
          %dma_start3A_470 = arith.constant 0 : i32
          %dma_start3A_471 = arith.constant 0 : i32
          %dma_start3A_472 = tpu.memref_slice %arg10[%dma_start3A_469, %dma_start3A_470, %dma_start3A_471] : memref<4x64x128xf32, #tpu.memory_space<vmem>> -> memref<1x64x128xf32, #tpu.memory_space<vmem>>
          %dma_start3A_473 = tpu.memref_squeeze %dma_start3A_472 : memref<1x64x128xf32, #tpu.memory_space<vmem>> -> memref<64x128xf32, #tpu.memory_space<vmem>>
          %dma_start3A_474 = arith.constant 0 : i32
          %dma_start3A_475 = tpu.memref_slice %arg8[%rem3A_90, %add3A_468, %dma_start3A_474] : memref<2x32x64xi32, #tpu.memory_space<vmem>> -> memref<1x1x64xi32, #tpu.memory_space<vmem>>
          %dma_start3A_476 = tpu.memref_squeeze %dma_start3A_475 : memref<1x1x64xi32, #tpu.memory_space<vmem>> -> memref<64xi32, #tpu.memory_space<vmem>>
          %dma_start3A_477 = arith.constant 0 : i32
          %dma_start3A_478 = arith.constant 0 : i32
          %dma_start3A_479 = tpu.memref_slice %arg2[%dma_start3A_477, %dma_start3A_478] : memref<10000x128xf32, #tpu.memory_space<hbm>> -> memref<10000x128xf32, #tpu.memory_space<hbm>>
          tpu.enqueue_indirect_dma source(%dma_start3A_479 : memref<10000x128xf32, #tpu.memory_space<hbm>>) target(%dma_start3A_473 : memref<64x128xf32, #tpu.memory_space<vmem>>) offsets(%dma_start3A_476 : memref<64xi32, #tpu.memory_space<vmem>>) semaphore(%arg15 : memref<!tpu.dma_semaphore, #tpu.memory_space<semaphore_mem>>)
          %scan3A_480 = arith.constant 0 : i32
          scf.yield %scan3A_480 : i32
        }
        %scan3A_103 = arith.constant 7 : i32
        %dma_wait3A = arith.constant 28 : i32
        %dma_wait3A_104 = arith.constant 0 : i32
        %dma_wait3A_105 = arith.constant 0 : i32
        %dma_wait3A_106 = arith.constant 0 : i32
        %dma_wait3A_107 = tpu.memref_slice %arg10[%dma_wait3A_104, %dma_wait3A_105, %dma_wait3A_106] : memref<4x64x128xf32, #tpu.memory_space<vmem>> -> memref<1x64x128xf32, #tpu.memory_space<vmem>>
        %dma_wait3A_108 = tpu.memref_squeeze %dma_wait3A_107 : memref<1x64x128xf32, #tpu.memory_space<vmem>> -> memref<64x128xf32, #tpu.memory_space<vmem>>
        %dma_wait3A_109 = arith.constant 0 : i32
        %dma_wait3A_110 = tpu.memref_slice %arg8[%rem3A_90, %dma_wait3A, %dma_wait3A_109] : memref<2x32x64xi32, #tpu.memory_space<vmem>> -> memref<1x1x64xi32, #tpu.memory_space<vmem>>
        %dma_wait3A_111 = tpu.memref_squeeze %dma_wait3A_110 : memref<1x1x64xi32, #tpu.memory_space<vmem>> -> memref<64xi32, #tpu.memory_space<vmem>>
        %dma_wait3A_112 = arith.constant 0 : i32
        %dma_wait3A_113 = arith.constant 0 : i32
        %dma_wait3A_114 = tpu.memref_slice %arg2[%dma_wait3A_112, %dma_wait3A_113] : memref<10000x128xf32, #tpu.memory_space<hbm>> -> memref<10000x128xf32, #tpu.memory_space<hbm>>
        tpu.wait_indirect_dma semaphore(%arg12 : memref<!tpu.dma_semaphore, #tpu.memory_space<semaphore_mem>>) src(%dma_wait3A_114 : memref<10000x128xf32, #tpu.memory_space<hbm>>) dst(%dma_wait3A_108 : memref<64x128xf32, #tpu.memory_space<vmem>>)
        %dma_start3A_115 = arith.constant 0 : i32
        %dma_start3A_116 = arith.constant 28 : i32
        %dma_start3A_117 = arith.constant 0 : i32
        %dma_start3A_118 = arith.constant 0 : i32
        %dma_start3A_119 = tpu.memref_slice %arg10[%dma_start3A_115, %dma_start3A_117, %dma_start3A_118] : memref<4x64x128xf32, #tpu.memory_space<vmem>> -> memref<1x64x128xf32, #tpu.memory_space<vmem>>
        %dma_start3A_120 = tpu.memref_squeeze %dma_start3A_119 : memref<1x64x128xf32, #tpu.memory_space<vmem>> -> memref<64x128xf32, #tpu.memory_space<vmem>>
        %dma_start3A_121 = arith.constant 0 : i32
        %dma_start3A_122 = tpu.memref_slice %arg9[%rem3A_90, %dma_start3A_116, %dma_start3A_121] : memref<2x32x64xi32, #tpu.memory_space<vmem>> -> memref<1x1x64xi32, #tpu.memory_space<vmem>>
        %dma_start3A_123 = tpu.memref_squeeze %dma_start3A_122 : memref<1x1x64xi32, #tpu.memory_space<vmem>> -> memref<64xi32, #tpu.memory_space<vmem>>
        %dma_start3A_124 = arith.constant 0 : i32
        %dma_start3A_125 = arith.constant 0 : i32
        %dma_start3A_126 = tpu.memref_slice %arg11[%dma_start3A_124, %dma_start3A_125] : memref<10112x128xf32, #tpu.memory_space<vmem_shared>> -> memref<10112x128xf32, #tpu.memory_space<vmem_shared>>
        tpu.enqueue_indirect_dma source(%dma_start3A_120 : memref<64x128xf32, #tpu.memory_space<vmem>>) target(%dma_start3A_126 : memref<10112x128xf32, #tpu.memory_space<vmem_shared>>) offsets(%dma_start3A_123 : memref<64xi32, #tpu.memory_space<vmem>>) semaphore(%arg16 : memref<!tpu.dma_semaphore, #tpu.memory_space<semaphore_mem>>) {add = true}
        %dma_wait3A_127 = arith.constant 29 : i32
        %dma_wait3A_128 = arith.constant 1 : i32
        %dma_wait3A_129 = arith.constant 0 : i32
        %dma_wait3A_130 = arith.constant 0 : i32
        %dma_wait3A_131 = tpu.memref_slice %arg10[%dma_wait3A_128, %dma_wait3A_129, %dma_wait3A_130] : memref<4x64x128xf32, #tpu.memory_space<vmem>> -> memref<1x64x128xf32, #tpu.memory_space<vmem>>
        %dma_wait3A_132 = tpu.memref_squeeze %dma_wait3A_131 : memref<1x64x128xf32, #tpu.memory_space<vmem>> -> memref<64x128xf32, #tpu.memory_space<vmem>>
        %dma_wait3A_133 = arith.constant 0 : i32
        %dma_wait3A_134 = tpu.memref_slice %arg8[%rem3A_90, %dma_wait3A_127, %dma_wait3A_133] : memref<2x32x64xi32, #tpu.memory_space<vmem>> -> memref<1x1x64xi32, #tpu.memory_space<vmem>>
        %dma_wait3A_135 = tpu.memref_squeeze %dma_wait3A_134 : memref<1x1x64xi32, #tpu.memory_space<vmem>> -> memref<64xi32, #tpu.memory_space<vmem>>
        %dma_wait3A_136 = arith.constant 0 : i32
        %dma_wait3A_137 = arith.constant 0 : i32
        %dma_wait3A_138 = tpu.memref_slice %arg2[%dma_wait3A_136, %dma_wait3A_137] : memref<10000x128xf32, #tpu.memory_space<hbm>> -> memref<10000x128xf32, #tpu.memory_space<hbm>>
        tpu.wait_indirect_dma semaphore(%arg13 : memref<!tpu.dma_semaphore, #tpu.memory_space<semaphore_mem>>) src(%dma_wait3A_138 : memref<10000x128xf32, #tpu.memory_space<hbm>>) dst(%dma_wait3A_132 : memref<64x128xf32, #tpu.memory_space<vmem>>)
        %dma_start3A_139 = arith.constant 1 : i32
        %dma_start3A_140 = arith.constant 29 : i32
        %dma_start3A_141 = arith.constant 0 : i32
        %dma_start3A_142 = arith.constant 0 : i32
        %dma_start3A_143 = tpu.memref_slice %arg10[%dma_start3A_139, %dma_start3A_141, %dma_start3A_142] : memref<4x64x128xf32, #tpu.memory_space<vmem>> -> memref<1x64x128xf32, #tpu.memory_space<vmem>>
        %dma_start3A_144 = tpu.memref_squeeze %dma_start3A_143 : memref<1x64x128xf32, #tpu.memory_space<vmem>> -> memref<64x128xf32, #tpu.memory_space<vmem>>
        %dma_start3A_145 = arith.constant 0 : i32
        %dma_start3A_146 = tpu.memref_slice %arg9[%rem3A_90, %dma_start3A_140, %dma_start3A_145] : memref<2x32x64xi32, #tpu.memory_space<vmem>> -> memref<1x1x64xi32, #tpu.memory_space<vmem>>
        %dma_start3A_147 = tpu.memref_squeeze %dma_start3A_146 : memref<1x1x64xi32, #tpu.memory_space<vmem>> -> memref<64xi32, #tpu.memory_space<vmem>>
        %dma_start3A_148 = arith.constant 0 : i32
        %dma_start3A_149 = arith.constant 0 : i32
        %dma_start3A_150 = tpu.memref_slice %arg11[%dma_start3A_148, %dma_start3A_149] : memref<10112x128xf32, #tpu.memory_space<vmem_shared>> -> memref<10112x128xf32, #tpu.memory_space<vmem_shared>>
        tpu.enqueue_indirect_dma source(%dma_start3A_144 : memref<64x128xf32, #tpu.memory_space<vmem>>) target(%dma_start3A_150 : memref<10112x128xf32, #tpu.memory_space<vmem_shared>>) offsets(%dma_start3A_147 : memref<64xi32, #tpu.memory_space<vmem>>) semaphore(%arg17 : memref<!tpu.dma_semaphore, #tpu.memory_space<semaphore_mem>>) {add = true}
        %dma_wait3A_151 = arith.constant 30 : i32
        %dma_wait3A_152 = arith.constant 2 : i32
        %dma_wait3A_153 = arith.constant 0 : i32
        %dma_wait3A_154 = arith.constant 0 : i32
        %dma_wait3A_155 = tpu.memref_slice %arg10[%dma_wait3A_152, %dma_wait3A_153, %dma_wait3A_154] : memref<4x64x128xf32, #tpu.memory_space<vmem>> -> memref<1x64x128xf32, #tpu.memory_space<vmem>>
        %dma_wait3A_156 = tpu.memref_squeeze %dma_wait3A_155 : memref<1x64x128xf32, #tpu.memory_space<vmem>> -> memref<64x128xf32, #tpu.memory_space<vmem>>
        %dma_wait3A_157 = arith.constant 0 : i32
        %dma_wait3A_158 = tpu.memref_slice %arg8[%rem3A_90, %dma_wait3A_151, %dma_wait3A_157] : memref<2x32x64xi32, #tpu.memory_space<vmem>> -> memref<1x1x64xi32, #tpu.memory_space<vmem>>
        %dma_wait3A_159 = tpu.memref_squeeze %dma_wait3A_158 : memref<1x1x64xi32, #tpu.memory_space<vmem>> -> memref<64xi32, #tpu.memory_space<vmem>>
        %dma_wait3A_160 = arith.constant 0 : i32
        %dma_wait3A_161 = arith.constant 0 : i32
        %dma_wait3A_162 = tpu.memref_slice %arg2[%dma_wait3A_160, %dma_wait3A_161] : memref<10000x128xf32, #tpu.memory_space<hbm>> -> memref<10000x128xf32, #tpu.memory_space<hbm>>
        tpu.wait_indirect_dma semaphore(%arg14 : memref<!tpu.dma_semaphore, #tpu.memory_space<semaphore_mem>>) src(%dma_wait3A_162 : memref<10000x128xf32, #tpu.memory_space<hbm>>) dst(%dma_wait3A_156 : memref<64x128xf32, #tpu.memory_space<vmem>>)
        %dma_start3A_163 = arith.constant 2 : i32
        %dma_start3A_164 = arith.constant 30 : i32
        %dma_start3A_165 = arith.constant 0 : i32
        %dma_start3A_166 = arith.constant 0 : i32
        %dma_start3A_167 = tpu.memref_slice %arg10[%dma_start3A_163, %dma_start3A_165, %dma_start3A_166] : memref<4x64x128xf32, #tpu.memory_space<vmem>> -> memref<1x64x128xf32, #tpu.memory_space<vmem>>
        %dma_start3A_168 = tpu.memref_squeeze %dma_start3A_167 : memref<1x64x128xf32, #tpu.memory_space<vmem>> -> memref<64x128xf32, #tpu.memory_space<vmem>>
        %dma_start3A_169 = arith.constant 0 : i32
        %dma_start3A_170 = tpu.memref_slice %arg9[%rem3A_90, %dma_start3A_164, %dma_start3A_169] : memref<2x32x64xi32, #tpu.memory_space<vmem>> -> memref<1x1x64xi32, #tpu.memory_space<vmem>>
        %dma_start3A_171 = tpu.memref_squeeze %dma_start3A_170 : memref<1x1x64xi32, #tpu.memory_space<vmem>> -> memref<64xi32, #tpu.memory_space<vmem>>
        %dma_start3A_172 = arith.constant 0 : i32
        %dma_start3A_173 = arith.constant 0 : i32
        %dma_start3A_174 = tpu.memref_slice %arg11[%dma_start3A_172, %dma_start3A_173] : memref<10112x128xf32, #tpu.memory_space<vmem_shared>> -> memref<10112x128xf32, #tpu.memory_space<vmem_shared>>
        tpu.enqueue_indirect_dma source(%dma_start3A_168 : memref<64x128xf32, #tpu.memory_space<vmem>>) target(%dma_start3A_174 : memref<10112x128xf32, #tpu.memory_space<vmem_shared>>) offsets(%dma_start3A_171 : memref<64xi32, #tpu.memory_space<vmem>>) semaphore(%arg18 : memref<!tpu.dma_semaphore, #tpu.memory_space<semaphore_mem>>) {add = true}
        %dma_wait3A_175 = arith.constant 31 : i32
        %dma_wait3A_176 = arith.constant 3 : i32
        %dma_wait3A_177 = arith.constant 0 : i32
        %dma_wait3A_178 = arith.constant 0 : i32
        %dma_wait3A_179 = tpu.memref_slice %arg10[%dma_wait3A_176, %dma_wait3A_177, %dma_wait3A_178] : memref<4x64x128xf32, #tpu.memory_space<vmem>> -> memref<1x64x128xf32, #tpu.memory_space<vmem>>
        %dma_wait3A_180 = tpu.memref_squeeze %dma_wait3A_179 : memref<1x64x128xf32, #tpu.memory_space<vmem>> -> memref<64x128xf32, #tpu.memory_space<vmem>>
        %dma_wait3A_181 = arith.constant 0 : i32
        %dma_wait3A_182 = tpu.memref_slice %arg8[%rem3A_90, %dma_wait3A_175, %dma_wait3A_181] : memref<2x32x64xi32, #tpu.memory_space<vmem>> -> memref<1x1x64xi32, #tpu.memory_space<vmem>>
        %dma_wait3A_183 = tpu.memref_squeeze %dma_wait3A_182 : memref<1x1x64xi32, #tpu.memory_space<vmem>> -> memref<64xi32, #tpu.memory_space<vmem>>
        %dma_wait3A_184 = arith.constant 0 : i32
        %dma_wait3A_185 = arith.constant 0 : i32
        %dma_wait3A_186 = tpu.memref_slice %arg2[%dma_wait3A_184, %dma_wait3A_185] : memref<10000x128xf32, #tpu.memory_space<hbm>> -> memref<10000x128xf32, #tpu.memory_space<hbm>>
        tpu.wait_indirect_dma semaphore(%arg15 : memref<!tpu.dma_semaphore, #tpu.memory_space<semaphore_mem>>) src(%dma_wait3A_186 : memref<10000x128xf32, #tpu.memory_space<hbm>>) dst(%dma_wait3A_180 : memref<64x128xf32, #tpu.memory_space<vmem>>)
        %dma_start3A_187 = arith.constant 3 : i32
        %dma_start3A_188 = arith.constant 31 : i32
        %dma_start3A_189 = arith.constant 0 : i32
        %dma_start3A_190 = arith.constant 0 : i32
        %dma_start3A_191 = tpu.memref_slice %arg10[%dma_start3A_187, %dma_start3A_189, %dma_start3A_190] : memref<4x64x128xf32, #tpu.memory_space<vmem>> -> memref<1x64x128xf32, #tpu.memory_space<vmem>>
        %dma_start3A_192 = tpu.memref_squeeze %dma_start3A_191 : memref<1x64x128xf32, #tpu.memory_space<vmem>> -> memref<64x128xf32, #tpu.memory_space<vmem>>
        %dma_start3A_193 = arith.constant 0 : i32
        %dma_start3A_194 = tpu.memref_slice %arg9[%rem3A_90, %dma_start3A_188, %dma_start3A_193] : memref<2x32x64xi32, #tpu.memory_space<vmem>> -> memref<1x1x64xi32, #tpu.memory_space<vmem>>
        %dma_start3A_195 = tpu.memref_squeeze %dma_start3A_194 : memref<1x1x64xi32, #tpu.memory_space<vmem>> -> memref<64xi32, #tpu.memory_space<vmem>>
        %dma_start3A_196 = arith.constant 0 : i32
        %dma_start3A_197 = arith.constant 0 : i32
        %dma_start3A_198 = tpu.memref_slice %arg11[%dma_start3A_196, %dma_start3A_197] : memref<10112x128xf32, #tpu.memory_space<vmem_shared>> -> memref<10112x128xf32, #tpu.memory_space<vmem_shared>>
        tpu.enqueue_indirect_dma source(%dma_start3A_192 : memref<64x128xf32, #tpu.memory_space<vmem>>) target(%dma_start3A_198 : memref<10112x128xf32, #tpu.memory_space<vmem_shared>>) offsets(%dma_start3A_195 : memref<64xi32, #tpu.memory_space<vmem>>) semaphore(%arg19 : memref<!tpu.dma_semaphore, #tpu.memory_space<semaphore_mem>>) {add = true}
        %convert_element_type3A_199 = arith.extui %lt3A_93 : i1 to i32
        %cond3A_200 = arith.constant 0 : i32
        %cond3A_201 = arith.cmpi ne, %convert_element_type3A_199, %cond3A_200 : i32
        scf.if %cond3A_201 {
          %dma_wait3A_263 = arith.constant 0 : i32
          %dma_wait3A_264 = arith.constant 0 : i32
          %dma_wait3A_265 = tpu.memref_slice %arg8[%sub3A_91, %dma_wait3A_263, %dma_wait3A_264] : memref<2x32x64xi32, #tpu.memory_space<vmem>> -> memref<1x32x64xi32, #tpu.memory_space<vmem>>
          %dma_wait3A_266 = tpu.memref_squeeze %dma_wait3A_265 : memref<1x32x64xi32, #tpu.memory_space<vmem>> -> memref<32x64xi32, #tpu.memory_space<vmem>>
          %dma_wait3A_267 = arith.constant 0 : i32
          %dma_wait3A_268 = tpu.memref_slice %arg4[%mul3A_70, %dma_wait3A_267] : memref<5120x64xi32, #tpu.memory_space<hbm>> -> memref<32x64xi32, #tpu.memory_space<hbm>>
          %dma_wait3A_269 = arith.constant 0 : i32
          %dma_wait3A_270 = arith.constant 0 : i32
          %dma_wait3A_271 = tpu.memref_slice %arg8[%sub3A_91, %dma_wait3A_269, %dma_wait3A_270] : memref<2x32x64xi32, #tpu.memory_space<vmem>> -> memref<1x32x64xi32, #tpu.memory_space<vmem>>
          %dma_wait3A_272 = tpu.memref_squeeze %dma_wait3A_271 : memref<1x32x64xi32, #tpu.memory_space<vmem>> -> memref<32x64xi32, #tpu.memory_space<vmem>>
          %dma_wait3A_273 = arith.constant 0 : i32
          %dma_wait3A_274 = tpu.memref_slice %arg4[%mul3A_70, %dma_wait3A_273] : memref<5120x64xi32, #tpu.memory_space<hbm>> -> memref<32x64xi32, #tpu.memory_space<hbm>>
          tpu.wait_dma2 semaphore(%arg20 : memref<!tpu.dma_semaphore, #tpu.memory_space<semaphore_mem>>) src(%dma_wait3A_274 : memref<32x64xi32, #tpu.memory_space<hbm>>) dst(%dma_wait3A_272 : memref<32x64xi32, #tpu.memory_space<vmem>>)
          %dma_wait3A_275 = arith.constant 0 : i32
          %dma_wait3A_276 = arith.constant 0 : i32
          %dma_wait3A_277 = tpu.memref_slice %arg9[%sub3A_91, %dma_wait3A_275, %dma_wait3A_276] : memref<2x32x64xi32, #tpu.memory_space<vmem>> -> memref<1x32x64xi32, #tpu.memory_space<vmem>>
          %dma_wait3A_278 = tpu.memref_squeeze %dma_wait3A_277 : memref<1x32x64xi32, #tpu.memory_space<vmem>> -> memref<32x64xi32, #tpu.memory_space<vmem>>
          %dma_wait3A_279 = arith.constant 0 : i32
          %dma_wait3A_280 = tpu.memref_slice %arg5[%mul3A_70, %dma_wait3A_279] : memref<5120x64xi32, #tpu.memory_space<hbm>> -> memref<32x64xi32, #tpu.memory_space<hbm>>
          %dma_wait3A_281 = arith.constant 0 : i32
          %dma_wait3A_282 = arith.constant 0 : i32
          %dma_wait3A_283 = tpu.memref_slice %arg9[%sub3A_91, %dma_wait3A_281, %dma_wait3A_282] : memref<2x32x64xi32, #tpu.memory_space<vmem>> -> memref<1x32x64xi32, #tpu.memory_space<vmem>>
          %dma_wait3A_284 = tpu.memref_squeeze %dma_wait3A_283 : memref<1x32x64xi32, #tpu.memory_space<vmem>> -> memref<32x64xi32, #tpu.memory_space<vmem>>
          %dma_wait3A_285 = arith.constant 0 : i32
          %dma_wait3A_286 = tpu.memref_slice %arg5[%mul3A_70, %dma_wait3A_285] : memref<5120x64xi32, #tpu.memory_space<hbm>> -> memref<32x64xi32, #tpu.memory_space<hbm>>
          tpu.wait_dma2 semaphore(%arg20 : memref<!tpu.dma_semaphore, #tpu.memory_space<semaphore_mem>>) src(%dma_wait3A_286 : memref<32x64xi32, #tpu.memory_space<hbm>>) dst(%dma_wait3A_284 : memref<32x64xi32, #tpu.memory_space<vmem>>)
        } else {
        }
        %dma_wait3A_202 = arith.constant 0 : i32
        %dma_wait3A_203 = arith.constant 28 : i32
        %dma_wait3A_204 = arith.constant 0 : i32
        %dma_wait3A_205 = arith.constant 0 : i32
        %dma_wait3A_206 = tpu.memref_slice %arg10[%dma_wait3A_202, %dma_wait3A_204, %dma_wait3A_205] : memref<4x64x128xf32, #tpu.memory_space<vmem>> -> memref<1x64x128xf32, #tpu.memory_space<vmem>>
        %dma_wait3A_207 = tpu.memref_squeeze %dma_wait3A_206 : memref<1x64x128xf32, #tpu.memory_space<vmem>> -> memref<64x128xf32, #tpu.memory_space<vmem>>
        %dma_wait3A_208 = arith.constant 0 : i32
        %dma_wait3A_209 = tpu.memref_slice %arg9[%rem3A_90, %dma_wait3A_203, %dma_wait3A_208] : memref<2x32x64xi32, #tpu.memory_space<vmem>> -> memref<1x1x64xi32, #tpu.memory_space<vmem>>
        %dma_wait3A_210 = tpu.memref_squeeze %dma_wait3A_209 : memref<1x1x64xi32, #tpu.memory_space<vmem>> -> memref<64xi32, #tpu.memory_space<vmem>>
        %dma_wait3A_211 = arith.constant 0 : i32
        %dma_wait3A_212 = arith.constant 0 : i32
        %dma_wait3A_213 = tpu.memref_slice %arg11[%dma_wait3A_211, %dma_wait3A_212] : memref<10112x128xf32, #tpu.memory_space<vmem_shared>> -> memref<10112x128xf32, #tpu.memory_space<vmem_shared>>
        tpu.wait_indirect_dma semaphore(%arg16 : memref<!tpu.dma_semaphore, #tpu.memory_space<semaphore_mem>>) src(%dma_wait3A_207 : memref<64x128xf32, #tpu.memory_space<vmem>>) dst(%dma_wait3A_213 : memref<10112x128xf32, #tpu.memory_space<vmem_shared>>)
        %convert_element_type3A_214 = arith.extui %lt3A_93 : i1 to i32
        %cond3A_215 = arith.constant 0 : i32
        %cond3A_216 = arith.cmpi ne, %convert_element_type3A_214, %cond3A_215 : i32
        scf.if %cond3A_216 {
          %dma_start3A_263 = arith.constant 0 : i32
          %dma_start3A_264 = arith.constant 0 : i32
          %dma_start3A_265 = arith.constant 0 : i32
          %dma_start3A_266 = arith.constant 0 : i32
          %dma_start3A_267 = tpu.memref_slice %arg10[%dma_start3A_264, %dma_start3A_265, %dma_start3A_266] : memref<4x64x128xf32, #tpu.memory_space<vmem>> -> memref<1x64x128xf32, #tpu.memory_space<vmem>>
          %dma_start3A_268 = tpu.memref_squeeze %dma_start3A_267 : memref<1x64x128xf32, #tpu.memory_space<vmem>> -> memref<64x128xf32, #tpu.memory_space<vmem>>
          %dma_start3A_269 = arith.constant 0 : i32
          %dma_start3A_270 = tpu.memref_slice %arg8[%sub3A_91, %dma_start3A_263, %dma_start3A_269] : memref<2x32x64xi32, #tpu.memory_space<vmem>> -> memref<1x1x64xi32, #tpu.memory_space<vmem>>
          %dma_start3A_271 = tpu.memref_squeeze %dma_start3A_270 : memref<1x1x64xi32, #tpu.memory_space<vmem>> -> memref<64xi32, #tpu.memory_space<vmem>>
          %dma_start3A_272 = arith.constant 0 : i32
          %dma_start3A_273 = arith.constant 0 : i32
          %dma_start3A_274 = tpu.memref_slice %arg2[%dma_start3A_272, %dma_start3A_273] : memref<10000x128xf32, #tpu.memory_space<hbm>> -> memref<10000x128xf32, #tpu.memory_space<hbm>>
          tpu.enqueue_indirect_dma source(%dma_start3A_274 : memref<10000x128xf32, #tpu.memory_space<hbm>>) target(%dma_start3A_268 : memref<64x128xf32, #tpu.memory_space<vmem>>) offsets(%dma_start3A_271 : memref<64xi32, #tpu.memory_space<vmem>>) semaphore(%arg12 : memref<!tpu.dma_semaphore, #tpu.memory_space<semaphore_mem>>)
        } else {
        }
        %dma_wait3A_217 = arith.constant 1 : i32
        %dma_wait3A_218 = arith.constant 29 : i32
        %dma_wait3A_219 = arith.constant 0 : i32
        %dma_wait3A_220 = arith.constant 0 : i32
        %dma_wait3A_221 = tpu.memref_slice %arg10[%dma_wait3A_217, %dma_wait3A_219, %dma_wait3A_220] : memref<4x64x128xf32, #tpu.memory_space<vmem>> -> memref<1x64x128xf32, #tpu.memory_space<vmem>>
        %dma_wait3A_222 = tpu.memref_squeeze %dma_wait3A_221 : memref<1x64x128xf32, #tpu.memory_space<vmem>> -> memref<64x128xf32, #tpu.memory_space<vmem>>
        %dma_wait3A_223 = arith.constant 0 : i32
        %dma_wait3A_224 = tpu.memref_slice %arg9[%rem3A_90, %dma_wait3A_218, %dma_wait3A_223] : memref<2x32x64xi32, #tpu.memory_space<vmem>> -> memref<1x1x64xi32, #tpu.memory_space<vmem>>
        %dma_wait3A_225 = tpu.memref_squeeze %dma_wait3A_224 : memref<1x1x64xi32, #tpu.memory_space<vmem>> -> memref<64xi32, #tpu.memory_space<vmem>>
        %dma_wait3A_226 = arith.constant 0 : i32
        %dma_wait3A_227 = arith.constant 0 : i32
        %dma_wait3A_228 = tpu.memref_slice %arg11[%dma_wait3A_226, %dma_wait3A_227] : memref<10112x128xf32, #tpu.memory_space<vmem_shared>> -> memref<10112x128xf32, #tpu.memory_space<vmem_shared>>
        tpu.wait_indirect_dma semaphore(%arg17 : memref<!tpu.dma_semaphore, #tpu.memory_space<semaphore_mem>>) src(%dma_wait3A_222 : memref<64x128xf32, #tpu.memory_space<vmem>>) dst(%dma_wait3A_228 : memref<10112x128xf32, #tpu.memory_space<vmem_shared>>)
        %convert_element_type3A_229 = arith.extui %lt3A_93 : i1 to i32
        %cond3A_230 = arith.constant 0 : i32
        %cond3A_231 = arith.cmpi ne, %convert_element_type3A_229, %cond3A_230 : i32
        scf.if %cond3A_231 {
          %dma_start3A_263 = arith.constant 1 : i32
          %dma_start3A_264 = arith.constant 1 : i32
          %dma_start3A_265 = arith.constant 0 : i32
          %dma_start3A_266 = arith.constant 0 : i32
          %dma_start3A_267 = tpu.memref_slice %arg10[%dma_start3A_264, %dma_start3A_265, %dma_start3A_266] : memref<4x64x128xf32, #tpu.memory_space<vmem>> -> memref<1x64x128xf32, #tpu.memory_space<vmem>>
          %dma_start3A_268 = tpu.memref_squeeze %dma_start3A_267 : memref<1x64x128xf32, #tpu.memory_space<vmem>> -> memref<64x128xf32, #tpu.memory_space<vmem>>
          %dma_start3A_269 = arith.constant 0 : i32
          %dma_start3A_270 = tpu.memref_slice %arg8[%sub3A_91, %dma_start3A_263, %dma_start3A_269] : memref<2x32x64xi32, #tpu.memory_space<vmem>> -> memref<1x1x64xi32, #tpu.memory_space<vmem>>
          %dma_start3A_271 = tpu.memref_squeeze %dma_start3A_270 : memref<1x1x64xi32, #tpu.memory_space<vmem>> -> memref<64xi32, #tpu.memory_space<vmem>>
          %dma_start3A_272 = arith.constant 0 : i32
          %dma_start3A_273 = arith.constant 0 : i32
          %dma_start3A_274 = tpu.memref_slice %arg2[%dma_start3A_272, %dma_start3A_273] : memref<10000x128xf32, #tpu.memory_space<hbm>> -> memref<10000x128xf32, #tpu.memory_space<hbm>>
          tpu.enqueue_indirect_dma source(%dma_start3A_274 : memref<10000x128xf32, #tpu.memory_space<hbm>>) target(%dma_start3A_268 : memref<64x128xf32, #tpu.memory_space<vmem>>) offsets(%dma_start3A_271 : memref<64xi32, #tpu.memory_space<vmem>>) semaphore(%arg13 : memref<!tpu.dma_semaphore, #tpu.memory_space<semaphore_mem>>)
        } else {
        }
        %dma_wait3A_232 = arith.constant 2 : i32
        %dma_wait3A_233 = arith.constant 30 : i32
        %dma_wait3A_234 = arith.constant 0 : i32
        %dma_wait3A_235 = arith.constant 0 : i32
        %dma_wait3A_236 = tpu.memref_slice %arg10[%dma_wait3A_232, %dma_wait3A_234, %dma_wait3A_235] : memref<4x64x128xf32, #tpu.memory_space<vmem>> -> memref<1x64x128xf32, #tpu.memory_space<vmem>>
        %dma_wait3A_237 = tpu.memref_squeeze %dma_wait3A_236 : memref<1x64x128xf32, #tpu.memory_space<vmem>> -> memref<64x128xf32, #tpu.memory_space<vmem>>
        %dma_wait3A_238 = arith.constant 0 : i32
        %dma_wait3A_239 = tpu.memref_slice %arg9[%rem3A_90, %dma_wait3A_233, %dma_wait3A_238] : memref<2x32x64xi32, #tpu.memory_space<vmem>> -> memref<1x1x64xi32, #tpu.memory_space<vmem>>
        %dma_wait3A_240 = tpu.memref_squeeze %dma_wait3A_239 : memref<1x1x64xi32, #tpu.memory_space<vmem>> -> memref<64xi32, #tpu.memory_space<vmem>>
        %dma_wait3A_241 = arith.constant 0 : i32
        %dma_wait3A_242 = arith.constant 0 : i32
        %dma_wait3A_243 = tpu.memref_slice %arg11[%dma_wait3A_241, %dma_wait3A_242] : memref<10112x128xf32, #tpu.memory_space<vmem_shared>> -> memref<10112x128xf32, #tpu.memory_space<vmem_shared>>
        tpu.wait_indirect_dma semaphore(%arg18 : memref<!tpu.dma_semaphore, #tpu.memory_space<semaphore_mem>>) src(%dma_wait3A_237 : memref<64x128xf32, #tpu.memory_space<vmem>>) dst(%dma_wait3A_243 : memref<10112x128xf32, #tpu.memory_space<vmem_shared>>)
        %convert_element_type3A_244 = arith.extui %lt3A_93 : i1 to i32
        %cond3A_245 = arith.constant 0 : i32
        %cond3A_246 = arith.cmpi ne, %convert_element_type3A_244, %cond3A_245 : i32
        scf.if %cond3A_246 {
          %dma_start3A_263 = arith.constant 2 : i32
          %dma_start3A_264 = arith.constant 2 : i32
          %dma_start3A_265 = arith.constant 0 : i32
          %dma_start3A_266 = arith.constant 0 : i32
          %dma_start3A_267 = tpu.memref_slice %arg10[%dma_start3A_264, %dma_start3A_265, %dma_start3A_266] : memref<4x64x128xf32, #tpu.memory_space<vmem>> -> memref<1x64x128xf32, #tpu.memory_space<vmem>>
          %dma_start3A_268 = tpu.memref_squeeze %dma_start3A_267 : memref<1x64x128xf32, #tpu.memory_space<vmem>> -> memref<64x128xf32, #tpu.memory_space<vmem>>
          %dma_start3A_269 = arith.constant 0 : i32
          %dma_start3A_270 = tpu.memref_slice %arg8[%sub3A_91, %dma_start3A_263, %dma_start3A_269] : memref<2x32x64xi32, #tpu.memory_space<vmem>> -> memref<1x1x64xi32, #tpu.memory_space<vmem>>
          %dma_start3A_271 = tpu.memref_squeeze %dma_start3A_270 : memref<1x1x64xi32, #tpu.memory_space<vmem>> -> memref<64xi32, #tpu.memory_space<vmem>>
          %dma_start3A_272 = arith.constant 0 : i32
          %dma_start3A_273 = arith.constant 0 : i32
          %dma_start3A_274 = tpu.memref_slice %arg2[%dma_start3A_272, %dma_start3A_273] : memref<10000x128xf32, #tpu.memory_space<hbm>> -> memref<10000x128xf32, #tpu.memory_space<hbm>>
          tpu.enqueue_indirect_dma source(%dma_start3A_274 : memref<10000x128xf32, #tpu.memory_space<hbm>>) target(%dma_start3A_268 : memref<64x128xf32, #tpu.memory_space<vmem>>) offsets(%dma_start3A_271 : memref<64xi32, #tpu.memory_space<vmem>>) semaphore(%arg14 : memref<!tpu.dma_semaphore, #tpu.memory_space<semaphore_mem>>)
        } else {
        }
        %dma_wait3A_247 = arith.constant 3 : i32
        %dma_wait3A_248 = arith.constant 31 : i32
        %dma_wait3A_249 = arith.constant 0 : i32
        %dma_wait3A_250 = arith.constant 0 : i32
        %dma_wait3A_251 = tpu.memref_slice %arg10[%dma_wait3A_247, %dma_wait3A_249, %dma_wait3A_250] : memref<4x64x128xf32, #tpu.memory_space<vmem>> -> memref<1x64x128xf32, #tpu.memory_space<vmem>>
        %dma_wait3A_252 = tpu.memref_squeeze %dma_wait3A_251 : memref<1x64x128xf32, #tpu.memory_space<vmem>> -> memref<64x128xf32, #tpu.memory_space<vmem>>
        %dma_wait3A_253 = arith.constant 0 : i32
        %dma_wait3A_254 = tpu.memref_slice %arg9[%rem3A_90, %dma_wait3A_248, %dma_wait3A_253] : memref<2x32x64xi32, #tpu.memory_space<vmem>> -> memref<1x1x64xi32, #tpu.memory_space<vmem>>
        %dma_wait3A_255 = tpu.memref_squeeze %dma_wait3A_254 : memref<1x1x64xi32, #tpu.memory_space<vmem>> -> memref<64xi32, #tpu.memory_space<vmem>>
        %dma_wait3A_256 = arith.constant 0 : i32
        %dma_wait3A_257 = arith.constant 0 : i32
        %dma_wait3A_258 = tpu.memref_slice %arg11[%dma_wait3A_256, %dma_wait3A_257] : memref<10112x128xf32, #tpu.memory_space<vmem_shared>> -> memref<10112x128xf32, #tpu.memory_space<vmem_shared>>
        tpu.wait_indirect_dma semaphore(%arg19 : memref<!tpu.dma_semaphore, #tpu.memory_space<semaphore_mem>>) src(%dma_wait3A_252 : memref<64x128xf32, #tpu.memory_space<vmem>>) dst(%dma_wait3A_258 : memref<10112x128xf32, #tpu.memory_space<vmem_shared>>)
        %convert_element_type3A_259 = arith.extui %lt3A_93 : i1 to i32
        %cond3A_260 = arith.constant 0 : i32
        %cond3A_261 = arith.cmpi ne, %convert_element_type3A_259, %cond3A_260 : i32
        scf.if %cond3A_261 {
          %dma_start3A_263 = arith.constant 3 : i32
          %dma_start3A_264 = arith.constant 3 : i32
          %dma_start3A_265 = arith.constant 0 : i32
          %dma_start3A_266 = arith.constant 0 : i32
          %dma_start3A_267 = tpu.memref_slice %arg10[%dma_start3A_264, %dma_start3A_265, %dma_start3A_266] : memref<4x64x128xf32, #tpu.memory_space<vmem>> -> memref<1x64x128xf32, #tpu.memory_space<vmem>>
          %dma_start3A_268 = tpu.memref_squeeze %dma_start3A_267 : memref<1x64x128xf32, #tpu.memory_space<vmem>> -> memref<64x128xf32, #tpu.memory_space<vmem>>
          %dma_start3A_269 = arith.constant 0 : i32
          %dma_start3A_270 = tpu.memref_slice %arg8[%sub3A_91, %dma_start3A_263, %dma_start3A_269] : memref<2x32x64xi32, #tpu.memory_space<vmem>> -> memref<1x1x64xi32, #tpu.memory_space<vmem>>
          %dma_start3A_271 = tpu.memref_squeeze %dma_start3A_270 : memref<1x1x64xi32, #tpu.memory_space<vmem>> -> memref<64xi32, #tpu.memory_space<vmem>>
          %dma_start3A_272 = arith.constant 0 : i32
          %dma_start3A_273 = arith.constant 0 : i32
          %dma_start3A_274 = tpu.memref_slice %arg2[%dma_start3A_272, %dma_start3A_273] : memref<10000x128xf32, #tpu.memory_space<hbm>> -> memref<10000x128xf32, #tpu.memory_space<hbm>>
          tpu.enqueue_indirect_dma source(%dma_start3A_274 : memref<10000x128xf32, #tpu.memory_space<hbm>>) target(%dma_start3A_268 : memref<64x128xf32, #tpu.memory_space<vmem>>) offsets(%dma_start3A_271 : memref<64xi32, #tpu.memory_space<vmem>>) semaphore(%arg15 : memref<!tpu.dma_semaphore, #tpu.memory_space<semaphore_mem>>)
        } else {
        }
        %scan3A_262 = arith.constant 0 : i32
        scf.yield %scan3A_262 : i32
      }
      %scan3A_76 = arith.constant 10 : i32
      %barrier3A_77 = arith.constant 0 : index
      tpu.barrier barrier_id(%barrier3A_77)
      %lt3A_78 = arith.constant 15 : i32
      %lt3A_79 = arith.cmpi slt, %arg1, %lt3A_78 : i32
      %convert_element_type3A_80 = arith.extui %lt3A_79 : i1 to i32
      %cond3A_81 = arith.constant 0 : i32
      %cond3A_82 = arith.cmpi ne, %convert_element_type3A_80, %cond3A_81 : i32
      scf.if %cond3A_82 {
        %mul3A_88 = arith.constant 640 : i32
        %mul3A_89 = arith.muli %arg1, %mul3A_88 : i32
        %mul3A_90 = arith.constant 640 : i32
        %mul3A_91 = arith.muli %arg1, %mul3A_90 : i32
        "tpu.region"() ({
          %run_scoped3A_92 = tpu.sem_alloc : memref<!tpu.dma_semaphore, #tpu.memory_space<semaphore_mem>>
          %dma_start3A_93 = arith.constant 0 : i32
          %dma_start3A_94 = tpu.memref_slice %arg6[%mul3A_91, %dma_start3A_93] : memref<10000x128xf32, #tpu.memory_space<hbm>> -> memref<640x128xf32, #tpu.memory_space<hbm>>
          %dma_start3A_95 = arith.constant 0 : i32
          %dma_start3A_96 = tpu.memref_slice %arg11[%mul3A_89, %dma_start3A_95] : memref<10112x128xf32, #tpu.memory_space<vmem_shared>> -> memref<640x128xf32, #tpu.memory_space<vmem_shared>>
          tpu.enqueue_dma source(%dma_start3A_96 : memref<640x128xf32, #tpu.memory_space<vmem_shared>>) target(%dma_start3A_94 : memref<640x128xf32, #tpu.memory_space<hbm>>) target_semaphore(%run_scoped3A_92 : memref<!tpu.dma_semaphore, #tpu.memory_space<semaphore_mem>>)
          %dma_wait3A = arith.constant 0 : i32
          %dma_wait3A_97 = tpu.memref_slice %arg6[%mul3A_91, %dma_wait3A] : memref<10000x128xf32, #tpu.memory_space<hbm>> -> memref<640x128xf32, #tpu.memory_space<hbm>>
          %dma_wait3A_98 = arith.constant 0 : i32
          %dma_wait3A_99 = tpu.memref_slice %arg11[%mul3A_89, %dma_wait3A_98] : memref<10112x128xf32, #tpu.memory_space<vmem_shared>> -> memref<640x128xf32, #tpu.memory_space<vmem_shared>>
          tpu.wait_dma2 semaphore(%run_scoped3A_92 : memref<!tpu.dma_semaphore, #tpu.memory_space<semaphore_mem>>) src(%dma_wait3A_99 : memref<640x128xf32, #tpu.memory_space<vmem_shared>>) dst(%dma_wait3A_97 : memref<640x128xf32, #tpu.memory_space<hbm>>)
          tpu.yield
        }) : () -> ()
      } else {
      }
      %eq3A_83 = arith.constant 15 : i32
      %eq3A_84 = arith.cmpi eq, %arg1, %eq3A_83 : i32
      %convert_element_type3A_85 = arith.extui %eq3A_84 : i1 to i32
      %cond3A_86 = arith.constant 0 : i32
      %cond3A_87 = arith.cmpi ne, %convert_element_type3A_85, %cond3A_86 : i32
      scf.if %cond3A_87 {
        "tpu.region"() ({
          %run_scoped3A_88 = tpu.sem_alloc : memref<!tpu.dma_semaphore, #tpu.memory_space<semaphore_mem>>
          %dma_start3A_89 = arith.constant 9600 : i32
          %dma_start3A_90 = arith.constant 0 : i32
          %dma_start3A_91 = tpu.memref_slice %arg6[%dma_start3A_89, %dma_start3A_90] : memref<10000x128xf32, #tpu.memory_space<hbm>> -> memref<400x128xf32, #tpu.memory_space<hbm>>
          %dma_start3A_92 = arith.constant 9600 : i32
          %dma_start3A_93 = arith.constant 0 : i32
          %dma_start3A_94 = tpu.memref_slice %arg11[%dma_start3A_92, %dma_start3A_93] : memref<10112x128xf32, #tpu.memory_space<vmem_shared>> -> memref<400x128xf32, #tpu.memory_space<vmem_shared>>
          tpu.enqueue_dma source(%dma_start3A_94 : memref<400x128xf32, #tpu.memory_space<vmem_shared>>) target(%dma_start3A_91 : memref<400x128xf32, #tpu.memory_space<hbm>>) target_semaphore(%run_scoped3A_88 : memref<!tpu.dma_semaphore, #tpu.memory_space<semaphore_mem>>)
          %dma_wait3A = arith.constant 9600 : i32
          %dma_wait3A_95 = arith.constant 0 : i32
          %dma_wait3A_96 = tpu.memref_slice %arg6[%dma_wait3A, %dma_wait3A_95] : memref<10000x128xf32, #tpu.memory_space<hbm>> -> memref<400x128xf32, #tpu.memory_space<hbm>>
          %dma_wait3A_97 = arith.constant 9600 : i32
          %dma_wait3A_98 = arith.constant 0 : i32
          %dma_wait3A_99 = tpu.memref_slice %arg11[%dma_wait3A_97, %dma_wait3A_98] : memref<10112x128xf32, #tpu.memory_space<vmem_shared>> -> memref<400x128xf32, #tpu.memory_space<vmem_shared>>
          tpu.wait_dma2 semaphore(%run_scoped3A_88 : memref<!tpu.dma_semaphore, #tpu.memory_space<semaphore_mem>>) src(%dma_wait3A_99 : memref<400x128xf32, #tpu.memory_space<vmem_shared>>) dst(%dma_wait3A_96 : memref<400x128xf32, #tpu.memory_space<hbm>>)
          tpu.yield
        }) : () -> ()
      } else {
      }
    } else {
    }
    %eq3A_2 = arith.constant 1 : i32
    %eq3A_3 = arith.cmpi eq, %arg0, %eq3A_2 : i32
    %convert_element_type3A_4 = arith.extui %eq3A_3 : i1 to i32
    %cond3A_5 = arith.constant 0 : i32
    %cond3A_6 = arith.cmpi ne, %convert_element_type3A_4, %cond3A_5 : i32
    scf.if %cond3A_6 {
      %mul3A = arith.constant 320 : i32
      %mul3A_7 = arith.muli %arg1, %mul3A : i32
      %run_scoped3A = arith.constant 0 : i32
      "tpu.region"() ({
        %run_scoped3A_88 = tpu.sem_alloc : memref<!tpu.dma_semaphore, #tpu.memory_space<semaphore_mem>>
        %dma_start3A_89 = arith.constant 0 : i32
        %dma_start3A_90 = arith.constant 0 : i32
        %dma_start3A_91 = tpu.memref_slice %arg8[%run_scoped3A, %dma_start3A_89, %dma_start3A_90] : memref<2x32x64xi32, #tpu.memory_space<vmem>> -> memref<1x32x64xi32, #tpu.memory_space<vmem>>
        %dma_start3A_92 = tpu.memref_squeeze %dma_start3A_91 : memref<1x32x64xi32, #tpu.memory_space<vmem>> -> memref<32x64xi32, #tpu.memory_space<vmem>>
        %dma_start3A_93 = arith.constant 0 : i32
        %dma_start3A_94 = tpu.memref_slice %arg4[%mul3A_7, %dma_start3A_93] : memref<5120x64xi32, #tpu.memory_space<hbm>> -> memref<32x64xi32, #tpu.memory_space<hbm>>
        %dma_start3A_95 = arith.constant 0 : i32
        %dma_start3A_96 = arith.constant 0 : i32
        %dma_start3A_97 = tpu.memref_slice %arg8[%run_scoped3A, %dma_start3A_95, %dma_start3A_96] : memref<2x32x64xi32, #tpu.memory_space<vmem>> -> memref<1x32x64xi32, #tpu.memory_space<vmem>>
        %dma_start3A_98 = tpu.memref_squeeze %dma_start3A_97 : memref<1x32x64xi32, #tpu.memory_space<vmem>> -> memref<32x64xi32, #tpu.memory_space<vmem>>
        %dma_start3A_99 = arith.constant 0 : i32
        %dma_start3A_100 = tpu.memref_slice %arg4[%mul3A_7, %dma_start3A_99] : memref<5120x64xi32, #tpu.memory_space<hbm>> -> memref<32x64xi32, #tpu.memory_space<hbm>>
        tpu.enqueue_dma source(%dma_start3A_100 : memref<32x64xi32, #tpu.memory_space<hbm>>) target(%dma_start3A_98 : memref<32x64xi32, #tpu.memory_space<vmem>>) target_semaphore(%run_scoped3A_88 : memref<!tpu.dma_semaphore, #tpu.memory_space<semaphore_mem>>)
        %dma_wait3A = arith.constant 0 : i32
        %dma_wait3A_101 = arith.constant 0 : i32
        %dma_wait3A_102 = tpu.memref_slice %arg8[%run_scoped3A, %dma_wait3A, %dma_wait3A_101] : memref<2x32x64xi32, #tpu.memory_space<vmem>> -> memref<1x32x64xi32, #tpu.memory_space<vmem>>
        %dma_wait3A_103 = tpu.memref_squeeze %dma_wait3A_102 : memref<1x32x64xi32, #tpu.memory_space<vmem>> -> memref<32x64xi32, #tpu.memory_space<vmem>>
        %dma_wait3A_104 = arith.constant 0 : i32
        %dma_wait3A_105 = tpu.memref_slice %arg4[%mul3A_7, %dma_wait3A_104] : memref<5120x64xi32, #tpu.memory_space<hbm>> -> memref<32x64xi32, #tpu.memory_space<hbm>>
        %dma_wait3A_106 = arith.constant 0 : i32
        %dma_wait3A_107 = arith.constant 0 : i32
        %dma_wait3A_108 = tpu.memref_slice %arg8[%run_scoped3A, %dma_wait3A_106, %dma_wait3A_107] : memref<2x32x64xi32, #tpu.memory_space<vmem>> -> memref<1x32x64xi32, #tpu.memory_space<vmem>>
        %dma_wait3A_109 = tpu.memref_squeeze %dma_wait3A_108 : memref<1x32x64xi32, #tpu.memory_space<vmem>> -> memref<32x64xi32, #tpu.memory_space<vmem>>
        %dma_wait3A_110 = arith.constant 0 : i32
        %dma_wait3A_111 = tpu.memref_slice %arg4[%mul3A_7, %dma_wait3A_110] : memref<5120x64xi32, #tpu.memory_space<hbm>> -> memref<32x64xi32, #tpu.memory_space<hbm>>
        tpu.wait_dma2 semaphore(%run_scoped3A_88 : memref<!tpu.dma_semaphore, #tpu.memory_space<semaphore_mem>>) src(%dma_wait3A_111 : memref<32x64xi32, #tpu.memory_space<hbm>>) dst(%dma_wait3A_109 : memref<32x64xi32, #tpu.memory_space<vmem>>)
        tpu.yield
      }) : () -> ()
      %run_scoped3A_8 = arith.constant 0 : i32
      "tpu.region"() ({
        %run_scoped3A_88 = tpu.sem_alloc : memref<!tpu.dma_semaphore, #tpu.memory_space<semaphore_mem>>
        %dma_start3A_89 = arith.constant 0 : i32
        %dma_start3A_90 = arith.constant 0 : i32
        %dma_start3A_91 = tpu.memref_slice %arg9[%run_scoped3A_8, %dma_start3A_89, %dma_start3A_90] : memref<2x32x64xi32, #tpu.memory_space<vmem>> -> memref<1x32x64xi32, #tpu.memory_space<vmem>>
        %dma_start3A_92 = tpu.memref_squeeze %dma_start3A_91 : memref<1x32x64xi32, #tpu.memory_space<vmem>> -> memref<32x64xi32, #tpu.memory_space<vmem>>
        %dma_start3A_93 = arith.constant 0 : i32
        %dma_start3A_94 = tpu.memref_slice %arg5[%mul3A_7, %dma_start3A_93] : memref<5120x64xi32, #tpu.memory_space<hbm>> -> memref<32x64xi32, #tpu.memory_space<hbm>>
        %dma_start3A_95 = arith.constant 0 : i32
        %dma_start3A_96 = arith.constant 0 : i32
        %dma_start3A_97 = tpu.memref_slice %arg9[%run_scoped3A_8, %dma_start3A_95, %dma_start3A_96] : memref<2x32x64xi32, #tpu.memory_space<vmem>> -> memref<1x32x64xi32, #tpu.memory_space<vmem>>
        %dma_start3A_98 = tpu.memref_squeeze %dma_start3A_97 : memref<1x32x64xi32, #tpu.memory_space<vmem>> -> memref<32x64xi32, #tpu.memory_space<vmem>>
        %dma_start3A_99 = arith.constant 0 : i32
        %dma_start3A_100 = tpu.memref_slice %arg5[%mul3A_7, %dma_start3A_99] : memref<5120x64xi32, #tpu.memory_space<hbm>> -> memref<32x64xi32, #tpu.memory_space<hbm>>
        tpu.enqueue_dma source(%dma_start3A_100 : memref<32x64xi32, #tpu.memory_space<hbm>>) target(%dma_start3A_98 : memref<32x64xi32, #tpu.memory_space<vmem>>) target_semaphore(%run_scoped3A_88 : memref<!tpu.dma_semaphore, #tpu.memory_space<semaphore_mem>>)
        %dma_wait3A = arith.constant 0 : i32
        %dma_wait3A_101 = arith.constant 0 : i32
        %dma_wait3A_102 = tpu.memref_slice %arg9[%run_scoped3A_8, %dma_wait3A, %dma_wait3A_101] : memref<2x32x64xi32, #tpu.memory_space<vmem>> -> memref<1x32x64xi32, #tpu.memory_space<vmem>>
        %dma_wait3A_103 = tpu.memref_squeeze %dma_wait3A_102 : memref<1x32x64xi32, #tpu.memory_space<vmem>> -> memref<32x64xi32, #tpu.memory_space<vmem>>
        %dma_wait3A_104 = arith.constant 0 : i32
        %dma_wait3A_105 = tpu.memref_slice %arg5[%mul3A_7, %dma_wait3A_104] : memref<5120x64xi32, #tpu.memory_space<hbm>> -> memref<32x64xi32, #tpu.memory_space<hbm>>
        %dma_wait3A_106 = arith.constant 0 : i32
        %dma_wait3A_107 = arith.constant 0 : i32
        %dma_wait3A_108 = tpu.memref_slice %arg9[%run_scoped3A_8, %dma_wait3A_106, %dma_wait3A_107] : memref<2x32x64xi32, #tpu.memory_space<vmem>> -> memref<1x32x64xi32, #tpu.memory_space<vmem>>
        %dma_wait3A_109 = tpu.memref_squeeze %dma_wait3A_108 : memref<1x32x64xi32, #tpu.memory_space<vmem>> -> memref<32x64xi32, #tpu.memory_space<vmem>>
        %dma_wait3A_110 = arith.constant 0 : i32
        %dma_wait3A_111 = tpu.memref_slice %arg5[%mul3A_7, %dma_wait3A_110] : memref<5120x64xi32, #tpu.memory_space<hbm>> -> memref<32x64xi32, #tpu.memory_space<hbm>>
        tpu.wait_dma2 semaphore(%run_scoped3A_88 : memref<!tpu.dma_semaphore, #tpu.memory_space<semaphore_mem>>) src(%dma_wait3A_111 : memref<32x64xi32, #tpu.memory_space<hbm>>) dst(%dma_wait3A_109 : memref<32x64xi32, #tpu.memory_space<vmem>>)
        tpu.yield
      }) : () -> ()
      %dma_start3A = arith.constant 0 : i32
      %dma_start3A_9 = arith.constant 0 : i32
      %dma_start3A_10 = arith.constant 0 : i32
      %dma_start3A_11 = arith.constant 0 : i32
      %dma_start3A_12 = arith.constant 0 : i32
      %dma_start3A_13 = tpu.memref_slice %arg10[%dma_start3A_10, %dma_start3A_11, %dma_start3A_12] : memref<4x64x128xf32, #tpu.memory_space<vmem>> -> memref<1x64x128xf32, #tpu.memory_space<vmem>>
      %dma_start3A_14 = tpu.memref_squeeze %dma_start3A_13 : memref<1x64x128xf32, #tpu.memory_space<vmem>> -> memref<64x128xf32, #tpu.memory_space<vmem>>
      %dma_start3A_15 = arith.constant 0 : i32
      %dma_start3A_16 = tpu.memref_slice %arg8[%dma_start3A, %dma_start3A_9, %dma_start3A_15] : memref<2x32x64xi32, #tpu.memory_space<vmem>> -> memref<1x1x64xi32, #tpu.memory_space<vmem>>
      %dma_start3A_17 = tpu.memref_squeeze %dma_start3A_16 : memref<1x1x64xi32, #tpu.memory_space<vmem>> -> memref<64xi32, #tpu.memory_space<vmem>>
      %dma_start3A_18 = arith.constant 0 : i32
      %dma_start3A_19 = arith.constant 0 : i32
      %dma_start3A_20 = tpu.memref_slice %arg3[%dma_start3A_18, %dma_start3A_19] : memref<10000x128xf32, #tpu.memory_space<hbm>> -> memref<10000x128xf32, #tpu.memory_space<hbm>>
      tpu.enqueue_indirect_dma source(%dma_start3A_20 : memref<10000x128xf32, #tpu.memory_space<hbm>>) target(%dma_start3A_14 : memref<64x128xf32, #tpu.memory_space<vmem>>) offsets(%dma_start3A_17 : memref<64xi32, #tpu.memory_space<vmem>>) semaphore(%arg12 : memref<!tpu.dma_semaphore, #tpu.memory_space<semaphore_mem>>)
      %dma_start3A_21 = arith.constant 0 : i32
      %dma_start3A_22 = arith.constant 1 : i32
      %dma_start3A_23 = arith.constant 1 : i32
      %dma_start3A_24 = arith.constant 0 : i32
      %dma_start3A_25 = arith.constant 0 : i32
      %dma_start3A_26 = tpu.memref_slice %arg10[%dma_start3A_23, %dma_start3A_24, %dma_start3A_25] : memref<4x64x128xf32, #tpu.memory_space<vmem>> -> memref<1x64x128xf32, #tpu.memory_space<vmem>>
      %dma_start3A_27 = tpu.memref_squeeze %dma_start3A_26 : memref<1x64x128xf32, #tpu.memory_space<vmem>> -> memref<64x128xf32, #tpu.memory_space<vmem>>
      %dma_start3A_28 = arith.constant 0 : i32
      %dma_start3A_29 = tpu.memref_slice %arg8[%dma_start3A_21, %dma_start3A_22, %dma_start3A_28] : memref<2x32x64xi32, #tpu.memory_space<vmem>> -> memref<1x1x64xi32, #tpu.memory_space<vmem>>
      %dma_start3A_30 = tpu.memref_squeeze %dma_start3A_29 : memref<1x1x64xi32, #tpu.memory_space<vmem>> -> memref<64xi32, #tpu.memory_space<vmem>>
      %dma_start3A_31 = arith.constant 0 : i32
      %dma_start3A_32 = arith.constant 0 : i32
      %dma_start3A_33 = tpu.memref_slice %arg3[%dma_start3A_31, %dma_start3A_32] : memref<10000x128xf32, #tpu.memory_space<hbm>> -> memref<10000x128xf32, #tpu.memory_space<hbm>>
      tpu.enqueue_indirect_dma source(%dma_start3A_33 : memref<10000x128xf32, #tpu.memory_space<hbm>>) target(%dma_start3A_27 : memref<64x128xf32, #tpu.memory_space<vmem>>) offsets(%dma_start3A_30 : memref<64xi32, #tpu.memory_space<vmem>>) semaphore(%arg13 : memref<!tpu.dma_semaphore, #tpu.memory_space<semaphore_mem>>)
      %dma_start3A_34 = arith.constant 0 : i32
      %dma_start3A_35 = arith.constant 2 : i32
      %dma_start3A_36 = arith.constant 2 : i32
      %dma_start3A_37 = arith.constant 0 : i32
      %dma_start3A_38 = arith.constant 0 : i32
      %dma_start3A_39 = tpu.memref_slice %arg10[%dma_start3A_36, %dma_start3A_37, %dma_start3A_38] : memref<4x64x128xf32, #tpu.memory_space<vmem>> -> memref<1x64x128xf32, #tpu.memory_space<vmem>>
      %dma_start3A_40 = tpu.memref_squeeze %dma_start3A_39 : memref<1x64x128xf32, #tpu.memory_space<vmem>> -> memref<64x128xf32, #tpu.memory_space<vmem>>
      %dma_start3A_41 = arith.constant 0 : i32
      %dma_start3A_42 = tpu.memref_slice %arg8[%dma_start3A_34, %dma_start3A_35, %dma_start3A_41] : memref<2x32x64xi32, #tpu.memory_space<vmem>> -> memref<1x1x64xi32, #tpu.memory_space<vmem>>
      %dma_start3A_43 = tpu.memref_squeeze %dma_start3A_42 : memref<1x1x64xi32, #tpu.memory_space<vmem>> -> memref<64xi32, #tpu.memory_space<vmem>>
      %dma_start3A_44 = arith.constant 0 : i32
      %dma_start3A_45 = arith.constant 0 : i32
      %dma_start3A_46 = tpu.memref_slice %arg3[%dma_start3A_44, %dma_start3A_45] : memref<10000x128xf32, #tpu.memory_space<hbm>> -> memref<10000x128xf32, #tpu.memory_space<hbm>>
      tpu.enqueue_indirect_dma source(%dma_start3A_46 : memref<10000x128xf32, #tpu.memory_space<hbm>>) target(%dma_start3A_40 : memref<64x128xf32, #tpu.memory_space<vmem>>) offsets(%dma_start3A_43 : memref<64xi32, #tpu.memory_space<vmem>>) semaphore(%arg14 : memref<!tpu.dma_semaphore, #tpu.memory_space<semaphore_mem>>)
      %dma_start3A_47 = arith.constant 0 : i32
      %dma_start3A_48 = arith.constant 3 : i32
      %dma_start3A_49 = arith.constant 3 : i32
      %dma_start3A_50 = arith.constant 0 : i32
      %dma_start3A_51 = arith.constant 0 : i32
      %dma_start3A_52 = tpu.memref_slice %arg10[%dma_start3A_49, %dma_start3A_50, %dma_start3A_51] : memref<4x64x128xf32, #tpu.memory_space<vmem>> -> memref<1x64x128xf32, #tpu.memory_space<vmem>>
      %dma_start3A_53 = tpu.memref_squeeze %dma_start3A_52 : memref<1x64x128xf32, #tpu.memory_space<vmem>> -> memref<64x128xf32, #tpu.memory_space<vmem>>
      %dma_start3A_54 = arith.constant 0 : i32
      %dma_start3A_55 = tpu.memref_slice %arg8[%dma_start3A_47, %dma_start3A_48, %dma_start3A_54] : memref<2x32x64xi32, #tpu.memory_space<vmem>> -> memref<1x1x64xi32, #tpu.memory_space<vmem>>
      %dma_start3A_56 = tpu.memref_squeeze %dma_start3A_55 : memref<1x1x64xi32, #tpu.memory_space<vmem>> -> memref<64xi32, #tpu.memory_space<vmem>>
      %dma_start3A_57 = arith.constant 0 : i32
      %dma_start3A_58 = arith.constant 0 : i32
      %dma_start3A_59 = tpu.memref_slice %arg3[%dma_start3A_57, %dma_start3A_58] : memref<10000x128xf32, #tpu.memory_space<hbm>> -> memref<10000x128xf32, #tpu.memory_space<hbm>>
      tpu.enqueue_indirect_dma source(%dma_start3A_59 : memref<10000x128xf32, #tpu.memory_space<hbm>>) target(%dma_start3A_53 : memref<64x128xf32, #tpu.memory_space<vmem>>) offsets(%dma_start3A_56 : memref<64xi32, #tpu.memory_space<vmem>>) semaphore(%arg15 : memref<!tpu.dma_semaphore, #tpu.memory_space<semaphore_mem>>)
      %lt3A = arith.constant 15 : i32
      %lt3A_60 = arith.cmpi slt, %arg1, %lt3A : i32
      %convert_element_type3A_61 = arith.extui %lt3A_60 : i1 to i32
      %cond3A_62 = arith.constant 0 : i32
      %cond3A_63 = arith.cmpi ne, %convert_element_type3A_61, %cond3A_62 : i32
      scf.if %cond3A_63 {
        %mul3A_88 = arith.constant 640 : i32
        %mul3A_89 = arith.muli %arg1, %mul3A_88 : i32
        %mul3A_90 = arith.constant 640 : i32
        %mul3A_91 = arith.muli %arg1, %mul3A_90 : i32
        "tpu.region"() ({
          %run_scoped3A_92 = tpu.sem_alloc : memref<!tpu.dma_semaphore, #tpu.memory_space<semaphore_mem>>
          %dma_start3A_93 = arith.constant 0 : i32
          %dma_start3A_94 = tpu.memref_slice %arg11[%mul3A_91, %dma_start3A_93] : memref<10112x128xf32, #tpu.memory_space<vmem_shared>> -> memref<640x128xf32, #tpu.memory_space<vmem_shared>>
          %dma_start3A_95 = arith.constant 0 : i32
          %dma_start3A_96 = tpu.memref_slice %arg3[%mul3A_89, %dma_start3A_95] : memref<10000x128xf32, #tpu.memory_space<hbm>> -> memref<640x128xf32, #tpu.memory_space<hbm>>
          tpu.enqueue_dma source(%dma_start3A_96 : memref<640x128xf32, #tpu.memory_space<hbm>>) target(%dma_start3A_94 : memref<640x128xf32, #tpu.memory_space<vmem_shared>>) target_semaphore(%run_scoped3A_92 : memref<!tpu.dma_semaphore, #tpu.memory_space<semaphore_mem>>)
          %dma_wait3A = arith.constant 0 : i32
          %dma_wait3A_97 = tpu.memref_slice %arg11[%mul3A_91, %dma_wait3A] : memref<10112x128xf32, #tpu.memory_space<vmem_shared>> -> memref<640x128xf32, #tpu.memory_space<vmem_shared>>
          %dma_wait3A_98 = arith.constant 0 : i32
          %dma_wait3A_99 = tpu.memref_slice %arg3[%mul3A_89, %dma_wait3A_98] : memref<10000x128xf32, #tpu.memory_space<hbm>> -> memref<640x128xf32, #tpu.memory_space<hbm>>
          tpu.wait_dma2 semaphore(%run_scoped3A_92 : memref<!tpu.dma_semaphore, #tpu.memory_space<semaphore_mem>>) src(%dma_wait3A_99 : memref<640x128xf32, #tpu.memory_space<hbm>>) dst(%dma_wait3A_97 : memref<640x128xf32, #tpu.memory_space<vmem_shared>>)
          tpu.yield
        }) : () -> ()
      } else {
      }
      %eq3A_64 = arith.constant 15 : i32
      %eq3A_65 = arith.cmpi eq, %arg1, %eq3A_64 : i32
      %convert_element_type3A_66 = arith.extui %eq3A_65 : i1 to i32
      %cond3A_67 = arith.constant 0 : i32
      %cond3A_68 = arith.cmpi ne, %convert_element_type3A_66, %cond3A_67 : i32
      scf.if %cond3A_68 {
        "tpu.region"() ({
          %run_scoped3A_88 = tpu.sem_alloc : memref<!tpu.dma_semaphore, #tpu.memory_space<semaphore_mem>>
          %dma_start3A_89 = arith.constant 9600 : i32
          %dma_start3A_90 = arith.constant 0 : i32
          %dma_start3A_91 = tpu.memref_slice %arg11[%dma_start3A_89, %dma_start3A_90] : memref<10112x128xf32, #tpu.memory_space<vmem_shared>> -> memref<400x128xf32, #tpu.memory_space<vmem_shared>>
          %dma_start3A_92 = arith.constant 9600 : i32
          %dma_start3A_93 = arith.constant 0 : i32
          %dma_start3A_94 = tpu.memref_slice %arg3[%dma_start3A_92, %dma_start3A_93] : memref<10000x128xf32, #tpu.memory_space<hbm>> -> memref<400x128xf32, #tpu.memory_space<hbm>>
          tpu.enqueue_dma source(%dma_start3A_94 : memref<400x128xf32, #tpu.memory_space<hbm>>) target(%dma_start3A_91 : memref<400x128xf32, #tpu.memory_space<vmem_shared>>) target_semaphore(%run_scoped3A_88 : memref<!tpu.dma_semaphore, #tpu.memory_space<semaphore_mem>>)
          %dma_wait3A = arith.constant 9600 : i32
          %dma_wait3A_95 = arith.constant 0 : i32
          %dma_wait3A_96 = tpu.memref_slice %arg11[%dma_wait3A, %dma_wait3A_95] : memref<10112x128xf32, #tpu.memory_space<vmem_shared>> -> memref<400x128xf32, #tpu.memory_space<vmem_shared>>
          %dma_wait3A_97 = arith.constant 9600 : i32
          %dma_wait3A_98 = arith.constant 0 : i32
          %dma_wait3A_99 = tpu.memref_slice %arg3[%dma_wait3A_97, %dma_wait3A_98] : memref<10000x128xf32, #tpu.memory_space<hbm>> -> memref<400x128xf32, #tpu.memory_space<hbm>>
          tpu.wait_dma2 semaphore(%run_scoped3A_88 : memref<!tpu.dma_semaphore, #tpu.memory_space<semaphore_mem>>) src(%dma_wait3A_99 : memref<400x128xf32, #tpu.memory_space<hbm>>) dst(%dma_wait3A_96 : memref<400x128xf32, #tpu.memory_space<vmem_shared>>)
          tpu.yield
        }) : () -> ()
      } else {
      }
      %barrier3A = arith.constant 0 : index
      tpu.barrier barrier_id(%barrier3A)
      %mul3A_69 = arith.constant 320 : i32
      %mul3A_70 = arith.muli %arg1, %mul3A_69 : i32
      %scan3A = arith.constant 0 : i32
      %scan3A_71 = arith.constant 0 : i32
      %scan3A_72 = arith.constant 10 : i32
      %scan3A_73 = arith.addi %scan3A_71, %scan3A_72 : i32
      %scan3A_74 = arith.constant 1 : i32
      %scan3A_75 = scf.for %scan3A_88 = %scan3A_71 to %scan3A_73 step %scan3A_74 iter_args(%scan3A_89 = %scan3A) -> (i32)  : i32 {
        %rem3A = arith.constant 2 : i32
        %rem3A_90 = arith.remsi %scan3A_88, %rem3A : i32
        %sub3A = arith.constant 1 : i32
        %sub3A_91 = arith.subi %sub3A, %rem3A_90 : i32
        %lt3A_92 = arith.constant 9 : i32
        %lt3A_93 = arith.cmpi slt, %scan3A_88, %lt3A_92 : i32
        %convert_element_type3A_94 = arith.extui %lt3A_93 : i1 to i32
        %cond3A_95 = arith.constant 0 : i32
        %cond3A_96 = arith.cmpi ne, %convert_element_type3A_94, %cond3A_95 : i32
        scf.if %cond3A_96 {
          %add3A = arith.constant 1 : i32
          %add3A_263 = arith.addi %scan3A_88, %add3A : i32
          %mul3A_264 = arith.constant 32 : i32
          %mul3A_265 = arith.muli %add3A_263, %mul3A_264 : i32
          %add3A_266 = arith.addi %mul3A_70, %mul3A_265 : i32
          %dma_start3A_267 = arith.constant 0 : i32
          %dma_start3A_268 = arith.constant 0 : i32
          %dma_start3A_269 = tpu.memref_slice %arg8[%sub3A_91, %dma_start3A_267, %dma_start3A_268] : memref<2x32x64xi32, #tpu.memory_space<vmem>> -> memref<1x32x64xi32, #tpu.memory_space<vmem>>
          %dma_start3A_270 = tpu.memref_squeeze %dma_start3A_269 : memref<1x32x64xi32, #tpu.memory_space<vmem>> -> memref<32x64xi32, #tpu.memory_space<vmem>>
          %dma_start3A_271 = arith.constant 0 : i32
          %dma_start3A_272 = tpu.memref_slice %arg4[%add3A_266, %dma_start3A_271] : memref<5120x64xi32, #tpu.memory_space<hbm>> -> memref<32x64xi32, #tpu.memory_space<hbm>>
          %dma_start3A_273 = arith.constant 0 : i32
          %dma_start3A_274 = arith.constant 0 : i32
          %dma_start3A_275 = tpu.memref_slice %arg8[%sub3A_91, %dma_start3A_273, %dma_start3A_274] : memref<2x32x64xi32, #tpu.memory_space<vmem>> -> memref<1x32x64xi32, #tpu.memory_space<vmem>>
          %dma_start3A_276 = tpu.memref_squeeze %dma_start3A_275 : memref<1x32x64xi32, #tpu.memory_space<vmem>> -> memref<32x64xi32, #tpu.memory_space<vmem>>
          %dma_start3A_277 = arith.constant 0 : i32
          %dma_start3A_278 = tpu.memref_slice %arg4[%add3A_266, %dma_start3A_277] : memref<5120x64xi32, #tpu.memory_space<hbm>> -> memref<32x64xi32, #tpu.memory_space<hbm>>
          tpu.enqueue_dma source(%dma_start3A_278 : memref<32x64xi32, #tpu.memory_space<hbm>>) target(%dma_start3A_276 : memref<32x64xi32, #tpu.memory_space<vmem>>) target_semaphore(%arg20 : memref<!tpu.dma_semaphore, #tpu.memory_space<semaphore_mem>>)
          %dma_start3A_279 = arith.constant 0 : i32
          %dma_start3A_280 = arith.constant 0 : i32
          %dma_start3A_281 = tpu.memref_slice %arg9[%sub3A_91, %dma_start3A_279, %dma_start3A_280] : memref<2x32x64xi32, #tpu.memory_space<vmem>> -> memref<1x32x64xi32, #tpu.memory_space<vmem>>
          %dma_start3A_282 = tpu.memref_squeeze %dma_start3A_281 : memref<1x32x64xi32, #tpu.memory_space<vmem>> -> memref<32x64xi32, #tpu.memory_space<vmem>>
          %dma_start3A_283 = arith.constant 0 : i32
          %dma_start3A_284 = tpu.memref_slice %arg5[%add3A_266, %dma_start3A_283] : memref<5120x64xi32, #tpu.memory_space<hbm>> -> memref<32x64xi32, #tpu.memory_space<hbm>>
          %dma_start3A_285 = arith.constant 0 : i32
          %dma_start3A_286 = arith.constant 0 : i32
          %dma_start3A_287 = tpu.memref_slice %arg9[%sub3A_91, %dma_start3A_285, %dma_start3A_286] : memref<2x32x64xi32, #tpu.memory_space<vmem>> -> memref<1x32x64xi32, #tpu.memory_space<vmem>>
          %dma_start3A_288 = tpu.memref_squeeze %dma_start3A_287 : memref<1x32x64xi32, #tpu.memory_space<vmem>> -> memref<32x64xi32, #tpu.memory_space<vmem>>
          %dma_start3A_289 = arith.constant 0 : i32
          %dma_start3A_290 = tpu.memref_slice %arg5[%add3A_266, %dma_start3A_289] : memref<5120x64xi32, #tpu.memory_space<hbm>> -> memref<32x64xi32, #tpu.memory_space<hbm>>
          tpu.enqueue_dma source(%dma_start3A_290 : memref<32x64xi32, #tpu.memory_space<hbm>>) target(%dma_start3A_288 : memref<32x64xi32, #tpu.memory_space<vmem>>) target_semaphore(%arg20 : memref<!tpu.dma_semaphore, #tpu.memory_space<semaphore_mem>>)
        } else {
        }
        %scan3A_97 = arith.constant 0 : i32
        %scan3A_98 = arith.constant 0 : i32
        %scan3A_99 = arith.constant 7 : i32
        %scan3A_100 = arith.addi %scan3A_98, %scan3A_99 : i32
        %scan3A_101 = arith.constant 1 : i32
        %scan3A_102 = scf.for %scan3A_263 = %scan3A_98 to %scan3A_100 step %scan3A_101 iter_args(%scan3A_264 = %scan3A_97) -> (i32)  : i32 {
          %mul3A_265 = arith.constant 4 : i32
          %mul3A_266 = arith.muli %scan3A_263, %mul3A_265 : i32
          %add3A = arith.constant 0 : i32
          %add3A_267 = arith.addi %mul3A_266, %add3A : i32
          %dma_wait3A_268 = arith.constant 0 : i32
          %dma_wait3A_269 = arith.constant 0 : i32
          %dma_wait3A_270 = arith.constant 0 : i32
          %dma_wait3A_271 = tpu.memref_slice %arg10[%dma_wait3A_268, %dma_wait3A_269, %dma_wait3A_270] : memref<4x64x128xf32, #tpu.memory_space<vmem>> -> memref<1x64x128xf32, #tpu.memory_space<vmem>>
          %dma_wait3A_272 = tpu.memref_squeeze %dma_wait3A_271 : memref<1x64x128xf32, #tpu.memory_space<vmem>> -> memref<64x128xf32, #tpu.memory_space<vmem>>
          %dma_wait3A_273 = arith.constant 0 : i32
          %dma_wait3A_274 = tpu.memref_slice %arg8[%rem3A_90, %add3A_267, %dma_wait3A_273] : memref<2x32x64xi32, #tpu.memory_space<vmem>> -> memref<1x1x64xi32, #tpu.memory_space<vmem>>
          %dma_wait3A_275 = tpu.memref_squeeze %dma_wait3A_274 : memref<1x1x64xi32, #tpu.memory_space<vmem>> -> memref<64xi32, #tpu.memory_space<vmem>>
          %dma_wait3A_276 = arith.constant 0 : i32
          %dma_wait3A_277 = arith.constant 0 : i32
          %dma_wait3A_278 = tpu.memref_slice %arg3[%dma_wait3A_276, %dma_wait3A_277] : memref<10000x128xf32, #tpu.memory_space<hbm>> -> memref<10000x128xf32, #tpu.memory_space<hbm>>
          tpu.wait_indirect_dma semaphore(%arg12 : memref<!tpu.dma_semaphore, #tpu.memory_space<semaphore_mem>>) src(%dma_wait3A_278 : memref<10000x128xf32, #tpu.memory_space<hbm>>) dst(%dma_wait3A_272 : memref<64x128xf32, #tpu.memory_space<vmem>>)
          %dma_start3A_279 = arith.constant 0 : i32
          %dma_start3A_280 = arith.constant 0 : i32
          %dma_start3A_281 = arith.constant 0 : i32
          %dma_start3A_282 = tpu.memref_slice %arg10[%dma_start3A_279, %dma_start3A_280, %dma_start3A_281] : memref<4x64x128xf32, #tpu.memory_space<vmem>> -> memref<1x64x128xf32, #tpu.memory_space<vmem>>
          %dma_start3A_283 = tpu.memref_squeeze %dma_start3A_282 : memref<1x64x128xf32, #tpu.memory_space<vmem>> -> memref<64x128xf32, #tpu.memory_space<vmem>>
          %dma_start3A_284 = arith.constant 0 : i32
          %dma_start3A_285 = tpu.memref_slice %arg9[%rem3A_90, %add3A_267, %dma_start3A_284] : memref<2x32x64xi32, #tpu.memory_space<vmem>> -> memref<1x1x64xi32, #tpu.memory_space<vmem>>
          %dma_start3A_286 = tpu.memref_squeeze %dma_start3A_285 : memref<1x1x64xi32, #tpu.memory_space<vmem>> -> memref<64xi32, #tpu.memory_space<vmem>>
          %dma_start3A_287 = arith.constant 0 : i32
          %dma_start3A_288 = arith.constant 0 : i32
          %dma_start3A_289 = tpu.memref_slice %arg11[%dma_start3A_287, %dma_start3A_288] : memref<10112x128xf32, #tpu.memory_space<vmem_shared>> -> memref<10112x128xf32, #tpu.memory_space<vmem_shared>>
          tpu.enqueue_indirect_dma source(%dma_start3A_283 : memref<64x128xf32, #tpu.memory_space<vmem>>) target(%dma_start3A_289 : memref<10112x128xf32, #tpu.memory_space<vmem_shared>>) offsets(%dma_start3A_286 : memref<64xi32, #tpu.memory_space<vmem>>) semaphore(%arg16 : memref<!tpu.dma_semaphore, #tpu.memory_space<semaphore_mem>>) {add = true}
          %mul3A_290 = arith.constant 4 : i32
          %mul3A_291 = arith.muli %scan3A_263, %mul3A_290 : i32
          %add3A_292 = arith.constant 1 : i32
          %add3A_293 = arith.addi %mul3A_291, %add3A_292 : i32
          %dma_wait3A_294 = arith.constant 1 : i32
          %dma_wait3A_295 = arith.constant 0 : i32
          %dma_wait3A_296 = arith.constant 0 : i32
          %dma_wait3A_297 = tpu.memref_slice %arg10[%dma_wait3A_294, %dma_wait3A_295, %dma_wait3A_296] : memref<4x64x128xf32, #tpu.memory_space<vmem>> -> memref<1x64x128xf32, #tpu.memory_space<vmem>>
          %dma_wait3A_298 = tpu.memref_squeeze %dma_wait3A_297 : memref<1x64x128xf32, #tpu.memory_space<vmem>> -> memref<64x128xf32, #tpu.memory_space<vmem>>
          %dma_wait3A_299 = arith.constant 0 : i32
          %dma_wait3A_300 = tpu.memref_slice %arg8[%rem3A_90, %add3A_293, %dma_wait3A_299] : memref<2x32x64xi32, #tpu.memory_space<vmem>> -> memref<1x1x64xi32, #tpu.memory_space<vmem>>
          %dma_wait3A_301 = tpu.memref_squeeze %dma_wait3A_300 : memref<1x1x64xi32, #tpu.memory_space<vmem>> -> memref<64xi32, #tpu.memory_space<vmem>>
          %dma_wait3A_302 = arith.constant 0 : i32
          %dma_wait3A_303 = arith.constant 0 : i32
          %dma_wait3A_304 = tpu.memref_slice %arg3[%dma_wait3A_302, %dma_wait3A_303] : memref<10000x128xf32, #tpu.memory_space<hbm>> -> memref<10000x128xf32, #tpu.memory_space<hbm>>
          tpu.wait_indirect_dma semaphore(%arg13 : memref<!tpu.dma_semaphore, #tpu.memory_space<semaphore_mem>>) src(%dma_wait3A_304 : memref<10000x128xf32, #tpu.memory_space<hbm>>) dst(%dma_wait3A_298 : memref<64x128xf32, #tpu.memory_space<vmem>>)
          %dma_start3A_305 = arith.constant 1 : i32
          %dma_start3A_306 = arith.constant 0 : i32
          %dma_start3A_307 = arith.constant 0 : i32
          %dma_start3A_308 = tpu.memref_slice %arg10[%dma_start3A_305, %dma_start3A_306, %dma_start3A_307] : memref<4x64x128xf32, #tpu.memory_space<vmem>> -> memref<1x64x128xf32, #tpu.memory_space<vmem>>
          %dma_start3A_309 = tpu.memref_squeeze %dma_start3A_308 : memref<1x64x128xf32, #tpu.memory_space<vmem>> -> memref<64x128xf32, #tpu.memory_space<vmem>>
          %dma_start3A_310 = arith.constant 0 : i32
          %dma_start3A_311 = tpu.memref_slice %arg9[%rem3A_90, %add3A_293, %dma_start3A_310] : memref<2x32x64xi32, #tpu.memory_space<vmem>> -> memref<1x1x64xi32, #tpu.memory_space<vmem>>
          %dma_start3A_312 = tpu.memref_squeeze %dma_start3A_311 : memref<1x1x64xi32, #tpu.memory_space<vmem>> -> memref<64xi32, #tpu.memory_space<vmem>>
          %dma_start3A_313 = arith.constant 0 : i32
          %dma_start3A_314 = arith.constant 0 : i32
          %dma_start3A_315 = tpu.memref_slice %arg11[%dma_start3A_313, %dma_start3A_314] : memref<10112x128xf32, #tpu.memory_space<vmem_shared>> -> memref<10112x128xf32, #tpu.memory_space<vmem_shared>>
          tpu.enqueue_indirect_dma source(%dma_start3A_309 : memref<64x128xf32, #tpu.memory_space<vmem>>) target(%dma_start3A_315 : memref<10112x128xf32, #tpu.memory_space<vmem_shared>>) offsets(%dma_start3A_312 : memref<64xi32, #tpu.memory_space<vmem>>) semaphore(%arg17 : memref<!tpu.dma_semaphore, #tpu.memory_space<semaphore_mem>>) {add = true}
          %mul3A_316 = arith.constant 4 : i32
          %mul3A_317 = arith.muli %scan3A_263, %mul3A_316 : i32
          %add3A_318 = arith.constant 2 : i32
          %add3A_319 = arith.addi %mul3A_317, %add3A_318 : i32
          %dma_wait3A_320 = arith.constant 2 : i32
          %dma_wait3A_321 = arith.constant 0 : i32
          %dma_wait3A_322 = arith.constant 0 : i32
          %dma_wait3A_323 = tpu.memref_slice %arg10[%dma_wait3A_320, %dma_wait3A_321, %dma_wait3A_322] : memref<4x64x128xf32, #tpu.memory_space<vmem>> -> memref<1x64x128xf32, #tpu.memory_space<vmem>>
          %dma_wait3A_324 = tpu.memref_squeeze %dma_wait3A_323 : memref<1x64x128xf32, #tpu.memory_space<vmem>> -> memref<64x128xf32, #tpu.memory_space<vmem>>
          %dma_wait3A_325 = arith.constant 0 : i32
          %dma_wait3A_326 = tpu.memref_slice %arg8[%rem3A_90, %add3A_319, %dma_wait3A_325] : memref<2x32x64xi32, #tpu.memory_space<vmem>> -> memref<1x1x64xi32, #tpu.memory_space<vmem>>
          %dma_wait3A_327 = tpu.memref_squeeze %dma_wait3A_326 : memref<1x1x64xi32, #tpu.memory_space<vmem>> -> memref<64xi32, #tpu.memory_space<vmem>>
          %dma_wait3A_328 = arith.constant 0 : i32
          %dma_wait3A_329 = arith.constant 0 : i32
          %dma_wait3A_330 = tpu.memref_slice %arg3[%dma_wait3A_328, %dma_wait3A_329] : memref<10000x128xf32, #tpu.memory_space<hbm>> -> memref<10000x128xf32, #tpu.memory_space<hbm>>
          tpu.wait_indirect_dma semaphore(%arg14 : memref<!tpu.dma_semaphore, #tpu.memory_space<semaphore_mem>>) src(%dma_wait3A_330 : memref<10000x128xf32, #tpu.memory_space<hbm>>) dst(%dma_wait3A_324 : memref<64x128xf32, #tpu.memory_space<vmem>>)
          %dma_start3A_331 = arith.constant 2 : i32
          %dma_start3A_332 = arith.constant 0 : i32
          %dma_start3A_333 = arith.constant 0 : i32
          %dma_start3A_334 = tpu.memref_slice %arg10[%dma_start3A_331, %dma_start3A_332, %dma_start3A_333] : memref<4x64x128xf32, #tpu.memory_space<vmem>> -> memref<1x64x128xf32, #tpu.memory_space<vmem>>
          %dma_start3A_335 = tpu.memref_squeeze %dma_start3A_334 : memref<1x64x128xf32, #tpu.memory_space<vmem>> -> memref<64x128xf32, #tpu.memory_space<vmem>>
          %dma_start3A_336 = arith.constant 0 : i32
          %dma_start3A_337 = tpu.memref_slice %arg9[%rem3A_90, %add3A_319, %dma_start3A_336] : memref<2x32x64xi32, #tpu.memory_space<vmem>> -> memref<1x1x64xi32, #tpu.memory_space<vmem>>
          %dma_start3A_338 = tpu.memref_squeeze %dma_start3A_337 : memref<1x1x64xi32, #tpu.memory_space<vmem>> -> memref<64xi32, #tpu.memory_space<vmem>>
          %dma_start3A_339 = arith.constant 0 : i32
          %dma_start3A_340 = arith.constant 0 : i32
          %dma_start3A_341 = tpu.memref_slice %arg11[%dma_start3A_339, %dma_start3A_340] : memref<10112x128xf32, #tpu.memory_space<vmem_shared>> -> memref<10112x128xf32, #tpu.memory_space<vmem_shared>>
          tpu.enqueue_indirect_dma source(%dma_start3A_335 : memref<64x128xf32, #tpu.memory_space<vmem>>) target(%dma_start3A_341 : memref<10112x128xf32, #tpu.memory_space<vmem_shared>>) offsets(%dma_start3A_338 : memref<64xi32, #tpu.memory_space<vmem>>) semaphore(%arg18 : memref<!tpu.dma_semaphore, #tpu.memory_space<semaphore_mem>>) {add = true}
          %mul3A_342 = arith.constant 4 : i32
          %mul3A_343 = arith.muli %scan3A_263, %mul3A_342 : i32
          %add3A_344 = arith.constant 3 : i32
          %add3A_345 = arith.addi %mul3A_343, %add3A_344 : i32
          %dma_wait3A_346 = arith.constant 3 : i32
          %dma_wait3A_347 = arith.constant 0 : i32
          %dma_wait3A_348 = arith.constant 0 : i32
          %dma_wait3A_349 = tpu.memref_slice %arg10[%dma_wait3A_346, %dma_wait3A_347, %dma_wait3A_348] : memref<4x64x128xf32, #tpu.memory_space<vmem>> -> memref<1x64x128xf32, #tpu.memory_space<vmem>>
          %dma_wait3A_350 = tpu.memref_squeeze %dma_wait3A_349 : memref<1x64x128xf32, #tpu.memory_space<vmem>> -> memref<64x128xf32, #tpu.memory_space<vmem>>
          %dma_wait3A_351 = arith.constant 0 : i32
          %dma_wait3A_352 = tpu.memref_slice %arg8[%rem3A_90, %add3A_345, %dma_wait3A_351] : memref<2x32x64xi32, #tpu.memory_space<vmem>> -> memref<1x1x64xi32, #tpu.memory_space<vmem>>
          %dma_wait3A_353 = tpu.memref_squeeze %dma_wait3A_352 : memref<1x1x64xi32, #tpu.memory_space<vmem>> -> memref<64xi32, #tpu.memory_space<vmem>>
          %dma_wait3A_354 = arith.constant 0 : i32
          %dma_wait3A_355 = arith.constant 0 : i32
          %dma_wait3A_356 = tpu.memref_slice %arg3[%dma_wait3A_354, %dma_wait3A_355] : memref<10000x128xf32, #tpu.memory_space<hbm>> -> memref<10000x128xf32, #tpu.memory_space<hbm>>
          tpu.wait_indirect_dma semaphore(%arg15 : memref<!tpu.dma_semaphore, #tpu.memory_space<semaphore_mem>>) src(%dma_wait3A_356 : memref<10000x128xf32, #tpu.memory_space<hbm>>) dst(%dma_wait3A_350 : memref<64x128xf32, #tpu.memory_space<vmem>>)
          %dma_start3A_357 = arith.constant 3 : i32
          %dma_start3A_358 = arith.constant 0 : i32
          %dma_start3A_359 = arith.constant 0 : i32
          %dma_start3A_360 = tpu.memref_slice %arg10[%dma_start3A_357, %dma_start3A_358, %dma_start3A_359] : memref<4x64x128xf32, #tpu.memory_space<vmem>> -> memref<1x64x128xf32, #tpu.memory_space<vmem>>
          %dma_start3A_361 = tpu.memref_squeeze %dma_start3A_360 : memref<1x64x128xf32, #tpu.memory_space<vmem>> -> memref<64x128xf32, #tpu.memory_space<vmem>>
          %dma_start3A_362 = arith.constant 0 : i32
          %dma_start3A_363 = tpu.memref_slice %arg9[%rem3A_90, %add3A_345, %dma_start3A_362] : memref<2x32x64xi32, #tpu.memory_space<vmem>> -> memref<1x1x64xi32, #tpu.memory_space<vmem>>
          %dma_start3A_364 = tpu.memref_squeeze %dma_start3A_363 : memref<1x1x64xi32, #tpu.memory_space<vmem>> -> memref<64xi32, #tpu.memory_space<vmem>>
          %dma_start3A_365 = arith.constant 0 : i32
          %dma_start3A_366 = arith.constant 0 : i32
          %dma_start3A_367 = tpu.memref_slice %arg11[%dma_start3A_365, %dma_start3A_366] : memref<10112x128xf32, #tpu.memory_space<vmem_shared>> -> memref<10112x128xf32, #tpu.memory_space<vmem_shared>>
          tpu.enqueue_indirect_dma source(%dma_start3A_361 : memref<64x128xf32, #tpu.memory_space<vmem>>) target(%dma_start3A_367 : memref<10112x128xf32, #tpu.memory_space<vmem_shared>>) offsets(%dma_start3A_364 : memref<64xi32, #tpu.memory_space<vmem>>) semaphore(%arg19 : memref<!tpu.dma_semaphore, #tpu.memory_space<semaphore_mem>>) {add = true}
          %mul3A_368 = arith.constant 4 : i32
          %mul3A_369 = arith.muli %scan3A_263, %mul3A_368 : i32
          %add3A_370 = arith.constant 0 : i32
          %add3A_371 = arith.addi %mul3A_369, %add3A_370 : i32
          %dma_wait3A_372 = arith.constant 0 : i32
          %dma_wait3A_373 = arith.constant 0 : i32
          %dma_wait3A_374 = arith.constant 0 : i32
          %dma_wait3A_375 = tpu.memref_slice %arg10[%dma_wait3A_372, %dma_wait3A_373, %dma_wait3A_374] : memref<4x64x128xf32, #tpu.memory_space<vmem>> -> memref<1x64x128xf32, #tpu.memory_space<vmem>>
          %dma_wait3A_376 = tpu.memref_squeeze %dma_wait3A_375 : memref<1x64x128xf32, #tpu.memory_space<vmem>> -> memref<64x128xf32, #tpu.memory_space<vmem>>
          %dma_wait3A_377 = arith.constant 0 : i32
          %dma_wait3A_378 = tpu.memref_slice %arg9[%rem3A_90, %add3A_371, %dma_wait3A_377] : memref<2x32x64xi32, #tpu.memory_space<vmem>> -> memref<1x1x64xi32, #tpu.memory_space<vmem>>
          %dma_wait3A_379 = tpu.memref_squeeze %dma_wait3A_378 : memref<1x1x64xi32, #tpu.memory_space<vmem>> -> memref<64xi32, #tpu.memory_space<vmem>>
          %dma_wait3A_380 = arith.constant 0 : i32
          %dma_wait3A_381 = arith.constant 0 : i32
          %dma_wait3A_382 = tpu.memref_slice %arg11[%dma_wait3A_380, %dma_wait3A_381] : memref<10112x128xf32, #tpu.memory_space<vmem_shared>> -> memref<10112x128xf32, #tpu.memory_space<vmem_shared>>
          tpu.wait_indirect_dma semaphore(%arg16 : memref<!tpu.dma_semaphore, #tpu.memory_space<semaphore_mem>>) src(%dma_wait3A_376 : memref<64x128xf32, #tpu.memory_space<vmem>>) dst(%dma_wait3A_382 : memref<10112x128xf32, #tpu.memory_space<vmem_shared>>)
          %add3A_383 = arith.constant 4 : i32
          %add3A_384 = arith.addi %add3A_371, %add3A_383 : i32
          %dma_start3A_385 = arith.constant 0 : i32
          %dma_start3A_386 = arith.constant 0 : i32
          %dma_start3A_387 = arith.constant 0 : i32
          %dma_start3A_388 = tpu.memref_slice %arg10[%dma_start3A_385, %dma_start3A_386, %dma_start3A_387] : memref<4x64x128xf32, #tpu.memory_space<vmem>> -> memref<1x64x128xf32, #tpu.memory_space<vmem>>
          %dma_start3A_389 = tpu.memref_squeeze %dma_start3A_388 : memref<1x64x128xf32, #tpu.memory_space<vmem>> -> memref<64x128xf32, #tpu.memory_space<vmem>>
          %dma_start3A_390 = arith.constant 0 : i32
          %dma_start3A_391 = tpu.memref_slice %arg8[%rem3A_90, %add3A_384, %dma_start3A_390] : memref<2x32x64xi32, #tpu.memory_space<vmem>> -> memref<1x1x64xi32, #tpu.memory_space<vmem>>
          %dma_start3A_392 = tpu.memref_squeeze %dma_start3A_391 : memref<1x1x64xi32, #tpu.memory_space<vmem>> -> memref<64xi32, #tpu.memory_space<vmem>>
          %dma_start3A_393 = arith.constant 0 : i32
          %dma_start3A_394 = arith.constant 0 : i32
          %dma_start3A_395 = tpu.memref_slice %arg3[%dma_start3A_393, %dma_start3A_394] : memref<10000x128xf32, #tpu.memory_space<hbm>> -> memref<10000x128xf32, #tpu.memory_space<hbm>>
          tpu.enqueue_indirect_dma source(%dma_start3A_395 : memref<10000x128xf32, #tpu.memory_space<hbm>>) target(%dma_start3A_389 : memref<64x128xf32, #tpu.memory_space<vmem>>) offsets(%dma_start3A_392 : memref<64xi32, #tpu.memory_space<vmem>>) semaphore(%arg12 : memref<!tpu.dma_semaphore, #tpu.memory_space<semaphore_mem>>)
          %mul3A_396 = arith.constant 4 : i32
          %mul3A_397 = arith.muli %scan3A_263, %mul3A_396 : i32
          %add3A_398 = arith.constant 1 : i32
          %add3A_399 = arith.addi %mul3A_397, %add3A_398 : i32
          %dma_wait3A_400 = arith.constant 1 : i32
          %dma_wait3A_401 = arith.constant 0 : i32
          %dma_wait3A_402 = arith.constant 0 : i32
          %dma_wait3A_403 = tpu.memref_slice %arg10[%dma_wait3A_400, %dma_wait3A_401, %dma_wait3A_402] : memref<4x64x128xf32, #tpu.memory_space<vmem>> -> memref<1x64x128xf32, #tpu.memory_space<vmem>>
          %dma_wait3A_404 = tpu.memref_squeeze %dma_wait3A_403 : memref<1x64x128xf32, #tpu.memory_space<vmem>> -> memref<64x128xf32, #tpu.memory_space<vmem>>
          %dma_wait3A_405 = arith.constant 0 : i32
          %dma_wait3A_406 = tpu.memref_slice %arg9[%rem3A_90, %add3A_399, %dma_wait3A_405] : memref<2x32x64xi32, #tpu.memory_space<vmem>> -> memref<1x1x64xi32, #tpu.memory_space<vmem>>
          %dma_wait3A_407 = tpu.memref_squeeze %dma_wait3A_406 : memref<1x1x64xi32, #tpu.memory_space<vmem>> -> memref<64xi32, #tpu.memory_space<vmem>>
          %dma_wait3A_408 = arith.constant 0 : i32
          %dma_wait3A_409 = arith.constant 0 : i32
          %dma_wait3A_410 = tpu.memref_slice %arg11[%dma_wait3A_408, %dma_wait3A_409] : memref<10112x128xf32, #tpu.memory_space<vmem_shared>> -> memref<10112x128xf32, #tpu.memory_space<vmem_shared>>
          tpu.wait_indirect_dma semaphore(%arg17 : memref<!tpu.dma_semaphore, #tpu.memory_space<semaphore_mem>>) src(%dma_wait3A_404 : memref<64x128xf32, #tpu.memory_space<vmem>>) dst(%dma_wait3A_410 : memref<10112x128xf32, #tpu.memory_space<vmem_shared>>)
          %add3A_411 = arith.constant 4 : i32
          %add3A_412 = arith.addi %add3A_399, %add3A_411 : i32
          %dma_start3A_413 = arith.constant 1 : i32
          %dma_start3A_414 = arith.constant 0 : i32
          %dma_start3A_415 = arith.constant 0 : i32
          %dma_start3A_416 = tpu.memref_slice %arg10[%dma_start3A_413, %dma_start3A_414, %dma_start3A_415] : memref<4x64x128xf32, #tpu.memory_space<vmem>> -> memref<1x64x128xf32, #tpu.memory_space<vmem>>
          %dma_start3A_417 = tpu.memref_squeeze %dma_start3A_416 : memref<1x64x128xf32, #tpu.memory_space<vmem>> -> memref<64x128xf32, #tpu.memory_space<vmem>>
          %dma_start3A_418 = arith.constant 0 : i32
          %dma_start3A_419 = tpu.memref_slice %arg8[%rem3A_90, %add3A_412, %dma_start3A_418] : memref<2x32x64xi32, #tpu.memory_space<vmem>> -> memref<1x1x64xi32, #tpu.memory_space<vmem>>
          %dma_start3A_420 = tpu.memref_squeeze %dma_start3A_419 : memref<1x1x64xi32, #tpu.memory_space<vmem>> -> memref<64xi32, #tpu.memory_space<vmem>>
          %dma_start3A_421 = arith.constant 0 : i32
          %dma_start3A_422 = arith.constant 0 : i32
          %dma_start3A_423 = tpu.memref_slice %arg3[%dma_start3A_421, %dma_start3A_422] : memref<10000x128xf32, #tpu.memory_space<hbm>> -> memref<10000x128xf32, #tpu.memory_space<hbm>>
          tpu.enqueue_indirect_dma source(%dma_start3A_423 : memref<10000x128xf32, #tpu.memory_space<hbm>>) target(%dma_start3A_417 : memref<64x128xf32, #tpu.memory_space<vmem>>) offsets(%dma_start3A_420 : memref<64xi32, #tpu.memory_space<vmem>>) semaphore(%arg13 : memref<!tpu.dma_semaphore, #tpu.memory_space<semaphore_mem>>)
          %mul3A_424 = arith.constant 4 : i32
          %mul3A_425 = arith.muli %scan3A_263, %mul3A_424 : i32
          %add3A_426 = arith.constant 2 : i32
          %add3A_427 = arith.addi %mul3A_425, %add3A_426 : i32
          %dma_wait3A_428 = arith.constant 2 : i32
          %dma_wait3A_429 = arith.constant 0 : i32
          %dma_wait3A_430 = arith.constant 0 : i32
          %dma_wait3A_431 = tpu.memref_slice %arg10[%dma_wait3A_428, %dma_wait3A_429, %dma_wait3A_430] : memref<4x64x128xf32, #tpu.memory_space<vmem>> -> memref<1x64x128xf32, #tpu.memory_space<vmem>>
          %dma_wait3A_432 = tpu.memref_squeeze %dma_wait3A_431 : memref<1x64x128xf32, #tpu.memory_space<vmem>> -> memref<64x128xf32, #tpu.memory_space<vmem>>
          %dma_wait3A_433 = arith.constant 0 : i32
          %dma_wait3A_434 = tpu.memref_slice %arg9[%rem3A_90, %add3A_427, %dma_wait3A_433] : memref<2x32x64xi32, #tpu.memory_space<vmem>> -> memref<1x1x64xi32, #tpu.memory_space<vmem>>
          %dma_wait3A_435 = tpu.memref_squeeze %dma_wait3A_434 : memref<1x1x64xi32, #tpu.memory_space<vmem>> -> memref<64xi32, #tpu.memory_space<vmem>>
          %dma_wait3A_436 = arith.constant 0 : i32
          %dma_wait3A_437 = arith.constant 0 : i32
          %dma_wait3A_438 = tpu.memref_slice %arg11[%dma_wait3A_436, %dma_wait3A_437] : memref<10112x128xf32, #tpu.memory_space<vmem_shared>> -> memref<10112x128xf32, #tpu.memory_space<vmem_shared>>
          tpu.wait_indirect_dma semaphore(%arg18 : memref<!tpu.dma_semaphore, #tpu.memory_space<semaphore_mem>>) src(%dma_wait3A_432 : memref<64x128xf32, #tpu.memory_space<vmem>>) dst(%dma_wait3A_438 : memref<10112x128xf32, #tpu.memory_space<vmem_shared>>)
          %add3A_439 = arith.constant 4 : i32
          %add3A_440 = arith.addi %add3A_427, %add3A_439 : i32
          %dma_start3A_441 = arith.constant 2 : i32
          %dma_start3A_442 = arith.constant 0 : i32
          %dma_start3A_443 = arith.constant 0 : i32
          %dma_start3A_444 = tpu.memref_slice %arg10[%dma_start3A_441, %dma_start3A_442, %dma_start3A_443] : memref<4x64x128xf32, #tpu.memory_space<vmem>> -> memref<1x64x128xf32, #tpu.memory_space<vmem>>
          %dma_start3A_445 = tpu.memref_squeeze %dma_start3A_444 : memref<1x64x128xf32, #tpu.memory_space<vmem>> -> memref<64x128xf32, #tpu.memory_space<vmem>>
          %dma_start3A_446 = arith.constant 0 : i32
          %dma_start3A_447 = tpu.memref_slice %arg8[%rem3A_90, %add3A_440, %dma_start3A_446] : memref<2x32x64xi32, #tpu.memory_space<vmem>> -> memref<1x1x64xi32, #tpu.memory_space<vmem>>
          %dma_start3A_448 = tpu.memref_squeeze %dma_start3A_447 : memref<1x1x64xi32, #tpu.memory_space<vmem>> -> memref<64xi32, #tpu.memory_space<vmem>>
          %dma_start3A_449 = arith.constant 0 : i32
          %dma_start3A_450 = arith.constant 0 : i32
          %dma_start3A_451 = tpu.memref_slice %arg3[%dma_start3A_449, %dma_start3A_450] : memref<10000x128xf32, #tpu.memory_space<hbm>> -> memref<10000x128xf32, #tpu.memory_space<hbm>>
          tpu.enqueue_indirect_dma source(%dma_start3A_451 : memref<10000x128xf32, #tpu.memory_space<hbm>>) target(%dma_start3A_445 : memref<64x128xf32, #tpu.memory_space<vmem>>) offsets(%dma_start3A_448 : memref<64xi32, #tpu.memory_space<vmem>>) semaphore(%arg14 : memref<!tpu.dma_semaphore, #tpu.memory_space<semaphore_mem>>)
          %mul3A_452 = arith.constant 4 : i32
          %mul3A_453 = arith.muli %scan3A_263, %mul3A_452 : i32
          %add3A_454 = arith.constant 3 : i32
          %add3A_455 = arith.addi %mul3A_453, %add3A_454 : i32
          %dma_wait3A_456 = arith.constant 3 : i32
          %dma_wait3A_457 = arith.constant 0 : i32
          %dma_wait3A_458 = arith.constant 0 : i32
          %dma_wait3A_459 = tpu.memref_slice %arg10[%dma_wait3A_456, %dma_wait3A_457, %dma_wait3A_458] : memref<4x64x128xf32, #tpu.memory_space<vmem>> -> memref<1x64x128xf32, #tpu.memory_space<vmem>>
          %dma_wait3A_460 = tpu.memref_squeeze %dma_wait3A_459 : memref<1x64x128xf32, #tpu.memory_space<vmem>> -> memref<64x128xf32, #tpu.memory_space<vmem>>
          %dma_wait3A_461 = arith.constant 0 : i32
          %dma_wait3A_462 = tpu.memref_slice %arg9[%rem3A_90, %add3A_455, %dma_wait3A_461] : memref<2x32x64xi32, #tpu.memory_space<vmem>> -> memref<1x1x64xi32, #tpu.memory_space<vmem>>
          %dma_wait3A_463 = tpu.memref_squeeze %dma_wait3A_462 : memref<1x1x64xi32, #tpu.memory_space<vmem>> -> memref<64xi32, #tpu.memory_space<vmem>>
          %dma_wait3A_464 = arith.constant 0 : i32
          %dma_wait3A_465 = arith.constant 0 : i32
          %dma_wait3A_466 = tpu.memref_slice %arg11[%dma_wait3A_464, %dma_wait3A_465] : memref<10112x128xf32, #tpu.memory_space<vmem_shared>> -> memref<10112x128xf32, #tpu.memory_space<vmem_shared>>
          tpu.wait_indirect_dma semaphore(%arg19 : memref<!tpu.dma_semaphore, #tpu.memory_space<semaphore_mem>>) src(%dma_wait3A_460 : memref<64x128xf32, #tpu.memory_space<vmem>>) dst(%dma_wait3A_466 : memref<10112x128xf32, #tpu.memory_space<vmem_shared>>)
          %add3A_467 = arith.constant 4 : i32
          %add3A_468 = arith.addi %add3A_455, %add3A_467 : i32
          %dma_start3A_469 = arith.constant 3 : i32
          %dma_start3A_470 = arith.constant 0 : i32
          %dma_start3A_471 = arith.constant 0 : i32
          %dma_start3A_472 = tpu.memref_slice %arg10[%dma_start3A_469, %dma_start3A_470, %dma_start3A_471] : memref<4x64x128xf32, #tpu.memory_space<vmem>> -> memref<1x64x128xf32, #tpu.memory_space<vmem>>
          %dma_start3A_473 = tpu.memref_squeeze %dma_start3A_472 : memref<1x64x128xf32, #tpu.memory_space<vmem>> -> memref<64x128xf32, #tpu.memory_space<vmem>>
          %dma_start3A_474 = arith.constant 0 : i32
          %dma_start3A_475 = tpu.memref_slice %arg8[%rem3A_90, %add3A_468, %dma_start3A_474] : memref<2x32x64xi32, #tpu.memory_space<vmem>> -> memref<1x1x64xi32, #tpu.memory_space<vmem>>
          %dma_start3A_476 = tpu.memref_squeeze %dma_start3A_475 : memref<1x1x64xi32, #tpu.memory_space<vmem>> -> memref<64xi32, #tpu.memory_space<vmem>>
          %dma_start3A_477 = arith.constant 0 : i32
          %dma_start3A_478 = arith.constant 0 : i32
          %dma_start3A_479 = tpu.memref_slice %arg3[%dma_start3A_477, %dma_start3A_478] : memref<10000x128xf32, #tpu.memory_space<hbm>> -> memref<10000x128xf32, #tpu.memory_space<hbm>>
          tpu.enqueue_indirect_dma source(%dma_start3A_479 : memref<10000x128xf32, #tpu.memory_space<hbm>>) target(%dma_start3A_473 : memref<64x128xf32, #tpu.memory_space<vmem>>) offsets(%dma_start3A_476 : memref<64xi32, #tpu.memory_space<vmem>>) semaphore(%arg15 : memref<!tpu.dma_semaphore, #tpu.memory_space<semaphore_mem>>)
          %scan3A_480 = arith.constant 0 : i32
          scf.yield %scan3A_480 : i32
        }
        %scan3A_103 = arith.constant 7 : i32
        %dma_wait3A = arith.constant 28 : i32
        %dma_wait3A_104 = arith.constant 0 : i32
        %dma_wait3A_105 = arith.constant 0 : i32
        %dma_wait3A_106 = arith.constant 0 : i32
        %dma_wait3A_107 = tpu.memref_slice %arg10[%dma_wait3A_104, %dma_wait3A_105, %dma_wait3A_106] : memref<4x64x128xf32, #tpu.memory_space<vmem>> -> memref<1x64x128xf32, #tpu.memory_space<vmem>>
        %dma_wait3A_108 = tpu.memref_squeeze %dma_wait3A_107 : memref<1x64x128xf32, #tpu.memory_space<vmem>> -> memref<64x128xf32, #tpu.memory_space<vmem>>
        %dma_wait3A_109 = arith.constant 0 : i32
        %dma_wait3A_110 = tpu.memref_slice %arg8[%rem3A_90, %dma_wait3A, %dma_wait3A_109] : memref<2x32x64xi32, #tpu.memory_space<vmem>> -> memref<1x1x64xi32, #tpu.memory_space<vmem>>
        %dma_wait3A_111 = tpu.memref_squeeze %dma_wait3A_110 : memref<1x1x64xi32, #tpu.memory_space<vmem>> -> memref<64xi32, #tpu.memory_space<vmem>>
        %dma_wait3A_112 = arith.constant 0 : i32
        %dma_wait3A_113 = arith.constant 0 : i32
        %dma_wait3A_114 = tpu.memref_slice %arg3[%dma_wait3A_112, %dma_wait3A_113] : memref<10000x128xf32, #tpu.memory_space<hbm>> -> memref<10000x128xf32, #tpu.memory_space<hbm>>
        tpu.wait_indirect_dma semaphore(%arg12 : memref<!tpu.dma_semaphore, #tpu.memory_space<semaphore_mem>>) src(%dma_wait3A_114 : memref<10000x128xf32, #tpu.memory_space<hbm>>) dst(%dma_wait3A_108 : memref<64x128xf32, #tpu.memory_space<vmem>>)
        %dma_start3A_115 = arith.constant 0 : i32
        %dma_start3A_116 = arith.constant 28 : i32
        %dma_start3A_117 = arith.constant 0 : i32
        %dma_start3A_118 = arith.constant 0 : i32
        %dma_start3A_119 = tpu.memref_slice %arg10[%dma_start3A_115, %dma_start3A_117, %dma_start3A_118] : memref<4x64x128xf32, #tpu.memory_space<vmem>> -> memref<1x64x128xf32, #tpu.memory_space<vmem>>
        %dma_start3A_120 = tpu.memref_squeeze %dma_start3A_119 : memref<1x64x128xf32, #tpu.memory_space<vmem>> -> memref<64x128xf32, #tpu.memory_space<vmem>>
        %dma_start3A_121 = arith.constant 0 : i32
        %dma_start3A_122 = tpu.memref_slice %arg9[%rem3A_90, %dma_start3A_116, %dma_start3A_121] : memref<2x32x64xi32, #tpu.memory_space<vmem>> -> memref<1x1x64xi32, #tpu.memory_space<vmem>>
        %dma_start3A_123 = tpu.memref_squeeze %dma_start3A_122 : memref<1x1x64xi32, #tpu.memory_space<vmem>> -> memref<64xi32, #tpu.memory_space<vmem>>
        %dma_start3A_124 = arith.constant 0 : i32
        %dma_start3A_125 = arith.constant 0 : i32
        %dma_start3A_126 = tpu.memref_slice %arg11[%dma_start3A_124, %dma_start3A_125] : memref<10112x128xf32, #tpu.memory_space<vmem_shared>> -> memref<10112x128xf32, #tpu.memory_space<vmem_shared>>
        tpu.enqueue_indirect_dma source(%dma_start3A_120 : memref<64x128xf32, #tpu.memory_space<vmem>>) target(%dma_start3A_126 : memref<10112x128xf32, #tpu.memory_space<vmem_shared>>) offsets(%dma_start3A_123 : memref<64xi32, #tpu.memory_space<vmem>>) semaphore(%arg16 : memref<!tpu.dma_semaphore, #tpu.memory_space<semaphore_mem>>) {add = true}
        %dma_wait3A_127 = arith.constant 29 : i32
        %dma_wait3A_128 = arith.constant 1 : i32
        %dma_wait3A_129 = arith.constant 0 : i32
        %dma_wait3A_130 = arith.constant 0 : i32
        %dma_wait3A_131 = tpu.memref_slice %arg10[%dma_wait3A_128, %dma_wait3A_129, %dma_wait3A_130] : memref<4x64x128xf32, #tpu.memory_space<vmem>> -> memref<1x64x128xf32, #tpu.memory_space<vmem>>
        %dma_wait3A_132 = tpu.memref_squeeze %dma_wait3A_131 : memref<1x64x128xf32, #tpu.memory_space<vmem>> -> memref<64x128xf32, #tpu.memory_space<vmem>>
        %dma_wait3A_133 = arith.constant 0 : i32
        %dma_wait3A_134 = tpu.memref_slice %arg8[%rem3A_90, %dma_wait3A_127, %dma_wait3A_133] : memref<2x32x64xi32, #tpu.memory_space<vmem>> -> memref<1x1x64xi32, #tpu.memory_space<vmem>>
        %dma_wait3A_135 = tpu.memref_squeeze %dma_wait3A_134 : memref<1x1x64xi32, #tpu.memory_space<vmem>> -> memref<64xi32, #tpu.memory_space<vmem>>
        %dma_wait3A_136 = arith.constant 0 : i32
        %dma_wait3A_137 = arith.constant 0 : i32
        %dma_wait3A_138 = tpu.memref_slice %arg3[%dma_wait3A_136, %dma_wait3A_137] : memref<10000x128xf32, #tpu.memory_space<hbm>> -> memref<10000x128xf32, #tpu.memory_space<hbm>>
        tpu.wait_indirect_dma semaphore(%arg13 : memref<!tpu.dma_semaphore, #tpu.memory_space<semaphore_mem>>) src(%dma_wait3A_138 : memref<10000x128xf32, #tpu.memory_space<hbm>>) dst(%dma_wait3A_132 : memref<64x128xf32, #tpu.memory_space<vmem>>)
        %dma_start3A_139 = arith.constant 1 : i32
        %dma_start3A_140 = arith.constant 29 : i32
        %dma_start3A_141 = arith.constant 0 : i32
        %dma_start3A_142 = arith.constant 0 : i32
        %dma_start3A_143 = tpu.memref_slice %arg10[%dma_start3A_139, %dma_start3A_141, %dma_start3A_142] : memref<4x64x128xf32, #tpu.memory_space<vmem>> -> memref<1x64x128xf32, #tpu.memory_space<vmem>>
        %dma_start3A_144 = tpu.memref_squeeze %dma_start3A_143 : memref<1x64x128xf32, #tpu.memory_space<vmem>> -> memref<64x128xf32, #tpu.memory_space<vmem>>
        %dma_start3A_145 = arith.constant 0 : i32
        %dma_start3A_146 = tpu.memref_slice %arg9[%rem3A_90, %dma_start3A_140, %dma_start3A_145] : memref<2x32x64xi32, #tpu.memory_space<vmem>> -> memref<1x1x64xi32, #tpu.memory_space<vmem>>
        %dma_start3A_147 = tpu.memref_squeeze %dma_start3A_146 : memref<1x1x64xi32, #tpu.memory_space<vmem>> -> memref<64xi32, #tpu.memory_space<vmem>>
        %dma_start3A_148 = arith.constant 0 : i32
        %dma_start3A_149 = arith.constant 0 : i32
        %dma_start3A_150 = tpu.memref_slice %arg11[%dma_start3A_148, %dma_start3A_149] : memref<10112x128xf32, #tpu.memory_space<vmem_shared>> -> memref<10112x128xf32, #tpu.memory_space<vmem_shared>>
        tpu.enqueue_indirect_dma source(%dma_start3A_144 : memref<64x128xf32, #tpu.memory_space<vmem>>) target(%dma_start3A_150 : memref<10112x128xf32, #tpu.memory_space<vmem_shared>>) offsets(%dma_start3A_147 : memref<64xi32, #tpu.memory_space<vmem>>) semaphore(%arg17 : memref<!tpu.dma_semaphore, #tpu.memory_space<semaphore_mem>>) {add = true}
        %dma_wait3A_151 = arith.constant 30 : i32
        %dma_wait3A_152 = arith.constant 2 : i32
        %dma_wait3A_153 = arith.constant 0 : i32
        %dma_wait3A_154 = arith.constant 0 : i32
        %dma_wait3A_155 = tpu.memref_slice %arg10[%dma_wait3A_152, %dma_wait3A_153, %dma_wait3A_154] : memref<4x64x128xf32, #tpu.memory_space<vmem>> -> memref<1x64x128xf32, #tpu.memory_space<vmem>>
        %dma_wait3A_156 = tpu.memref_squeeze %dma_wait3A_155 : memref<1x64x128xf32, #tpu.memory_space<vmem>> -> memref<64x128xf32, #tpu.memory_space<vmem>>
        %dma_wait3A_157 = arith.constant 0 : i32
        %dma_wait3A_158 = tpu.memref_slice %arg8[%rem3A_90, %dma_wait3A_151, %dma_wait3A_157] : memref<2x32x64xi32, #tpu.memory_space<vmem>> -> memref<1x1x64xi32, #tpu.memory_space<vmem>>
        %dma_wait3A_159 = tpu.memref_squeeze %dma_wait3A_158 : memref<1x1x64xi32, #tpu.memory_space<vmem>> -> memref<64xi32, #tpu.memory_space<vmem>>
        %dma_wait3A_160 = arith.constant 0 : i32
        %dma_wait3A_161 = arith.constant 0 : i32
        %dma_wait3A_162 = tpu.memref_slice %arg3[%dma_wait3A_160, %dma_wait3A_161] : memref<10000x128xf32, #tpu.memory_space<hbm>> -> memref<10000x128xf32, #tpu.memory_space<hbm>>
        tpu.wait_indirect_dma semaphore(%arg14 : memref<!tpu.dma_semaphore, #tpu.memory_space<semaphore_mem>>) src(%dma_wait3A_162 : memref<10000x128xf32, #tpu.memory_space<hbm>>) dst(%dma_wait3A_156 : memref<64x128xf32, #tpu.memory_space<vmem>>)
        %dma_start3A_163 = arith.constant 2 : i32
        %dma_start3A_164 = arith.constant 30 : i32
        %dma_start3A_165 = arith.constant 0 : i32
        %dma_start3A_166 = arith.constant 0 : i32
        %dma_start3A_167 = tpu.memref_slice %arg10[%dma_start3A_163, %dma_start3A_165, %dma_start3A_166] : memref<4x64x128xf32, #tpu.memory_space<vmem>> -> memref<1x64x128xf32, #tpu.memory_space<vmem>>
        %dma_start3A_168 = tpu.memref_squeeze %dma_start3A_167 : memref<1x64x128xf32, #tpu.memory_space<vmem>> -> memref<64x128xf32, #tpu.memory_space<vmem>>
        %dma_start3A_169 = arith.constant 0 : i32
        %dma_start3A_170 = tpu.memref_slice %arg9[%rem3A_90, %dma_start3A_164, %dma_start3A_169] : memref<2x32x64xi32, #tpu.memory_space<vmem>> -> memref<1x1x64xi32, #tpu.memory_space<vmem>>
        %dma_start3A_171 = tpu.memref_squeeze %dma_start3A_170 : memref<1x1x64xi32, #tpu.memory_space<vmem>> -> memref<64xi32, #tpu.memory_space<vmem>>
        %dma_start3A_172 = arith.constant 0 : i32
        %dma_start3A_173 = arith.constant 0 : i32
        %dma_start3A_174 = tpu.memref_slice %arg11[%dma_start3A_172, %dma_start3A_173] : memref<10112x128xf32, #tpu.memory_space<vmem_shared>> -> memref<10112x128xf32, #tpu.memory_space<vmem_shared>>
        tpu.enqueue_indirect_dma source(%dma_start3A_168 : memref<64x128xf32, #tpu.memory_space<vmem>>) target(%dma_start3A_174 : memref<10112x128xf32, #tpu.memory_space<vmem_shared>>) offsets(%dma_start3A_171 : memref<64xi32, #tpu.memory_space<vmem>>) semaphore(%arg18 : memref<!tpu.dma_semaphore, #tpu.memory_space<semaphore_mem>>) {add = true}
        %dma_wait3A_175 = arith.constant 31 : i32
        %dma_wait3A_176 = arith.constant 3 : i32
        %dma_wait3A_177 = arith.constant 0 : i32
        %dma_wait3A_178 = arith.constant 0 : i32
        %dma_wait3A_179 = tpu.memref_slice %arg10[%dma_wait3A_176, %dma_wait3A_177, %dma_wait3A_178] : memref<4x64x128xf32, #tpu.memory_space<vmem>> -> memref<1x64x128xf32, #tpu.memory_space<vmem>>
        %dma_wait3A_180 = tpu.memref_squeeze %dma_wait3A_179 : memref<1x64x128xf32, #tpu.memory_space<vmem>> -> memref<64x128xf32, #tpu.memory_space<vmem>>
        %dma_wait3A_181 = arith.constant 0 : i32
        %dma_wait3A_182 = tpu.memref_slice %arg8[%rem3A_90, %dma_wait3A_175, %dma_wait3A_181] : memref<2x32x64xi32, #tpu.memory_space<vmem>> -> memref<1x1x64xi32, #tpu.memory_space<vmem>>
        %dma_wait3A_183 = tpu.memref_squeeze %dma_wait3A_182 : memref<1x1x64xi32, #tpu.memory_space<vmem>> -> memref<64xi32, #tpu.memory_space<vmem>>
        %dma_wait3A_184 = arith.constant 0 : i32
        %dma_wait3A_185 = arith.constant 0 : i32
        %dma_wait3A_186 = tpu.memref_slice %arg3[%dma_wait3A_184, %dma_wait3A_185] : memref<10000x128xf32, #tpu.memory_space<hbm>> -> memref<10000x128xf32, #tpu.memory_space<hbm>>
        tpu.wait_indirect_dma semaphore(%arg15 : memref<!tpu.dma_semaphore, #tpu.memory_space<semaphore_mem>>) src(%dma_wait3A_186 : memref<10000x128xf32, #tpu.memory_space<hbm>>) dst(%dma_wait3A_180 : memref<64x128xf32, #tpu.memory_space<vmem>>)
        %dma_start3A_187 = arith.constant 3 : i32
        %dma_start3A_188 = arith.constant 31 : i32
        %dma_start3A_189 = arith.constant 0 : i32
        %dma_start3A_190 = arith.constant 0 : i32
        %dma_start3A_191 = tpu.memref_slice %arg10[%dma_start3A_187, %dma_start3A_189, %dma_start3A_190] : memref<4x64x128xf32, #tpu.memory_space<vmem>> -> memref<1x64x128xf32, #tpu.memory_space<vmem>>
        %dma_start3A_192 = tpu.memref_squeeze %dma_start3A_191 : memref<1x64x128xf32, #tpu.memory_space<vmem>> -> memref<64x128xf32, #tpu.memory_space<vmem>>
        %dma_start3A_193 = arith.constant 0 : i32
        %dma_start3A_194 = tpu.memref_slice %arg9[%rem3A_90, %dma_start3A_188, %dma_start3A_193] : memref<2x32x64xi32, #tpu.memory_space<vmem>> -> memref<1x1x64xi32, #tpu.memory_space<vmem>>
        %dma_start3A_195 = tpu.memref_squeeze %dma_start3A_194 : memref<1x1x64xi32, #tpu.memory_space<vmem>> -> memref<64xi32, #tpu.memory_space<vmem>>
        %dma_start3A_196 = arith.constant 0 : i32
        %dma_start3A_197 = arith.constant 0 : i32
        %dma_start3A_198 = tpu.memref_slice %arg11[%dma_start3A_196, %dma_start3A_197] : memref<10112x128xf32, #tpu.memory_space<vmem_shared>> -> memref<10112x128xf32, #tpu.memory_space<vmem_shared>>
        tpu.enqueue_indirect_dma source(%dma_start3A_192 : memref<64x128xf32, #tpu.memory_space<vmem>>) target(%dma_start3A_198 : memref<10112x128xf32, #tpu.memory_space<vmem_shared>>) offsets(%dma_start3A_195 : memref<64xi32, #tpu.memory_space<vmem>>) semaphore(%arg19 : memref<!tpu.dma_semaphore, #tpu.memory_space<semaphore_mem>>) {add = true}
        %convert_element_type3A_199 = arith.extui %lt3A_93 : i1 to i32
        %cond3A_200 = arith.constant 0 : i32
        %cond3A_201 = arith.cmpi ne, %convert_element_type3A_199, %cond3A_200 : i32
        scf.if %cond3A_201 {
          %dma_wait3A_263 = arith.constant 0 : i32
          %dma_wait3A_264 = arith.constant 0 : i32
          %dma_wait3A_265 = tpu.memref_slice %arg8[%sub3A_91, %dma_wait3A_263, %dma_wait3A_264] : memref<2x32x64xi32, #tpu.memory_space<vmem>> -> memref<1x32x64xi32, #tpu.memory_space<vmem>>
          %dma_wait3A_266 = tpu.memref_squeeze %dma_wait3A_265 : memref<1x32x64xi32, #tpu.memory_space<vmem>> -> memref<32x64xi32, #tpu.memory_space<vmem>>
          %dma_wait3A_267 = arith.constant 0 : i32
          %dma_wait3A_268 = tpu.memref_slice %arg4[%mul3A_70, %dma_wait3A_267] : memref<5120x64xi32, #tpu.memory_space<hbm>> -> memref<32x64xi32, #tpu.memory_space<hbm>>
          %dma_wait3A_269 = arith.constant 0 : i32
          %dma_wait3A_270 = arith.constant 0 : i32
          %dma_wait3A_271 = tpu.memref_slice %arg8[%sub3A_91, %dma_wait3A_269, %dma_wait3A_270] : memref<2x32x64xi32, #tpu.memory_space<vmem>> -> memref<1x32x64xi32, #tpu.memory_space<vmem>>
          %dma_wait3A_272 = tpu.memref_squeeze %dma_wait3A_271 : memref<1x32x64xi32, #tpu.memory_space<vmem>> -> memref<32x64xi32, #tpu.memory_space<vmem>>
          %dma_wait3A_273 = arith.constant 0 : i32
          %dma_wait3A_274 = tpu.memref_slice %arg4[%mul3A_70, %dma_wait3A_273] : memref<5120x64xi32, #tpu.memory_space<hbm>> -> memref<32x64xi32, #tpu.memory_space<hbm>>
          tpu.wait_dma2 semaphore(%arg20 : memref<!tpu.dma_semaphore, #tpu.memory_space<semaphore_mem>>) src(%dma_wait3A_274 : memref<32x64xi32, #tpu.memory_space<hbm>>) dst(%dma_wait3A_272 : memref<32x64xi32, #tpu.memory_space<vmem>>)
          %dma_wait3A_275 = arith.constant 0 : i32
          %dma_wait3A_276 = arith.constant 0 : i32
          %dma_wait3A_277 = tpu.memref_slice %arg9[%sub3A_91, %dma_wait3A_275, %dma_wait3A_276] : memref<2x32x64xi32, #tpu.memory_space<vmem>> -> memref<1x32x64xi32, #tpu.memory_space<vmem>>
          %dma_wait3A_278 = tpu.memref_squeeze %dma_wait3A_277 : memref<1x32x64xi32, #tpu.memory_space<vmem>> -> memref<32x64xi32, #tpu.memory_space<vmem>>
          %dma_wait3A_279 = arith.constant 0 : i32
          %dma_wait3A_280 = tpu.memref_slice %arg5[%mul3A_70, %dma_wait3A_279] : memref<5120x64xi32, #tpu.memory_space<hbm>> -> memref<32x64xi32, #tpu.memory_space<hbm>>
          %dma_wait3A_281 = arith.constant 0 : i32
          %dma_wait3A_282 = arith.constant 0 : i32
          %dma_wait3A_283 = tpu.memref_slice %arg9[%sub3A_91, %dma_wait3A_281, %dma_wait3A_282] : memref<2x32x64xi32, #tpu.memory_space<vmem>> -> memref<1x32x64xi32, #tpu.memory_space<vmem>>
          %dma_wait3A_284 = tpu.memref_squeeze %dma_wait3A_283 : memref<1x32x64xi32, #tpu.memory_space<vmem>> -> memref<32x64xi32, #tpu.memory_space<vmem>>
          %dma_wait3A_285 = arith.constant 0 : i32
          %dma_wait3A_286 = tpu.memref_slice %arg5[%mul3A_70, %dma_wait3A_285] : memref<5120x64xi32, #tpu.memory_space<hbm>> -> memref<32x64xi32, #tpu.memory_space<hbm>>
          tpu.wait_dma2 semaphore(%arg20 : memref<!tpu.dma_semaphore, #tpu.memory_space<semaphore_mem>>) src(%dma_wait3A_286 : memref<32x64xi32, #tpu.memory_space<hbm>>) dst(%dma_wait3A_284 : memref<32x64xi32, #tpu.memory_space<vmem>>)
        } else {
        }
        %dma_wait3A_202 = arith.constant 0 : i32
        %dma_wait3A_203 = arith.constant 28 : i32
        %dma_wait3A_204 = arith.constant 0 : i32
        %dma_wait3A_205 = arith.constant 0 : i32
        %dma_wait3A_206 = tpu.memref_slice %arg10[%dma_wait3A_202, %dma_wait3A_204, %dma_wait3A_205] : memref<4x64x128xf32, #tpu.memory_space<vmem>> -> memref<1x64x128xf32, #tpu.memory_space<vmem>>
        %dma_wait3A_207 = tpu.memref_squeeze %dma_wait3A_206 : memref<1x64x128xf32, #tpu.memory_space<vmem>> -> memref<64x128xf32, #tpu.memory_space<vmem>>
        %dma_wait3A_208 = arith.constant 0 : i32
        %dma_wait3A_209 = tpu.memref_slice %arg9[%rem3A_90, %dma_wait3A_203, %dma_wait3A_208] : memref<2x32x64xi32, #tpu.memory_space<vmem>> -> memref<1x1x64xi32, #tpu.memory_space<vmem>>
        %dma_wait3A_210 = tpu.memref_squeeze %dma_wait3A_209 : memref<1x1x64xi32, #tpu.memory_space<vmem>> -> memref<64xi32, #tpu.memory_space<vmem>>
        %dma_wait3A_211 = arith.constant 0 : i32
        %dma_wait3A_212 = arith.constant 0 : i32
        %dma_wait3A_213 = tpu.memref_slice %arg11[%dma_wait3A_211, %dma_wait3A_212] : memref<10112x128xf32, #tpu.memory_space<vmem_shared>> -> memref<10112x128xf32, #tpu.memory_space<vmem_shared>>
        tpu.wait_indirect_dma semaphore(%arg16 : memref<!tpu.dma_semaphore, #tpu.memory_space<semaphore_mem>>) src(%dma_wait3A_207 : memref<64x128xf32, #tpu.memory_space<vmem>>) dst(%dma_wait3A_213 : memref<10112x128xf32, #tpu.memory_space<vmem_shared>>)
        %convert_element_type3A_214 = arith.extui %lt3A_93 : i1 to i32
        %cond3A_215 = arith.constant 0 : i32
        %cond3A_216 = arith.cmpi ne, %convert_element_type3A_214, %cond3A_215 : i32
        scf.if %cond3A_216 {
          %dma_start3A_263 = arith.constant 0 : i32
          %dma_start3A_264 = arith.constant 0 : i32
          %dma_start3A_265 = arith.constant 0 : i32
          %dma_start3A_266 = arith.constant 0 : i32
          %dma_start3A_267 = tpu.memref_slice %arg10[%dma_start3A_264, %dma_start3A_265, %dma_start3A_266] : memref<4x64x128xf32, #tpu.memory_space<vmem>> -> memref<1x64x128xf32, #tpu.memory_space<vmem>>
          %dma_start3A_268 = tpu.memref_squeeze %dma_start3A_267 : memref<1x64x128xf32, #tpu.memory_space<vmem>> -> memref<64x128xf32, #tpu.memory_space<vmem>>
          %dma_start3A_269 = arith.constant 0 : i32
          %dma_start3A_270 = tpu.memref_slice %arg8[%sub3A_91, %dma_start3A_263, %dma_start3A_269] : memref<2x32x64xi32, #tpu.memory_space<vmem>> -> memref<1x1x64xi32, #tpu.memory_space<vmem>>
          %dma_start3A_271 = tpu.memref_squeeze %dma_start3A_270 : memref<1x1x64xi32, #tpu.memory_space<vmem>> -> memref<64xi32, #tpu.memory_space<vmem>>
          %dma_start3A_272 = arith.constant 0 : i32
          %dma_start3A_273 = arith.constant 0 : i32
          %dma_start3A_274 = tpu.memref_slice %arg3[%dma_start3A_272, %dma_start3A_273] : memref<10000x128xf32, #tpu.memory_space<hbm>> -> memref<10000x128xf32, #tpu.memory_space<hbm>>
          tpu.enqueue_indirect_dma source(%dma_start3A_274 : memref<10000x128xf32, #tpu.memory_space<hbm>>) target(%dma_start3A_268 : memref<64x128xf32, #tpu.memory_space<vmem>>) offsets(%dma_start3A_271 : memref<64xi32, #tpu.memory_space<vmem>>) semaphore(%arg12 : memref<!tpu.dma_semaphore, #tpu.memory_space<semaphore_mem>>)
        } else {
        }
        %dma_wait3A_217 = arith.constant 1 : i32
        %dma_wait3A_218 = arith.constant 29 : i32
        %dma_wait3A_219 = arith.constant 0 : i32
        %dma_wait3A_220 = arith.constant 0 : i32
        %dma_wait3A_221 = tpu.memref_slice %arg10[%dma_wait3A_217, %dma_wait3A_219, %dma_wait3A_220] : memref<4x64x128xf32, #tpu.memory_space<vmem>> -> memref<1x64x128xf32, #tpu.memory_space<vmem>>
        %dma_wait3A_222 = tpu.memref_squeeze %dma_wait3A_221 : memref<1x64x128xf32, #tpu.memory_space<vmem>> -> memref<64x128xf32, #tpu.memory_space<vmem>>
        %dma_wait3A_223 = arith.constant 0 : i32
        %dma_wait3A_224 = tpu.memref_slice %arg9[%rem3A_90, %dma_wait3A_218, %dma_wait3A_223] : memref<2x32x64xi32, #tpu.memory_space<vmem>> -> memref<1x1x64xi32, #tpu.memory_space<vmem>>
        %dma_wait3A_225 = tpu.memref_squeeze %dma_wait3A_224 : memref<1x1x64xi32, #tpu.memory_space<vmem>> -> memref<64xi32, #tpu.memory_space<vmem>>
        %dma_wait3A_226 = arith.constant 0 : i32
        %dma_wait3A_227 = arith.constant 0 : i32
        %dma_wait3A_228 = tpu.memref_slice %arg11[%dma_wait3A_226, %dma_wait3A_227] : memref<10112x128xf32, #tpu.memory_space<vmem_shared>> -> memref<10112x128xf32, #tpu.memory_space<vmem_shared>>
        tpu.wait_indirect_dma semaphore(%arg17 : memref<!tpu.dma_semaphore, #tpu.memory_space<semaphore_mem>>) src(%dma_wait3A_222 : memref<64x128xf32, #tpu.memory_space<vmem>>) dst(%dma_wait3A_228 : memref<10112x128xf32, #tpu.memory_space<vmem_shared>>)
        %convert_element_type3A_229 = arith.extui %lt3A_93 : i1 to i32
        %cond3A_230 = arith.constant 0 : i32
        %cond3A_231 = arith.cmpi ne, %convert_element_type3A_229, %cond3A_230 : i32
        scf.if %cond3A_231 {
          %dma_start3A_263 = arith.constant 1 : i32
          %dma_start3A_264 = arith.constant 1 : i32
          %dma_start3A_265 = arith.constant 0 : i32
          %dma_start3A_266 = arith.constant 0 : i32
          %dma_start3A_267 = tpu.memref_slice %arg10[%dma_start3A_264, %dma_start3A_265, %dma_start3A_266] : memref<4x64x128xf32, #tpu.memory_space<vmem>> -> memref<1x64x128xf32, #tpu.memory_space<vmem>>
          %dma_start3A_268 = tpu.memref_squeeze %dma_start3A_267 : memref<1x64x128xf32, #tpu.memory_space<vmem>> -> memref<64x128xf32, #tpu.memory_space<vmem>>
          %dma_start3A_269 = arith.constant 0 : i32
          %dma_start3A_270 = tpu.memref_slice %arg8[%sub3A_91, %dma_start3A_263, %dma_start3A_269] : memref<2x32x64xi32, #tpu.memory_space<vmem>> -> memref<1x1x64xi32, #tpu.memory_space<vmem>>
          %dma_start3A_271 = tpu.memref_squeeze %dma_start3A_270 : memref<1x1x64xi32, #tpu.memory_space<vmem>> -> memref<64xi32, #tpu.memory_space<vmem>>
          %dma_start3A_272 = arith.constant 0 : i32
          %dma_start3A_273 = arith.constant 0 : i32
          %dma_start3A_274 = tpu.memref_slice %arg3[%dma_start3A_272, %dma_start3A_273] : memref<10000x128xf32, #tpu.memory_space<hbm>> -> memref<10000x128xf32, #tpu.memory_space<hbm>>
          tpu.enqueue_indirect_dma source(%dma_start3A_274 : memref<10000x128xf32, #tpu.memory_space<hbm>>) target(%dma_start3A_268 : memref<64x128xf32, #tpu.memory_space<vmem>>) offsets(%dma_start3A_271 : memref<64xi32, #tpu.memory_space<vmem>>) semaphore(%arg13 : memref<!tpu.dma_semaphore, #tpu.memory_space<semaphore_mem>>)
        } else {
        }
        %dma_wait3A_232 = arith.constant 2 : i32
        %dma_wait3A_233 = arith.constant 30 : i32
        %dma_wait3A_234 = arith.constant 0 : i32
        %dma_wait3A_235 = arith.constant 0 : i32
        %dma_wait3A_236 = tpu.memref_slice %arg10[%dma_wait3A_232, %dma_wait3A_234, %dma_wait3A_235] : memref<4x64x128xf32, #tpu.memory_space<vmem>> -> memref<1x64x128xf32, #tpu.memory_space<vmem>>
        %dma_wait3A_237 = tpu.memref_squeeze %dma_wait3A_236 : memref<1x64x128xf32, #tpu.memory_space<vmem>> -> memref<64x128xf32, #tpu.memory_space<vmem>>
        %dma_wait3A_238 = arith.constant 0 : i32
        %dma_wait3A_239 = tpu.memref_slice %arg9[%rem3A_90, %dma_wait3A_233, %dma_wait3A_238] : memref<2x32x64xi32, #tpu.memory_space<vmem>> -> memref<1x1x64xi32, #tpu.memory_space<vmem>>
        %dma_wait3A_240 = tpu.memref_squeeze %dma_wait3A_239 : memref<1x1x64xi32, #tpu.memory_space<vmem>> -> memref<64xi32, #tpu.memory_space<vmem>>
        %dma_wait3A_241 = arith.constant 0 : i32
        %dma_wait3A_242 = arith.constant 0 : i32
        %dma_wait3A_243 = tpu.memref_slice %arg11[%dma_wait3A_241, %dma_wait3A_242] : memref<10112x128xf32, #tpu.memory_space<vmem_shared>> -> memref<10112x128xf32, #tpu.memory_space<vmem_shared>>
        tpu.wait_indirect_dma semaphore(%arg18 : memref<!tpu.dma_semaphore, #tpu.memory_space<semaphore_mem>>) src(%dma_wait3A_237 : memref<64x128xf32, #tpu.memory_space<vmem>>) dst(%dma_wait3A_243 : memref<10112x128xf32, #tpu.memory_space<vmem_shared>>)
        %convert_element_type3A_244 = arith.extui %lt3A_93 : i1 to i32
        %cond3A_245 = arith.constant 0 : i32
        %cond3A_246 = arith.cmpi ne, %convert_element_type3A_244, %cond3A_245 : i32
        scf.if %cond3A_246 {
          %dma_start3A_263 = arith.constant 2 : i32
          %dma_start3A_264 = arith.constant 2 : i32
          %dma_start3A_265 = arith.constant 0 : i32
          %dma_start3A_266 = arith.constant 0 : i32
          %dma_start3A_267 = tpu.memref_slice %arg10[%dma_start3A_264, %dma_start3A_265, %dma_start3A_266] : memref<4x64x128xf32, #tpu.memory_space<vmem>> -> memref<1x64x128xf32, #tpu.memory_space<vmem>>
          %dma_start3A_268 = tpu.memref_squeeze %dma_start3A_267 : memref<1x64x128xf32, #tpu.memory_space<vmem>> -> memref<64x128xf32, #tpu.memory_space<vmem>>
          %dma_start3A_269 = arith.constant 0 : i32
          %dma_start3A_270 = tpu.memref_slice %arg8[%sub3A_91, %dma_start3A_263, %dma_start3A_269] : memref<2x32x64xi32, #tpu.memory_space<vmem>> -> memref<1x1x64xi32, #tpu.memory_space<vmem>>
          %dma_start3A_271 = tpu.memref_squeeze %dma_start3A_270 : memref<1x1x64xi32, #tpu.memory_space<vmem>> -> memref<64xi32, #tpu.memory_space<vmem>>
          %dma_start3A_272 = arith.constant 0 : i32
          %dma_start3A_273 = arith.constant 0 : i32
          %dma_start3A_274 = tpu.memref_slice %arg3[%dma_start3A_272, %dma_start3A_273] : memref<10000x128xf32, #tpu.memory_space<hbm>> -> memref<10000x128xf32, #tpu.memory_space<hbm>>
          tpu.enqueue_indirect_dma source(%dma_start3A_274 : memref<10000x128xf32, #tpu.memory_space<hbm>>) target(%dma_start3A_268 : memref<64x128xf32, #tpu.memory_space<vmem>>) offsets(%dma_start3A_271 : memref<64xi32, #tpu.memory_space<vmem>>) semaphore(%arg14 : memref<!tpu.dma_semaphore, #tpu.memory_space<semaphore_mem>>)
        } else {
        }
        %dma_wait3A_247 = arith.constant 3 : i32
        %dma_wait3A_248 = arith.constant 31 : i32
        %dma_wait3A_249 = arith.constant 0 : i32
        %dma_wait3A_250 = arith.constant 0 : i32
        %dma_wait3A_251 = tpu.memref_slice %arg10[%dma_wait3A_247, %dma_wait3A_249, %dma_wait3A_250] : memref<4x64x128xf32, #tpu.memory_space<vmem>> -> memref<1x64x128xf32, #tpu.memory_space<vmem>>
        %dma_wait3A_252 = tpu.memref_squeeze %dma_wait3A_251 : memref<1x64x128xf32, #tpu.memory_space<vmem>> -> memref<64x128xf32, #tpu.memory_space<vmem>>
        %dma_wait3A_253 = arith.constant 0 : i32
        %dma_wait3A_254 = tpu.memref_slice %arg9[%rem3A_90, %dma_wait3A_248, %dma_wait3A_253] : memref<2x32x64xi32, #tpu.memory_space<vmem>> -> memref<1x1x64xi32, #tpu.memory_space<vmem>>
        %dma_wait3A_255 = tpu.memref_squeeze %dma_wait3A_254 : memref<1x1x64xi32, #tpu.memory_space<vmem>> -> memref<64xi32, #tpu.memory_space<vmem>>
        %dma_wait3A_256 = arith.constant 0 : i32
        %dma_wait3A_257 = arith.constant 0 : i32
        %dma_wait3A_258 = tpu.memref_slice %arg11[%dma_wait3A_256, %dma_wait3A_257] : memref<10112x128xf32, #tpu.memory_space<vmem_shared>> -> memref<10112x128xf32, #tpu.memory_space<vmem_shared>>
        tpu.wait_indirect_dma semaphore(%arg19 : memref<!tpu.dma_semaphore, #tpu.memory_space<semaphore_mem>>) src(%dma_wait3A_252 : memref<64x128xf32, #tpu.memory_space<vmem>>) dst(%dma_wait3A_258 : memref<10112x128xf32, #tpu.memory_space<vmem_shared>>)
        %convert_element_type3A_259 = arith.extui %lt3A_93 : i1 to i32
        %cond3A_260 = arith.constant 0 : i32
        %cond3A_261 = arith.cmpi ne, %convert_element_type3A_259, %cond3A_260 : i32
        scf.if %cond3A_261 {
          %dma_start3A_263 = arith.constant 3 : i32
          %dma_start3A_264 = arith.constant 3 : i32
          %dma_start3A_265 = arith.constant 0 : i32
          %dma_start3A_266 = arith.constant 0 : i32
          %dma_start3A_267 = tpu.memref_slice %arg10[%dma_start3A_264, %dma_start3A_265, %dma_start3A_266] : memref<4x64x128xf32, #tpu.memory_space<vmem>> -> memref<1x64x128xf32, #tpu.memory_space<vmem>>
          %dma_start3A_268 = tpu.memref_squeeze %dma_start3A_267 : memref<1x64x128xf32, #tpu.memory_space<vmem>> -> memref<64x128xf32, #tpu.memory_space<vmem>>
          %dma_start3A_269 = arith.constant 0 : i32
          %dma_start3A_270 = tpu.memref_slice %arg8[%sub3A_91, %dma_start3A_263, %dma_start3A_269] : memref<2x32x64xi32, #tpu.memory_space<vmem>> -> memref<1x1x64xi32, #tpu.memory_space<vmem>>
          %dma_start3A_271 = tpu.memref_squeeze %dma_start3A_270 : memref<1x1x64xi32, #tpu.memory_space<vmem>> -> memref<64xi32, #tpu.memory_space<vmem>>
          %dma_start3A_272 = arith.constant 0 : i32
          %dma_start3A_273 = arith.constant 0 : i32
          %dma_start3A_274 = tpu.memref_slice %arg3[%dma_start3A_272, %dma_start3A_273] : memref<10000x128xf32, #tpu.memory_space<hbm>> -> memref<10000x128xf32, #tpu.memory_space<hbm>>
          tpu.enqueue_indirect_dma source(%dma_start3A_274 : memref<10000x128xf32, #tpu.memory_space<hbm>>) target(%dma_start3A_268 : memref<64x128xf32, #tpu.memory_space<vmem>>) offsets(%dma_start3A_271 : memref<64xi32, #tpu.memory_space<vmem>>) semaphore(%arg15 : memref<!tpu.dma_semaphore, #tpu.memory_space<semaphore_mem>>)
        } else {
        }
        %scan3A_262 = arith.constant 0 : i32
        scf.yield %scan3A_262 : i32
      }
      %scan3A_76 = arith.constant 10 : i32
      %barrier3A_77 = arith.constant 0 : index
      tpu.barrier barrier_id(%barrier3A_77)
      %lt3A_78 = arith.constant 15 : i32
      %lt3A_79 = arith.cmpi slt, %arg1, %lt3A_78 : i32
      %convert_element_type3A_80 = arith.extui %lt3A_79 : i1 to i32
      %cond3A_81 = arith.constant 0 : i32
      %cond3A_82 = arith.cmpi ne, %convert_element_type3A_80, %cond3A_81 : i32
      scf.if %cond3A_82 {
        %mul3A_88 = arith.constant 640 : i32
        %mul3A_89 = arith.muli %arg1, %mul3A_88 : i32
        %mul3A_90 = arith.constant 640 : i32
        %mul3A_91 = arith.muli %arg1, %mul3A_90 : i32
        "tpu.region"() ({
          %run_scoped3A_92 = tpu.sem_alloc : memref<!tpu.dma_semaphore, #tpu.memory_space<semaphore_mem>>
          %dma_start3A_93 = arith.constant 0 : i32
          %dma_start3A_94 = tpu.memref_slice %arg7[%mul3A_91, %dma_start3A_93] : memref<10000x128xf32, #tpu.memory_space<hbm>> -> memref<640x128xf32, #tpu.memory_space<hbm>>
          %dma_start3A_95 = arith.constant 0 : i32
          %dma_start3A_96 = tpu.memref_slice %arg11[%mul3A_89, %dma_start3A_95] : memref<10112x128xf32, #tpu.memory_space<vmem_shared>> -> memref<640x128xf32, #tpu.memory_space<vmem_shared>>
          tpu.enqueue_dma source(%dma_start3A_96 : memref<640x128xf32, #tpu.memory_space<vmem_shared>>) target(%dma_start3A_94 : memref<640x128xf32, #tpu.memory_space<hbm>>) target_semaphore(%run_scoped3A_92 : memref<!tpu.dma_semaphore, #tpu.memory_space<semaphore_mem>>)
          %dma_wait3A = arith.constant 0 : i32
          %dma_wait3A_97 = tpu.memref_slice %arg7[%mul3A_91, %dma_wait3A] : memref<10000x128xf32, #tpu.memory_space<hbm>> -> memref<640x128xf32, #tpu.memory_space<hbm>>
          %dma_wait3A_98 = arith.constant 0 : i32
          %dma_wait3A_99 = tpu.memref_slice %arg11[%mul3A_89, %dma_wait3A_98] : memref<10112x128xf32, #tpu.memory_space<vmem_shared>> -> memref<640x128xf32, #tpu.memory_space<vmem_shared>>
          tpu.wait_dma2 semaphore(%run_scoped3A_92 : memref<!tpu.dma_semaphore, #tpu.memory_space<semaphore_mem>>) src(%dma_wait3A_99 : memref<640x128xf32, #tpu.memory_space<vmem_shared>>) dst(%dma_wait3A_97 : memref<640x128xf32, #tpu.memory_space<hbm>>)
          tpu.yield
        }) : () -> ()
      } else {
      }
      %eq3A_83 = arith.constant 15 : i32
      %eq3A_84 = arith.cmpi eq, %arg1, %eq3A_83 : i32
      %convert_element_type3A_85 = arith.extui %eq3A_84 : i1 to i32
      %cond3A_86 = arith.constant 0 : i32
      %cond3A_87 = arith.cmpi ne, %convert_element_type3A_85, %cond3A_86 : i32
      scf.if %cond3A_87 {
        "tpu.region"() ({
          %run_scoped3A_88 = tpu.sem_alloc : memref<!tpu.dma_semaphore, #tpu.memory_space<semaphore_mem>>
          %dma_start3A_89 = arith.constant 9600 : i32
          %dma_start3A_90 = arith.constant 0 : i32
          %dma_start3A_91 = tpu.memref_slice %arg7[%dma_start3A_89, %dma_start3A_90] : memref<10000x128xf32, #tpu.memory_space<hbm>> -> memref<400x128xf32, #tpu.memory_space<hbm>>
          %dma_start3A_92 = arith.constant 9600 : i32
          %dma_start3A_93 = arith.constant 0 : i32
          %dma_start3A_94 = tpu.memref_slice %arg11[%dma_start3A_92, %dma_start3A_93] : memref<10112x128xf32, #tpu.memory_space<vmem_shared>> -> memref<400x128xf32, #tpu.memory_space<vmem_shared>>
          tpu.enqueue_dma source(%dma_start3A_94 : memref<400x128xf32, #tpu.memory_space<vmem_shared>>) target(%dma_start3A_91 : memref<400x128xf32, #tpu.memory_space<hbm>>) target_semaphore(%run_scoped3A_88 : memref<!tpu.dma_semaphore, #tpu.memory_space<semaphore_mem>>)
          %dma_wait3A = arith.constant 9600 : i32
          %dma_wait3A_95 = arith.constant 0 : i32
          %dma_wait3A_96 = tpu.memref_slice %arg7[%dma_wait3A, %dma_wait3A_95] : memref<10000x128xf32, #tpu.memory_space<hbm>> -> memref<400x128xf32, #tpu.memory_space<hbm>>
          %dma_wait3A_97 = arith.constant 9600 : i32
          %dma_wait3A_98 = arith.constant 0 : i32
          %dma_wait3A_99 = tpu.memref_slice %arg11[%dma_wait3A_97, %dma_wait3A_98] : memref<10112x128xf32, #tpu.memory_space<vmem_shared>> -> memref<400x128xf32, #tpu.memory_space<vmem_shared>>
          tpu.wait_dma2 semaphore(%run_scoped3A_88 : memref<!tpu.dma_semaphore, #tpu.memory_space<semaphore_mem>>) src(%dma_wait3A_99 : memref<400x128xf32, #tpu.memory_space<vmem_shared>>) dst(%dma_wait3A_96 : memref<400x128xf32, #tpu.memory_space<hbm>>)
          tpu.yield
        }) : () -> ()
      } else {
      }
    } else {
    }
    return
  }
}

module attributes {stable_mosaic.version = 14 : i64} {
  func.func @_tc1_body(%arg0: i32, %arg1: memref<2000x1xf32, #tpu.memory_space<vmem>>, %arg2: memref<2000x128xf32, #tpu.memory_space<vmem>>, %arg3: memref<128x256xf32, #tpu.memory_space<vmem>>, %arg4: memref<2000x128xf32, #tpu.memory_space<vmem>>, %arg5: memref<2000x128xf32, #tpu.memory_space<vmem>>) attributes {dimension_semantics = [#tpu.dimension_semantics<arbitrary>], iteration_bounds = array<i64: 5>, scalar_prefetch = 0 : i64, scratch_operands = 0 : i64, tpu.core_type = #tpu.core_type<tc>, window_params = [{transform_indices = @transform_0, window_bounds = array<i64: 2000, 1>}, {transform_indices = @transform_1, window_bounds = array<i64: 2000, 128>}, {pipeline_mode = #tpu.pipeline_mode<synchronous>, transform_indices = @transform_2, window_bounds = array<i64: 128, 256>}, {transform_indices = @transform_3, window_bounds = array<i64: 2000, 128>}, {transform_indices = @transform_4, window_bounds = array<i64: 2000, 128>}]} {
    %get3A = arith.constant 0 : index
    %get3A_0 = arith.constant 0 : index
    %get3A_1 = vector.load %arg1[%get3A, %get3A_0] : memref<2000x1xf32, #tpu.memory_space<vmem>>, vector<2000x1xf32>
    %rsqrt3A = math.rsqrt %get3A_1 : vector<2000x1xf32>
    %get3A_2 = arith.constant 0 : index
    %get3A_3 = arith.constant 0 : index
    %get3A_4 = vector.load %arg2[%get3A_2, %get3A_3] : memref<2000x128xf32, #tpu.memory_space<vmem>>, vector<2000x128xf32>
    %mul3A = vector.broadcast %rsqrt3A : vector<2000x1xf32> to vector<2000x128xf32>
    %mul3A_5 = arith.mulf %get3A_4, %mul3A : vector<2000x128xf32>
    %get3A_6 = arith.constant 0 : index
    %get3A_7 = arith.constant 0 : index
    %get3A_8 = vector.load %arg3[%get3A_6, %get3A_7] : memref<128x256xf32, #tpu.memory_space<vmem>>, vector<128x256xf32>
    %dot_general3A = arith.constant dense<0.000000e+00> : vector<2000x256xf32>
    %dot_general3A_9 = tpu.matmul %mul3A_5, %get3A_8, %dot_general3A {dimension_numbers = #tpu.dot_dimension_numbers<[1], [0], [0], [1], [0, 0, 1, 1], [], []>, transpose_lhs_hint = false} : vector<2000x128xf32>, vector<128x256xf32>, vector<2000x256xf32> -> vector<2000x256xf32>
    %slice3A = vector.extract_strided_slice %dot_general3A_9 {offsets = [0, 0], sizes = [2000, 128], strides = [1, 1]} : vector<2000x256xf32> to vector<2000x128xf32>
    %swap3A = arith.constant 0 : index
    %swap3A_10 = arith.constant 0 : index
    %swap3A_11 = vector.load %arg4[%swap3A, %swap3A_10] : memref<2000x128xf32, #tpu.memory_space<vmem>>, vector<2000x128xf32>
    tpu.vector_store %arg4[%swap3A, %swap3A_10], %slice3A {strides = array<i32>} : memref<2000x128xf32, #tpu.memory_space<vmem>>, vector<2000x128xf32>,
    %slice3A_12 = vector.extract_strided_slice %dot_general3A_9 {offsets = [0, 128], sizes = [2000, 128], strides = [1, 1]} : vector<2000x256xf32> to vector<2000x128xf32>
    %swap3A_13 = arith.constant 0 : index
    %swap3A_14 = arith.constant 0 : index
    %swap3A_15 = vector.load %arg5[%swap3A_13, %swap3A_14] : memref<2000x128xf32, #tpu.memory_space<vmem>>, vector<2000x128xf32>
    tpu.vector_store %arg5[%swap3A_13, %swap3A_14], %slice3A_12 {strides = array<i32>} : memref<2000x128xf32, #tpu.memory_space<vmem>>, vector<2000x128xf32>,
    return
  }
  func.func @transform_0(%arg0: i32) -> (i32, i32) {
    %c0_i32 = arith.constant 0 : i32
    %c0_i32_0 = arith.constant 0 : i32
    return %arg0, %c0_i32 : i32, i32
  }
  func.func @transform_1(%arg0: i32) -> (i32, i32) {
    %c0_i32 = arith.constant 0 : i32
    %c0_i32_0 = arith.constant 0 : i32
    return %arg0, %c0_i32 : i32, i32
  }
  func.func @transform_2(%arg0: i32) -> (i32, i32) {
    %c0_i32 = arith.constant 0 : i32
    %c0_i32_0 = arith.constant 0 : i32
    %c0_i32_1 = arith.constant 0 : i32
    return %c0_i32, %c0_i32_0 : i32, i32
  }
  func.func @transform_3(%arg0: i32) -> (i32, i32) {
    %c0_i32 = arith.constant 0 : i32
    %c0_i32_0 = arith.constant 0 : i32
    return %arg0, %c0_i32 : i32, i32
  }
  func.func @transform_4(%arg0: i32) -> (i32, i32) {
    %c0_i32 = arith.constant 0 : i32
    %c0_i32_0 = arith.constant 0 : i32
    return %arg0, %c0_i32 : i32, i32
  }
}

module attributes {stable_mosaic.version = 14 : i64} {
  func.func @_tc2_body(%arg0: i32, %arg1: memref<2000x1xf32, #tpu.memory_space<vmem>>, %arg2: memref<2000x128xf32, #tpu.memory_space<vmem>>, %arg3: memref<2000x128xf32, #tpu.memory_space<vmem>>, %arg4: memref<256x128xf32, #tpu.memory_space<vmem>>, %arg5: memref<1x256xf32, #tpu.memory_space<vmem>>, %arg6: memref<2000x128xf32, #tpu.memory_space<vmem>>) attributes {dimension_semantics = [#tpu.dimension_semantics<arbitrary>], iteration_bounds = array<i64: 5>, scalar_prefetch = 0 : i64, scratch_operands = 0 : i64, tpu.core_type = #tpu.core_type<tc>, window_params = [{transform_indices = @transform_0, window_bounds = array<i64: 2000, 1>}, {transform_indices = @transform_1, window_bounds = array<i64: 2000, 128>}, {transform_indices = @transform_2, window_bounds = array<i64: 2000, 128>}, {pipeline_mode = #tpu.pipeline_mode<synchronous>, transform_indices = @transform_3, window_bounds = array<i64: 256, 128>}, {pipeline_mode = #tpu.pipeline_mode<synchronous>, transform_indices = @transform_4, window_bounds = array<i64: 1, 256>}, {transform_indices = @transform_5, window_bounds = array<i64: 2000, 128>}]} {
    %get3A = arith.constant 0 : index
    %get3A_0 = arith.constant 0 : index
    %get3A_1 = vector.load %arg1[%get3A, %get3A_0] : memref<2000x1xf32, #tpu.memory_space<vmem>>, vector<2000x1xf32>
    %rsqrt3A = math.rsqrt %get3A_1 : vector<2000x1xf32>
    %div3A = arith.constant 1.000000e+00 : f32
    %div3A_2 = vector.broadcast %div3A : f32 to vector<2000x1xf32>
    %div3A_3 = arith.divf %div3A_2, %get3A_1 : vector<2000x1xf32>
    %get3A_4 = arith.constant 0 : index
    %get3A_5 = arith.constant 0 : index
    %get3A_6 = vector.load %arg5[%get3A_4, %get3A_5] : memref<1x256xf32, #tpu.memory_space<vmem>>, vector<1x256xf32>
    %get3A_7 = arith.constant 0 : index
    %get3A_8 = arith.constant 0 : index
    %get3A_9 = vector.load %arg2[%get3A_7, %get3A_8] : memref<2000x128xf32, #tpu.memory_space<vmem>>, vector<2000x128xf32>
    %mul3A = vector.broadcast %div3A_3 : vector<2000x1xf32> to vector<2000x128xf32>
    %mul3A_10 = arith.mulf %get3A_9, %mul3A : vector<2000x128xf32>
    %slice3A = vector.extract_strided_slice %get3A_6 {offsets = [0, 0], sizes = [1, 128], strides = [1, 1]} : vector<1x256xf32> to vector<1x128xf32>
    %mul3A_11 = vector.broadcast %rsqrt3A : vector<2000x1xf32> to vector<2000x128xf32>
    %mul3A_12 = vector.broadcast %slice3A : vector<1x128xf32> to vector<2000x128xf32>
    %mul3A_13 = arith.mulf %mul3A_11, %mul3A_12 : vector<2000x128xf32>
    %add3A = arith.addf %mul3A_10, %mul3A_13 : vector<2000x128xf32>
    %get3A_14 = arith.constant 0 : index
    %get3A_15 = arith.constant 0 : index
    %get3A_16 = vector.load %arg3[%get3A_14, %get3A_15] : memref<2000x128xf32, #tpu.memory_space<vmem>>, vector<2000x128xf32>
    %mul3A_17 = vector.broadcast %div3A_3 : vector<2000x1xf32> to vector<2000x128xf32>
    %mul3A_18 = arith.mulf %get3A_16, %mul3A_17 : vector<2000x128xf32>
    %slice3A_19 = vector.extract_strided_slice %get3A_6 {offsets = [0, 128], sizes = [1, 128], strides = [1, 1]} : vector<1x256xf32> to vector<1x128xf32>
    %mul3A_20 = vector.broadcast %rsqrt3A : vector<2000x1xf32> to vector<2000x128xf32>
    %mul3A_21 = vector.broadcast %slice3A_19 : vector<1x128xf32> to vector<2000x128xf32>
    %mul3A_22 = arith.mulf %mul3A_20, %mul3A_21 : vector<2000x128xf32>
    %add3A_23 = arith.addf %mul3A_18, %mul3A_22 : vector<2000x128xf32>
    %get3A_24 = arith.constant 0 : index
    %get3A_25 = arith.constant 0 : index
    %get3A_26 = vector.load %arg4[%get3A_24, %get3A_25] : memref<256x128xf32, #tpu.memory_space<vmem>>, vector<128x128xf32>
    %dot_general3A = arith.constant dense<0.000000e+00> : vector<2000x128xf32>
    %dot_general3A_27 = tpu.matmul %add3A, %get3A_26, %dot_general3A {dimension_numbers = #tpu.dot_dimension_numbers<[1], [0], [0], [1], [0, 0, 1, 1], [], []>, transpose_lhs_hint = false} : vector<2000x128xf32>, vector<128x128xf32>, vector<2000x128xf32> -> vector<2000x128xf32>
    %get3A_28 = arith.constant 128 : index
    %get3A_29 = arith.constant 0 : index
    %get3A_30 = vector.load %arg4[%get3A_28, %get3A_29] : memref<256x128xf32, #tpu.memory_space<vmem>>, vector<128x128xf32>
    %dot_general3A_31 = arith.constant dense<0.000000e+00> : vector<2000x128xf32>
    %dot_general3A_32 = tpu.matmul %add3A_23, %get3A_30, %dot_general3A_31 {dimension_numbers = #tpu.dot_dimension_numbers<[1], [0], [0], [1], [0, 0, 1, 1], [], []>, transpose_lhs_hint = false} : vector<2000x128xf32>, vector<128x128xf32>, vector<2000x128xf32> -> vector<2000x128xf32>
    %add3A_33 = arith.addf %dot_general3A_27, %dot_general3A_32 : vector<2000x128xf32>
    %swap3A = arith.constant 0 : index
    %swap3A_34 = arith.constant 0 : index
    %swap3A_35 = vector.load %arg6[%swap3A, %swap3A_34] : memref<2000x128xf32, #tpu.memory_space<vmem>>, vector<2000x128xf32>
    tpu.vector_store %arg6[%swap3A, %swap3A_34], %add3A_33 {strides = array<i32>} : memref<2000x128xf32, #tpu.memory_space<vmem>>, vector<2000x128xf32>,
    return
  }
  func.func @transform_0(%arg0: i32) -> (i32, i32) {
    %c0_i32 = arith.constant 0 : i32
    %c0_i32_0 = arith.constant 0 : i32
    return %arg0, %c0_i32 : i32, i32
  }
  func.func @transform_1(%arg0: i32) -> (i32, i32) {
    %c0_i32 = arith.constant 0 : i32
    %c0_i32_0 = arith.constant 0 : i32
    return %arg0, %c0_i32 : i32, i32
  }
  func.func @transform_2(%arg0: i32) -> (i32, i32) {
    %c0_i32 = arith.constant 0 : i32
    %c0_i32_0 = arith.constant 0 : i32
    return %arg0, %c0_i32 : i32, i32
  }
  func.func @transform_3(%arg0: i32) -> (i32, i32) {
    %c0_i32 = arith.constant 0 : i32
    %c0_i32_0 = arith.constant 0 : i32
    %c0_i32_1 = arith.constant 0 : i32
    return %c0_i32, %c0_i32_0 : i32, i32
  }
  func.func @transform_4(%arg0: i32) -> (i32, i32) {
    %c0_i32 = arith.constant 0 : i32
    %c0_i32_0 = arith.constant 0 : i32
    %c0_i32_1 = arith.constant 0 : i32
    return %c0_i32, %c0_i32_0 : i32, i32
  }
  func.func @transform_5(%arg0: i32) -> (i32, i32) {
    %c0_i32 = arith.constant 0 : i32
    %c0_i32_0 = arith.constant 0 : i32
    return %arg0, %c0_i32 : i32, i32
  }
}

module attributes {stable_mosaic.version = 14 : i64} {
  func.func @_tc3_body(%arg0: memref<10000x1xf32, #tpu.memory_space<vmem>>, %arg1: memref<10000x128xf32, #tpu.memory_space<vmem>>, %arg2: memref<10000x128xf32, #tpu.memory_space<vmem>>, %arg3: memref<10000x128xf32, #tpu.memory_space<vmem>>, %arg4: memref<1x128xf32, #tpu.memory_space<vmem>>, %arg5: memref<1x128xf32, #tpu.memory_space<vmem>>, %arg6: memref<1x128xf32, #tpu.memory_space<vmem>>, %arg7: memref<10000x128xf32, #tpu.memory_space<vmem>>) attributes {dimension_semantics = [], scalar_prefetch = 0 : i64, scratch_operands = 0 : i64, tpu.core_type = #tpu.core_type<tc>} {
    %get3A = arith.constant 0 : index
    %get3A_0 = arith.constant 0 : index
    %get3A_1 = vector.load %arg0[%get3A, %get3A_0] : memref<10000x1xf32, #tpu.memory_space<vmem>>, vector<10000x1xf32>
    %rsqrt3A = math.rsqrt %get3A_1 : vector<10000x1xf32>
    %get3A_2 = arith.constant 0 : index
    %get3A_3 = arith.constant 0 : index
    %get3A_4 = vector.load %arg1[%get3A_2, %get3A_3] : memref<10000x128xf32, #tpu.memory_space<vmem>>, vector<10000x128xf32>
    %get3A_5 = arith.constant 0 : index
    %get3A_6 = arith.constant 0 : index
    %get3A_7 = vector.load %arg2[%get3A_5, %get3A_6] : memref<10000x128xf32, #tpu.memory_space<vmem>>, vector<10000x128xf32>
    %add3A = arith.addf %get3A_4, %get3A_7 : vector<10000x128xf32>
    %get3A_8 = arith.constant 0 : index
    %get3A_9 = arith.constant 0 : index
    %get3A_10 = vector.load %arg3[%get3A_8, %get3A_9] : memref<10000x128xf32, #tpu.memory_space<vmem>>, vector<10000x128xf32>
    %sub3A = arith.subf %add3A, %get3A_10 : vector<10000x128xf32>
    %mul3A = vector.broadcast %rsqrt3A : vector<10000x1xf32> to vector<10000x128xf32>
    %mul3A_11 = arith.mulf %sub3A, %mul3A : vector<10000x128xf32>
    %get3A_12 = arith.constant 0 : index
    %get3A_13 = arith.constant 0 : index
    %get3A_14 = vector.load %arg4[%get3A_12, %get3A_13] : memref<1x128xf32, #tpu.memory_space<vmem>>, vector<1x128xf32>
    %add3A_15 = vector.broadcast %get3A_14 : vector<1x128xf32> to vector<10000x128xf32>
    %add3A_16 = arith.addf %mul3A_11, %add3A_15 : vector<10000x128xf32>
    %reduce_sum3A = arith.constant dense<0.000000e+00> : vector<128xf32>
    %reduce_sum3A_17 = vector.multi_reduction <add>, %add3A_16, %reduce_sum3A [0] : vector<10000x128xf32> to vector<128xf32>
    %broadcast_in_dim3A = vector.shape_cast %reduce_sum3A_17 : vector<128xf32> to vector<1x128xf32>
    %div3A = arith.constant 1.000000e+04 : f32
    %div3A_18 = vector.broadcast %div3A : f32 to vector<1x128xf32>
    %div3A_19 = arith.divf %broadcast_in_dim3A, %div3A_18 : vector<1x128xf32>
    %sub3A_20 = vector.broadcast %div3A_19 : vector<1x128xf32> to vector<10000x128xf32>
    %sub3A_21 = arith.subf %add3A_16, %sub3A_20 : vector<10000x128xf32>
    %integer_pow3A = arith.mulf %sub3A_21, %sub3A_21 : vector<10000x128xf32>
    %reduce_sum3A_22 = arith.constant dense<0.000000e+00> : vector<128xf32>
    %reduce_sum3A_23 = vector.multi_reduction <add>, %integer_pow3A, %reduce_sum3A_22 [0] : vector<10000x128xf32> to vector<128xf32>
    %broadcast_in_dim3A_24 = vector.shape_cast %reduce_sum3A_23 : vector<128xf32> to vector<1x128xf32>
    %div3A_25 = arith.constant 1.000000e+04 : f32
    %div3A_26 = vector.broadcast %div3A_25 : f32 to vector<1x128xf32>
    %div3A_27 = arith.divf %broadcast_in_dim3A_24, %div3A_26 : vector<1x128xf32>
    %sub3A_28 = vector.broadcast %div3A_19 : vector<1x128xf32> to vector<10000x128xf32>
    %sub3A_29 = arith.subf %add3A_16, %sub3A_28 : vector<10000x128xf32>
    %add3A_30 = arith.constant 9.99999974E-6 : f32
    %add3A_31 = vector.broadcast %add3A_30 : f32 to vector<1x128xf32>
    %add3A_32 = arith.addf %div3A_27, %add3A_31 : vector<1x128xf32>
    %rsqrt3A_33 = math.rsqrt %add3A_32 : vector<1x128xf32>
    %mul3A_34 = vector.broadcast %rsqrt3A_33 : vector<1x128xf32> to vector<10000x128xf32>
    %mul3A_35 = arith.mulf %sub3A_29, %mul3A_34 : vector<10000x128xf32>
    %get3A_36 = arith.constant 0 : index
    %get3A_37 = arith.constant 0 : index
    %get3A_38 = vector.load %arg5[%get3A_36, %get3A_37] : memref<1x128xf32, #tpu.memory_space<vmem>>, vector<1x128xf32>
    %mul3A_39 = vector.broadcast %get3A_38 : vector<1x128xf32> to vector<10000x128xf32>
    %mul3A_40 = arith.mulf %mul3A_35, %mul3A_39 : vector<10000x128xf32>
    %get3A_41 = arith.constant 0 : index
    %get3A_42 = arith.constant 0 : index
    %get3A_43 = vector.load %arg6[%get3A_41, %get3A_42] : memref<1x128xf32, #tpu.memory_space<vmem>>, vector<1x128xf32>
    %add3A_44 = vector.broadcast %get3A_43 : vector<1x128xf32> to vector<10000x128xf32>
    %add3A_45 = arith.addf %mul3A_40, %add3A_44 : vector<10000x128xf32>
    %swap3A = arith.constant 0 : index
    %swap3A_46 = arith.constant 0 : index
    %swap3A_47 = vector.load %arg7[%swap3A, %swap3A_46] : memref<10000x128xf32, #tpu.memory_space<vmem>>, vector<10000x128xf32>
    tpu.vector_store %arg7[%swap3A, %swap3A_46], %add3A_45 {strides = array<i32>} : memref<10000x128xf32, #tpu.memory_space<vmem>>, vector<10000x128xf32>,
    return
  }
}

</mosaic_0001>

<sc_bundles>
// kernel: kernel.11.cloned.1.call-start
scs
__scs_entry_jumppad:
0x0: {  	(pc) =	sbr.rel $0x88, $3  }
0x1: {  	(tag) =	ssettag $0x0;
	lr =	simm.s32 $0x1  }
0x2: {  	[smem:$0x3F99] =	sst lr;
	_ =	strace $0xD0000000  }
0x3: {  	_ = 	snop  }
0x4: {  	_ = 	snop  }
0x5: {  	_ = 	snop  }
0x6: {  	_ = 	snop  }
0x7: {  	_ = 	snop  }
__scs_overlays_trampoline_lowered:
0x8: {  	[smem:$0x3FA8] =	sst s0  }
0x9: {  	[smem:$0x3FA9] =	sst s1  }
0xa: {  	[smem:$0x3FAA] =	sst s2  }
0xb: {  	[smem:$0x3FAB] =	sst s3  }
0xc: {  	[smem:$0x3FAC] =	sst s4  }
0xd: {  	[smem:$0x3FAD] =	sst s5  }
0xe: {  	[smem:$0x3FAE] =	sst s6  }
0xf: {  	[smem:$0x3FAF] =	sst s7  }
0x10: {  	[smem:$0x3FB0] =	sst s8  }
0x11: {  	[smem:$0x3FB1] =	sst s9;
	s0 =	simm.s32 @!p0 $0x0  }
0x12: {  	s1 =	sld [smem:$0x3F97];
	s0 =	simm.s32 @p0 $0x1  }
0x13: {  	[smem:$0x3FB2] =	sst s0;
	s0 =	simm.s32 @!p1 $0x0  }
0x14: {  	s2 =	sld [smem:$0x3F96];
	s0 =	simm.s32 @p1 $0x1  }
0x15: {  	[smem:$0x3FB3] =	sst s0;
	s0 =	simm.s32 @!p2 $0x0  }
0x16: {  	s3 =	sld [smem:$0x3FDB];
	s0 =	simm.s32 @p2 $0x1  }
0x17: {  	s4 =	simm.s32 $0x1BF5;
	[smem:$0x3FB5] =	sst s0  }
0x18: {  	s0 =	sld [smem:$0x3F98];
	_ =	swait.ge [sflag:s4], $0x0  }
0x19: {  	s7 =	sld [smem:$0x3F99]  }
0x1a: {  	s8 =	sadd.s32 $0xFFFFE003, lr  }
0x1b: {  	s9 =	sadd.s32 $0xFFFFFEF7, lr;
	s5 =	simm.s32 $0xFFFFFFFF;
	p2 =	slt.u32 s8, $0xFFFFF086  }
0x1c: {  	p1 =	slt.u32 s9, $0xF7A;
	s5 =	simm.s32 @!p2 $0x0  }
0x1d: {  	s5 =	simm.s32 @p1 $0x1;
	p0 =	seq.s32 s7, s2  }
0x1e: {  	s7 =	smul.u32 @!p0 $0xF7A, s2;
	p2 =	seq.s32 @!p0 s5, $0x0  }
0x1f: {  	s9 =	smul.u32 $0xF7A, s1;
	s8 =	simm.s32 @!p0 $0x1BF5;
	p2 =	por !p2, p0  }
0x20: {  	[sflag:s8] =	ssyncset.s32 @!p0 $0xFFFFF086;
	s6 =	sadd.s32 @!p0 s3, s7;
	s7 =	simm.s32 @!p0 $0x108  }
0x21: {  	s3 =	sadd.s32 s3, s9;
	s6 =	sadd.s32 @!p0 $0x88, s6;
	s7 =	simm.s32 @p2 $0x1082  }
0x22: {  	[simem:s7], [sflag:s8] =	dma.local @!p0 [hbm:s6], $0xF7A  }
0x23: {  	s9 =	sor.u32 $0xD0000000, s2;
	s6 =	simm.s32 $0x108;
	_ =	swait.ge @!p0 [sflag:s8], $0x0  }
0x24: {  	s3 =	sadd.s32 $0x88, s3;
	s6 =	simm.s32 @!p1 $0x1082;
	[sflag:s4] =	ssyncset.s32 $0xFFFFF086  }
0x25: {  	[simem:s6], [sflag:s4] =	dma.local [hbm:s3], $0xF7A  }
0x26: {  	[smem:$0x3F99] =	sst s1;
	(tag) =	ssettag s2;
	_ =	strace s9  }
0x27: {  	s1 =	sld [smem:$0x3FA9]  }
0x28: {  	s2 =	sld [smem:$0x3FAA]  }
0x29: {  	s4 =	sld [smem:$0x3FAC]  }
0x2a: {  	p0 =	seq.s32 s5, $0x0;
	s5 =	sld [smem:$0x3FAD]  }
0x2b: {  	s6 =	sld [smem:$0x3FAE]  }
0x2c: {  	s7 =	sld [smem:$0x3FAF]  }
0x2d: {  	s3 =	simm.s32 $0x108;
	s8 =	sld [smem:$0x3FB0]  }
0x2e: {  	s3 =	simm.s32 @!p0 $0x1082;
	s9 =	sld [smem:$0x3FB1]  }
0x2f: {  	lr =	sadd.s32 s0, s3;
	s0 =	sld [smem:$0x3FA8]  }
0x30: {  	s3 =	sld [smem:$0x3FAB]  }
0x31: {  	[smem:$0x3FB4] =	sst s10  }
0x32: {  	s10 =	sld [smem:$0x3FB2];
	_ =	sdelay $0x3  }
0x33: {  	p0 =	seq.s32 s10, $0x1;
	s10 =	sld [smem:$0x3FB4];
	_ =	sdelay $0x3  }
0x34: {  	[smem:$0x3FB4] =	sst s10  }
0x35: {  	s10 =	sld [smem:$0x3FB3];
	_ =	sdelay $0x3  }
0x36: {  	p1 =	seq.s32 s10, $0x1;
	s10 =	sld [smem:$0x3FB4];
	_ =	sdelay $0x3  }
0x37: {  	[smem:$0x3FB4] =	sst s10  }
0x38: {  	s10 =	sld [smem:$0x3FB5]  }
0x39: {  	_ = 	snop;
	(pc) =	sbr.ind lr, $3  }
0x3a: {  	_ = 	snop  }
0x3b: {  	_ = 	snop  }
0x3c: {  	p2 =	seq.s32 s10, $0x1;
	s10 =	sld [smem:$0x3FB4]  }
0x3d: {  	_ =	shalt  }
0x3e: {  	_ =	shalt  }
0x3f: {  	_ =	shalt  }
0x40: {  	_ =	shalt  }
0x41: {  	_ =	shalt  }
0x42: {  	_ =	shalt  }
0x43: {  	_ =	shalt  }
0x44: {  	_ =	shalt  }
0x45: {  	_ =	shalt  }
0x46: {  	_ =	shalt  }
0x47: {  	_ =	shalt  }
0x48: {  	_ =	shalt  }
0x49: {  	_ =	shalt  }
0x4a: {  	_ =	shalt  }
0x4b: {  	_ =	shalt  }
0x4c: {  	_ =	shalt  }
0x4d: {  	_ =	shalt  }
0x4e: {  	_ =	shalt  }
0x4f: {  	_ =	shalt  }
0x50: {  	_ =	shalt  }
0x51: {  	_ =	shalt  }
0x52: {  	_ =	shalt  }
0x53: {  	_ =	shalt  }
0x54: {  	_ =	shalt  }
0x55: {  	_ =	shalt  }
0x56: {  	_ =	shalt  }
0x57: {  	_ =	shalt  }
0x58: {  	_ =	shalt  }
0x59: {  	_ =	shalt  }
0x5a: {  	_ =	shalt  }
0x5b: {  	_ =	shalt  }
0x5c: {  	_ =	shalt  }
0x5d: {  	_ =	shalt  }
0x5e: {  	_ =	shalt  }
0x5f: {  	_ =	shalt  }
0x60: {  	_ =	shalt  }
0x61: {  	_ =	shalt  }
0x62: {  	_ =	shalt  }
0x63: {  	_ =	shalt  }
0x64: {  	_ =	shalt  }
0x65: {  	_ =	shalt  }
0x66: {  	_ =	shalt  }
0x67: {  	_ =	shalt  }
0x68: {  	_ =	shalt  }
0x69: {  	_ =	shalt  }
0x6a: {  	_ =	shalt  }
0x6b: {  	_ =	shalt  }
0x6c: {  	_ =	shalt  }
0x6d: {  	_ =	shalt  }
0x6e: {  	_ =	shalt  }
0x6f: {  	_ =	shalt  }
0x70: {  	_ =	shalt  }
0x71: {  	_ =	shalt  }
0x72: {  	_ =	shalt  }
0x73: {  	_ =	shalt  }
0x74: {  	_ =	shalt  }
0x75: {  	_ =	shalt  }
0x76: {  	_ =	shalt  }
0x77: {  	_ =	shalt  }
0x78: {  	_ =	shalt  }
0x79: {  	_ =	shalt  }
0x7a: {  	_ =	shalt  }
0x7b: {  	_ =	shalt  }
0x7c: {  	_ =	shalt  }
0x7d: {  	_ =	shalt  }
0x7e: {  	_ =	shalt  }
0x7f: {  	_ =	shalt  }
0x80: {  	_ =	shalt  }
0x81: {  	_ =	shalt  }
0x82: {  	_ =	shalt  }
0x83: {  	_ =	shalt  }
0x84: {  	_ =	shalt  }
0x85: {  	_ =	shalt  }
0x86: {  	_ =	shalt  }
0x87: {  	_ =	shalt  }
.Lfunc_end0:
.L_simem_size_0:
called_computation.1_lowered:
.L_overlay_start_0:
0x88: {  	s2 =	sld [smem:$0x3FD9]  }
0x89: {  	s3 =	sld [smem:$0x3FFE];
	_ =	sdelay $0x1  }
0x8a: {  	s1 =	srdreg.scid  }
0x8b: {  	s0 =	sand.u32 $0x1, s1  }
0x8c: {  	s17 =	sshll.u32 s0, $0xA;
	s2 =	sadd.s32 s3, s2  }
0x8d: {  	s2 =	sadd.s32 s2, s17  }
0x8e: {  	[smem:$0x3FC0] =	sst s2  }
0x8f: {  	_ = 	snop  }
0x90: {  	s2 =	sld [smem:$0x3FD0];
	(tm) =	ssettm $0x1  }
0x91: {  	s18 =	sld [smem:$0x3FFB];
	_ =	sdelay $0x3  }
0x92: {  	_ =	strace s18  }
0x93: {  	s3 =	sld [smem:$0x3FFC];
	_ =	sdelay $0x3  }
0x94: {  	_ =	strace s3  }
0x95: {  	s3 =	sld [smem:$0x3FFD];
	_ =	sdelay $0x3  }
0x96: {  	_ =	strace s3  }
0x97: {  	_ =	strace $0x8FFFFFFF  }
0x98: {  	s19 =	sld [smem:$0x3FDB];
	_ =	sdelay $0x1  }
0x99: {  	s4 =	simm.s32 $_scs_section_size  }
0x9a: {  	s5 =	simm.s32 $_size__tile_overlayer_lowered;
	s6 =	simm.s32 $_tile_overlayer_lowered  }
0x9b: {  	s22 =	simm.s32 $0x1BFF;
	s21 =	sshll.u32 s6, $0x1;
	s3 =	sadd.s32 s4, s19  }
0x9c: {  	s7 =	simm.s32 $0x0;
	s20 =	sshll.u32 s5, $0x1;
	s5 =	sadd.s32 s21, s3  }
0x9d: {  	[timem:s7], [sflag:s22] =	dma.local [hbm:s5], s20  }
0x9e: {  	_ =	swait.ge [sflag:s22], s20  }
0x9f: {  	s4 =	ssub.s32 $0x0, s20;
	[sflag:s22] =	ssyncset.done $0x0  }
0xa0: {  	[sflag:s22] =	ssyncadd.s32 s4;
	_ =	sdelay $0x1  }
0xa1: {  	s23 =	simm.s32 $0x1B8B  }
0xa2: {  	_ =	swait.ge [sflag:s23], $0x1  }
0xa3: {  	[sflag:s23] =	ssyncset.done $0x0  }
0xa4: {  	s25 =	simm.s32 $0x1B8E;
	s24 =	sld [smem:$0x3FFE];
	[sflag:s23] =	ssyncadd.s32 $0xFFFFFFFF  }
0xa5: {  	s26 =	simm.s32 $execute0_lowered;
	[smem:$0x3FD2] =	sst s25  }
0xa6: {  	s5 =	sshll.u32 s26, $0x1;
	_ =	strace $0x80000049;
	[dreg:$0x1] =	wrdreg $0xFFFFFFFF  }
0xa7: {  	s28 =	simm.s32 $_size_execute0_lowered;
	s3 =	sadd.s32 s3, s5;
	[dreg:$0x0] =	wrdreg $0x0  }
0xa8: {  	s5 =	sshll.u32 s28, $0x1;
	[dreg:$0x2] =	wrdreg s3  }
0xa9: {  	[dreg:$0x3] =	wrdreg s5  }
0xaa: {  	[dreg:$0x4] =	wrdreg $0xC0  }
0xab: {  	_ =	task [dreg:s7], $0x5FFFF  }
0xac: {  	[dreg:$0x1] =	wrdreg $0xFFFFFFFF  }
0xad: {  	[dreg:$0x0] =	wrdreg $0x60  }
0xae: {  	[dreg:$0x2] =	wrdreg s2  }
0xaf: {  	[dreg:$0x3] =	wrdreg s24  }
0xb0: {  	[dreg:$0x4] =	wrdreg $0xC0000  }
0xb1: {  	[dreg:$0x5] =	wrdreg $0x9  }
0xb2: {  	_ =	task.clear_ibuf [dreg:s7], $0x6FFFF;
	_ =	strace $0x90000049  }
0xb3: {  	s29 =	simm.s32 $0x9;
	_ =	strace $0x8000004B  }
0xb4: {  	_ =	swait.ge [sflag:s29], $0x1  }
0xb5: {  	[sflag:s29] =	ssyncadd.s32 $0xFFFFFFFF  }
0xb6: {  	_ =	strace $0x9000004B  }
0xb7: {  	_ =	sfence  }
0xb8: {  	s30 =	sld [smem:$0x0];
	_ =	sdelay $0x2  }
0xb9: {  	s31 =	sshll.u32 s1, $0xD;
	s1 =	sshrl.u32 s1, $0x2  }
0xba: {  	s3 =	sand.u32 $0x4000, s31;
	s1 =	sadd.s32 s1, s30  }
0xbb: {  	s0 =	sor.u32 s3, s0;
	s1 =	sshll.u32 s1, $0x11  }
0xbc: {  	s0 =	sor.u32 s1, s0  }
0xbd: {  	s0 =	sadd.s32 $0x8F2B, s0  }
0xbe: {  	[sflag:s0] =	ssyncadd.remote.s32 $0x1  }
0xbf: {  	_ =	sfence.sel $0xFFFF  }
0xc0: {  	[dreg:$0x0] =	wrdreg $0xFFFFFFFF;
	(pc) =	sbr.abs _section_cstart, $3  }
0xc1: {  	[dreg:$0x1] =	wrdreg $0xFFFFFFFF  }
0xc2: {  	_ =	task.clear_ibuf [dreg:s7], $0x2FFFF;
	_ =	strace $0x9FFFFFFF  }
0xc3: {  	(tm) =	ssettm $0x7FFFFFFF  }
tec
execute0_lowered:
.L_overlay_start_1:
0x0: {  	(tag) =	ssettag $0x1  }
0x1: {  	s1 =	rddreg [dreg:$0x0]  }
0x2: {  	s0 =	rddreg [dreg:$0x1]  }
0x3: {  	s2 =	rddreg [dreg:$0x2];
	s18 =	simm.s32 $0x0;
	s13 =	stileid.u32  }
0x4: {  	s3 =	srdreg.scid;
	s28 =	simm.s32 $0x6000;
	s30 =	simm.s32 $0x8000  }
0x5: {  	s29 =	simm.s32 $0x4;
	s31 =	simm.s32 $0x7;
	[smem:$0x7FF] =	sst s18  }
0x6: {  	s5 =	sadd.s32 $0x2BE00, s0;
	s4 =	smul.u32 $0x2800, s13;
	s3 =	sand.u32 $0x1, s3  }
0x7: {  	s6 =	sadd.s32 $0x17E00, s0;
	s9 =	smul.u32 $0x1400, s13;
	s7 =	sadd.s32 $0x3800, s0  }
0x8: {  	s11 =	smul.u32 $0x50000, s13;
	s19 =	sadd.s32 $0x12C000, s2;
	s20 =	sadd.s32 $0x25800, s1  }
0x9: {  	s22 =	sadd.s32 $0x78800, s0;
	_ =	strace $0x8000004A;
	[dreg:$0x8] =	wrdreg s19  }
0xa: {  	s24 =	sadd.s32 $0x51600, s0;
	p1 =	seq.s32 s13, $0xF;
	[dreg:$0x9] =	wrdreg s20  }
0xb: {  	s13 =	simm.s32 $0x5;
	s8 =	ssub.s32 $0x2, s3;
	[dreg:$0xb] =	wrdreg s22  }
0xc: {  	p0 =	seq.s32 s3, $0x1;
	[dreg:$0xd] =	wrdreg s24;
	s24 =	simm.s32 $0x40  }
0xd: {  	s10 =	sshrl.u32 s8, $0x1;
	s12 =	sadd.s32 s4, s0;
	s14 =	sadd.s32 s6, s9  }
0xe: {  	s15 =	sadd.s32 s7, s9;
	s16 =	sshrl.u32 s11, $0x2;
	[dreg:$0x4] =	wrdreg s14  }
0xf: {  	s17 =	sadd.s32 s1, s4;
	s23 =	sadd.s32 s5, s4;
	[dreg:$0x5] =	wrdreg s15  }
0x10: {  	s0 =	sadd.s32 $0x9FA00, s0;
	s11 =	simm.s32 $0x3;
	[dreg:$0x7] =	wrdreg s17  }
0x11: {  	s8 =	ssub.s32 s8, s10;
	s3 =	sadd.s32 s16, s2;
	[dreg:$0xc] =	wrdreg s23  }
0x12: {  	s21 =	sadd.s32 $0x53000, s12;
	s25 =	sadd.s32 $0x7A200, s12;
	[dreg:$0xf] =	wrdreg s0  }
.Ltmp0:
0x13: {  	s0 =	simm.s32 $0xA000;
	s23 =	simm.s32 $0x1;
	(pc) =	sbr.rel .LBB2_1-.Ltmp0, $4  }
0x14: {  	s14 =	simm.s32 $0x6;
	s15 =	simm.s32 $0x8;
	[dreg:$0x6] =	wrdreg s3  }
0x15: {  	s16 =	simm.s32 $0x9;
	s17 =	simm.s32 $0x0;
	[dreg:$0xa] =	wrdreg s21  }
0x16: {  	[dreg:$0xe] =	wrdreg s25;
	s26 =	smax.u32 s8, $0x1;
	s21 =	sor.u32 $0x200, s9  }
0x17: {  	s25 =	simm.s32 $0x4000;
	[dreg:$0x10] =	wrdreg s26;
	s26 =	simm.s32 $0x2  }
.LBB2_13:
0x18: {  	_ =	swait.ge [sflag:s13], $0x2000  }
0x19: {  	[sflag:s13] =	ssyncset.done $0x0  }
0x1a: {  	[sflag:s13] =	ssyncadd.s32 $0xFFFFE000  }
0x1b: {  	_ =	swait.ge [sflag:s14], $0x2000  }
0x1c: {  	[sflag:s14] =	ssyncset.done $0x0  }
0x1d: {  	[sflag:s14] =	ssyncadd.s32 $0xFFFFE000  }
0x1e: {  	_ =	swait.ge [sflag:s31], $0x2000  }
0x1f: {  	[sflag:s31] =	ssyncset.done $0x0  }
0x20: {  	[sflag:s31] =	ssyncadd.s32 $0xFFFFE000  }
0x21: {  	_ =	swait.ge [sflag:s15], $0x2000  }
0x22: {  	[sflag:s15] =	ssyncset.done $0x0  }
0x23: {  	[sflag:s15] =	ssyncadd.s32 $0xFFFFE000  }
0x24: {  	[bflag:$0x0] =	sbarrier.arrive $0xFFFF  }
0x25: {  	s4 =	simm.s32 @p1 $0x1FCA;
	s8 =	rddreg [dreg:$0xf]  }
0x26: {  	[hbm:s8], [sflag:s4] =	dma.local @p1 [spmem:s3], $0x1900  }
0x27: {  	s3 =	simm.s32 @p1 $0xA  }
0x28: {  	_ =	swait.ge @p1 [sflag:s3], $0x1900  }
0x29: {  	s4 =	rddreg [dreg:$0x11]  }
0x2a: {  	[sflag:s3] =	ssyncset.done @p1 $0x0;
	s8 =	rddreg [dreg:$0x12]  }
0x2b: {  	[sflag:s3] =	ssyncadd.s32 @p1 $0xFFFFE700;
	s3 =	rddreg [dreg:$0xe]  }
0x2c: {  	[hbm:s3], [sflag:s8] =	dma.local @!p1 [spmem:s4], $0x2800  }
0x2d: {  	s3 =	simm.s32 @!p1 $0xA  }
0x2e: {  	_ =	swait.ge @!p1 [sflag:s3], $0x2800  }
0x2f: {  	[sflag:s3] =	ssyncset.done @!p1 $0x0  }
0x30: {  	s18 =	simm.s32 $0x0;
	[sflag:s3] =	ssyncadd.s32 @!p1 $0xFFFFD800  }
.LBB2_14:
0x31: {  	s17 =	sadd.s32 $0x1, s17;
	s3 =	rddreg [dreg:$0x10]  }
0x32: {  	p2 =	sne.s32 s17, s3  }
.Ltmp1:
0x33: {  	_ = 	snop;
	(pc) =	sbr.rel @!p2 .LBB2_15-.Ltmp1, $1  }
0x34: {  	_ =	sdelay $0x3  }
.LBB2_1:
0x35: {  	s3 =	rddreg [dreg:$0x4];
	s4 =	simm.s32 $0xA  }
0x36: {  	[tilespmem:s18], [sflag:$0xA] =	stream.linear.gather [hbm4b:s3+s18], $0x1000, $0x38;
	[tilespmem:$0x1FC00] =	vst v63  }
0x37: {  	_ =	swait.ge [sflag:s4], $0x1000  }
0x38: {  	[sflag:s4] =	ssyncset.done $0x0  }
0x39: {  	s8 =	simm.s32 $0x2000;
	s22 =	rddreg [dreg:$0x5];
	[sflag:s4] =	ssyncadd.s32 $0xFFFFF000  }
0x3a: {  	[tilespmem:s8], [sflag:$0xA] =	stream.linear.gather [hbm4b:s22+s18], $0x1000, $0x38;
	[tilespmem:$0x1FC00] =	vst v63  }
0x3b: {  	_ =	swait.ge [sflag:s4], $0x1000  }
.Ltmp2:
0x3c: {  	[sflag:s4] =	ssyncset.done $0x0;
	(pc) =	sbr.rel @!p0 .LBB2_2-.Ltmp2, $4  }
0x3d: {  	s3 =	stileid.u32;
	s8 =	rddreg [dreg:$0x6];
	[sflag:s4] =	ssyncadd.s32 $0xFFFFF000  }
0x3e: {  	s4 =	sshll.u32 @!p1 s3, $0x6;
	s3 =	rddreg [dreg:$0x8];
	s9 =	sshrl.u32 @!p1 s8, $0x3  }
0x3f: {  	s10 =	sor.u32 @!p1 $0x1C0A, s4;
	[dreg:$0x11] =	wrdreg s9  }
0x40: {  	s3 =	sshrl.u32 @p1 s3, $0x3;
	[dreg:$0x12] =	wrdreg s10  }
0x41: {  	[tilespmem:s25], [sflag:$0x1] =	stream.indirect.gather [hbm4b:s5+s24], $0x80, s18, s24, $0xb8;
	[tilespmem:$0x1FC00] =	vst v63  }
0x42: {  	s4 =	simm.s32 $0x80  }
0x43: {  	[tilespmem:s28], [sflag:$0x2] =	stream.indirect.gather [hbm4b:s5+s24], $0x80, s4, s24, $0xb8;
	[tilespmem:$0x1FC00] =	vst v63  }
0x44: {  	s20 =	simm.s32 $0x100  }
0x45: {  	[tilespmem:s30], [sflag:$0x3] =	stream.indirect.gather [hbm4b:s5+s24], $0x80, s20, s24, $0xb8;
	[tilespmem:$0x1FC00] =	vst v63  }
0x46: {  	s22 =	simm.s32 $0x180;
	s8 =	rddreg [dreg:$0xd];
	s4 =	simm.s32 @p1 $0x1FCA  }
0x47: {  	[tilespmem:s0], [sflag:$0x4] =	stream.indirect.gather [hbm4b:s5+s24], $0x80, s22, s24, $0xb8;
	[tilespmem:$0x1FC00] =	vst v63  }
0x48: {  	[spmem:s3], [sflag:s4] =	dma.local @p1 [hbm:s8], $0x1900  }
0x49: {  	s4 =	simm.s32 @p1 $0xA  }
0x4a: {  	_ =	swait.ge @p1 [sflag:s4], $0x1900  }
0x4b: {  	[sflag:s4] =	ssyncset.done @p1 $0x0  }
0x4c: {  	[sflag:s4] =	ssyncadd.s32 @p1 $0xFFFFE700;
	s4 =	rddreg [dreg:$0xc]  }
0x4d: {  	[spmem:s9], [sflag:s10] =	dma.local @!p1 [hbm:s4], $0x2800  }
0x4e: {  	s4 =	simm.s32 @!p1 $0xA  }
0x4f: {  	_ =	swait.ge @!p1 [sflag:s4], $0x2800  }
0x50: {  	[sflag:s4] =	ssyncset.done @!p1 $0x0  }
0x51: {  	[sflag:s4] =	ssyncadd.s32 @!p1 $0xFFFFD800  }
0x52: {  	p2 =	por $0x0, $0x0;
	s8 =	simm.s32 $0x0;
	[bflag:$0x0] =	sbarrier.arrive $0xFFFF  }
.LBB2_9:
0x53: {  	p3 =	seq.s32 s8, $0x9  }
0x54: {  	s10 =	sand.u32 $0x1, s8;
	s4 =	sshll.u32 @!p3 s8, $0x9  }
0x55: {  	s9 =	sxor.u32 $0x1, s10;
	s4 =	sadd.s32 @!p3 s21, s4  }
0x56: {  	s19 =	simm.s32 @!p3 $0x0;
	s12 =	sshll.u32 @!p3 s9, $0xC;
	s18 =	sadd.s32 @!p3 s6, s4  }
0x57: {  	[tilespmem:s12], [sflag:$0x9] =	stream.linear.gather @!p3 [hbm4b:s18+s19], $0x1000, $0x38;
	[tilespmem:$0x1FC00] =	vst v63  }
0x58: {  	s18 =	simm.s32 $0x1  }
0x59: {  	s4 =	sadd.s32 @!p3 s7, s4;
	s12 =	sor.u32 @!p3 $0x2000, s12;
	s18 =	simm.s32 @!p2 $0x0  }
0x5a: {  	[tilespmem:s12], [sflag:$0x9] =	stream.linear.gather @!p3 [hbm4b:s4+s19], $0x1000, $0x38;
	[tilespmem:$0x1FC00] =	vst v63  }
0x5b: {  	s12 =	sshll.u32 s18, $0xC;
	_ =	swait.ge [sflag:s23], $0x2000  }
0x5c: {  	s20 =	sor.u32 $0x2000, s12;
	[sflag:s23] =	ssyncset.done $0x0  }
0x5d: {  	s4 =	sadd.s32 $0x0, s20;
	[sflag:s23] =	ssyncadd.s32 $0xFFFFE000  }
0x5e: {  	[spmem:s2] =	stream.indirect.scatter.add.f32 [tilespmem:s25], [sflag:$0x5], $0x80, s4, s24, $0xb8;
	[tilespmem:$0x1FC00] =	vst v63  }
0x5f: {  	_ =	swait.ge [sflag:s26], $0x2000  }
0x60: {  	[sflag:s26] =	ssyncset.done $0x0  }
0x61: {  	s22 =	sadd.s32 $0x80, s4;
	[sflag:s26] =	ssyncadd.s32 $0xFFFFE000  }
0x62: {  	[spmem:s2] =	stream.indirect.scatter.add.f32 [tilespmem:s28], [sflag:$0x6], $0x80, s22, s24, $0xb8;
	[tilespmem:$0x1FC00] =	vst v63  }
0x63: {  	_ =	swait.ge [sflag:s11], $0x2000  }
0x64: {  	[sflag:s11] =	ssyncset.done $0x0  }
0x65: {  	s19 =	sadd.s32 $0x100, s4;
	[sflag:s11] =	ssyncadd.s32 $0xFFFFE000  }
0x66: {  	[spmem:s2] =	stream.indirect.scatter.add.f32 [tilespmem:s30], [sflag:$0x7], $0x80, s19, s24, $0xb8;
	[tilespmem:$0x1FC00] =	vst v63  }
0x67: {  	_ =	swait.ge [sflag:s29], $0x2000  }
0x68: {  	[sflag:s29] =	ssyncset.done $0x0  }
0x69: {  	s4 =	sadd.s32 $0x180, s4;
	[sflag:s29] =	ssyncadd.s32 $0xFFFFE000  }
0x6a: {  	[spmem:s2] =	stream.indirect.scatter.add.f32 [tilespmem:s0], [sflag:$0x8], $0x80, s4, s24, $0xb8;
	[tilespmem:$0x1FC00] =	vst v63  }
0x6b: {  	_ =	swait.ge [sflag:s13], $0x2000  }
0x6c: {  	s18 =	sadd.s32 $0x0, s12;
	[sflag:s13] =	ssyncset.done $0x0  }
0x6d: {  	s22 =	sadd.s32 $0x200, s18;
	[sflag:s13] =	ssyncadd.s32 $0xFFFFE000  }
0x6e: {  	[tilespmem:s25], [sflag:$0x1] =	stream.indirect.gather [hbm4b:s5+s24], $0x80, s22, s24, $0xb8;
	[tilespmem:$0x1FC00] =	vst v63  }
0x6f: {  	_ =	swait.ge [sflag:s14], $0x2000  }
0x70: {  	[sflag:s14] =	ssyncset.done $0x0  }
0x71: {  	s19 =	sadd.s32 $0x280, s18;
	[sflag:s14] =	ssyncadd.s32 $0xFFFFE000  }
0x72: {  	[tilespmem:s28], [sflag:$0x2] =	stream.indirect.gather [hbm4b:s5+s24], $0x80, s19, s24, $0xb8;
	[tilespmem:$0x1FC00] =	vst v63  }
0x73: {  	_ =	swait.ge [sflag:s31], $0x2000  }
0x74: {  	[sflag:s31] =	ssyncset.done $0x0  }
0x75: {  	s22 =	sadd.s32 $0x300, s18;
	[sflag:s31] =	ssyncadd.s32 $0xFFFFE000  }
0x76: {  	[tilespmem:s30], [sflag:$0x3] =	stream.indirect.gather [hbm4b:s5+s24], $0x80, s22, s24, $0xb8;
	[tilespmem:$0x1FC00] =	vst v63  }
0x77: {  	_ =	swait.ge [sflag:s15], $0x2000  }
0x78: {  	[sflag:s15] =	ssyncset.done $0x0  }
0x79: {  	s4 =	simm.s32 $0x800;
	s22 =	sadd.s32 $0x380, s18;
	[sflag:s15] =	ssyncadd.s32 $0xFFFFE000  }
.LBB2_10:
0x7a: {  	[tilespmem:s0], [sflag:$0x4] =	stream.indirect.gather [hbm4b:s5+s24], $0x80, s22, s24, $0xb8;
	[tilespmem:$0x1FC00] =	vst v63  }
0x7b: {  	s18 =	smov.u32 s4  }
0x7c: {  	p4 =	sne.s32 s4, $0x3000;
	s4 =	sadd.s32 $0x800, s4;
	_ =	swait.ge [sflag:s23], $0x2000  }
0x7d: {  	s18 =	sshra.s32 s18, $0x2;
	[sflag:s23] =	ssyncset.done $0x0  }
0x7e: {  	s19 =	sadd.s32 s18, s20;
	s22 =	sadd.s32 s18, s12;
	[sflag:s23] =	ssyncadd.s32 $0xFFFFE000  }
0x7f: {  	[spmem:s2] =	stream.indirect.scatter.add.f32 [tilespmem:s25], [sflag:$0x5], $0x80, s19, s24, $0xb8;
	[tilespmem:$0x1FC00] =	vst v63  }
0x80: {  	_ =	swait.ge [sflag:s26], $0x2000  }
0x81: {  	[sflag:s26] =	ssyncset.done $0x0  }
0x82: {  	s18 =	sadd.s32 $0x80, s19;
	[sflag:s26] =	ssyncadd.s32 $0xFFFFE000  }
0x83: {  	[spmem:s2] =	stream.indirect.scatter.add.f32 [tilespmem:s28], [sflag:$0x6], $0x80, s18, s24, $0xb8;
	[tilespmem:$0x1FC00] =	vst v63  }
0x84: {  	_ =	swait.ge [sflag:s11], $0x2000  }
0x85: {  	[sflag:s11] =	ssyncset.done $0x0  }
0x86: {  	s18 =	sadd.s32 $0x100, s19;
	[sflag:s11] =	ssyncadd.s32 $0xFFFFE000  }
0x87: {  	[spmem:s2] =	stream.indirect.scatter.add.f32 [tilespmem:s30], [sflag:$0x7], $0x80, s18, s24, $0xb8;
	[tilespmem:$0x1FC00] =	vst v63  }
0x88: {  	_ =	swait.ge [sflag:s29], $0x2000  }
0x89: {  	[sflag:s29] =	ssyncset.done $0x0  }
0x8a: {  	s18 =	sadd.s32 $0x180, s19;
	[sflag:s29] =	ssyncadd.s32 $0xFFFFE000  }
0x8b: {  	[spmem:s2] =	stream.indirect.scatter.add.f32 [tilespmem:s0], [sflag:$0x8], $0x80, s18, s24, $0xb8;
	[tilespmem:$0x1FC00] =	vst v63  }
0x8c: {  	_ =	swait.ge [sflag:s13], $0x2000  }
0x8d: {  	[sflag:s13] =	ssyncset.done $0x0  }
0x8e: {  	s18 =	sadd.s32 $0x200, s22;
	[sflag:s13] =	ssyncadd.s32 $0xFFFFE000  }
0x8f: {  	[tilespmem:s25], [sflag:$0x1] =	stream.indirect.gather [hbm4b:s5+s24], $0x80, s18, s24, $0xb8;
	[tilespmem:$0x1FC00] =	vst v63  }
0x90: {  	_ =	swait.ge [sflag:s14], $0x2000  }
0x91: {  	[sflag:s14] =	ssyncset.done $0x0  }
0x92: {  	s18 =	sadd.s32 $0x280, s22;
	[sflag:s14] =	ssyncadd.s32 $0xFFFFE000  }
0x93: {  	[tilespmem:s28], [sflag:$0x2] =	stream.indirect.gather [hbm4b:s5+s24], $0x80, s18, s24, $0xb8;
	[tilespmem:$0x1FC00] =	vst v63  }
0x94: {  	_ =	swait.ge [sflag:s31], $0x2000  }
0x95: {  	[sflag:s31] =	ssyncset.done $0x0  }
.Ltmp3:
0x96: {  	s18 =	sadd.s32 $0x300, s22;
	[sflag:s31] =	ssyncadd.s32 $0xFFFFE000;
	(pc) =	sbr.rel @p4 .LBB2_10-.Ltmp3, $4  }
0x97: {  	[tilespmem:s30], [sflag:$0x3] =	stream.indirect.gather [hbm4b:s5+s24], $0x80, s18, s24, $0xb8;
	[tilespmem:$0x1FC00] =	vst v63  }
0x98: {  	_ =	swait.ge [sflag:s15], $0x2000  }
0x99: {  	[sflag:s15] =	ssyncset.done $0x0  }
0x9a: {  	s22 =	sadd.s32 $0x380, s22;
	[sflag:s15] =	ssyncadd.s32 $0xFFFFE000  }
0x9b: {  	[tilespmem:s0], [sflag:$0x4] =	stream.indirect.gather [hbm4b:s5+s24], $0x80, s22, s24, $0xb8;
	[tilespmem:$0x1FC00] =	vst v63  }
0x9c: {  	_ =	swait.ge [sflag:s23], $0x2000  }
0x9d: {  	s4 =	sshll.u32 s10, $0xC;
	[sflag:s23] =	ssyncset.done $0x0  }
0x9e: {  	s10 =	sor.u32 $0x2E00, s4;
	[sflag:s23] =	ssyncadd.s32 $0xFFFFE000  }
0x9f: {  	[spmem:s2] =	stream.indirect.scatter.add.f32 [tilespmem:s25], [sflag:$0x5], $0x80, s10, s24, $0xb8;
	[tilespmem:$0x1FC00] =	vst v63  }
0xa0: {  	_ =	swait.ge [sflag:s26], $0x2000  }
0xa1: {  	[sflag:s26] =	ssyncset.done $0x0  }
0xa2: {  	s20 =	sor.u32 $0x2E80, s4;
	[sflag:s26] =	ssyncadd.s32 $0xFFFFE000  }
0xa3: {  	[spmem:s2] =	stream.indirect.scatter.add.f32 [tilespmem:s28], [sflag:$0x6], $0x80, s20, s24, $0xb8;
	[tilespmem:$0x1FC00] =	vst v63  }
0xa4: {  	_ =	swait.ge [sflag:s11], $0x2000  }
0xa5: {  	[sflag:s11] =	ssyncset.done $0x0  }
0xa6: {  	s22 =	sor.u32 $0x2F00, s4;
	[sflag:s11] =	ssyncadd.s32 $0xFFFFE000  }
0xa7: {  	[spmem:s2] =	stream.indirect.scatter.add.f32 [tilespmem:s30], [sflag:$0x7], $0x80, s22, s24, $0xb8;
	[tilespmem:$0x1FC00] =	vst v63  }
.Ltmp4:
0xa8: {  	_ = 	snop;
	(pc) =	sbr.rel @p3 .LBB2_13-.Ltmp4, $4  }
0xa9: {  	_ =	swait.ge [sflag:s29], $0x2000  }
0xaa: {  	[sflag:s29] =	ssyncset.done $0x0  }
0xab: {  	s4 =	sor.u32 $0x2F80, s4;
	[sflag:s29] =	ssyncadd.s32 $0xFFFFE000  }
0xac: {  	[spmem:s2] =	stream.indirect.scatter.add.f32 [tilespmem:s0], [sflag:$0x8], $0x80, s4, s24, $0xb8;
	[tilespmem:$0x1FC00] =	vst v63  }
0xad: {  	_ =	swait.ge [sflag:s16], $0x1000  }
0xae: {  	[sflag:s16] =	ssyncset.done $0x0  }
0xaf: {  	[sflag:s16] =	ssyncadd.s32 $0xFFFFF000  }
0xb0: {  	_ =	swait.ge [sflag:s16], $0x1000  }
0xb1: {  	[sflag:s16] =	ssyncset.done $0x0  }
0xb2: {  	[sflag:s16] =	ssyncadd.s32 $0xFFFFF000  }
0xb3: {  	_ =	swait.ge [sflag:s13], $0x2000  }
0xb4: {  	[sflag:s13] =	ssyncset.done $0x0  }
0xb5: {  	s4 =	sshll.u32 s9, $0xC;
	[sflag:s13] =	ssyncadd.s32 $0xFFFFE000  }
0xb6: {  	[tilespmem:s25], [sflag:$0x1] =	stream.indirect.gather [hbm4b:s5+s24], $0x80, s4, s24, $0xb8;
	[tilespmem:$0x1FC00] =	vst v63  }
0xb7: {  	_ =	swait.ge [sflag:s14], $0x2000  }
0xb8: {  	[sflag:s14] =	ssyncset.done $0x0  }
0xb9: {  	s9 =	sor.u32 $0x80, s4;
	[sflag:s14] =	ssyncadd.s32 $0xFFFFE000  }
0xba: {  	[tilespmem:s28], [sflag:$0x2] =	stream.indirect.gather [hbm4b:s5+s24], $0x80, s9, s24, $0xb8;
	[tilespmem:$0x1FC00] =	vst v63  }
0xbb: {  	_ =	swait.ge [sflag:s31], $0x2000  }
0xbc: {  	[sflag:s31] =	ssyncset.done $0x0  }
0xbd: {  	s22 =	sor.u32 $0x100, s4;
	[sflag:s31] =	ssyncadd.s32 $0xFFFFE000  }
0xbe: {  	[tilespmem:s30], [sflag:$0x3] =	stream.indirect.gather [hbm4b:s5+s24], $0x80, s22, s24, $0xb8;
	[tilespmem:$0x1FC00] =	vst v63  }
.Ltmp5:
0xbf: {  	_ = 	snop;
	(pc) =	sbr.rel .LBB2_9-.Ltmp5, $4  }
0xc0: {  	_ =	swait.ge [sflag:s15], $0x2000  }
0xc1: {  	s8 =	sadd.s32 $0x1, s8;
	[sflag:s15] =	ssyncset.done $0x0  }
0xc2: {  	p2 =	por !p2, !p2;
	s4 =	sor.u32 $0x180, s4;
	[sflag:s15] =	ssyncadd.s32 $0xFFFFE000  }
0xc3: {  	[tilespmem:s0], [sflag:$0x4] =	stream.indirect.gather [hbm4b:s5+s24], $0x80, s4, s24, $0xb8;
	[tilespmem:$0x1FC00] =	vst v63  }
.LBB2_2:
0xc4: {  	[tilespmem:s25], [sflag:$0x1] =	stream.indirect.gather [hbm4b:s1+s24], $0x80, s18, s24, $0xb8;
	[tilespmem:$0x1FC00] =	vst v63  }
0xc5: {  	s4 =	simm.s32 $0x80  }
0xc6: {  	[tilespmem:s28], [sflag:$0x2] =	stream.indirect.gather [hbm4b:s1+s24], $0x80, s4, s24, $0xb8;
	[tilespmem:$0x1FC00] =	vst v63  }
0xc7: {  	s20 =	simm.s32 $0x100  }
0xc8: {  	[tilespmem:s30], [sflag:$0x3] =	stream.indirect.gather [hbm4b:s1+s24], $0x80, s20, s24, $0xb8;
	[tilespmem:$0x1FC00] =	vst v63  }
0xc9: {  	s22 =	simm.s32 $0x180;
	s8 =	rddreg [dreg:$0x9];
	s4 =	simm.s32 @p1 $0x1FCA  }
0xca: {  	[tilespmem:s0], [sflag:$0x4] =	stream.indirect.gather [hbm4b:s1+s24], $0x80, s22, s24, $0xb8;
	[tilespmem:$0x1FC00] =	vst v63  }
0xcb: {  	[spmem:s3], [sflag:s4] =	dma.local @p1 [hbm:s8], $0x1900  }
0xcc: {  	s4 =	simm.s32 @p1 $0xA  }
0xcd: {  	_ =	swait.ge @p1 [sflag:s4], $0x1900  }
0xce: {  	[sflag:s4] =	ssyncset.done @p1 $0x0  }
0xcf: {  	[sflag:s4] =	ssyncadd.s32 @p1 $0xFFFFE700;
	s4 =	rddreg [dreg:$0x7]  }
0xd0: {  	[spmem:s9], [sflag:s10] =	dma.local @!p1 [hbm:s4], $0x2800  }
0xd1: {  	s4 =	simm.s32 @!p1 $0xA  }
0xd2: {  	_ =	swait.ge @!p1 [sflag:s4], $0x2800  }
0xd3: {  	[sflag:s4] =	ssyncset.done @!p1 $0x0  }
0xd4: {  	[sflag:s4] =	ssyncadd.s32 @!p1 $0xFFFFD800  }
0xd5: {  	p2 =	por $0x0, $0x0;
	s8 =	simm.s32 $0x0;
	[bflag:$0x0] =	sbarrier.arrive $0xFFFF  }
.LBB2_3:
0xd6: {  	p3 =	seq.s32 s8, $0x9  }
0xd7: {  	s10 =	sand.u32 $0x1, s8;
	s4 =	sshll.u32 @!p3 s8, $0x9  }
0xd8: {  	s9 =	sxor.u32 $0x1, s10;
	s4 =	sadd.s32 @!p3 s21, s4  }
0xd9: {  	s22 =	simm.s32 @!p3 $0x0;
	s12 =	sshll.u32 @!p3 s9, $0xC;
	s20 =	sadd.s32 @!p3 s6, s4  }
0xda: {  	[tilespmem:s12], [sflag:$0x9] =	stream.linear.gather @!p3 [hbm4b:s20+s22], $0x1000, $0x38;
	[tilespmem:$0x1FC00] =	vst v63  }
0xdb: {  	s20 =	simm.s32 $0x1  }
0xdc: {  	s4 =	sadd.s32 @!p3 s7, s4;
	s12 =	sor.u32 @!p3 $0x2000, s12;
	s20 =	simm.s32 @!p2 $0x0  }
0xdd: {  	[tilespmem:s12], [sflag:$0x9] =	stream.linear.gather @!p3 [hbm4b:s4+s22], $0x1000, $0x38;
	[tilespmem:$0x1FC00] =	vst v63  }
0xde: {  	s12 =	sshll.u32 s20, $0xC;
	_ =	swait.ge [sflag:s23], $0x2000  }
0xdf: {  	s20 =	sor.u32 $0x2000, s12;
	[sflag:s23] =	ssyncset.done $0x0  }
0xe0: {  	s4 =	sadd.s32 $0x0, s20;
	[sflag:s23] =	ssyncadd.s32 $0xFFFFE000  }
0xe1: {  	[spmem:s2] =	stream.indirect.scatter.add.f32 [tilespmem:s25], [sflag:$0x5], $0x80, s4, s24, $0xb8;
	[tilespmem:$0x1FC00] =	vst v63  }
0xe2: {  	_ =	swait.ge [sflag:s26], $0x2000  }
0xe3: {  	[sflag:s26] =	ssyncset.done $0x0  }
0xe4: {  	s19 =	sadd.s32 $0x80, s4;
	[sflag:s26] =	ssyncadd.s32 $0xFFFFE000  }
0xe5: {  	[spmem:s2] =	stream.indirect.scatter.add.f32 [tilespmem:s28], [sflag:$0x6], $0x80, s19, s24, $0xb8;
	[tilespmem:$0x1FC00] =	vst v63  }
0xe6: {  	_ =	swait.ge [sflag:s11], $0x2000  }
0xe7: {  	[sflag:s11] =	ssyncset.done $0x0  }
0xe8: {  	s18 =	sadd.s32 $0x100, s4;
	[sflag:s11] =	ssyncadd.s32 $0xFFFFE000  }
0xe9: {  	[spmem:s2] =	stream.indirect.scatter.add.f32 [tilespmem:s30], [sflag:$0x7], $0x80, s18, s24, $0xb8;
	[tilespmem:$0x1FC00] =	vst v63  }
0xea: {  	_ =	swait.ge [sflag:s29], $0x2000  }
0xeb: {  	[sflag:s29] =	ssyncset.done $0x0  }
0xec: {  	s4 =	sadd.s32 $0x180, s4;
	[sflag:s29] =	ssyncadd.s32 $0xFFFFE000  }
0xed: {  	[spmem:s2] =	stream.indirect.scatter.add.f32 [tilespmem:s0], [sflag:$0x8], $0x80, s4, s24, $0xb8;
	[tilespmem:$0x1FC00] =	vst v63  }
0xee: {  	_ =	swait.ge [sflag:s13], $0x2000  }
0xef: {  	s22 =	sadd.s32 $0x0, s12;
	[sflag:s13] =	ssyncset.done $0x0  }
0xf0: {  	s19 =	sadd.s32 $0x200, s22;
	[sflag:s13] =	ssyncadd.s32 $0xFFFFE000  }
0xf1: {  	[tilespmem:s25], [sflag:$0x1] =	stream.indirect.gather [hbm4b:s1+s24], $0x80, s19, s24, $0xb8;
	[tilespmem:$0x1FC00] =	vst v63  }
0xf2: {  	_ =	swait.ge [sflag:s14], $0x2000  }
0xf3: {  	[sflag:s14] =	ssyncset.done $0x0  }
0xf4: {  	s18 =	sadd.s32 $0x280, s22;
	[sflag:s14] =	ssyncadd.s32 $0xFFFFE000  }
0xf5: {  	[tilespmem:s28], [sflag:$0x2] =	stream.indirect.gather [hbm4b:s1+s24], $0x80, s18, s24, $0xb8;
	[tilespmem:$0x1FC00] =	vst v63  }
0xf6: {  	_ =	swait.ge [sflag:s31], $0x2000  }
0xf7: {  	[sflag:s31] =	ssyncset.done $0x0  }
0xf8: {  	s19 =	sadd.s32 $0x300, s22;
	[sflag:s31] =	ssyncadd.s32 $0xFFFFE000  }
0xf9: {  	[tilespmem:s30], [sflag:$0x3] =	stream.indirect.gather [hbm4b:s1+s24], $0x80, s19, s24, $0xb8;
	[tilespmem:$0x1FC00] =	vst v63  }
0xfa: {  	_ =	swait.ge [sflag:s15], $0x2000  }
0xfb: {  	[sflag:s15] =	ssyncset.done $0x0  }
0xfc: {  	s4 =	simm.s32 $0x800;
	s22 =	sadd.s32 $0x380, s22;
	[sflag:s15] =	ssyncadd.s32 $0xFFFFE000  }
.LBB2_4:
0xfd: {  	[tilespmem:s0], [sflag:$0x4] =	stream.indirect.gather [hbm4b:s1+s24], $0x80, s22, s24, $0xb8;
	[tilespmem:$0x1FC00] =	vst v63  }
0xfe: {  	s22 =	smov.u32 s4  }
0xff: {  	p4 =	sne.s32 s4, $0x3000;
	s4 =	sadd.s32 $0x800, s4;
	_ =	swait.ge [sflag:s23], $0x2000  }
0x100: {  	s22 =	sshra.s32 s22, $0x2;
	[sflag:s23] =	ssyncset.done $0x0  }
0x101: {  	s18 =	sadd.s32 s22, s20;
	s22 =	sadd.s32 s22, s12;
	[sflag:s23] =	ssyncadd.s32 $0xFFFFE000  }
0x102: {  	[spmem:s2] =	stream.indirect.scatter.add.f32 [tilespmem:s25], [sflag:$0x5], $0x80, s18, s24, $0xb8;
	[tilespmem:$0x1FC00] =	vst v63  }
0x103: {  	_ =	swait.ge [sflag:s26], $0x2000  }
0x104: {  	[sflag:s26] =	ssyncset.done $0x0  }
0x105: {  	s19 =	sadd.s32 $0x80, s18;
	[sflag:s26] =	ssyncadd.s32 $0xFFFFE000  }
0x106: {  	[spmem:s2] =	stream.indirect.scatter.add.f32 [tilespmem:s28], [sflag:$0x6], $0x80, s19, s24, $0xb8;
	[tilespmem:$0x1FC00] =	vst v63  }
0x107: {  	_ =	swait.ge [sflag:s11], $0x2000  }
0x108: {  	[sflag:s11] =	ssyncset.done $0x0  }
0x109: {  	s19 =	sadd.s32 $0x100, s18;
	[sflag:s11] =	ssyncadd.s32 $0xFFFFE000  }
0x10a: {  	[spmem:s2] =	stream.indirect.scatter.add.f32 [tilespmem:s30], [sflag:$0x7], $0x80, s19, s24, $0xb8;
	[tilespmem:$0x1FC00] =	vst v63  }
0x10b: {  	_ =	swait.ge [sflag:s29], $0x2000  }
0x10c: {  	[sflag:s29] =	ssyncset.done $0x0  }
0x10d: {  	s18 =	sadd.s32 $0x180, s18;
	[sflag:s29] =	ssyncadd.s32 $0xFFFFE000  }
0x10e: {  	[spmem:s2] =	stream.indirect.scatter.add.f32 [tilespmem:s0], [sflag:$0x8], $0x80, s18, s24, $0xb8;
	[tilespmem:$0x1FC00] =	vst v63  }
0x10f: {  	_ =	swait.ge [sflag:s13], $0x2000  }
0x110: {  	[sflag:s13] =	ssyncset.done $0x0  }
0x111: {  	s18 =	sadd.s32 $0x200, s22;
	[sflag:s13] =	ssyncadd.s32 $0xFFFFE000  }
0x112: {  	[tilespmem:s25], [sflag:$0x1] =	stream.indirect.gather [hbm4b:s1+s24], $0x80, s18, s24, $0xb8;
	[tilespmem:$0x1FC00] =	vst v63  }
0x113: {  	_ =	swait.ge [sflag:s14], $0x2000  }
0x114: {  	[sflag:s14] =	ssyncset.done $0x0  }
0x115: {  	s18 =	sadd.s32 $0x280, s22;
	[sflag:s14] =	ssyncadd.s32 $0xFFFFE000  }
0x116: {  	[tilespmem:s28], [sflag:$0x2] =	stream.indirect.gather [hbm4b:s1+s24], $0x80, s18, s24, $0xb8;
	[tilespmem:$0x1FC00] =	vst v63  }
0x117: {  	_ =	swait.ge [sflag:s31], $0x2000  }
0x118: {  	[sflag:s31] =	ssyncset.done $0x0  }
.Ltmp6:
0x119: {  	s18 =	sadd.s32 $0x300, s22;
	[sflag:s31] =	ssyncadd.s32 $0xFFFFE000;
	(pc) =	sbr.rel @p4 .LBB2_4-.Ltmp6, $4  }
0x11a: {  	[tilespmem:s30], [sflag:$0x3] =	stream.indirect.gather [hbm4b:s1+s24], $0x80, s18, s24, $0xb8;
	[tilespmem:$0x1FC00] =	vst v63  }
0x11b: {  	_ =	swait.ge [sflag:s15], $0x2000  }
0x11c: {  	[sflag:s15] =	ssyncset.done $0x0  }
0x11d: {  	s22 =	sadd.s32 $0x380, s22;
	[sflag:s15] =	ssyncadd.s32 $0xFFFFE000  }
0x11e: {  	[tilespmem:s0], [sflag:$0x4] =	stream.indirect.gather [hbm4b:s1+s24], $0x80, s22, s24, $0xb8;
	[tilespmem:$0x1FC00] =	vst v63  }
0x11f: {  	_ =	swait.ge [sflag:s23], $0x2000  }
0x120: {  	s4 =	sshll.u32 s10, $0xC;
	[sflag:s23] =	ssyncset.done $0x0  }
0x121: {  	s10 =	sor.u32 $0x2E00, s4;
	[sflag:s23] =	ssyncadd.s32 $0xFFFFE000  }
0x122: {  	[spmem:s2] =	stream.indirect.scatter.add.f32 [tilespmem:s25], [sflag:$0x5], $0x80, s10, s24, $0xb8;
	[tilespmem:$0x1FC00] =	vst v63  }
0x123: {  	_ =	swait.ge [sflag:s26], $0x2000  }
0x124: {  	[sflag:s26] =	ssyncset.done $0x0  }
0x125: {  	s20 =	sor.u32 $0x2E80, s4;
	[sflag:s26] =	ssyncadd.s32 $0xFFFFE000  }
0x126: {  	[spmem:s2] =	stream.indirect.scatter.add.f32 [tilespmem:s28], [sflag:$0x6], $0x80, s20, s24, $0xb8;
	[tilespmem:$0x1FC00] =	vst v63  }
0x127: {  	_ =	swait.ge [sflag:s11], $0x2000  }
0x128: {  	[sflag:s11] =	ssyncset.done $0x0  }
0x129: {  	s22 =	sor.u32 $0x2F00, s4;
	[sflag:s11] =	ssyncadd.s32 $0xFFFFE000  }
0x12a: {  	[spmem:s2] =	stream.indirect.scatter.add.f32 [tilespmem:s30], [sflag:$0x7], $0x80, s22, s24, $0xb8;
	[tilespmem:$0x1FC00] =	vst v63  }
.Ltmp7:
0x12b: {  	_ = 	snop;
	(pc) =	sbr.rel @p3 .LBB2_7-.Ltmp7, $4  }
0x12c: {  	_ =	swait.ge [sflag:s29], $0x2000  }
0x12d: {  	[sflag:s29] =	ssyncset.done $0x0  }
0x12e: {  	s4 =	sor.u32 $0x2F80, s4;
	[sflag:s29] =	ssyncadd.s32 $0xFFFFE000  }
0x12f: {  	[spmem:s2] =	stream.indirect.scatter.add.f32 [tilespmem:s0], [sflag:$0x8], $0x80, s4, s24, $0xb8;
	[tilespmem:$0x1FC00] =	vst v63  }
0x130: {  	_ =	swait.ge [sflag:s16], $0x1000  }
0x131: {  	[sflag:s16] =	ssyncset.done $0x0  }
0x132: {  	[sflag:s16] =	ssyncadd.s32 $0xFFFFF000  }
0x133: {  	_ =	swait.ge [sflag:s16], $0x1000  }
0x134: {  	[sflag:s16] =	ssyncset.done $0x0  }
0x135: {  	[sflag:s16] =	ssyncadd.s32 $0xFFFFF000  }
0x136: {  	_ =	swait.ge [sflag:s13], $0x2000  }
0x137: {  	[sflag:s13] =	ssyncset.done $0x0  }
0x138: {  	s4 =	sshll.u32 s9, $0xC;
	[sflag:s13] =	ssyncadd.s32 $0xFFFFE000  }
0x139: {  	[tilespmem:s25], [sflag:$0x1] =	stream.indirect.gather [hbm4b:s1+s24], $0x80, s4, s24, $0xb8;
	[tilespmem:$0x1FC00] =	vst v63  }
0x13a: {  	_ =	swait.ge [sflag:s14], $0x2000  }
0x13b: {  	[sflag:s14] =	ssyncset.done $0x0  }
0x13c: {  	s9 =	sor.u32 $0x80, s4;
	[sflag:s14] =	ssyncadd.s32 $0xFFFFE000  }
0x13d: {  	[tilespmem:s28], [sflag:$0x2] =	stream.indirect.gather [hbm4b:s1+s24], $0x80, s9, s24, $0xb8;
	[tilespmem:$0x1FC00] =	vst v63  }
0x13e: {  	_ =	swait.ge [sflag:s31], $0x2000  }
0x13f: {  	[sflag:s31] =	ssyncset.done $0x0  }
0x140: {  	s22 =	sor.u32 $0x100, s4;
	[sflag:s31] =	ssyncadd.s32 $0xFFFFE000  }
0x141: {  	[tilespmem:s30], [sflag:$0x3] =	stream.indirect.gather [hbm4b:s1+s24], $0x80, s22, s24, $0xb8;
	[tilespmem:$0x1FC00] =	vst v63  }
.Ltmp8:
0x142: {  	_ = 	snop;
	(pc) =	sbr.rel .LBB2_3-.Ltmp8, $4  }
0x143: {  	_ =	swait.ge [sflag:s15], $0x2000  }
0x144: {  	s8 =	sadd.s32 $0x1, s8;
	[sflag:s15] =	ssyncset.done $0x0  }
0x145: {  	p2 =	por !p2, !p2;
	s4 =	sor.u32 $0x180, s4;
	[sflag:s15] =	ssyncadd.s32 $0xFFFFE000  }
0x146: {  	[tilespmem:s0], [sflag:$0x4] =	stream.indirect.gather [hbm4b:s1+s24], $0x80, s4, s24, $0xb8;
	[tilespmem:$0x1FC00] =	vst v63  }
.LBB2_7:
0x147: {  	_ =	swait.ge [sflag:s13], $0x2000  }
0x148: {  	[sflag:s13] =	ssyncset.done $0x0  }
0x149: {  	[sflag:s13] =	ssyncadd.s32 $0xFFFFE000  }
0x14a: {  	_ =	swait.ge [sflag:s14], $0x2000  }
0x14b: {  	[sflag:s14] =	ssyncset.done $0x0  }
0x14c: {  	[sflag:s14] =	ssyncadd.s32 $0xFFFFE000  }
0x14d: {  	_ =	swait.ge [sflag:s31], $0x2000  }
0x14e: {  	[sflag:s31] =	ssyncset.done $0x0  }
0x14f: {  	[sflag:s31] =	ssyncadd.s32 $0xFFFFE000  }
0x150: {  	_ =	swait.ge [sflag:s15], $0x2000  }
0x151: {  	[sflag:s15] =	ssyncset.done $0x0  }
0x152: {  	[sflag:s15] =	ssyncadd.s32 $0xFFFFE000  }
0x153: {  	[bflag:$0x0] =	sbarrier.arrive $0xFFFF  }
0x154: {  	s4 =	simm.s32 @p1 $0x1FCA;
	s8 =	rddreg [dreg:$0xb]  }
0x155: {  	[hbm:s8], [sflag:s4] =	dma.local @p1 [spmem:s3], $0x1900  }
0x156: {  	s3 =	simm.s32 @p1 $0xA  }
0x157: {  	_ =	swait.ge @p1 [sflag:s3], $0x1900  }
0x158: {  	s4 =	rddreg [dreg:$0x11]  }
0x159: {  	[sflag:s3] =	ssyncset.done @p1 $0x0;
	s8 =	rddreg [dreg:$0x12]  }
0x15a: {  	[sflag:s3] =	ssyncadd.s32 @p1 $0xFFFFE700;
	s3 =	rddreg [dreg:$0xa]  }
0x15b: {  	[hbm:s3], [sflag:s8] =	dma.local @!p1 [spmem:s4], $0x2800  }
.Ltmp9:
0x15c: {  	_ = 	snop;
	(pc) =	sbr.rel .LBB2_14-.Ltmp9, $4  }
0x15d: {  	s3 =	simm.s32 @!p1 $0xA  }
0x15e: {  	_ =	swait.ge @!p1 [sflag:s3], $0x2800  }
0x15f: {  	[sflag:s3] =	ssyncset.done @!p1 $0x0  }
0x160: {  	s18 =	simm.s32 $0x0;
	[sflag:s3] =	ssyncadd.s32 @!p1 $0xFFFFD800  }
.LBB2_15:
0x161: {  	_ =	sfence.sel $0x180000  }
0x162: {  	[bflag:$0x0] =	sbarrier.arrive $0xFFFF  }
0x163: {  	_ =	strace $0x9000004A  }
0x164: {  	s0 =	stileid.u32;
	[bflag:$0x2] =	sbarrier.arrive $0xFFFF  }
0x165: {  	p0 =	sne.s32 s0, $0x0;
	s0 =	rddreg [dreg:$0x3]  }
0x166: {  	s0 =	sadd.s32 @!p0 $0x100000, s0  }
0x167: {  	[sflag:s0] =	ssyncadd.tile.s32 @!p0 $0x1;
	_ =	shalt  }
.Lfunc_end2:
_tile_overlayer_lowered:
.L_overlay_start_2:
0x168: {  	(tag) =	ssettag $0x2  }
0x169: {  	s0 =	rddreg [dreg:$0x0];
	s2 =	stileid.u32  }
0x16a: {  	s1 =	rddreg [dreg:$0x1];
	p0 =	sne.s32 s2, $0x0  }
0x16b: {  	s3 =	rddreg [dreg:$0x2];
	[bflag:$0x3] =	sbarrier.arrive $0xFFFF;
	s2 =	simm.s32 @!p0 $0x1C0A  }
0x16c: {  	[timem:s3], [sflag:s2] =	dma.local @!p0 [hbm:s0], s1  }
0x16d: {  	s0 =	simm.s32 @!p0 $0xA  }
0x16e: {  	_ =	swait.ge @!p0 [sflag:s0], s1  }
0x16f: {  	s1 =	ssub.s32 @!p0 $0x0, s1;
	[sflag:s0] =	ssyncset.done @!p0 $0x0  }
0x170: {  	[sflag:s0] =	ssyncadd.s32 @!p0 s1  }
0x171: {  	[bflag:$0x3] =	sbarrier.arrive $0xFFFF  }
0x172: {  	_ =	shalt  }

// kernel: kernel.14.cloned.1.call-start
scs
__scs_entry_jumppad:
0x0: {  	(pc) =	sbr.rel $0x88, $3  }
0x1: {  	(tag) =	ssettag $0x0;
	lr =	simm.s32 $0x1  }
0x2: {  	[smem:$0x3F99] =	sst lr;
	_ =	strace $0xD0000000  }
0x3: {  	_ = 	snop  }
0x4: {  	_ = 	snop  }
0x5: {  	_ = 	snop  }
0x6: {  	_ = 	snop  }
0x7: {  	_ = 	snop  }
__scs_overlays_trampoline_lowered:
0x8: {  	[smem:$0x3FA8] =	sst s0  }
0x9: {  	[smem:$0x3FA9] =	sst s1  }
0xa: {  	[smem:$0x3FAA] =	sst s2  }
0xb: {  	[smem:$0x3FAB] =	sst s3  }
0xc: {  	[smem:$0x3FAC] =	sst s4  }
0xd: {  	[smem:$0x3FAD] =	sst s5  }
0xe: {  	[smem:$0x3FAE] =	sst s6  }
0xf: {  	[smem:$0x3FAF] =	sst s7  }
0x10: {  	[smem:$0x3FB0] =	sst s8  }
0x11: {  	[smem:$0x3FB1] =	sst s9;
	s0 =	simm.s32 @!p0 $0x0  }
0x12: {  	s1 =	sld [smem:$0x3F97];
	s0 =	simm.s32 @p0 $0x1  }
0x13: {  	[smem:$0x3FB2] =	sst s0;
	s0 =	simm.s32 @!p1 $0x0  }
0x14: {  	s2 =	sld [smem:$0x3F96];
	s0 =	simm.s32 @p1 $0x1  }
0x15: {  	[smem:$0x3FB3] =	sst s0;
	s0 =	simm.s32 @!p2 $0x0  }
0x16: {  	s3 =	sld [smem:$0x3FDB];
	s0 =	simm.s32 @p2 $0x1  }
0x17: {  	s4 =	simm.s32 $0x1BF5;
	[smem:$0x3FB5] =	sst s0  }
0x18: {  	s0 =	sld [smem:$0x3F98];
	_ =	swait.ge [sflag:s4], $0x0  }
0x19: {  	s7 =	sld [smem:$0x3F99]  }
0x1a: {  	s8 =	sadd.s32 $0xFFFFE003, lr  }
0x1b: {  	s9 =	sadd.s32 $0xFFFFFEF7, lr;
	s5 =	simm.s32 $0xFFFFFFFF;
	p2 =	slt.u32 s8, $0xFFFFF086  }
0x1c: {  	p1 =	slt.u32 s9, $0xF7A;
	s5 =	simm.s32 @!p2 $0x0  }
0x1d: {  	s5 =	simm.s32 @p1 $0x1;
	p0 =	seq.s32 s7, s2  }
0x1e: {  	s7 =	smul.u32 @!p0 $0xF7A, s2;
	p2 =	seq.s32 @!p0 s5, $0x0  }
0x1f: {  	s9 =	smul.u32 $0xF7A, s1;
	s8 =	simm.s32 @!p0 $0x1BF5;
	p2 =	por !p2, p0  }
0x20: {  	[sflag:s8] =	ssyncset.s32 @!p0 $0xFFFFF086;
	s6 =	sadd.s32 @!p0 s3, s7;
	s7 =	simm.s32 @!p0 $0x108  }
0x21: {  	s3 =	sadd.s32 s3, s9;
	s6 =	sadd.s32 @!p0 $0x88, s6;
	s7 =	simm.s32 @p2 $0x1082  }
0x22: {  	[simem:s7], [sflag:s8] =	dma.local @!p0 [hbm:s6], $0xF7A  }
0x23: {  	s9 =	sor.u32 $0xD0000000, s2;
	s6 =	simm.s32 $0x108;
	_ =	swait.ge @!p0 [sflag:s8], $0x0  }
0x24: {  	s3 =	sadd.s32 $0x88, s3;
	s6 =	simm.s32 @!p1 $0x1082;
	[sflag:s4] =	ssyncset.s32 $0xFFFFF086  }
0x25: {  	[simem:s6], [sflag:s4] =	dma.local [hbm:s3], $0xF7A  }
0x26: {  	[smem:$0x3F99] =	sst s1;
	(tag) =	ssettag s2;
	_ =	strace s9  }
0x27: {  	s1 =	sld [smem:$0x3FA9]  }
0x28: {  	s2 =	sld [smem:$0x3FAA]  }
0x29: {  	s4 =	sld [smem:$0x3FAC]  }
0x2a: {  	p0 =	seq.s32 s5, $0x0;
	s5 =	sld [smem:$0x3FAD]  }
0x2b: {  	s6 =	sld [smem:$0x3FAE]  }
0x2c: {  	s7 =	sld [smem:$0x3FAF]  }
0x2d: {  	s3 =	simm.s32 $0x108;
	s8 =	sld [smem:$0x3FB0]  }
0x2e: {  	s3 =	simm.s32 @!p0 $0x1082;
	s9 =	sld [smem:$0x3FB1]  }
0x2f: {  	lr =	sadd.s32 s0, s3;
	s0 =	sld [smem:$0x3FA8]  }
0x30: {  	s3 =	sld [smem:$0x3FAB]  }
0x31: {  	[smem:$0x3FB4] =	sst s10  }
0x32: {  	s10 =	sld [smem:$0x3FB2];
	_ =	sdelay $0x3  }
0x33: {  	p0 =	seq.s32 s10, $0x1;
	s10 =	sld [smem:$0x3FB4];
	_ =	sdelay $0x3  }
0x34: {  	[smem:$0x3FB4] =	sst s10  }
0x35: {  	s10 =	sld [smem:$0x3FB3];
	_ =	sdelay $0x3  }
0x36: {  	p1 =	seq.s32 s10, $0x1;
	s10 =	sld [smem:$0x3FB4];
	_ =	sdelay $0x3  }
0x37: {  	[smem:$0x3FB4] =	sst s10  }
0x38: {  	s10 =	sld [smem:$0x3FB5]  }
0x39: {  	_ = 	snop;
	(pc) =	sbr.ind lr, $3  }
0x3a: {  	_ = 	snop  }
0x3b: {  	_ = 	snop  }
0x3c: {  	p2 =	seq.s32 s10, $0x1;
	s10 =	sld [smem:$0x3FB4]  }
0x3d: {  	_ =	shalt  }
0x3e: {  	_ =	shalt  }
0x3f: {  	_ =	shalt  }
0x40: {  	_ =	shalt  }
0x41: {  	_ =	shalt  }
0x42: {  	_ =	shalt  }
0x43: {  	_ =	shalt  }
0x44: {  	_ =	shalt  }
0x45: {  	_ =	shalt  }
0x46: {  	_ =	shalt  }
0x47: {  	_ =	shalt  }
0x48: {  	_ =	shalt  }
0x49: {  	_ =	shalt  }
0x4a: {  	_ =	shalt  }
0x4b: {  	_ =	shalt  }
0x4c: {  	_ =	shalt  }
0x4d: {  	_ =	shalt  }
0x4e: {  	_ =	shalt  }
0x4f: {  	_ =	shalt  }
0x50: {  	_ =	shalt  }
0x51: {  	_ =	shalt  }
0x52: {  	_ =	shalt  }
0x53: {  	_ =	shalt  }
0x54: {  	_ =	shalt  }
0x55: {  	_ =	shalt  }
0x56: {  	_ =	shalt  }
0x57: {  	_ =	shalt  }
0x58: {  	_ =	shalt  }
0x59: {  	_ =	shalt  }
0x5a: {  	_ =	shalt  }
0x5b: {  	_ =	shalt  }
0x5c: {  	_ =	shalt  }
0x5d: {  	_ =	shalt  }
0x5e: {  	_ =	shalt  }
0x5f: {  	_ =	shalt  }
0x60: {  	_ =	shalt  }
0x61: {  	_ =	shalt  }
0x62: {  	_ =	shalt  }
0x63: {  	_ =	shalt  }
0x64: {  	_ =	shalt  }
0x65: {  	_ =	shalt  }
0x66: {  	_ =	shalt  }
0x67: {  	_ =	shalt  }
0x68: {  	_ =	shalt  }
0x69: {  	_ =	shalt  }
0x6a: {  	_ =	shalt  }
0x6b: {  	_ =	shalt  }
0x6c: {  	_ =	shalt  }
0x6d: {  	_ =	shalt  }
0x6e: {  	_ =	shalt  }
0x6f: {  	_ =	shalt  }
0x70: {  	_ =	shalt  }
0x71: {  	_ =	shalt  }
0x72: {  	_ =	shalt  }
0x73: {  	_ =	shalt  }
0x74: {  	_ =	shalt  }
0x75: {  	_ =	shalt  }
0x76: {  	_ =	shalt  }
0x77: {  	_ =	shalt  }
0x78: {  	_ =	shalt  }
0x79: {  	_ =	shalt  }
0x7a: {  	_ =	shalt  }
0x7b: {  	_ =	shalt  }
0x7c: {  	_ =	shalt  }
0x7d: {  	_ =	shalt  }
0x7e: {  	_ =	shalt  }
0x7f: {  	_ =	shalt  }
0x80: {  	_ =	shalt  }
0x81: {  	_ =	shalt  }
0x82: {  	_ =	shalt  }
0x83: {  	_ =	shalt  }
0x84: {  	_ =	shalt  }
0x85: {  	_ =	shalt  }
0x86: {  	_ =	shalt  }
0x87: {  	_ =	shalt  }
.Lfunc_end0:
.L_simem_size_0:
called_computation.2_lowered:
.L_overlay_start_0:
0x88: {  	s2 =	sld [smem:$0x3FD9]  }
0x89: {  	s3 =	sld [smem:$0x3FFE];
	_ =	sdelay $0x1  }
0x8a: {  	s1 =	srdreg.scid  }
0x8b: {  	s0 =	sand.u32 $0x1, s1  }
0x8c: {  	s17 =	sshll.u32 s0, $0xA;
	s2 =	sadd.s32 s3, s2  }
0x8d: {  	s2 =	sadd.s32 s2, s17  }
0x8e: {  	[smem:$0x3FC0] =	sst s2  }
0x8f: {  	_ = 	snop  }
0x90: {  	s2 =	sld [smem:$0x3FD0];
	(tm) =	ssettm $0x1  }
0x91: {  	s18 =	sld [smem:$0x3FFB];
	_ =	sdelay $0x3  }
0x92: {  	_ =	strace s18  }
0x93: {  	s3 =	sld [smem:$0x3FFC];
	_ =	sdelay $0x3  }
0x94: {  	_ =	strace s3  }
0x95: {  	s3 =	sld [smem:$0x3FFD];
	_ =	sdelay $0x3  }
0x96: {  	_ =	strace s3  }
0x97: {  	_ =	strace $0x8FFFFFFF  }
0x98: {  	s19 =	sld [smem:$0x3FDB];
	_ =	sdelay $0x1  }
0x99: {  	s4 =	simm.s32 $_scs_section_size  }
0x9a: {  	s5 =	simm.s32 $_size__tile_overlayer_lowered;
	s6 =	simm.s32 $_tile_overlayer_lowered  }
0x9b: {  	s22 =	simm.s32 $0x1BFF;
	s21 =	sshll.u32 s6, $0x1;
	s3 =	sadd.s32 s4, s19  }
0x9c: {  	s7 =	simm.s32 $0x0;
	s20 =	sshll.u32 s5, $0x1;
	s5 =	sadd.s32 s21, s3  }
0x9d: {  	[timem:s7], [sflag:s22] =	dma.local [hbm:s5], s20  }
0x9e: {  	_ =	swait.ge [sflag:s22], s20  }
0x9f: {  	s4 =	ssub.s32 $0x0, s20;
	[sflag:s22] =	ssyncset.done $0x0  }
0xa0: {  	[sflag:s22] =	ssyncadd.s32 s4;
	_ =	sdelay $0x1  }
0xa1: {  	s23 =	simm.s32 $0x1B8B  }
0xa2: {  	_ =	swait.ge [sflag:s23], $0x1  }
0xa3: {  	[sflag:s23] =	ssyncset.done $0x0  }
0xa4: {  	s25 =	simm.s32 $0x1B8E;
	s24 =	sld [smem:$0x3FFE];
	[sflag:s23] =	ssyncadd.s32 $0xFFFFFFFF  }
0xa5: {  	s26 =	simm.s32 $execute0_lowered;
	[smem:$0x3FD2] =	sst s25  }
0xa6: {  	s5 =	sshll.u32 s26, $0x1;
	_ =	strace $0x8000004C;
	[dreg:$0x1] =	wrdreg $0xFFFFFFFF  }
0xa7: {  	s28 =	simm.s32 $_size_execute0_lowered;
	s3 =	sadd.s32 s3, s5;
	[dreg:$0x0] =	wrdreg $0x0  }
0xa8: {  	s5 =	sshll.u32 s28, $0x1;
	[dreg:$0x2] =	wrdreg s3  }
0xa9: {  	[dreg:$0x3] =	wrdreg s5  }
0xaa: {  	[dreg:$0x4] =	wrdreg $0xC0  }
0xab: {  	_ =	task [dreg:s7], $0x5FFFF  }
0xac: {  	[dreg:$0x1] =	wrdreg $0xFFFFFFFF  }
0xad: {  	[dreg:$0x0] =	wrdreg $0x60  }
0xae: {  	[dreg:$0x2] =	wrdreg s2  }
0xaf: {  	[dreg:$0x3] =	wrdreg s24  }
0xb0: {  	[dreg:$0x4] =	wrdreg $0xC0000  }
0xb1: {  	[dreg:$0x5] =	wrdreg $0x9  }
0xb2: {  	_ =	task.clear_ibuf [dreg:s7], $0x6FFFF;
	_ =	strace $0x9000004C  }
0xb3: {  	s29 =	simm.s32 $0x9;
	_ =	strace $0x8000004E  }
0xb4: {  	_ =	swait.ge [sflag:s29], $0x1  }
0xb5: {  	[sflag:s29] =	ssyncadd.s32 $0xFFFFFFFF  }
0xb6: {  	_ =	strace $0x9000004E  }
0xb7: {  	_ =	sfence  }
0xb8: {  	s30 =	sld [smem:$0x0];
	_ =	sdelay $0x2  }
0xb9: {  	s31 =	sshll.u32 s1, $0xD;
	s1 =	sshrl.u32 s1, $0x2  }
0xba: {  	s3 =	sand.u32 $0x4000, s31;
	s1 =	sadd.s32 s1, s30  }
0xbb: {  	s0 =	sor.u32 s3, s0;
	s1 =	sshll.u32 s1, $0x11  }
0xbc: {  	s0 =	sor.u32 s1, s0  }
0xbd: {  	s0 =	sadd.s32 $0x8F2B, s0  }
0xbe: {  	[sflag:s0] =	ssyncadd.remote.s32 $0x1  }
0xbf: {  	_ =	sfence.sel $0xFFFF  }
0xc0: {  	[dreg:$0x0] =	wrdreg $0xFFFFFFFF;
	(pc) =	sbr.abs _section_cstart, $3  }
0xc1: {  	[dreg:$0x1] =	wrdreg $0xFFFFFFFF  }
0xc2: {  	_ =	task.clear_ibuf [dreg:s7], $0x2FFFF;
	_ =	strace $0x9FFFFFFF  }
0xc3: {  	(tm) =	ssettm $0x7FFFFFFF  }
tec
execute0_lowered:
.L_overlay_start_1:
0x0: {  	(tag) =	ssettag $0x1  }
0x1: {  	s1 =	rddreg [dreg:$0x0]  }
0x2: {  	s0 =	rddreg [dreg:$0x1]  }
0x3: {  	s2 =	rddreg [dreg:$0x2]  }
0x4: {  	s4 =	simm.s32 $0x0;
	s3 =	srdreg.scid;
	s14 =	stileid.u32  }
0x5: {  	s29 =	simm.s32 $0xA000;
	s30 =	simm.s32 $0x1;
	s31 =	simm.s32 $0x2  }
0x6: {  	s28 =	simm.s32 $0x7;
	[smem:$0x7FF] =	sst s4;
	s8 =	smul.u32 $0xA0, s14  }
0x7: {  	s17 =	sand.u32 $0x1, s3;
	s5 =	sadd.s32 $0x17E00, s0;
	s10 =	smul.u32 $0x2800, s14  }
0x8: {  	s6 =	sadd.s32 $0x3800, s0;
	s18 =	smul.u32 $0x50000, s14;
	s22 =	sadd.s32 $0x25800, s1  }
0x9: {  	s24 =	sadd.s32 $0x51600, s0;
	p0 =	seq.s32 s14, $0xF;
	s7 =	smul.u32 $0xA00, s17  }
0xa: {  	_ =	strace $0x8000004D;
	s9 =	ssub.s32 $0x2, s17;
	[dreg:$0x8] =	wrdreg s22  }
0xb: {  	p1 =	seq.s32 s17, $0x1;
	[dreg:$0xa] =	wrdreg s24;
	s22 =	simm.s32 $0x4000  }
0xc: {  	s24 =	simm.s32 $0x6000;
	s12 =	sadd.s32 s10, s0;
	s11 =	sshrl.u32 s9, $0x1  }
0xd: {  	s21 =	sadd.s32 s1, s10;
	s0 =	sadd.s32 $0x78800, s0;
	p2 =	seq.s32 @p1 s14, $0xF  }
0xe: {  	p4 =	seq.s32 @!p1 s14, $0xF;
	s10 =	simm.s32 $0x0;
	s7 =	sadd.s32 s8, s7  }
0xf: {  	s13 =	ssub.s32 s9, s11;
	s8 =	sshrl.u32 s18, $0x2;
	[dreg:$0x7] =	wrdreg s21  }
0x10: {  	s11 =	sadd.s32 $0x12C000, s2;
	s23 =	sadd.s32 $0x2BE00, s12;
	s25 =	sadd.s32 $0x53000, s12  }
0x11: {  	[dreg:$0xc] =	wrdreg s0;
	s21 =	simm.s32 $0x40;
	p3 =	por !p2, !p1  }
0x12: {  	p2 =	por p2, !p1;
	s7 =	sshll.u32 s7, $0x4;
	[dreg:$0x9] =	wrdreg s23  }
0x13: {  	s9 =	sadd.s32 s8, s2;
	[dreg:$0xb] =	wrdreg s25;
	s26 =	smax.u32 s13, $0x1  }
0x14: {  	s0 =	simm.s32 @!p3 $0x0;
	s23 =	simm.s32 $0x5;
	s25 =	simm.s32 $0x6  }
0x15: {  	s8 =	simm.s32 $0x9;
	s19 =	sadd.s32 s5, s7;
	s20 =	sadd.s32 s6, s7  }
.Ltmp0:
0x16: {  	[dreg:$0xd] =	wrdreg s26;
	s18 =	sadd.s32 $0x200, s7;
	(pc) =	sbr.rel .LBB2_1-.Ltmp0, $4  }
0x17: {  	s0 =	simm.s32 @p3 $0x1;
	p3 =	por !p4, p1;
	[dreg:$0x6] =	wrdreg s9  }
0x18: {  	p4 =	por p4, p1;
	s26 =	simm.s32 $0x8000;
	[dreg:$0x4] =	wrdreg s19  }
0x19: {  	s7 =	simm.s32 $0x8;
	[dreg:$0x5] =	wrdreg s20;
	s19 =	simm.s32 $0xA  }
0x1a: {  	[smem:$0x7FD] =	sst s0;
	s0 =	simm.s32 $0x3;
	s20 =	simm.s32 $0x4  }
.LBB2_6:
0x1b: {  	_ =	swait.ge [sflag:s23], $0x2000  }
0x1c: {  	[sflag:s23] =	ssyncset.done $0x0  }
0x1d: {  	[sflag:s23] =	ssyncadd.s32 $0xFFFFE000  }
0x1e: {  	_ =	swait.ge [sflag:s25], $0x2000  }
0x1f: {  	[sflag:s25] =	ssyncset.done $0x0  }
0x20: {  	[sflag:s25] =	ssyncadd.s32 $0xFFFFE000  }
0x21: {  	_ =	swait.ge [sflag:s28], $0x2000  }
0x22: {  	[sflag:s28] =	ssyncset.done $0x0  }
0x23: {  	[sflag:s28] =	ssyncadd.s32 $0xFFFFE000  }
0x24: {  	_ =	swait.ge [sflag:s7], $0x2000  }
0x25: {  	[sflag:s7] =	ssyncset.done $0x0  }
0x26: {  	[sflag:s7] =	ssyncadd.s32 $0xFFFFE000  }
0x27: {  	[bflag:$0x0] =	sbarrier.arrive $0xFFFF  }
0x28: {  	s3 =	sld [smem:$0x7FD];
	_ =	sdelay $0x2  }
0x29: {  	p1 =	seq.s32 s3, $0x1  }
0x2a: {  	s9 =	rddreg [dreg:$0xc];
	s3 =	sshrl.u32 @!p1 s11, $0x3;
	s4 =	simm.s32 @!p1 $0x1FCA  }
0x2b: {  	[hbm:s9], [sflag:s4] =	dma.local @!p1 [spmem:s3], $0x1900  }
0x2c: {  	s3 =	simm.s32 @!p1 $0xA  }
0x2d: {  	_ =	swait.ge @!p1 [sflag:s3], $0x1900  }
0x2e: {  	s14 =	stileid.u32;
	s9 =	rddreg [dreg:$0x6]  }
0x2f: {  	s4 =	sshll.u32 @!p2 s14, $0x6;
	[sflag:s3] =	ssyncset.done @!p1 $0x0;
	s12 =	rddreg [dreg:$0xb]  }
0x30: {  	[sflag:s3] =	ssyncadd.s32 @!p1 $0xFFFFE700;
	s3 =	sor.u32 @!p2 $0x1C0A, s4;
	s4 =	sshrl.u32 @!p2 s9, $0x3  }
0x31: {  	[hbm:s12], [sflag:s3] =	dma.local @!p2 [spmem:s4], $0x2800  }
0x32: {  	s3 =	simm.s32 @!p2 $0xA  }
0x33: {  	_ =	swait.ge @!p2 [sflag:s3], $0x2800  }
0x34: {  	s4 =	simm.s32 @!p3 $0x1FCA;
	[sflag:s3] =	ssyncset.done @!p2 $0x0  }
0x35: {  	s12 =	rddreg [dreg:$0xa];
	[sflag:s3] =	ssyncadd.s32 @!p2 $0xFFFFD800;
	s3 =	sshrl.u32 @!p3 s11, $0x3  }
0x36: {  	[hbm:s12], [sflag:s4] =	dma.local @!p3 [spmem:s3], $0x1900  }
0x37: {  	s3 =	simm.s32 @!p3 $0xA  }
0x38: {  	_ =	swait.ge @!p3 [sflag:s3], $0x1900  }
0x39: {  	s4 =	sshll.u32 @!p4 s14, $0x6;
	[sflag:s3] =	ssyncset.done @!p3 $0x0;
	s12 =	rddreg [dreg:$0x9]  }
0x3a: {  	[sflag:s3] =	ssyncadd.s32 @!p3 $0xFFFFE700;
	s3 =	sor.u32 @!p4 $0x1C0A, s4;
	s4 =	sshrl.u32 @!p4 s9, $0x3  }
0x3b: {  	[hbm:s12], [sflag:s3] =	dma.local @!p4 [spmem:s4], $0x2800  }
0x3c: {  	s3 =	simm.s32 @!p4 $0xA  }
0x3d: {  	_ =	swait.ge @!p4 [sflag:s3], $0x2800  }
0x3e: {  	s10 =	sadd.s32 $0x1, s10;
	s17 =	rddreg [dreg:$0xd]  }
0x3f: {  	p1 =	sne.s32 s10, s17  }
.Ltmp1:
0x40: {  	_ = 	snop;
	(pc) =	sbr.rel @!p1 .LBB2_7-.Ltmp1, $3  }
0x41: {  	_ =	sdelay $0x1  }
0x42: {  	[sflag:s3] =	ssyncset.done @!p4 $0x0  }
0x43: {  	[sflag:s3] =	ssyncadd.s32 @!p4 $0xFFFFD800  }
.LBB2_1:
0x44: {  	s3 =	simm.s32 $0x0;
	s4 =	rddreg [dreg:$0x4]  }
0x45: {  	[tilespmem:s3], [sflag:$0xA] =	stream.linear.gather [hbm4b:s4+s3], $0x1000, $0x38;
	[tilespmem:$0x1FC00] =	vst v63  }
0x46: {  	_ =	swait.ge [sflag:s19], $0x1000  }
0x47: {  	[sflag:s19] =	ssyncset.done $0x0  }
0x48: {  	s12 =	simm.s32 $0x2000;
	s13 =	rddreg [dreg:$0x5];
	[sflag:s19] =	ssyncadd.s32 $0xFFFFF000  }
0x49: {  	[tilespmem:s12], [sflag:$0xA] =	stream.linear.gather [hbm4b:s13+s3], $0x1000, $0x38;
	[tilespmem:$0x1FC00] =	vst v63  }
0x4a: {  	_ =	swait.ge [sflag:s19], $0x1000  }
0x4b: {  	[sflag:s19] =	ssyncset.done $0x0  }
0x4c: {  	[sflag:s19] =	ssyncadd.s32 $0xFFFFF000  }
0x4d: {  	[tilespmem:s22], [sflag:$0x1] =	stream.indirect.gather [hbm4b:s1+s21], $0x80, s3, s21, $0xb8;
	[tilespmem:$0x1FC00] =	vst v63  }
0x4e: {  	s15 =	simm.s32 $0x80  }
0x4f: {  	[tilespmem:s24], [sflag:$0x2] =	stream.indirect.gather [hbm4b:s1+s21], $0x80, s15, s21, $0xb8;
	[tilespmem:$0x1FC00] =	vst v63  }
0x50: {  	s16 =	simm.s32 $0x100;
	s17 =	simm.s32 $0x180  }
0x51: {  	[tilespmem:s26], [sflag:$0x3] =	stream.indirect.gather [hbm4b:s1+s21], $0x80, s16, s21, $0xb8;
	[tilespmem:$0x1FC00] =	vst v63  }
0x52: {  	s4 =	sshrl.u32 @p0 s11, $0x3;
	s12 =	simm.s32 @p0 $0x1FCA;
	s3 =	rddreg [dreg:$0x8]  }
0x53: {  	[tilespmem:s29], [sflag:$0x4] =	stream.indirect.gather [hbm4b:s1+s21], $0x80, s17, s21, $0xb8;
	[tilespmem:$0x1FC00] =	vst v63  }
0x54: {  	[spmem:s4], [sflag:s12] =	dma.local @p0 [hbm:s3], $0x1900  }
0x55: {  	s4 =	simm.s32 @p0 $0xA  }
0x56: {  	_ =	swait.ge @p0 [sflag:s4], $0x1900  }
0x57: {  	s12 =	sshll.u32 @!p0 s14, $0x6;
	[sflag:s4] =	ssyncset.done @p0 $0x0;
	s3 =	rddreg [dreg:$0x7]  }
0x58: {  	[sflag:s4] =	ssyncadd.s32 @p0 $0xFFFFE700;
	s4 =	sor.u32 @!p0 $0x1C0A, s12;
	s12 =	sshrl.u32 @!p0 s9, $0x3  }
0x59: {  	[spmem:s12], [sflag:s4] =	dma.local @!p0 [hbm:s3], $0x2800  }
0x5a: {  	s4 =	simm.s32 @!p0 $0xA  }
0x5b: {  	_ =	swait.ge @!p0 [sflag:s4], $0x2800  }
0x5c: {  	[sflag:s4] =	ssyncset.done @!p0 $0x0  }
0x5d: {  	[sflag:s4] =	ssyncadd.s32 @!p0 $0xFFFFD800  }
0x5e: {  	p5 =	por $0x0, $0x0;
	s12 =	simm.s32 $0x0;
	[bflag:$0x0] =	sbarrier.arrive $0xFFFF  }
.LBB2_2:
0x5f: {  	p6 =	seq.s32 s12, $0x4  }
0x60: {  	s14 =	sand.u32 $0x1, s12;
	s4 =	sshll.u32 @!p6 s12, $0x9  }
0x61: {  	s13 =	sxor.u32 $0x1, s14;
	s4 =	sadd.s32 @!p6 s18, s4  }
0x62: {  	s17 =	simm.s32 @!p6 $0x0;
	s15 =	sshll.u32 @!p6 s13, $0xC;
	s16 =	sadd.s32 @!p6 s5, s4  }
0x63: {  	[tilespmem:s15], [sflag:$0x9] =	stream.linear.gather @!p6 [hbm4b:s16+s17], $0x1000, $0x38;
	[tilespmem:$0x1FC00] =	vst v63  }
0x64: {  	s16 =	simm.s32 $0x1  }
0x65: {  	s4 =	sadd.s32 @!p6 s6, s4;
	s15 =	sor.u32 @!p6 $0x2000, s15;
	s16 =	simm.s32 @!p5 $0x0  }
0x66: {  	[tilespmem:s15], [sflag:$0x9] =	stream.linear.gather @!p6 [hbm4b:s4+s17], $0x1000, $0x38;
	[tilespmem:$0x1FC00] =	vst v63  }
0x67: {  	s15 =	sshll.u32 s16, $0xC;
	_ =	swait.ge [sflag:s30], $0x2000  }
0x68: {  	s16 =	sor.u32 $0x2000, s15;
	[sflag:s30] =	ssyncset.done $0x0  }
0x69: {  	s4 =	sadd.s32 $0x0, s16;
	[sflag:s30] =	ssyncadd.s32 $0xFFFFE000  }
0x6a: {  	[spmem:s2] =	stream.indirect.scatter.add.f32 [tilespmem:s22], [sflag:$0x5], $0x80, s4, s21, $0xb8;
	[tilespmem:$0x1FC00] =	vst v63  }
0x6b: {  	_ =	swait.ge [sflag:s31], $0x2000  }
0x6c: {  	[sflag:s31] =	ssyncset.done $0x0  }
0x6d: {  	s9 =	sadd.s32 $0x80, s4;
	[sflag:s31] =	ssyncadd.s32 $0xFFFFE000  }
0x6e: {  	[spmem:s2] =	stream.indirect.scatter.add.f32 [tilespmem:s24], [sflag:$0x6], $0x80, s9, s21, $0xb8;
	[tilespmem:$0x1FC00] =	vst v63  }
0x6f: {  	_ =	swait.ge [sflag:s0], $0x2000  }
0x70: {  	[sflag:s0] =	ssyncset.done $0x0  }
0x71: {  	s3 =	sadd.s32 $0x100, s4;
	[sflag:s0] =	ssyncadd.s32 $0xFFFFE000  }
0x72: {  	[spmem:s2] =	stream.indirect.scatter.add.f32 [tilespmem:s26], [sflag:$0x7], $0x80, s3, s21, $0xb8;
	[tilespmem:$0x1FC00] =	vst v63  }
0x73: {  	_ =	swait.ge [sflag:s20], $0x2000  }
0x74: {  	[sflag:s20] =	ssyncset.done $0x0  }
0x75: {  	s4 =	sadd.s32 $0x180, s4;
	[sflag:s20] =	ssyncadd.s32 $0xFFFFE000  }
0x76: {  	[spmem:s2] =	stream.indirect.scatter.add.f32 [tilespmem:s29], [sflag:$0x8], $0x80, s4, s21, $0xb8;
	[tilespmem:$0x1FC00] =	vst v63  }
0x77: {  	_ =	swait.ge [sflag:s23], $0x2000  }
0x78: {  	s4 =	sadd.s32 $0x0, s15;
	[sflag:s23] =	ssyncset.done $0x0  }
0x79: {  	s9 =	sadd.s32 $0x200, s4;
	[sflag:s23] =	ssyncadd.s32 $0xFFFFE000  }
0x7a: {  	[tilespmem:s22], [sflag:$0x1] =	stream.indirect.gather [hbm4b:s1+s21], $0x80, s9, s21, $0xb8;
	[tilespmem:$0x1FC00] =	vst v63  }
0x7b: {  	_ =	swait.ge [sflag:s25], $0x2000  }
0x7c: {  	[sflag:s25] =	ssyncset.done $0x0  }
0x7d: {  	s3 =	sadd.s32 $0x280, s4;
	[sflag:s25] =	ssyncadd.s32 $0xFFFFE000  }
0x7e: {  	[tilespmem:s24], [sflag:$0x2] =	stream.indirect.gather [hbm4b:s1+s21], $0x80, s3, s21, $0xb8;
	[tilespmem:$0x1FC00] =	vst v63  }
0x7f: {  	_ =	swait.ge [sflag:s28], $0x2000  }
0x80: {  	[sflag:s28] =	ssyncset.done $0x0  }
0x81: {  	s9 =	sadd.s32 $0x300, s4;
	[sflag:s28] =	ssyncadd.s32 $0xFFFFE000  }
0x82: {  	[tilespmem:s26], [sflag:$0x3] =	stream.indirect.gather [hbm4b:s1+s21], $0x80, s9, s21, $0xb8;
	[tilespmem:$0x1FC00] =	vst v63  }
0x83: {  	_ =	swait.ge [sflag:s7], $0x2000  }
0x84: {  	[sflag:s7] =	ssyncset.done $0x0  }
0x85: {  	s17 =	simm.s32 $0x800;
	s4 =	sadd.s32 $0x380, s4;
	[sflag:s7] =	ssyncadd.s32 $0xFFFFE000  }
.LBB2_3:
0x86: {  	[tilespmem:s29], [sflag:$0x4] =	stream.indirect.gather [hbm4b:s1+s21], $0x80, s4, s21, $0xb8;
	[tilespmem:$0x1FC00] =	vst v63  }
0x87: {  	s4 =	smov.u32 s17  }
0x88: {  	p1 =	sne.s32 s17, $0x3000;
	s17 =	sadd.s32 $0x800, s17;
	_ =	swait.ge [sflag:s30], $0x2000  }
0x89: {  	s4 =	sshra.s32 s4, $0x2;
	[sflag:s30] =	ssyncset.done $0x0  }
0x8a: {  	s3 =	sadd.s32 s4, s16;
	s4 =	sadd.s32 s4, s15;
	[sflag:s30] =	ssyncadd.s32 $0xFFFFE000  }
0x8b: {  	[spmem:s2] =	stream.indirect.scatter.add.f32 [tilespmem:s22], [sflag:$0x5], $0x80, s3, s21, $0xb8;
	[tilespmem:$0x1FC00] =	vst v63  }
0x8c: {  	_ =	swait.ge [sflag:s31], $0x2000  }
0x8d: {  	[sflag:s31] =	ssyncset.done $0x0  }
0x8e: {  	s9 =	sadd.s32 $0x80, s3;
	[sflag:s31] =	ssyncadd.s32 $0xFFFFE000  }
0x8f: {  	[spmem:s2] =	stream.indirect.scatter.add.f32 [tilespmem:s24], [sflag:$0x6], $0x80, s9, s21, $0xb8;
	[tilespmem:$0x1FC00] =	vst v63  }
0x90: {  	_ =	swait.ge [sflag:s0], $0x2000  }
0x91: {  	[sflag:s0] =	ssyncset.done $0x0  }
0x92: {  	s9 =	sadd.s32 $0x100, s3;
	[sflag:s0] =	ssyncadd.s32 $0xFFFFE000  }
0x93: {  	[spmem:s2] =	stream.indirect.scatter.add.f32 [tilespmem:s26], [sflag:$0x7], $0x80, s9, s21, $0xb8;
	[tilespmem:$0x1FC00] =	vst v63  }
0x94: {  	_ =	swait.ge [sflag:s20], $0x2000  }
0x95: {  	[sflag:s20] =	ssyncset.done $0x0  }
0x96: {  	s3 =	sadd.s32 $0x180, s3;
	[sflag:s20] =	ssyncadd.s32 $0xFFFFE000  }
0x97: {  	[spmem:s2] =	stream.indirect.scatter.add.f32 [tilespmem:s29], [sflag:$0x8], $0x80, s3, s21, $0xb8;
	[tilespmem:$0x1FC00] =	vst v63  }
0x98: {  	_ =	swait.ge [sflag:s23], $0x2000  }
0x99: {  	[sflag:s23] =	ssyncset.done $0x0  }
0x9a: {  	s3 =	sadd.s32 $0x200, s4;
	[sflag:s23] =	ssyncadd.s32 $0xFFFFE000  }
0x9b: {  	[tilespmem:s22], [sflag:$0x1] =	stream.indirect.gather [hbm4b:s1+s21], $0x80, s3, s21, $0xb8;
	[tilespmem:$0x1FC00] =	vst v63  }
0x9c: {  	_ =	swait.ge [sflag:s25], $0x2000  }
0x9d: {  	[sflag:s25] =	ssyncset.done $0x0  }
0x9e: {  	s3 =	sadd.s32 $0x280, s4;
	[sflag:s25] =	ssyncadd.s32 $0xFFFFE000  }
0x9f: {  	[tilespmem:s24], [sflag:$0x2] =	stream.indirect.gather [hbm4b:s1+s21], $0x80, s3, s21, $0xb8;
	[tilespmem:$0x1FC00] =	vst v63  }
0xa0: {  	_ =	swait.ge [sflag:s28], $0x2000  }
0xa1: {  	[sflag:s28] =	ssyncset.done $0x0  }
.Ltmp2:
0xa2: {  	s3 =	sadd.s32 $0x300, s4;
	[sflag:s28] =	ssyncadd.s32 $0xFFFFE000;
	(pc) =	sbr.rel @p1 .LBB2_3-.Ltmp2, $4  }
0xa3: {  	[tilespmem:s26], [sflag:$0x3] =	stream.indirect.gather [hbm4b:s1+s21], $0x80, s3, s21, $0xb8;
	[tilespmem:$0x1FC00] =	vst v63  }
0xa4: {  	_ =	swait.ge [sflag:s7], $0x2000  }
0xa5: {  	[sflag:s7] =	ssyncset.done $0x0  }
0xa6: {  	s4 =	sadd.s32 $0x380, s4;
	[sflag:s7] =	ssyncadd.s32 $0xFFFFE000  }
0xa7: {  	[tilespmem:s29], [sflag:$0x4] =	stream.indirect.gather [hbm4b:s1+s21], $0x80, s4, s21, $0xb8;
	[tilespmem:$0x1FC00] =	vst v63  }
0xa8: {  	_ =	swait.ge [sflag:s30], $0x2000  }
0xa9: {  	s3 =	sshll.u32 s14, $0xC;
	[sflag:s30] =	ssyncset.done $0x0  }
0xaa: {  	s15 =	sor.u32 $0x2E00, s3;
	[sflag:s30] =	ssyncadd.s32 $0xFFFFE000  }
0xab: {  	[spmem:s2] =	stream.indirect.scatter.add.f32 [tilespmem:s22], [sflag:$0x5], $0x80, s15, s21, $0xb8;
	[tilespmem:$0x1FC00] =	vst v63  }
0xac: {  	_ =	swait.ge [sflag:s31], $0x2000  }
0xad: {  	[sflag:s31] =	ssyncset.done $0x0  }
0xae: {  	s16 =	sor.u32 $0x2E80, s3;
	[sflag:s31] =	ssyncadd.s32 $0xFFFFE000  }
0xaf: {  	[spmem:s2] =	stream.indirect.scatter.add.f32 [tilespmem:s24], [sflag:$0x6], $0x80, s16, s21, $0xb8;
	[tilespmem:$0x1FC00] =	vst v63  }
0xb0: {  	_ =	swait.ge [sflag:s0], $0x2000  }
0xb1: {  	[sflag:s0] =	ssyncset.done $0x0  }
0xb2: {  	s17 =	sor.u32 $0x2F00, s3;
	[sflag:s0] =	ssyncadd.s32 $0xFFFFE000  }
0xb3: {  	[spmem:s2] =	stream.indirect.scatter.add.f32 [tilespmem:s26], [sflag:$0x7], $0x80, s17, s21, $0xb8;
	[tilespmem:$0x1FC00] =	vst v63  }
.Ltmp3:
0xb4: {  	_ = 	snop;
	(pc) =	sbr.rel @p6 .LBB2_6-.Ltmp3, $4  }
0xb5: {  	_ =	swait.ge [sflag:s20], $0x2000  }
0xb6: {  	[sflag:s20] =	ssyncset.done $0x0  }
0xb7: {  	s3 =	sor.u32 $0x2F80, s3;
	[sflag:s20] =	ssyncadd.s32 $0xFFFFE000  }
0xb8: {  	[spmem:s2] =	stream.indirect.scatter.add.f32 [tilespmem:s29], [sflag:$0x8], $0x80, s3, s21, $0xb8;
	[tilespmem:$0x1FC00] =	vst v63  }
0xb9: {  	_ =	swait.ge [sflag:s8], $0x1000  }
0xba: {  	[sflag:s8] =	ssyncset.done $0x0  }
0xbb: {  	[sflag:s8] =	ssyncadd.s32 $0xFFFFF000  }
0xbc: {  	_ =	swait.ge [sflag:s8], $0x1000  }
0xbd: {  	[sflag:s8] =	ssyncset.done $0x0  }
0xbe: {  	[sflag:s8] =	ssyncadd.s32 $0xFFFFF000  }
0xbf: {  	_ =	swait.ge [sflag:s23], $0x2000  }
0xc0: {  	[sflag:s23] =	ssyncset.done $0x0  }
0xc1: {  	s3 =	sshll.u32 s13, $0xC;
	[sflag:s23] =	ssyncadd.s32 $0xFFFFE000  }
0xc2: {  	[tilespmem:s22], [sflag:$0x1] =	stream.indirect.gather [hbm4b:s1+s21], $0x80, s3, s21, $0xb8;
	[tilespmem:$0x1FC00] =	vst v63  }
0xc3: {  	_ =	swait.ge [sflag:s25], $0x2000  }
0xc4: {  	[sflag:s25] =	ssyncset.done $0x0  }
0xc5: {  	s4 =	sor.u32 $0x80, s3;
	[sflag:s25] =	ssyncadd.s32 $0xFFFFE000  }
0xc6: {  	[tilespmem:s24], [sflag:$0x2] =	stream.indirect.gather [hbm4b:s1+s21], $0x80, s4, s21, $0xb8;
	[tilespmem:$0x1FC00] =	vst v63  }
0xc7: {  	_ =	swait.ge [sflag:s28], $0x2000  }
0xc8: {  	[sflag:s28] =	ssyncset.done $0x0  }
0xc9: {  	s17 =	sor.u32 $0x100, s3;
	[sflag:s28] =	ssyncadd.s32 $0xFFFFE000  }
0xca: {  	[tilespmem:s26], [sflag:$0x3] =	stream.indirect.gather [hbm4b:s1+s21], $0x80, s17, s21, $0xb8;
	[tilespmem:$0x1FC00] =	vst v63  }
.Ltmp4:
0xcb: {  	_ = 	snop;
	(pc) =	sbr.rel .LBB2_2-.Ltmp4, $4  }
0xcc: {  	_ =	swait.ge [sflag:s7], $0x2000  }
0xcd: {  	s12 =	sadd.s32 $0x1, s12;
	[sflag:s7] =	ssyncset.done $0x0  }
0xce: {  	p5 =	por !p5, !p5;
	s3 =	sor.u32 $0x180, s3;
	[sflag:s7] =	ssyncadd.s32 $0xFFFFE000  }
0xcf: {  	[tilespmem:s29], [sflag:$0x4] =	stream.indirect.gather [hbm4b:s1+s21], $0x80, s3, s21, $0xb8;
	[tilespmem:$0x1FC00] =	vst v63  }
.LBB2_7:
0xd0: {  	_ =	sfence.sel $0x180000  }
0xd1: {  	[bflag:$0x0] =	sbarrier.arrive $0xFFFF  }
0xd2: {  	_ =	strace $0x9000004D  }
0xd3: {  	[bflag:$0x2] =	sbarrier.arrive $0xFFFF  }
0xd4: {  	p0 =	sne.s32 s14, $0x0;
	s0 =	rddreg [dreg:$0x3]  }
0xd5: {  	s0 =	sadd.s32 @!p0 $0x100000, s0  }
0xd6: {  	[sflag:s0] =	ssyncadd.tile.s32 @!p0 $0x1;
	_ =	shalt  }
.Lfunc_end2:
_tile_overlayer_lowered:
.L_overlay_start_2:
0xd7: {  	(tag) =	ssettag $0x2  }
0xd8: {  	s0 =	rddreg [dreg:$0x0];
	s2 =	stileid.u32  }
0xd9: {  	s1 =	rddreg [dreg:$0x1];
	p0 =	sne.s32 s2, $0x0  }
0xda: {  	s3 =	rddreg [dreg:$0x2];
	[bflag:$0x3] =	sbarrier.arrive $0xFFFF;
	s2 =	simm.s32 @!p0 $0x1C0A  }
0xdb: {  	[timem:s3], [sflag:s2] =	dma.local @!p0 [hbm:s0], s1  }
0xdc: {  	s0 =	simm.s32 @!p0 $0xA  }
0xdd: {  	_ =	swait.ge @!p0 [sflag:s0], s1  }
0xde: {  	s1 =	ssub.s32 @!p0 $0x0, s1;
	[sflag:s0] =	ssyncset.done @!p0 $0x0  }
0xdf: {  	[sflag:s0] =	ssyncadd.s32 @!p0 s1  }
0xe0: {  	[bflag:$0x3] =	sbarrier.arrive $0xFFFF  }
0xe1: {  	_ =	shalt  }

// kernel: kernel.8.cloned.1.call-start
scs
__scs_entry_jumppad:
0x0: {  	(pc) =	sbr.rel $0x88, $3  }
0x1: {  	(tag) =	ssettag $0x0;
	lr =	simm.s32 $0x1  }
0x2: {  	[smem:$0x3F99] =	sst lr;
	_ =	strace $0xD0000000  }
0x3: {  	_ = 	snop  }
0x4: {  	_ = 	snop  }
0x5: {  	_ = 	snop  }
0x6: {  	_ = 	snop  }
0x7: {  	_ = 	snop  }
__scs_overlays_trampoline_lowered:
0x8: {  	[smem:$0x3FA8] =	sst s0  }
0x9: {  	[smem:$0x3FA9] =	sst s1  }
0xa: {  	[smem:$0x3FAA] =	sst s2  }
0xb: {  	[smem:$0x3FAB] =	sst s3  }
0xc: {  	[smem:$0x3FAC] =	sst s4  }
0xd: {  	[smem:$0x3FAD] =	sst s5  }
0xe: {  	[smem:$0x3FAE] =	sst s6  }
0xf: {  	[smem:$0x3FAF] =	sst s7  }
0x10: {  	[smem:$0x3FB0] =	sst s8  }
0x11: {  	[smem:$0x3FB1] =	sst s9;
	s0 =	simm.s32 @!p0 $0x0  }
0x12: {  	s1 =	sld [smem:$0x3F97];
	s0 =	simm.s32 @p0 $0x1  }
0x13: {  	[smem:$0x3FB2] =	sst s0;
	s0 =	simm.s32 @!p1 $0x0  }
0x14: {  	s2 =	sld [smem:$0x3F96];
	s0 =	simm.s32 @p1 $0x1  }
0x15: {  	[smem:$0x3FB3] =	sst s0;
	s0 =	simm.s32 @!p2 $0x0  }
0x16: {  	s3 =	sld [smem:$0x3FDB];
	s0 =	simm.s32 @p2 $0x1  }
0x17: {  	s4 =	simm.s32 $0x1BF5;
	[smem:$0x3FB5] =	sst s0  }
0x18: {  	s0 =	sld [smem:$0x3F98];
	_ =	swait.ge [sflag:s4], $0x0  }
0x19: {  	s7 =	sld [smem:$0x3F99]  }
0x1a: {  	s8 =	sadd.s32 $0xFFFFE003, lr  }
0x1b: {  	s9 =	sadd.s32 $0xFFFFFEF7, lr;
	s5 =	simm.s32 $0xFFFFFFFF;
	p2 =	slt.u32 s8, $0xFFFFF086  }
0x1c: {  	p1 =	slt.u32 s9, $0xF7A;
	s5 =	simm.s32 @!p2 $0x0  }
0x1d: {  	s5 =	simm.s32 @p1 $0x1;
	p0 =	seq.s32 s7, s2  }
0x1e: {  	s7 =	smul.u32 @!p0 $0xF7A, s2;
	p2 =	seq.s32 @!p0 s5, $0x0  }
0x1f: {  	s9 =	smul.u32 $0xF7A, s1;
	s8 =	simm.s32 @!p0 $0x1BF5;
	p2 =	por !p2, p0  }
0x20: {  	[sflag:s8] =	ssyncset.s32 @!p0 $0xFFFFF086;
	s6 =	sadd.s32 @!p0 s3, s7;
	s7 =	simm.s32 @!p0 $0x108  }
0x21: {  	s3 =	sadd.s32 s3, s9;
	s6 =	sadd.s32 @!p0 $0x88, s6;
	s7 =	simm.s32 @p2 $0x1082  }
0x22: {  	[simem:s7], [sflag:s8] =	dma.local @!p0 [hbm:s6], $0xF7A  }
0x23: {  	s9 =	sor.u32 $0xD0000000, s2;
	s6 =	simm.s32 $0x108;
	_ =	swait.ge @!p0 [sflag:s8], $0x0  }
0x24: {  	s3 =	sadd.s32 $0x88, s3;
	s6 =	simm.s32 @!p1 $0x1082;
	[sflag:s4] =	ssyncset.s32 $0xFFFFF086  }
0x25: {  	[simem:s6], [sflag:s4] =	dma.local [hbm:s3], $0xF7A  }
0x26: {  	[smem:$0x3F99] =	sst s1;
	(tag) =	ssettag s2;
	_ =	strace s9  }
0x27: {  	s1 =	sld [smem:$0x3FA9]  }
0x28: {  	s2 =	sld [smem:$0x3FAA]  }
0x29: {  	s4 =	sld [smem:$0x3FAC]  }
0x2a: {  	p0 =	seq.s32 s5, $0x0;
	s5 =	sld [smem:$0x3FAD]  }
0x2b: {  	s6 =	sld [smem:$0x3FAE]  }
0x2c: {  	s7 =	sld [smem:$0x3FAF]  }
0x2d: {  	s3 =	simm.s32 $0x108;
	s8 =	sld [smem:$0x3FB0]  }
0x2e: {  	s3 =	simm.s32 @!p0 $0x1082;
	s9 =	sld [smem:$0x3FB1]  }
0x2f: {  	lr =	sadd.s32 s0, s3;
	s0 =	sld [smem:$0x3FA8]  }
0x30: {  	s3 =	sld [smem:$0x3FAB]  }
0x31: {  	[smem:$0x3FB4] =	sst s10  }
0x32: {  	s10 =	sld [smem:$0x3FB2];
	_ =	sdelay $0x3  }
0x33: {  	p0 =	seq.s32 s10, $0x1;
	s10 =	sld [smem:$0x3FB4];
	_ =	sdelay $0x3  }
0x34: {  	[smem:$0x3FB4] =	sst s10  }
0x35: {  	s10 =	sld [smem:$0x3FB3];
	_ =	sdelay $0x3  }
0x36: {  	p1 =	seq.s32 s10, $0x1;
	s10 =	sld [smem:$0x3FB4];
	_ =	sdelay $0x3  }
0x37: {  	[smem:$0x3FB4] =	sst s10  }
0x38: {  	s10 =	sld [smem:$0x3FB5]  }
0x39: {  	_ = 	snop;
	(pc) =	sbr.ind lr, $3  }
0x3a: {  	_ = 	snop  }
0x3b: {  	_ = 	snop  }
0x3c: {  	p2 =	seq.s32 s10, $0x1;
	s10 =	sld [smem:$0x3FB4]  }
0x3d: {  	_ =	shalt  }
0x3e: {  	_ =	shalt  }
0x3f: {  	_ =	shalt  }
0x40: {  	_ =	shalt  }
0x41: {  	_ =	shalt  }
0x42: {  	_ =	shalt  }
0x43: {  	_ =	shalt  }
0x44: {  	_ =	shalt  }
0x45: {  	_ =	shalt  }
0x46: {  	_ =	shalt  }
0x47: {  	_ =	shalt  }
0x48: {  	_ =	shalt  }
0x49: {  	_ =	shalt  }
0x4a: {  	_ =	shalt  }
0x4b: {  	_ =	shalt  }
0x4c: {  	_ =	shalt  }
0x4d: {  	_ =	shalt  }
0x4e: {  	_ =	shalt  }
0x4f: {  	_ =	shalt  }
0x50: {  	_ =	shalt  }
0x51: {  	_ =	shalt  }
0x52: {  	_ =	shalt  }
0x53: {  	_ =	shalt  }
0x54: {  	_ =	shalt  }
0x55: {  	_ =	shalt  }
0x56: {  	_ =	shalt  }
0x57: {  	_ =	shalt  }
0x58: {  	_ =	shalt  }
0x59: {  	_ =	shalt  }
0x5a: {  	_ =	shalt  }
0x5b: {  	_ =	shalt  }
0x5c: {  	_ =	shalt  }
0x5d: {  	_ =	shalt  }
0x5e: {  	_ =	shalt  }
0x5f: {  	_ =	shalt  }
0x60: {  	_ =	shalt  }
0x61: {  	_ =	shalt  }
0x62: {  	_ =	shalt  }
0x63: {  	_ =	shalt  }
0x64: {  	_ =	shalt  }
0x65: {  	_ =	shalt  }
0x66: {  	_ =	shalt  }
0x67: {  	_ =	shalt  }
0x68: {  	_ =	shalt  }
0x69: {  	_ =	shalt  }
0x6a: {  	_ =	shalt  }
0x6b: {  	_ =	shalt  }
0x6c: {  	_ =	shalt  }
0x6d: {  	_ =	shalt  }
0x6e: {  	_ =	shalt  }
0x6f: {  	_ =	shalt  }
0x70: {  	_ =	shalt  }
0x71: {  	_ =	shalt  }
0x72: {  	_ =	shalt  }
0x73: {  	_ =	shalt  }
0x74: {  	_ =	shalt  }
0x75: {  	_ =	shalt  }
0x76: {  	_ =	shalt  }
0x77: {  	_ =	shalt  }
0x78: {  	_ =	shalt  }
0x79: {  	_ =	shalt  }
0x7a: {  	_ =	shalt  }
0x7b: {  	_ =	shalt  }
0x7c: {  	_ =	shalt  }
0x7d: {  	_ =	shalt  }
0x7e: {  	_ =	shalt  }
0x7f: {  	_ =	shalt  }
0x80: {  	_ =	shalt  }
0x81: {  	_ =	shalt  }
0x82: {  	_ =	shalt  }
0x83: {  	_ =	shalt  }
0x84: {  	_ =	shalt  }
0x85: {  	_ =	shalt  }
0x86: {  	_ =	shalt  }
0x87: {  	_ =	shalt  }
.Lfunc_end0:
.L_simem_size_0:
called_computation_lowered:
.L_overlay_start_0:
0x88: {  	s2 =	sld [smem:$0x3FD9]  }
0x89: {  	s3 =	sld [smem:$0x3FFE];
	_ =	sdelay $0x1  }
0x8a: {  	s1 =	srdreg.scid  }
0x8b: {  	s0 =	sand.u32 $0x1, s1  }
0x8c: {  	s17 =	sshll.u32 s0, $0xA;
	s2 =	sadd.s32 s3, s2  }
0x8d: {  	s2 =	sadd.s32 s2, s17  }
0x8e: {  	[smem:$0x3FC0] =	sst s2  }
0x8f: {  	_ = 	snop  }
0x90: {  	s2 =	sld [smem:$0x3FD0];
	(tm) =	ssettm $0x1  }
0x91: {  	s18 =	sld [smem:$0x3FFB];
	_ =	sdelay $0x3  }
0x92: {  	_ =	strace s18  }
0x93: {  	s3 =	sld [smem:$0x3FFC];
	_ =	sdelay $0x3  }
0x94: {  	_ =	strace s3  }
0x95: {  	s3 =	sld [smem:$0x3FFD];
	_ =	sdelay $0x3  }
0x96: {  	_ =	strace s3  }
0x97: {  	_ =	strace $0x8FFFFFFF  }
0x98: {  	s19 =	sld [smem:$0x3FDB];
	_ =	sdelay $0x1  }
0x99: {  	s4 =	simm.s32 $_scs_section_size  }
0x9a: {  	s5 =	simm.s32 $_size__tile_overlayer_lowered;
	s6 =	simm.s32 $_tile_overlayer_lowered  }
0x9b: {  	s22 =	simm.s32 $0x1BFF;
	s21 =	sshll.u32 s6, $0x1;
	s3 =	sadd.s32 s4, s19  }
0x9c: {  	s7 =	simm.s32 $0x0;
	s20 =	sshll.u32 s5, $0x1;
	s5 =	sadd.s32 s21, s3  }
0x9d: {  	[timem:s7], [sflag:s22] =	dma.local [hbm:s5], s20  }
0x9e: {  	_ =	swait.ge [sflag:s22], s20  }
0x9f: {  	s4 =	ssub.s32 $0x0, s20;
	[sflag:s22] =	ssyncset.done $0x0  }
0xa0: {  	[sflag:s22] =	ssyncadd.s32 s4;
	_ =	sdelay $0x1  }
0xa1: {  	s23 =	simm.s32 $0x1B8B  }
0xa2: {  	_ =	swait.ge [sflag:s23], $0x1  }
0xa3: {  	[sflag:s23] =	ssyncset.done $0x0  }
0xa4: {  	s25 =	simm.s32 $0x1B8E;
	s24 =	sld [smem:$0x3FFE];
	[sflag:s23] =	ssyncadd.s32 $0xFFFFFFFF  }
0xa5: {  	s26 =	simm.s32 $execute0_lowered;
	[smem:$0x3FD2] =	sst s25  }
0xa6: {  	s5 =	sshll.u32 s26, $0x1;
	_ =	strace $0x80000046;
	[dreg:$0x1] =	wrdreg $0xFFFFFFFF  }
0xa7: {  	s28 =	simm.s32 $_size_execute0_lowered;
	s3 =	sadd.s32 s3, s5;
	[dreg:$0x0] =	wrdreg $0x0  }
0xa8: {  	s5 =	sshll.u32 s28, $0x1;
	[dreg:$0x2] =	wrdreg s3  }
0xa9: {  	[dreg:$0x3] =	wrdreg s5  }
0xaa: {  	[dreg:$0x4] =	wrdreg $0xC0  }
0xab: {  	_ =	task [dreg:s7], $0x5FFFF  }
0xac: {  	[dreg:$0x1] =	wrdreg $0xFFFFFFFF  }
0xad: {  	[dreg:$0x0] =	wrdreg $0x60  }
0xae: {  	[dreg:$0x2] =	wrdreg s24  }
0xaf: {  	[dreg:$0x3] =	wrdreg s2  }
0xb0: {  	[dreg:$0x4] =	wrdreg $0x53000  }
0xb1: {  	[dreg:$0x5] =	wrdreg $0x9  }
0xb2: {  	_ =	task.clear_ibuf [dreg:s7], $0x6FFFF;
	_ =	strace $0x90000046  }
0xb3: {  	s29 =	simm.s32 $0x9;
	_ =	strace $0x80000048  }
0xb4: {  	_ =	swait.ge [sflag:s29], $0x1  }
0xb5: {  	[sflag:s29] =	ssyncadd.s32 $0xFFFFFFFF  }
0xb6: {  	_ =	strace $0x90000048  }
0xb7: {  	_ =	sfence  }
0xb8: {  	s30 =	sld [smem:$0x0];
	_ =	sdelay $0x2  }
0xb9: {  	s31 =	sshll.u32 s1, $0xD;
	s1 =	sshrl.u32 s1, $0x2  }
0xba: {  	s3 =	sand.u32 $0x4000, s31;
	s1 =	sadd.s32 s1, s30  }
0xbb: {  	s0 =	sor.u32 s3, s0;
	s1 =	sshll.u32 s1, $0x11  }
0xbc: {  	s0 =	sor.u32 s1, s0  }
0xbd: {  	s0 =	sadd.s32 $0x8F2B, s0  }
0xbe: {  	[sflag:s0] =	ssyncadd.remote.s32 $0x1  }
0xbf: {  	_ =	sfence.sel $0xFFFF  }
0xc0: {  	[dreg:$0x0] =	wrdreg $0xFFFFFFFF;
	(pc) =	sbr.abs _section_cstart, $3  }
0xc1: {  	[dreg:$0x1] =	wrdreg $0xFFFFFFFF  }
0xc2: {  	_ =	task.clear_ibuf [dreg:s7], $0x2FFFF;
	_ =	strace $0x9FFFFFFF  }
0xc3: {  	(tm) =	ssettm $0x7FFFFFFF  }
tec
execute0_lowered:
.L_overlay_start_1:
0x0: {  	(tag) =	ssettag $0x1  }
0x1: {  	s4 =	rddreg [dreg:$0x0]  }
0x2: {  	s7 =	rddreg [dreg:$0x1];
	s0 =	srdreg.scid  }
0x3: {  	s2 =	rddreg [dreg:$0x2];
	s1 =	stileid.u32  }
0x4: {  	s3 =	simm.s32 $0x0;
	s12 =	simm.s32 $0x1;
	s15 =	simm.s32 $0x0  }
0x5: {  	s5 =	sand.u32 $0x1, s0;
	s0 =	rddreg [dreg:$0x3];
	s8 =	smul.u32 $0xA00, s1  }
0x6: {  	[smem:$0x7FF] =	sst s3;
	s10 =	smul.u32 $0x280, s1;
	s11 =	sadd.s32 $0x17800, s4  }
0x7: {  	s13 =	sshll.u32 s1, $0x6;
	s6 =	smul.u32 $0xA000, s5;
	_ =	strace $0x80000047  }
0x8: {  	s30 =	ssub.s32 $0x2, s5;
	p0 =	seq.s32 s5, $0x1;
	s13 =	sor.u32 $0x1C02, s13  }
0x9: {  	s9 =	sshrl.u32 s30, $0x1;
	s31 =	sshrl.u32 s10, $0x3;
	s7 =	smov.u32 @p0 s11  }
0xa: {  	s11 =	simm.s32 $0x5280;
	s6 =	sadd.s32 s8, s6;
	s8 =	ssub.s32 s30, s9  }
0xb: {  	s7 =	sadd.s32 s7, s31;
	s9 =	simm.s32 $0x2;
	s6 =	sadd.s32 s6, s4  }
0xc: {  	s4 =	sadd.s32 s10, s2;
	s10 =	simm.s32 $0x40;
	s5 =	sadd.s32 $0x3800, s6  }
0xd: {  	v0 =	vimm.f32 $0.0e+00;
	v1 =	vimm.f32 $1.000000000e+00;
	s6 =	smax.u32 s8, $0x1;
	s8 =	simm.s32 $0x5000;
	s14 =	sshrl.u32 s4, $0x3  }
.LBB2_1:
0xe: {  	[tilespmem:$0x5000] =	vst v0  }
0xf: {  	[tilespmem:$0x5010] =	vst v0  }
0x10: {  	[tilespmem:$0x5020] =	vst v0  }
0x11: {  	[tilespmem:$0x5030] =	vst v0  }
0x12: {  	[tilespmem:$0x5040] =	vst v0  }
0x13: {  	[tilespmem:$0x5050] =	vst v0  }
0x14: {  	[tilespmem:$0x5060] =	vst v0  }
0x15: {  	[tilespmem:$0x5070] =	vst v0  }
0x16: {  	[tilespmem:$0x5080] =	vst v0  }
0x17: {  	[tilespmem:$0x5090] =	vst v0  }
0x18: {  	[tilespmem:$0x50A0] =	vst v0  }
0x19: {  	[tilespmem:$0x50B0] =	vst v0  }
0x1a: {  	[tilespmem:$0x50C0] =	vst v0  }
0x1b: {  	[tilespmem:$0x50D0] =	vst v0  }
0x1c: {  	[tilespmem:$0x50E0] =	vst v0  }
0x1d: {  	[tilespmem:$0x50F0] =	vst v0  }
0x1e: {  	[tilespmem:$0x5100] =	vst v0  }
0x1f: {  	[tilespmem:$0x5110] =	vst v0  }
0x20: {  	[tilespmem:$0x5120] =	vst v0  }
0x21: {  	[tilespmem:$0x5130] =	vst v0  }
0x22: {  	[tilespmem:$0x5140] =	vst v0  }
0x23: {  	[tilespmem:$0x5150] =	vst v0  }
0x24: {  	[tilespmem:$0x5160] =	vst v0  }
0x25: {  	[tilespmem:$0x5170] =	vst v0  }
0x26: {  	[tilespmem:$0x5180] =	vst v0  }
0x27: {  	[tilespmem:$0x5190] =	vst v0  }
0x28: {  	[tilespmem:$0x51A0] =	vst v0  }
0x29: {  	[tilespmem:$0x51B0] =	vst v0  }
0x2a: {  	[tilespmem:$0x51C0] =	vst v0  }
0x2b: {  	[tilespmem:$0x51D0] =	vst v0  }
0x2c: {  	[tilespmem:$0x51E0] =	vst v0  }
0x2d: {  	[tilespmem:$0x51F0] =	vst v0  }
0x2e: {  	[tilespmem:$0x5200] =	vst v0  }
0x2f: {  	[tilespmem:$0x5210] =	vst v0  }
0x30: {  	[tilespmem:$0x5220] =	vst v0  }
0x31: {  	[tilespmem:$0x5230] =	vst v0  }
0x32: {  	[tilespmem:$0x5240] =	vst v0  }
0x33: {  	[tilespmem:$0x5250] =	vst v0  }
0x34: {  	[tilespmem:$0x5260] =	vst v0  }
0x35: {  	[tilespmem:$0x5270] =	vst v0  }
0x36: {  	[tilespmem:$0x5280] =	vst v1  }
0x37: {  	[tilespmem:$0x5290] =	vst v1  }
0x38: {  	[tilespmem:$0x52A0] =	vst v1  }
0x39: {  	[tilespmem:$0x52B0] =	vst v1  }
0x3a: {  	[spmem:s4] =	stream.linear.scatter [tilespmem:s8], [sflag:$0x2], $0x280, $0x38;
	[tilespmem:$0x5580] =	vst v63  }
0x3b: {  	_ =	swait.ge [sflag:s9], $0x280  }
0x3c: {  	[sflag:s9] =	ssyncset.done $0x0  }
0x3d: {  	[sflag:s9] =	ssyncadd.s32 $0xFFFFFD80  }
0x3e: {  	[bflag:$0x0] =	sbarrier.arrive $0xFFFF  }
0x3f: {  	[tilespmem:s3], [sflag:$0x2] =	stream.linear.gather [hbm4b:s5+s3], $0x5000, $0x38;
	[tilespmem:$0x5580] =	vst v63  }
0x40: {  	_ =	swait.ge [sflag:s9], $0x5000  }
0x41: {  	p0 =	por $0x1, $0x1;
	[sflag:s9] =	ssyncset.done $0x0  }
0x42: {  	s18 =	simm.s32 @!p0 $0x1;
	[sflag:s9] =	ssyncadd.s32 $0xFFFFB000  }
0x43: {  	[spmem:s2] =	stream.indirect.scatter.add.f32 [tilespmem:s11], [sflag:$0x1], $0x1, s3, s10, $0xb8;
	[tilespmem:$0x5580] =	vst v63  }
0x44: {  	_ =	swait.ge @!p0 [sflag:s18], $0x40  }
0x45: {  	s16 =	simm.s32 $0x1;
	s17 =	simm.s32 $0x0;
	[sflag:s18] =	ssyncset.done @!p0 $0x0  }
.LBB2_2:
0x46: {  	[sflag:s18] =	ssyncadd.s32 @!p0 $0xFFFFFFC0  }
0x47: {  	s17 =	sadd.s32 $0x80, s17;
	s18 =	smov.u32 s16;
	s16 =	sadd.s32 $0x1, s16  }
0x48: {  	p1 =	sne.s32 s16, $0xA0  }
0x49: {  	[spmem:s2] =	stream.indirect.scatter.add.f32 [tilespmem:s11], [sflag:$0x1], $0x1, s17, s10, $0xb8;
	[tilespmem:$0x5580] =	vst v63  }
.Ltmp0:
0x4a: {  	_ = 	snop;
	(pc) =	sbr.rel @p1 .LBB2_2-.Ltmp0, $4  }
0x4b: {  	p0 =	slt.u32 s18, $0x8  }
0x4c: {  	s18 =	simm.s32 @!p0 $0x1  }
0x4d: {  	_ =	swait.ge @!p0 [sflag:s18], $0x40  }
0x4e: {  	[sflag:s18] =	ssyncset.done @!p0 $0x0  }
0x4f: {  	[sflag:s18] =	ssyncadd.s32 @!p0 $0xFFFFFFC0  }
0x50: {  	_ =	swait.ge [sflag:s12], $0x40  }
0x51: {  	[sflag:s12] =	ssyncset.done $0x0  }
0x52: {  	[sflag:s12] =	ssyncadd.s32 $0xFFFFFFC0  }
0x53: {  	_ =	swait.ge [sflag:s12], $0x40  }
0x54: {  	[sflag:s12] =	ssyncset.done $0x0  }
0x55: {  	[sflag:s12] =	ssyncadd.s32 $0xFFFFFFC0  }
0x56: {  	_ =	swait.ge [sflag:s12], $0x40  }
0x57: {  	[sflag:s12] =	ssyncset.done $0x0  }
0x58: {  	[sflag:s12] =	ssyncadd.s32 $0xFFFFFFC0  }
0x59: {  	_ =	swait.ge [sflag:s12], $0x40  }
0x5a: {  	[sflag:s12] =	ssyncset.done $0x0  }
0x5b: {  	[sflag:s12] =	ssyncadd.s32 $0xFFFFFFC0  }
0x5c: {  	_ =	swait.ge [sflag:s12], $0x40  }
0x5d: {  	[sflag:s12] =	ssyncset.done $0x0  }
0x5e: {  	[sflag:s12] =	ssyncadd.s32 $0xFFFFFFC0  }
0x5f: {  	_ =	swait.ge [sflag:s12], $0x40  }
0x60: {  	[sflag:s12] =	ssyncset.done $0x0  }
0x61: {  	[sflag:s12] =	ssyncadd.s32 $0xFFFFFFC0  }
0x62: {  	_ =	swait.ge [sflag:s12], $0x40  }
0x63: {  	[sflag:s12] =	ssyncset.done $0x0  }
0x64: {  	[sflag:s12] =	ssyncadd.s32 $0xFFFFFFC0  }
0x65: {  	_ =	swait.ge [sflag:s12], $0x40  }
0x66: {  	s15 =	sadd.s32 $0x1, s15;
	[sflag:s12] =	ssyncset.done $0x0  }
0x67: {  	p0 =	sne.s32 s15, s6;
	[sflag:s12] =	ssyncadd.s32 $0xFFFFFFC0  }
.Ltmp1:
0x68: {  	[bflag:$0x0] =	sbarrier.arrive $0xFFFF;
	(pc) =	sbr.rel @p0 .LBB2_1-.Ltmp1, $4  }
0x69: {  	[hbm:s7], [sflag:s13] =	dma.local [spmem:s14], $0x50  }
0x6a: {  	_ =	swait.ge [sflag:s9], $0x50  }
0x6b: {  	[sflag:s9] =	ssyncset.done $0x0  }
0x6c: {  	[sflag:s9] =	ssyncadd.s32 $0xFFFFFFB0  }
0x6d: {  	_ =	sfence.sel $0x180000  }
0x6e: {  	[bflag:$0x0] =	sbarrier.arrive $0xFFFF  }
0x6f: {  	p0 =	sne.s32 s1, $0x0;
	_ =	strace $0x90000047  }
0x70: {  	s0 =	sadd.s32 @!p0 $0x100000, s0;
	[bflag:$0x2] =	sbarrier.arrive $0xFFFF  }
0x71: {  	[sflag:s0] =	ssyncadd.tile.s32 @!p0 $0x1;
	_ =	shalt  }
.Lfunc_end2:
_tile_overlayer_lowered:
.L_overlay_start_2:
0x72: {  	(tag) =	ssettag $0x2  }
0x73: {  	s0 =	rddreg [dreg:$0x0];
	s2 =	stileid.u32  }
0x74: {  	s1 =	rddreg [dreg:$0x1];
	p0 =	sne.s32 s2, $0x0  }
0x75: {  	s3 =	rddreg [dreg:$0x2];
	[bflag:$0x3] =	sbarrier.arrive $0xFFFF;
	s2 =	simm.s32 @!p0 $0x1C02  }
0x76: {  	[timem:s3], [sflag:s2] =	dma.local @!p0 [hbm:s0], s1  }
0x77: {  	s0 =	simm.s32 @!p0 $0x2  }
0x78: {  	_ =	swait.ge @!p0 [sflag:s0], s1  }
0x79: {  	s1 =	ssub.s32 @!p0 $0x0, s1;
	[sflag:s0] =	ssyncset.done @!p0 $0x0  }
0x7a: {  	[sflag:s0] =	ssyncadd.s32 @!p0 s1  }
0x7b: {  	[bflag:$0x3] =	sbarrier.arrive $0xFFFF  }
0x7c: {  	_ =	shalt  }

</sc_bundles>
